<compile_context>
chip_gen: v7x
topology: tpu7x:2x2x1
jax: 0.10.2.dev20260603
libtpu: 0.0.44.dev20260713+nightly
codegen_flags: <defaults>
</compile_context>

<pallas_src>
import functools
import jax
import jax.numpy as jnp
from jax import lax
from jax.experimental import pallas as pl
from jax.experimental.pallas import tpu as pltpu
from jax.experimental.pallas import tpu_sc as plsc

B, N, D, TD, K = 4, 1024, 256, 256, 16
MB = 128
MA = 512
TW = 384

_f32 = jnp.float32


def _topk_body(pos_ref, x_ref, wfc1_ref, bfc1_ref, wq_ref, wk_ref, wv_ref,
               wg1_ref, wd1_ref, wd2_ref, bd2_ref,
               idx_ref, qg1_ref, pw_ref, tab_ref,
               wcat1_ref, wcat2_ref, bcat2_ref):
    x = x_ref[0]
    h = jnp.dot(x, wfc1_ref[...], preferred_element_type=_f32) + bfc1_ref[...]
    wg1 = wg1_ref[...]
    wqg1 = jnp.dot(wq_ref[...], wg1, preferred_element_type=_f32)
    qg1_ref[0] = jnp.dot(h, wqg1, preferred_element_type=_f32)
    p_ = pos_ref[0]
    pw_ref[0] = jnp.dot(p_, wd1_ref[...], preferred_element_type=_f32)
    pad = jnp.zeros((N, TW - D - 3), _f32)
    tab_ref[0] = jnp.concatenate([h, p_, pad], axis=-1)
    wkg1 = jnp.dot(wk_ref[...], wg1, preferred_element_type=_f32)
    wcat1_ref[...] = jnp.concatenate([wkg1, wv_ref[...]], axis=-1)
    wd2 = wd2_ref[...]
    wd2g1 = jnp.dot(wd2, wg1, preferred_element_type=_f32)
    wcat2_ref[...] = jnp.concatenate([wd2, wd2g1], axis=-1)
    bd2 = bd2_ref[...]
    bd2g1 = jnp.dot(bd2, wg1, preferred_element_type=_f32)
    bcat2_ref[...] = jnp.concatenate([bd2, bd2g1], axis=-1)

    p = pos_ref[0]
    pt = p.T
    s_col = jnp.sum(p * p, axis=-1, keepdims=True)
    s_row = jnp.sum(pt * pt, axis=0, keepdims=True)
    g = jnp.dot(p, pt, preferred_element_type=_f32)
    d = s_col - 2.0 * g + s_row
    iota = lax.broadcasted_iota(jnp.int32, (N, N), 1).astype(_f32)
    big = jnp.float32(2.0e9)
    cols = []
    for _ in range(K):
        m = jnp.min(d, axis=1, keepdims=True)
        cand = jnp.where(d <= m, iota, big)
        idx = jnp.min(cand, axis=1, keepdims=True)
        cols.append(idx)
        d = jnp.where(iota == idx, jnp.float32(jnp.inf), d)
    off = pl.program_id(0) * N
    idx_ref[0] = jnp.concatenate(cols, axis=1).astype(jnp.int32) + off


_SC_CH = 128


def _sc_gather_body(tab_hbm, idx_hbm, out_hbm, idx_v, rows_v,
                    gsem0, gsem1, wsem0, wsem1):
    info = plsc.get_sparse_core_info()
    nw = info.num_cores * info.num_subcores
    rpw = (B * N * K) // nw
    nch = rpw // _SC_CH
    wid = lax.axis_index("s") * info.num_cores + lax.axis_index("c")
    base = wid * rpw
    gsems = [gsem0, gsem1]
    wsems = [wsem0, wsem1]
    gh = [None, None]
    wb = [None, None]
    pltpu.sync_copy(idx_hbm.at[pl.ds(base, _SC_CH)], idx_v.at[0])
    gh[0] = pltpu.async_copy(tab_hbm.at[idx_v.at[0]], rows_v.at[0], gsems[0])
    for j in range(nch):
        b = j & 1
        nb = 1 - b
        if j + 1 < nch:
            off_n = base + (j + 1) * _SC_CH
            pltpu.sync_copy(idx_hbm.at[pl.ds(off_n, _SC_CH)], idx_v.at[nb])
            if wb[nb] is not None:
                wb[nb].wait()
            gh[nb] = pltpu.async_copy(tab_hbm.at[idx_v.at[nb]],
                                      rows_v.at[nb], gsems[nb])
        gh[b].wait()
        off = base + j * _SC_CH
        wb[b] = pltpu.async_copy(rows_v.at[b],
                                 out_hbm.at[pl.ds(off, _SC_CH)], wsems[b])
    for h in wb:
        if h is not None:
            h.wait()


def _fused_body(g_ref, qg1_ref, pw_ref, x_ref,
                wcat1_ref, wcat2_ref, bcat2_ref, wd1_ref,
                bd1_ref, bg1_ref, wg2_ref, bg2_ref, wfc2_ref, bfc2_ref,
                res_ref, attn_ref):
    g = g_ref[0]
    hg = g[:, :D]
    posg = g[:, D:D + 128][:, :3]

    pwg = jnp.dot(posg, wd1_ref[...], preferred_element_type=_f32)
    pwb = pw_ref[0]
    r_in = pwb[:, None, :] - pwg.reshape(MB, K, TD) + bd1_ref[...]
    r = jnp.maximum(r_in, 0.0).reshape(MB * K, TD)
    pp = jnp.dot(r, wcat2_ref[...], preferred_element_type=_f32) \
        + bcat2_ref[...]
    pe = pp[:, :TD]
    peg1 = pp[:, TD:]

    kv = jnp.dot(hg, wcat1_ref[...], preferred_element_type=_f32)
    kg1 = kv[:, :TD]
    vg = kv[:, TD:]
    pre1 = qg1_ref[0][:, None, :] - kg1.reshape(MB, K, TD) \
        + peg1.reshape(MB, K, TD) + bg1_ref[...]
    a1 = jnp.maximum(pre1, 0.0).reshape(MB * K, TD)
    logits = jnp.dot(a1, wg2_ref[...], preferred_element_type=_f32) + bg2_ref[...]
    l3 = logits.reshape(MB, K, TD) * jnp.float32(1.0 / 16.0)

    mx = jnp.max(l3, axis=1, keepdims=True)
    e = jnp.exp(l3 - mx)
    s = jnp.sum(e, axis=1, keepdims=True)
    attn = e / s
    attn_ref[0] = attn

    wsum = attn * (vg.reshape(MB, K, TD) + pe.reshape(MB, K, TD))
    rsum = jnp.sum(wsum, axis=1)
    out = jnp.dot(rsum, wfc2_ref[...], preferred_element_type=_f32) \
        + bfc2_ref[...] + x_ref[0]
    res_ref[0] = out


def kernel(x, pos, W_fc1, b_fc1, W_fc2, b_fc2, W_d1, b_d1, W_d2, b_d2,
           W_g1, b_g1, W_g2, b_g2, W_q, W_k, W_v):
    b_fc1r = b_fc1.reshape(1, TD)
    b_fc2r = b_fc2.reshape(1, D)
    b_d1r = b_d1.reshape(1, TD)
    b_d2r = b_d2.reshape(1, TD)
    b_g1r = b_g1.reshape(1, TD)
    b_g2r = b_g2.reshape(1, TD)

    fullb = lambda shp: pl.BlockSpec(shp, lambda b: tuple(0 for _ in shp))
    full = lambda shp: pl.BlockSpec(shp, lambda b, m: tuple(0 for _ in shp))
    knn_idx, qg1, pw, tab, wcat1, wcat2, bcat2 = pl.pallas_call(
        _topk_body,
        grid=(B,),
        in_specs=[
            pl.BlockSpec((1, N, 3), lambda b: (b, 0, 0)),
            pl.BlockSpec((1, N, D), lambda b: (b, 0, 0)),
            fullb((D, TD)), fullb((1, TD)),
            fullb((TD, TD)), fullb((TD, TD)), fullb((TD, TD)), fullb((TD, TD)),
            fullb((3, TD)), fullb((TD, TD)), fullb((1, TD)),
        ],
        out_specs=[
            pl.BlockSpec((1, N, K), lambda b: (b, 0, 0)),
            pl.BlockSpec((1, N, TD), lambda b: (b, 0, 0)),
            pl.BlockSpec((1, N, TD), lambda b: (b, 0, 0)),
            pl.BlockSpec((1, N, TW), lambda b: (b, 0, 0)),
            fullb((TD, 2 * TD)), fullb((TD, 2 * TD)), fullb((1, 2 * TD)),
        ],
        out_shape=[
            jax.ShapeDtypeStruct((B, N, K), jnp.int32),
            jax.ShapeDtypeStruct((B, N, TD), _f32),
            jax.ShapeDtypeStruct((B, N, TD), _f32),
            jax.ShapeDtypeStruct((B, N, TW), _f32),
            jax.ShapeDtypeStruct((TD, 2 * TD), _f32),
            jax.ShapeDtypeStruct((TD, 2 * TD), _f32),
            jax.ShapeDtypeStruct((1, 2 * TD), _f32),
        ],
    )(pos, x, W_fc1, b_fc1r, W_q, W_k, W_v, W_g1, W_d1, W_d2, b_d2r)

    tab_flat = tab.reshape(B * N, TW)
    idx_flat = knn_idx.reshape(B * N * K)
    mesh = plsc.VectorSubcoreMesh(core_axis_name="c", subcore_axis_name="s")
    gathered = pl.kernel(
        _sc_gather_body,
        out_type=jax.ShapeDtypeStruct((B * N * K, TW), _f32),
        mesh=mesh,
        scratch_types=[
            pltpu.VMEM((2, _SC_CH), jnp.int32),
            pltpu.VMEM((2, _SC_CH, TW), _f32),
            pltpu.SemaphoreType.DMA,
            pltpu.SemaphoreType.DMA,
            pltpu.SemaphoreType.DMA,
            pltpu.SemaphoreType.DMA,
        ],
    )(tab_flat, idx_flat)
    g4 = gathered.reshape(B, N * K, TW)

    res, attn = pl.pallas_call(
        _fused_body,
        grid=(B, N // MB),
        in_specs=[
            pl.BlockSpec((1, MB * K, TW), lambda b, m: (b, m, 0)),
            pl.BlockSpec((1, MB, TD), lambda b, m: (b, m, 0)),
            pl.BlockSpec((1, MB, TD), lambda b, m: (b, m, 0)),
            pl.BlockSpec((1, MB, D), lambda b, m: (b, m, 0)),
            full((TD, 2 * TD)), full((TD, 2 * TD)), full((1, 2 * TD)),
            full((3, TD)),
            full((1, TD)), full((1, TD)),
            full((TD, TD)), full((1, TD)),
            full((TD, D)), full((1, D)),
        ],
        out_specs=[
            pl.BlockSpec((1, MB, D), lambda b, m: (b, m, 0)),
            pl.BlockSpec((1, MB, K, TD), lambda b, m: (b, m, 0, 0)),
        ],
        out_shape=[
            jax.ShapeDtypeStruct((B, N, D), _f32),
            jax.ShapeDtypeStruct((B, N, K, TD), _f32),
        ],
    )(g4, qg1, pw, x,
      wcat1, wcat2, bcat2, W_d1, b_d1r, b_g1r, W_g2, b_g2r, W_fc2, b_fc2r)

    return (res, attn)

# --- scband reference (transcript-rebuilt; emitter-appended) ---
"""Pipeline reference for scband-point-transformer-block-29678224016144 (READ-ONLY COPY).

The authoritative reference and input builder live on the scoring server;
editing this copy changes nothing except your own understanding.
"""

import jax, jax.numpy as jnp
import numpy as np

B, N, D, TD, K = 4, 1024, 256, 256, 16


def square_distance(src, dst):
    return (jnp.sum(src ** 2, -1)[..., :, None]
            - 2.0 * jnp.einsum('bnc,bmc->bnm', src, dst)
            + jnp.sum(dst ** 2, -1)[..., None, :])


def index_points(points, idx):
    # points: [B, N, C], idx: [B, M, K] -> [B, M, K, C]
    return jax.vmap(lambda p, i: p[i])(points, idx)


def setup_inputs(seed: int = 0):
    key = jax.random.key(seed)
    ks = jax.random.split(key, 16)

    def w(k, shape, fan_in):
        return jax.random.normal(k, shape, jnp.float32) * (1.0 / np.sqrt(fan_in))

    return {
        'x': jax.random.normal(ks[0], (B, N, D), jnp.float32),
        'pos': jax.random.normal(ks[1], (B, N, 3), jnp.float32),
        'W_fc1': w(ks[2], (D, TD), D), 'b_fc1': jnp.zeros((TD,), jnp.float32),
        'W_fc2': w(ks[3], (TD, D), TD), 'b_fc2': jnp.zeros((D,), jnp.float32),
        'W_d1': w(ks[4], (3, TD), 3), 'b_d1': jnp.zeros((TD,), jnp.float32),
        'W_d2': w(ks[5], (TD, TD), TD), 'b_d2': jnp.zeros((TD,), jnp.float32),
        'W_g1': w(ks[6], (TD, TD), TD), 'b_g1': jnp.zeros((TD,), jnp.float32),
        'W_g2': w(ks[7], (TD, TD), TD), 'b_g2': jnp.zeros((TD,), jnp.float32),
        'W_q': w(ks[8], (TD, TD), TD),
        'W_k': w(ks[9], (TD, TD), TD),
        'W_v': w(ks[10], (TD, TD), TD),
    }


def reference(x, pos, W_fc1, b_fc1, W_fc2, b_fc2, W_d1, b_d1, W_d2, b_d2,
              W_g1, b_g1, W_g2, b_g2, W_q, W_k, W_v):
    dists = square_distance(pos, pos)
    knn_idx = jnp.argsort(dists, axis=-1)[:, :, :K]
    knn_pos = index_points(pos, knn_idx)
    h = x @ W_fc1 + b_fc1
    q = h @ W_q
    k = index_points(h @ W_k, knn_idx)
    v = index_points(h @ W_v, knn_idx)
    delta = pos[:, :, None, :] - knn_pos
    pos_enc = jax.nn.relu(delta @ W_d1 + b_d1) @ W_d2 + b_d2
    pre = q[:, :, None, :] - k + pos_enc
    attn = jax.nn.relu(pre @ W_g1 + b_g1) @ W_g2 + b_g2
    attn = jax.nn.softmax(attn / np.sqrt(k.shape[-1]), axis=-2)
    res = jnp.einsum('bmnf,bmnf->bmf', attn, v + pos_enc)
    res = res @ W_fc2 + b_fc2 + x
    return (res, attn)

if __name__ == "__main__":
    import jax
    _d = setup_inputs()
    print(jax.jit(kernel)(*tuple(_d.values())))

</pallas_src>

<mosaic_0001>
#map = affine_map<(d0, d1) -> (0, 0)>
#map1 = affine_map<(d0, d1) -> (0)>
module attributes {stable_mosaic.version = 14 : i64} {
  func.func @_sc_gather_body(%arg0: i32, %arg1: i32, %arg2: memref<4096x384xf32, #tpu.memory_space<hbm>>, %arg3: memref<65536xi32, #tpu.memory_space<hbm>>, %arg4: memref<65536x384xf32, #tpu.memory_space<hbm>>, %arg5: memref<2x128xi32, #tpu.memory_space<vmem>>, %arg6: memref<2x128x384xf32, #tpu.memory_space<vmem>>, %arg7: memref<!tpu.dma_semaphore, #tpu.memory_space<semaphore_mem>>, %arg8: memref<!tpu.dma_semaphore, #tpu.memory_space<semaphore_mem>>, %arg9: memref<!tpu.dma_semaphore, #tpu.memory_space<semaphore_mem>>, %arg10: memref<!tpu.dma_semaphore, #tpu.memory_space<semaphore_mem>>) attributes {dimension_semantics = [#tpu.dimension_semantics<core_parallel>, #tpu.dimension_semantics<subcore_parallel>], iteration_bounds = array<i64: 2, 16>, scalar_prefetch = 0 : i64, scratch_operands = 6 : i64, tpu.core_type = #tpu.core_type<sc_vector_subcore>, window_params = [{transform_indices = #map}, {transform_indices = #map1}, {transform_indices = #map}]} {
    %mul3A = arith.constant 2 : i32
    %mul3A_0 = arith.muli %arg1, %mul3A : i32
    %add3A = arith.addi %mul3A_0, %arg0 : i32
    %mul3A_1 = arith.constant 2048 : i32
    %mul3A_2 = arith.muli %add3A, %mul3A_1 : i32
    %run_scoped3A = arith.constant 0 : i32
    "tpu.region"() ({
      %run_scoped3A_878 = tpu.sem_alloc : memref<!tpu.dma_semaphore, #tpu.memory_space<semaphore_mem>>
      %dma_start3A_879 = arith.constant 0 : i32
      %dma_start3A_880 = tpu.memref_slice %arg5[%run_scoped3A, %dma_start3A_879] : memref<2x128xi32, #tpu.memory_space<vmem>> -> memref<1x128xi32, #tpu.memory_space<vmem>>
      %dma_start3A_881 = tpu.memref_squeeze %dma_start3A_880 : memref<1x128xi32, #tpu.memory_space<vmem>> -> memref<128xi32, #tpu.memory_space<vmem>>
      %dma_start3A_882 = tpu.memref_slice %arg3[%mul3A_2] : memref<65536xi32, #tpu.memory_space<hbm>> -> memref<128xi32, #tpu.memory_space<hbm>>
      %dma_start3A_883 = arith.constant 0 : i32
      %dma_start3A_884 = tpu.memref_slice %arg5[%run_scoped3A, %dma_start3A_883] : memref<2x128xi32, #tpu.memory_space<vmem>> -> memref<1x128xi32, #tpu.memory_space<vmem>>
      %dma_start3A_885 = tpu.memref_squeeze %dma_start3A_884 : memref<1x128xi32, #tpu.memory_space<vmem>> -> memref<128xi32, #tpu.memory_space<vmem>>
      %dma_start3A_886 = tpu.memref_slice %arg3[%mul3A_2] : memref<65536xi32, #tpu.memory_space<hbm>> -> memref<128xi32, #tpu.memory_space<hbm>>
      tpu.enqueue_dma source(%dma_start3A_886 : memref<128xi32, #tpu.memory_space<hbm>>) target(%dma_start3A_885 : memref<128xi32, #tpu.memory_space<vmem>>) target_semaphore(%run_scoped3A_878 : memref<!tpu.dma_semaphore, #tpu.memory_space<semaphore_mem>>)
      %dma_wait3A_887 = arith.constant 0 : i32
      %dma_wait3A_888 = tpu.memref_slice %arg5[%run_scoped3A, %dma_wait3A_887] : memref<2x128xi32, #tpu.memory_space<vmem>> -> memref<1x128xi32, #tpu.memory_space<vmem>>
      %dma_wait3A_889 = tpu.memref_squeeze %dma_wait3A_888 : memref<1x128xi32, #tpu.memory_space<vmem>> -> memref<128xi32, #tpu.memory_space<vmem>>
      %dma_wait3A_890 = tpu.memref_slice %arg3[%mul3A_2] : memref<65536xi32, #tpu.memory_space<hbm>> -> memref<128xi32, #tpu.memory_space<hbm>>
      %dma_wait3A_891 = arith.constant 0 : i32
      %dma_wait3A_892 = tpu.memref_slice %arg5[%run_scoped3A, %dma_wait3A_891] : memref<2x128xi32, #tpu.memory_space<vmem>> -> memref<1x128xi32, #tpu.memory_space<vmem>>
      %dma_wait3A_893 = tpu.memref_squeeze %dma_wait3A_892 : memref<1x128xi32, #tpu.memory_space<vmem>> -> memref<128xi32, #tpu.memory_space<vmem>>
      %dma_wait3A_894 = tpu.memref_slice %arg3[%mul3A_2] : memref<65536xi32, #tpu.memory_space<hbm>> -> memref<128xi32, #tpu.memory_space<hbm>>
      tpu.wait_dma2 semaphore(%run_scoped3A_878 : memref<!tpu.dma_semaphore, #tpu.memory_space<semaphore_mem>>) src(%dma_wait3A_894 : memref<128xi32, #tpu.memory_space<hbm>>) dst(%dma_wait3A_893 : memref<128xi32, #tpu.memory_space<vmem>>)
      tpu.yield
    }) : () -> ()
    %dma_start3A = arith.constant 0 : i32
    %dma_start3A_3 = arith.constant 0 : i32
    %dma_start3A_4 = arith.constant 0 : i32
    %dma_start3A_5 = arith.constant 0 : i32
    %dma_start3A_6 = tpu.memref_slice %arg6[%dma_start3A_3, %dma_start3A_4, %dma_start3A_5] : memref<2x128x384xf32, #tpu.memory_space<vmem>> -> memref<1x128x384xf32, #tpu.memory_space<vmem>>
    %dma_start3A_7 = tpu.memref_squeeze %dma_start3A_6 : memref<1x128x384xf32, #tpu.memory_space<vmem>> -> memref<128x384xf32, #tpu.memory_space<vmem>>
    %dma_start3A_8 = arith.constant 0 : i32
    %dma_start3A_9 = tpu.memref_slice %arg5[%dma_start3A, %dma_start3A_8] : memref<2x128xi32, #tpu.memory_space<vmem>> -> memref<1x128xi32, #tpu.memory_space<vmem>>
    %dma_start3A_10 = tpu.memref_squeeze %dma_start3A_9 : memref<1x128xi32, #tpu.memory_space<vmem>> -> memref<128xi32, #tpu.memory_space<vmem>>
    %dma_start3A_11 = arith.constant 0 : i32
    %dma_start3A_12 = arith.constant 0 : i32
    %dma_start3A_13 = tpu.memref_slice %arg2[%dma_start3A_11, %dma_start3A_12] : memref<4096x384xf32, #tpu.memory_space<hbm>> -> memref<4096x384xf32, #tpu.memory_space<hbm>>
    tpu.enqueue_indirect_dma source(%dma_start3A_13 : memref<4096x384xf32, #tpu.memory_space<hbm>>) target(%dma_start3A_7 : memref<128x384xf32, #tpu.memory_space<vmem>>) offsets(%dma_start3A_10 : memref<128xi32, #tpu.memory_space<vmem>>) semaphore(%arg7 : memref<!tpu.dma_semaphore, #tpu.memory_space<semaphore_mem>>)
    %add3A_14 = arith.constant 128 : i32
    %add3A_15 = arith.addi %mul3A_2, %add3A_14 : i32
    %run_scoped3A_16 = arith.constant 1 : i32
    "tpu.region"() ({
      %run_scoped3A_878 = tpu.sem_alloc : memref<!tpu.dma_semaphore, #tpu.memory_space<semaphore_mem>>
      %dma_start3A_879 = arith.constant 0 : i32
      %dma_start3A_880 = tpu.memref_slice %arg5[%run_scoped3A_16, %dma_start3A_879] : memref<2x128xi32, #tpu.memory_space<vmem>> -> memref<1x128xi32, #tpu.memory_space<vmem>>
      %dma_start3A_881 = tpu.memref_squeeze %dma_start3A_880 : memref<1x128xi32, #tpu.memory_space<vmem>> -> memref<128xi32, #tpu.memory_space<vmem>>
      %dma_start3A_882 = tpu.memref_slice %arg3[%add3A_15] : memref<65536xi32, #tpu.memory_space<hbm>> -> memref<128xi32, #tpu.memory_space<hbm>>
      %dma_start3A_883 = arith.constant 0 : i32
      %dma_start3A_884 = tpu.memref_slice %arg5[%run_scoped3A_16, %dma_start3A_883] : memref<2x128xi32, #tpu.memory_space<vmem>> -> memref<1x128xi32, #tpu.memory_space<vmem>>
      %dma_start3A_885 = tpu.memref_squeeze %dma_start3A_884 : memref<1x128xi32, #tpu.memory_space<vmem>> -> memref<128xi32, #tpu.memory_space<vmem>>
      %dma_start3A_886 = tpu.memref_slice %arg3[%add3A_15] : memref<65536xi32, #tpu.memory_space<hbm>> -> memref<128xi32, #tpu.memory_space<hbm>>
      tpu.enqueue_dma source(%dma_start3A_886 : memref<128xi32, #tpu.memory_space<hbm>>) target(%dma_start3A_885 : memref<128xi32, #tpu.memory_space<vmem>>) target_semaphore(%run_scoped3A_878 : memref<!tpu.dma_semaphore, #tpu.memory_space<semaphore_mem>>)
      %dma_wait3A_887 = arith.constant 0 : i32
      %dma_wait3A_888 = tpu.memref_slice %arg5[%run_scoped3A_16, %dma_wait3A_887] : memref<2x128xi32, #tpu.memory_space<vmem>> -> memref<1x128xi32, #tpu.memory_space<vmem>>
      %dma_wait3A_889 = tpu.memref_squeeze %dma_wait3A_888 : memref<1x128xi32, #tpu.memory_space<vmem>> -> memref<128xi32, #tpu.memory_space<vmem>>
      %dma_wait3A_890 = tpu.memref_slice %arg3[%add3A_15] : memref<65536xi32, #tpu.memory_space<hbm>> -> memref<128xi32, #tpu.memory_space<hbm>>
      %dma_wait3A_891 = arith.constant 0 : i32
      %dma_wait3A_892 = tpu.memref_slice %arg5[%run_scoped3A_16, %dma_wait3A_891] : memref<2x128xi32, #tpu.memory_space<vmem>> -> memref<1x128xi32, #tpu.memory_space<vmem>>
      %dma_wait3A_893 = tpu.memref_squeeze %dma_wait3A_892 : memref<1x128xi32, #tpu.memory_space<vmem>> -> memref<128xi32, #tpu.memory_space<vmem>>
      %dma_wait3A_894 = tpu.memref_slice %arg3[%add3A_15] : memref<65536xi32, #tpu.memory_space<hbm>> -> memref<128xi32, #tpu.memory_space<hbm>>
      tpu.wait_dma2 semaphore(%run_scoped3A_878 : memref<!tpu.dma_semaphore, #tpu.memory_space<semaphore_mem>>) src(%dma_wait3A_894 : memref<128xi32, #tpu.memory_space<hbm>>) dst(%dma_wait3A_893 : memref<128xi32, #tpu.memory_space<vmem>>)
      tpu.yield
    }) : () -> ()
    %dma_start3A_17 = arith.constant 1 : i32
    %dma_start3A_18 = arith.constant 1 : i32
    %dma_start3A_19 = arith.constant 0 : i32
    %dma_start3A_20 = arith.constant 0 : i32
    %dma_start3A_21 = tpu.memref_slice %arg6[%dma_start3A_18, %dma_start3A_19, %dma_start3A_20] : memref<2x128x384xf32, #tpu.memory_space<vmem>> -> memref<1x128x384xf32, #tpu.memory_space<vmem>>
    %dma_start3A_22 = tpu.memref_squeeze %dma_start3A_21 : memref<1x128x384xf32, #tpu.memory_space<vmem>> -> memref<128x384xf32, #tpu.memory_space<vmem>>
    %dma_start3A_23 = arith.constant 0 : i32
    %dma_start3A_24 = tpu.memref_slice %arg5[%dma_start3A_17, %dma_start3A_23] : memref<2x128xi32, #tpu.memory_space<vmem>> -> memref<1x128xi32, #tpu.memory_space<vmem>>
    %dma_start3A_25 = tpu.memref_squeeze %dma_start3A_24 : memref<1x128xi32, #tpu.memory_space<vmem>> -> memref<128xi32, #tpu.memory_space<vmem>>
    %dma_start3A_26 = arith.constant 0 : i32
    %dma_start3A_27 = arith.constant 0 : i32
    %dma_start3A_28 = tpu.memref_slice %arg2[%dma_start3A_26, %dma_start3A_27] : memref<4096x384xf32, #tpu.memory_space<hbm>> -> memref<4096x384xf32, #tpu.memory_space<hbm>>
    tpu.enqueue_indirect_dma source(%dma_start3A_28 : memref<4096x384xf32, #tpu.memory_space<hbm>>) target(%dma_start3A_22 : memref<128x384xf32, #tpu.memory_space<vmem>>) offsets(%dma_start3A_25 : memref<128xi32, #tpu.memory_space<vmem>>) semaphore(%arg8 : memref<!tpu.dma_semaphore, #tpu.memory_space<semaphore_mem>>)
    %dma_wait3A = arith.constant 0 : i32
    %dma_wait3A_29 = arith.constant 0 : i32
    %dma_wait3A_30 = arith.constant 0 : i32
    %dma_wait3A_31 = arith.constant 0 : i32
    %dma_wait3A_32 = tpu.memref_slice %arg6[%dma_wait3A_29, %dma_wait3A_30, %dma_wait3A_31] : memref<2x128x384xf32, #tpu.memory_space<vmem>> -> memref<1x128x384xf32, #tpu.memory_space<vmem>>
    %dma_wait3A_33 = tpu.memref_squeeze %dma_wait3A_32 : memref<1x128x384xf32, #tpu.memory_space<vmem>> -> memref<128x384xf32, #tpu.memory_space<vmem>>
    %dma_wait3A_34 = arith.constant 0 : i32
    %dma_wait3A_35 = tpu.memref_slice %arg5[%dma_wait3A, %dma_wait3A_34] : memref<2x128xi32, #tpu.memory_space<vmem>> -> memref<1x128xi32, #tpu.memory_space<vmem>>
    %dma_wait3A_36 = tpu.memref_squeeze %dma_wait3A_35 : memref<1x128xi32, #tpu.memory_space<vmem>> -> memref<128xi32, #tpu.memory_space<vmem>>
    %dma_wait3A_37 = arith.constant 0 : i32
    %dma_wait3A_38 = arith.constant 0 : i32
    %dma_wait3A_39 = tpu.memref_slice %arg2[%dma_wait3A_37, %dma_wait3A_38] : memref<4096x384xf32, #tpu.memory_space<hbm>> -> memref<4096x384xf32, #tpu.memory_space<hbm>>
    tpu.wait_indirect_dma semaphore(%arg7 : memref<!tpu.dma_semaphore, #tpu.memory_space<semaphore_mem>>) src(%dma_wait3A_39 : memref<4096x384xf32, #tpu.memory_space<hbm>>) dst(%dma_wait3A_33 : memref<128x384xf32, #tpu.memory_space<vmem>>)
    %add3A_40 = arith.constant 0 : i32
    %add3A_41 = arith.addi %mul3A_2, %add3A_40 : i32
    %dma_start3A_42 = arith.constant 0 : i32
    %dma_start3A_43 = arith.constant 0 : i32
    %dma_start3A_44 = arith.constant 0 : i32
    %dma_start3A_45 = tpu.memref_slice %arg6[%dma_start3A_42, %dma_start3A_43, %dma_start3A_44] : memref<2x128x384xf32, #tpu.memory_space<vmem>> -> memref<1x128x384xf32, #tpu.memory_space<vmem>>
    %dma_start3A_46 = tpu.memref_squeeze %dma_start3A_45 : memref<1x128x384xf32, #tpu.memory_space<vmem>> -> memref<128x384xf32, #tpu.memory_space<vmem>>
    %dma_start3A_47 = arith.constant 0 : i32
    %dma_start3A_48 = tpu.memref_slice %arg4[%add3A_41, %dma_start3A_47] : memref<65536x384xf32, #tpu.memory_space<hbm>> -> memref<128x384xf32, #tpu.memory_space<hbm>>
    %dma_start3A_49 = arith.constant 0 : i32
    %dma_start3A_50 = tpu.memref_slice %arg4[%add3A_41, %dma_start3A_49] : memref<65536x384xf32, #tpu.memory_space<hbm>> -> memref<128x384xf32, #tpu.memory_space<hbm>>
    %dma_start3A_51 = arith.constant 0 : i32
    %dma_start3A_52 = arith.constant 0 : i32
    %dma_start3A_53 = tpu.memref_slice %arg6[%dma_start3A_42, %dma_start3A_51, %dma_start3A_52] : memref<2x128x384xf32, #tpu.memory_space<vmem>> -> memref<1x128x384xf32, #tpu.memory_space<vmem>>
    %dma_start3A_54 = tpu.memref_squeeze %dma_start3A_53 : memref<1x128x384xf32, #tpu.memory_space<vmem>> -> memref<128x384xf32, #tpu.memory_space<vmem>>
    tpu.enqueue_dma source(%dma_start3A_54 : memref<128x384xf32, #tpu.memory_space<vmem>>) target(%dma_start3A_50 : memref<128x384xf32, #tpu.memory_space<hbm>>) target_semaphore(%arg9 : memref<!tpu.dma_semaphore, #tpu.memory_space<semaphore_mem>>)
    %add3A_55 = arith.constant 256 : i32
    %add3A_56 = arith.addi %mul3A_2, %add3A_55 : i32
    %run_scoped3A_57 = arith.constant 0 : i32
    "tpu.region"() ({
      %run_scoped3A_878 = tpu.sem_alloc : memref<!tpu.dma_semaphore, #tpu.memory_space<semaphore_mem>>
      %dma_start3A_879 = arith.constant 0 : i32
      %dma_start3A_880 = tpu.memref_slice %arg5[%run_scoped3A_57, %dma_start3A_879] : memref<2x128xi32, #tpu.memory_space<vmem>> -> memref<1x128xi32, #tpu.memory_space<vmem>>
      %dma_start3A_881 = tpu.memref_squeeze %dma_start3A_880 : memref<1x128xi32, #tpu.memory_space<vmem>> -> memref<128xi32, #tpu.memory_space<vmem>>
      %dma_start3A_882 = tpu.memref_slice %arg3[%add3A_56] : memref<65536xi32, #tpu.memory_space<hbm>> -> memref<128xi32, #tpu.memory_space<hbm>>
      %dma_start3A_883 = arith.constant 0 : i32
      %dma_start3A_884 = tpu.memref_slice %arg5[%run_scoped3A_57, %dma_start3A_883] : memref<2x128xi32, #tpu.memory_space<vmem>> -> memref<1x128xi32, #tpu.memory_space<vmem>>
      %dma_start3A_885 = tpu.memref_squeeze %dma_start3A_884 : memref<1x128xi32, #tpu.memory_space<vmem>> -> memref<128xi32, #tpu.memory_space<vmem>>
      %dma_start3A_886 = tpu.memref_slice %arg3[%add3A_56] : memref<65536xi32, #tpu.memory_space<hbm>> -> memref<128xi32, #tpu.memory_space<hbm>>
      tpu.enqueue_dma source(%dma_start3A_886 : memref<128xi32, #tpu.memory_space<hbm>>) target(%dma_start3A_885 : memref<128xi32, #tpu.memory_space<vmem>>) target_semaphore(%run_scoped3A_878 : memref<!tpu.dma_semaphore, #tpu.memory_space<semaphore_mem>>)
      %dma_wait3A_887 = arith.constant 0 : i32
      %dma_wait3A_888 = tpu.memref_slice %arg5[%run_scoped3A_57, %dma_wait3A_887] : memref<2x128xi32, #tpu.memory_space<vmem>> -> memref<1x128xi32, #tpu.memory_space<vmem>>
      %dma_wait3A_889 = tpu.memref_squeeze %dma_wait3A_888 : memref<1x128xi32, #tpu.memory_space<vmem>> -> memref<128xi32, #tpu.memory_space<vmem>>
      %dma_wait3A_890 = tpu.memref_slice %arg3[%add3A_56] : memref<65536xi32, #tpu.memory_space<hbm>> -> memref<128xi32, #tpu.memory_space<hbm>>
      %dma_wait3A_891 = arith.constant 0 : i32
      %dma_wait3A_892 = tpu.memref_slice %arg5[%run_scoped3A_57, %dma_wait3A_891] : memref<2x128xi32, #tpu.memory_space<vmem>> -> memref<1x128xi32, #tpu.memory_space<vmem>>
      %dma_wait3A_893 = tpu.memref_squeeze %dma_wait3A_892 : memref<1x128xi32, #tpu.memory_space<vmem>> -> memref<128xi32, #tpu.memory_space<vmem>>
      %dma_wait3A_894 = tpu.memref_slice %arg3[%add3A_56] : memref<65536xi32, #tpu.memory_space<hbm>> -> memref<128xi32, #tpu.memory_space<hbm>>
      tpu.wait_dma2 semaphore(%run_scoped3A_878 : memref<!tpu.dma_semaphore, #tpu.memory_space<semaphore_mem>>) src(%dma_wait3A_894 : memref<128xi32, #tpu.memory_space<hbm>>) dst(%dma_wait3A_893 : memref<128xi32, #tpu.memory_space<vmem>>)
      tpu.yield
    }) : () -> ()
    %dma_wait3A_58 = arith.constant 0 : i32
    %dma_wait3A_59 = arith.constant 0 : i32
    %dma_wait3A_60 = arith.constant 0 : i32
    %dma_wait3A_61 = tpu.memref_slice %arg6[%dma_wait3A_58, %dma_wait3A_59, %dma_wait3A_60] : memref<2x128x384xf32, #tpu.memory_space<vmem>> -> memref<1x128x384xf32, #tpu.memory_space<vmem>>
    %dma_wait3A_62 = tpu.memref_squeeze %dma_wait3A_61 : memref<1x128x384xf32, #tpu.memory_space<vmem>> -> memref<128x384xf32, #tpu.memory_space<vmem>>
    %dma_wait3A_63 = arith.constant 0 : i32
    %dma_wait3A_64 = tpu.memref_slice %arg4[%add3A_41, %dma_wait3A_63] : memref<65536x384xf32, #tpu.memory_space<hbm>> -> memref<128x384xf32, #tpu.memory_space<hbm>>
    %dma_wait3A_65 = arith.constant 0 : i32
    %dma_wait3A_66 = tpu.memref_slice %arg4[%add3A_41, %dma_wait3A_65] : memref<65536x384xf32, #tpu.memory_space<hbm>> -> memref<128x384xf32, #tpu.memory_space<hbm>>
    %dma_wait3A_67 = arith.constant 0 : i32
    %dma_wait3A_68 = arith.constant 0 : i32
    %dma_wait3A_69 = tpu.memref_slice %arg6[%dma_wait3A_58, %dma_wait3A_67, %dma_wait3A_68] : memref<2x128x384xf32, #tpu.memory_space<vmem>> -> memref<1x128x384xf32, #tpu.memory_space<vmem>>
    %dma_wait3A_70 = tpu.memref_squeeze %dma_wait3A_69 : memref<1x128x384xf32, #tpu.memory_space<vmem>> -> memref<128x384xf32, #tpu.memory_space<vmem>>
    tpu.wait_dma2 semaphore(%arg9 : memref<!tpu.dma_semaphore, #tpu.memory_space<semaphore_mem>>) src(%dma_wait3A_70 : memref<128x384xf32, #tpu.memory_space<vmem>>) dst(%dma_wait3A_66 : memref<128x384xf32, #tpu.memory_space<hbm>>)
    %dma_start3A_71 = arith.constant 0 : i32
    %dma_start3A_72 = arith.constant 0 : i32
    %dma_start3A_73 = arith.constant 0 : i32
    %dma_start3A_74 = arith.constant 0 : i32
    %dma_start3A_75 = tpu.memref_slice %arg6[%dma_start3A_72, %dma_start3A_73, %dma_start3A_74] : memref<2x128x384xf32, #tpu.memory_space<vmem>> -> memref<1x128x384xf32, #tpu.memory_space<vmem>>
    %dma_start3A_76 = tpu.memref_squeeze %dma_start3A_75 : memref<1x128x384xf32, #tpu.memory_space<vmem>> -> memref<128x384xf32, #tpu.memory_space<vmem>>
    %dma_start3A_77 = arith.constant 0 : i32
    %dma_start3A_78 = tpu.memref_slice %arg5[%dma_start3A_71, %dma_start3A_77] : memref<2x128xi32, #tpu.memory_space<vmem>> -> memref<1x128xi32, #tpu.memory_space<vmem>>
    %dma_start3A_79 = tpu.memref_squeeze %dma_start3A_78 : memref<1x128xi32, #tpu.memory_space<vmem>> -> memref<128xi32, #tpu.memory_space<vmem>>
    %dma_start3A_80 = arith.constant 0 : i32
    %dma_start3A_81 = arith.constant 0 : i32
    %dma_start3A_82 = tpu.memref_slice %arg2[%dma_start3A_80, %dma_start3A_81] : memref<4096x384xf32, #tpu.memory_space<hbm>> -> memref<4096x384xf32, #tpu.memory_space<hbm>>
    tpu.enqueue_indirect_dma source(%dma_start3A_82 : memref<4096x384xf32, #tpu.memory_space<hbm>>) target(%dma_start3A_76 : memref<128x384xf32, #tpu.memory_space<vmem>>) offsets(%dma_start3A_79 : memref<128xi32, #tpu.memory_space<vmem>>) semaphore(%arg7 : memref<!tpu.dma_semaphore, #tpu.memory_space<semaphore_mem>>)
    %dma_wait3A_83 = arith.constant 1 : i32
    %dma_wait3A_84 = arith.constant 1 : i32
    %dma_wait3A_85 = arith.constant 0 : i32
    %dma_wait3A_86 = arith.constant 0 : i32
    %dma_wait3A_87 = tpu.memref_slice %arg6[%dma_wait3A_84, %dma_wait3A_85, %dma_wait3A_86] : memref<2x128x384xf32, #tpu.memory_space<vmem>> -> memref<1x128x384xf32, #tpu.memory_space<vmem>>
    %dma_wait3A_88 = tpu.memref_squeeze %dma_wait3A_87 : memref<1x128x384xf32, #tpu.memory_space<vmem>> -> memref<128x384xf32, #tpu.memory_space<vmem>>
    %dma_wait3A_89 = arith.constant 0 : i32
    %dma_wait3A_90 = tpu.memref_slice %arg5[%dma_wait3A_83, %dma_wait3A_89] : memref<2x128xi32, #tpu.memory_space<vmem>> -> memref<1x128xi32, #tpu.memory_space<vmem>>
    %dma_wait3A_91 = tpu.memref_squeeze %dma_wait3A_90 : memref<1x128xi32, #tpu.memory_space<vmem>> -> memref<128xi32, #tpu.memory_space<vmem>>
    %dma_wait3A_92 = arith.constant 0 : i32
    %dma_wait3A_93 = arith.constant 0 : i32
    %dma_wait3A_94 = tpu.memref_slice %arg2[%dma_wait3A_92, %dma_wait3A_93] : memref<4096x384xf32, #tpu.memory_space<hbm>> -> memref<4096x384xf32, #tpu.memory_space<hbm>>
    tpu.wait_indirect_dma semaphore(%arg8 : memref<!tpu.dma_semaphore, #tpu.memory_space<semaphore_mem>>) src(%dma_wait3A_94 : memref<4096x384xf32, #tpu.memory_space<hbm>>) dst(%dma_wait3A_88 : memref<128x384xf32, #tpu.memory_space<vmem>>)
    %add3A_95 = arith.constant 128 : i32
    %add3A_96 = arith.addi %mul3A_2, %add3A_95 : i32
    %dma_start3A_97 = arith.constant 1 : i32
    %dma_start3A_98 = arith.constant 0 : i32
    %dma_start3A_99 = arith.constant 0 : i32
    %dma_start3A_100 = tpu.memref_slice %arg6[%dma_start3A_97, %dma_start3A_98, %dma_start3A_99] : memref<2x128x384xf32, #tpu.memory_space<vmem>> -> memref<1x128x384xf32, #tpu.memory_space<vmem>>
    %dma_start3A_101 = tpu.memref_squeeze %dma_start3A_100 : memref<1x128x384xf32, #tpu.memory_space<vmem>> -> memref<128x384xf32, #tpu.memory_space<vmem>>
    %dma_start3A_102 = arith.constant 0 : i32
    %dma_start3A_103 = tpu.memref_slice %arg4[%add3A_96, %dma_start3A_102] : memref<65536x384xf32, #tpu.memory_space<hbm>> -> memref<128x384xf32, #tpu.memory_space<hbm>>
    %dma_start3A_104 = arith.constant 0 : i32
    %dma_start3A_105 = tpu.memref_slice %arg4[%add3A_96, %dma_start3A_104] : memref<65536x384xf32, #tpu.memory_space<hbm>> -> memref<128x384xf32, #tpu.memory_space<hbm>>
    %dma_start3A_106 = arith.constant 0 : i32
    %dma_start3A_107 = arith.constant 0 : i32
    %dma_start3A_108 = tpu.memref_slice %arg6[%dma_start3A_97, %dma_start3A_106, %dma_start3A_107] : memref<2x128x384xf32, #tpu.memory_space<vmem>> -> memref<1x128x384xf32, #tpu.memory_space<vmem>>
    %dma_start3A_109 = tpu.memref_squeeze %dma_start3A_108 : memref<1x128x384xf32, #tpu.memory_space<vmem>> -> memref<128x384xf32, #tpu.memory_space<vmem>>
    tpu.enqueue_dma source(%dma_start3A_109 : memref<128x384xf32, #tpu.memory_space<vmem>>) target(%dma_start3A_105 : memref<128x384xf32, #tpu.memory_space<hbm>>) target_semaphore(%arg10 : memref<!tpu.dma_semaphore, #tpu.memory_space<semaphore_mem>>)
    %add3A_110 = arith.constant 384 : i32
    %add3A_111 = arith.addi %mul3A_2, %add3A_110 : i32
    %run_scoped3A_112 = arith.constant 1 : i32
    "tpu.region"() ({
      %run_scoped3A_878 = tpu.sem_alloc : memref<!tpu.dma_semaphore, #tpu.memory_space<semaphore_mem>>
      %dma_start3A_879 = arith.constant 0 : i32
      %dma_start3A_880 = tpu.memref_slice %arg5[%run_scoped3A_112, %dma_start3A_879] : memref<2x128xi32, #tpu.memory_space<vmem>> -> memref<1x128xi32, #tpu.memory_space<vmem>>
      %dma_start3A_881 = tpu.memref_squeeze %dma_start3A_880 : memref<1x128xi32, #tpu.memory_space<vmem>> -> memref<128xi32, #tpu.memory_space<vmem>>
      %dma_start3A_882 = tpu.memref_slice %arg3[%add3A_111] : memref<65536xi32, #tpu.memory_space<hbm>> -> memref<128xi32, #tpu.memory_space<hbm>>
      %dma_start3A_883 = arith.constant 0 : i32
      %dma_start3A_884 = tpu.memref_slice %arg5[%run_scoped3A_112, %dma_start3A_883] : memref<2x128xi32, #tpu.memory_space<vmem>> -> memref<1x128xi32, #tpu.memory_space<vmem>>
      %dma_start3A_885 = tpu.memref_squeeze %dma_start3A_884 : memref<1x128xi32, #tpu.memory_space<vmem>> -> memref<128xi32, #tpu.memory_space<vmem>>
      %dma_start3A_886 = tpu.memref_slice %arg3[%add3A_111] : memref<65536xi32, #tpu.memory_space<hbm>> -> memref<128xi32, #tpu.memory_space<hbm>>
      tpu.enqueue_dma source(%dma_start3A_886 : memref<128xi32, #tpu.memory_space<hbm>>) target(%dma_start3A_885 : memref<128xi32, #tpu.memory_space<vmem>>) target_semaphore(%run_scoped3A_878 : memref<!tpu.dma_semaphore, #tpu.memory_space<semaphore_mem>>)
      %dma_wait3A_887 = arith.constant 0 : i32
      %dma_wait3A_888 = tpu.memref_slice %arg5[%run_scoped3A_112, %dma_wait3A_887] : memref<2x128xi32, #tpu.memory_space<vmem>> -> memref<1x128xi32, #tpu.memory_space<vmem>>
      %dma_wait3A_889 = tpu.memref_squeeze %dma_wait3A_888 : memref<1x128xi32, #tpu.memory_space<vmem>> -> memref<128xi32, #tpu.memory_space<vmem>>
      %dma_wait3A_890 = tpu.memref_slice %arg3[%add3A_111] : memref<65536xi32, #tpu.memory_space<hbm>> -> memref<128xi32, #tpu.memory_space<hbm>>
      %dma_wait3A_891 = arith.constant 0 : i32
      %dma_wait3A_892 = tpu.memref_slice %arg5[%run_scoped3A_112, %dma_wait3A_891] : memref<2x128xi32, #tpu.memory_space<vmem>> -> memref<1x128xi32, #tpu.memory_space<vmem>>
      %dma_wait3A_893 = tpu.memref_squeeze %dma_wait3A_892 : memref<1x128xi32, #tpu.memory_space<vmem>> -> memref<128xi32, #tpu.memory_space<vmem>>
      %dma_wait3A_894 = tpu.memref_slice %arg3[%add3A_111] : memref<65536xi32, #tpu.memory_space<hbm>> -> memref<128xi32, #tpu.memory_space<hbm>>
      tpu.wait_dma2 semaphore(%run_scoped3A_878 : memref<!tpu.dma_semaphore, #tpu.memory_space<semaphore_mem>>) src(%dma_wait3A_894 : memref<128xi32, #tpu.memory_space<hbm>>) dst(%dma_wait3A_893 : memref<128xi32, #tpu.memory_space<vmem>>)
      tpu.yield
    }) : () -> ()
    %dma_wait3A_113 = arith.constant 1 : i32
    %dma_wait3A_114 = arith.constant 0 : i32
    %dma_wait3A_115 = arith.constant 0 : i32
    %dma_wait3A_116 = tpu.memref_slice %arg6[%dma_wait3A_113, %dma_wait3A_114, %dma_wait3A_115] : memref<2x128x384xf32, #tpu.memory_space<vmem>> -> memref<1x128x384xf32, #tpu.memory_space<vmem>>
    %dma_wait3A_117 = tpu.memref_squeeze %dma_wait3A_116 : memref<1x128x384xf32, #tpu.memory_space<vmem>> -> memref<128x384xf32, #tpu.memory_space<vmem>>
    %dma_wait3A_118 = arith.constant 0 : i32
    %dma_wait3A_119 = tpu.memref_slice %arg4[%add3A_96, %dma_wait3A_118] : memref<65536x384xf32, #tpu.memory_space<hbm>> -> memref<128x384xf32, #tpu.memory_space<hbm>>
    %dma_wait3A_120 = arith.constant 0 : i32
    %dma_wait3A_121 = tpu.memref_slice %arg4[%add3A_96, %dma_wait3A_120] : memref<65536x384xf32, #tpu.memory_space<hbm>> -> memref<128x384xf32, #tpu.memory_space<hbm>>
    %dma_wait3A_122 = arith.constant 0 : i32
    %dma_wait3A_123 = arith.constant 0 : i32
    %dma_wait3A_124 = tpu.memref_slice %arg6[%dma_wait3A_113, %dma_wait3A_122, %dma_wait3A_123] : memref<2x128x384xf32, #tpu.memory_space<vmem>> -> memref<1x128x384xf32, #tpu.memory_space<vmem>>
    %dma_wait3A_125 = tpu.memref_squeeze %dma_wait3A_124 : memref<1x128x384xf32, #tpu.memory_space<vmem>> -> memref<128x384xf32, #tpu.memory_space<vmem>>
    tpu.wait_dma2 semaphore(%arg10 : memref<!tpu.dma_semaphore, #tpu.memory_space<semaphore_mem>>) src(%dma_wait3A_125 : memref<128x384xf32, #tpu.memory_space<vmem>>) dst(%dma_wait3A_121 : memref<128x384xf32, #tpu.memory_space<hbm>>)
    %dma_start3A_126 = arith.constant 1 : i32
    %dma_start3A_127 = arith.constant 1 : i32
    %dma_start3A_128 = arith.constant 0 : i32
    %dma_start3A_129 = arith.constant 0 : i32
    %dma_start3A_130 = tpu.memref_slice %arg6[%dma_start3A_127, %dma_start3A_128, %dma_start3A_129] : memref<2x128x384xf32, #tpu.memory_space<vmem>> -> memref<1x128x384xf32, #tpu.memory_space<vmem>>
    %dma_start3A_131 = tpu.memref_squeeze %dma_start3A_130 : memref<1x128x384xf32, #tpu.memory_space<vmem>> -> memref<128x384xf32, #tpu.memory_space<vmem>>
    %dma_start3A_132 = arith.constant 0 : i32
    %dma_start3A_133 = tpu.memref_slice %arg5[%dma_start3A_126, %dma_start3A_132] : memref<2x128xi32, #tpu.memory_space<vmem>> -> memref<1x128xi32, #tpu.memory_space<vmem>>
    %dma_start3A_134 = tpu.memref_squeeze %dma_start3A_133 : memref<1x128xi32, #tpu.memory_space<vmem>> -> memref<128xi32, #tpu.memory_space<vmem>>
    %dma_start3A_135 = arith.constant 0 : i32
    %dma_start3A_136 = arith.constant 0 : i32
    %dma_start3A_137 = tpu.memref_slice %arg2[%dma_start3A_135, %dma_start3A_136] : memref<4096x384xf32, #tpu.memory_space<hbm>> -> memref<4096x384xf32, #tpu.memory_space<hbm>>
    tpu.enqueue_indirect_dma source(%dma_start3A_137 : memref<4096x384xf32, #tpu.memory_space<hbm>>) target(%dma_start3A_131 : memref<128x384xf32, #tpu.memory_space<vmem>>) offsets(%dma_start3A_134 : memref<128xi32, #tpu.memory_space<vmem>>) semaphore(%arg8 : memref<!tpu.dma_semaphore, #tpu.memory_space<semaphore_mem>>)
    %dma_wait3A_138 = arith.constant 0 : i32
    %dma_wait3A_139 = arith.constant 0 : i32
    %dma_wait3A_140 = arith.constant 0 : i32
    %dma_wait3A_141 = arith.constant 0 : i32
    %dma_wait3A_142 = tpu.memref_slice %arg6[%dma_wait3A_139, %dma_wait3A_140, %dma_wait3A_141] : memref<2x128x384xf32, #tpu.memory_space<vmem>> -> memref<1x128x384xf32, #tpu.memory_space<vmem>>
    %dma_wait3A_143 = tpu.memref_squeeze %dma_wait3A_142 : memref<1x128x384xf32, #tpu.memory_space<vmem>> -> memref<128x384xf32, #tpu.memory_space<vmem>>
    %dma_wait3A_144 = arith.constant 0 : i32
    %dma_wait3A_145 = tpu.memref_slice %arg5[%dma_wait3A_138, %dma_wait3A_144] : memref<2x128xi32, #tpu.memory_space<vmem>> -> memref<1x128xi32, #tpu.memory_space<vmem>>
    %dma_wait3A_146 = tpu.memref_squeeze %dma_wait3A_145 : memref<1x128xi32, #tpu.memory_space<vmem>> -> memref<128xi32, #tpu.memory_space<vmem>>
    %dma_wait3A_147 = arith.constant 0 : i32
    %dma_wait3A_148 = arith.constant 0 : i32
    %dma_wait3A_149 = tpu.memref_slice %arg2[%dma_wait3A_147, %dma_wait3A_148] : memref<4096x384xf32, #tpu.memory_space<hbm>> -> memref<4096x384xf32, #tpu.memory_space<hbm>>
    tpu.wait_indirect_dma semaphore(%arg7 : memref<!tpu.dma_semaphore, #tpu.memory_space<semaphore_mem>>) src(%dma_wait3A_149 : memref<4096x384xf32, #tpu.memory_space<hbm>>) dst(%dma_wait3A_143 : memref<128x384xf32, #tpu.memory_space<vmem>>)
    %add3A_150 = arith.constant 256 : i32
    %add3A_151 = arith.addi %mul3A_2, %add3A_150 : i32
    %dma_start3A_152 = arith.constant 0 : i32
    %dma_start3A_153 = arith.constant 0 : i32
    %dma_start3A_154 = arith.constant 0 : i32
    %dma_start3A_155 = tpu.memref_slice %arg6[%dma_start3A_152, %dma_start3A_153, %dma_start3A_154] : memref<2x128x384xf32, #tpu.memory_space<vmem>> -> memref<1x128x384xf32, #tpu.memory_space<vmem>>
    %dma_start3A_156 = tpu.memref_squeeze %dma_start3A_155 : memref<1x128x384xf32, #tpu.memory_space<vmem>> -> memref<128x384xf32, #tpu.memory_space<vmem>>
    %dma_start3A_157 = arith.constant 0 : i32
    %dma_start3A_158 = tpu.memref_slice %arg4[%add3A_151, %dma_start3A_157] : memref<65536x384xf32, #tpu.memory_space<hbm>> -> memref<128x384xf32, #tpu.memory_space<hbm>>
    %dma_start3A_159 = arith.constant 0 : i32
    %dma_start3A_160 = tpu.memref_slice %arg4[%add3A_151, %dma_start3A_159] : memref<65536x384xf32, #tpu.memory_space<hbm>> -> memref<128x384xf32, #tpu.memory_space<hbm>>
    %dma_start3A_161 = arith.constant 0 : i32
    %dma_start3A_162 = arith.constant 0 : i32
    %dma_start3A_163 = tpu.memref_slice %arg6[%dma_start3A_152, %dma_start3A_161, %dma_start3A_162] : memref<2x128x384xf32, #tpu.memory_space<vmem>> -> memref<1x128x384xf32, #tpu.memory_space<vmem>>
    %dma_start3A_164 = tpu.memref_squeeze %dma_start3A_163 : memref<1x128x384xf32, #tpu.memory_space<vmem>> -> memref<128x384xf32, #tpu.memory_space<vmem>>
    tpu.enqueue_dma source(%dma_start3A_164 : memref<128x384xf32, #tpu.memory_space<vmem>>) target(%dma_start3A_160 : memref<128x384xf32, #tpu.memory_space<hbm>>) target_semaphore(%arg9 : memref<!tpu.dma_semaphore, #tpu.memory_space<semaphore_mem>>)
    %add3A_165 = arith.constant 512 : i32
    %add3A_166 = arith.addi %mul3A_2, %add3A_165 : i32
    %run_scoped3A_167 = arith.constant 0 : i32
    "tpu.region"() ({
      %run_scoped3A_878 = tpu.sem_alloc : memref<!tpu.dma_semaphore, #tpu.memory_space<semaphore_mem>>
      %dma_start3A_879 = arith.constant 0 : i32
      %dma_start3A_880 = tpu.memref_slice %arg5[%run_scoped3A_167, %dma_start3A_879] : memref<2x128xi32, #tpu.memory_space<vmem>> -> memref<1x128xi32, #tpu.memory_space<vmem>>
      %dma_start3A_881 = tpu.memref_squeeze %dma_start3A_880 : memref<1x128xi32, #tpu.memory_space<vmem>> -> memref<128xi32, #tpu.memory_space<vmem>>
      %dma_start3A_882 = tpu.memref_slice %arg3[%add3A_166] : memref<65536xi32, #tpu.memory_space<hbm>> -> memref<128xi32, #tpu.memory_space<hbm>>
      %dma_start3A_883 = arith.constant 0 : i32
      %dma_start3A_884 = tpu.memref_slice %arg5[%run_scoped3A_167, %dma_start3A_883] : memref<2x128xi32, #tpu.memory_space<vmem>> -> memref<1x128xi32, #tpu.memory_space<vmem>>
      %dma_start3A_885 = tpu.memref_squeeze %dma_start3A_884 : memref<1x128xi32, #tpu.memory_space<vmem>> -> memref<128xi32, #tpu.memory_space<vmem>>
      %dma_start3A_886 = tpu.memref_slice %arg3[%add3A_166] : memref<65536xi32, #tpu.memory_space<hbm>> -> memref<128xi32, #tpu.memory_space<hbm>>
      tpu.enqueue_dma source(%dma_start3A_886 : memref<128xi32, #tpu.memory_space<hbm>>) target(%dma_start3A_885 : memref<128xi32, #tpu.memory_space<vmem>>) target_semaphore(%run_scoped3A_878 : memref<!tpu.dma_semaphore, #tpu.memory_space<semaphore_mem>>)
      %dma_wait3A_887 = arith.constant 0 : i32
      %dma_wait3A_888 = tpu.memref_slice %arg5[%run_scoped3A_167, %dma_wait3A_887] : memref<2x128xi32, #tpu.memory_space<vmem>> -> memref<1x128xi32, #tpu.memory_space<vmem>>
      %dma_wait3A_889 = tpu.memref_squeeze %dma_wait3A_888 : memref<1x128xi32, #tpu.memory_space<vmem>> -> memref<128xi32, #tpu.memory_space<vmem>>
      %dma_wait3A_890 = tpu.memref_slice %arg3[%add3A_166] : memref<65536xi32, #tpu.memory_space<hbm>> -> memref<128xi32, #tpu.memory_space<hbm>>
      %dma_wait3A_891 = arith.constant 0 : i32
      %dma_wait3A_892 = tpu.memref_slice %arg5[%run_scoped3A_167, %dma_wait3A_891] : memref<2x128xi32, #tpu.memory_space<vmem>> -> memref<1x128xi32, #tpu.memory_space<vmem>>
      %dma_wait3A_893 = tpu.memref_squeeze %dma_wait3A_892 : memref<1x128xi32, #tpu.memory_space<vmem>> -> memref<128xi32, #tpu.memory_space<vmem>>
      %dma_wait3A_894 = tpu.memref_slice %arg3[%add3A_166] : memref<65536xi32, #tpu.memory_space<hbm>> -> memref<128xi32, #tpu.memory_space<hbm>>
      tpu.wait_dma2 semaphore(%run_scoped3A_878 : memref<!tpu.dma_semaphore, #tpu.memory_space<semaphore_mem>>) src(%dma_wait3A_894 : memref<128xi32, #tpu.memory_space<hbm>>) dst(%dma_wait3A_893 : memref<128xi32, #tpu.memory_space<vmem>>)
      tpu.yield
    }) : () -> ()
    %dma_wait3A_168 = arith.constant 0 : i32
    %dma_wait3A_169 = arith.constant 0 : i32
    %dma_wait3A_170 = arith.constant 0 : i32
    %dma_wait3A_171 = tpu.memref_slice %arg6[%dma_wait3A_168, %dma_wait3A_169, %dma_wait3A_170] : memref<2x128x384xf32, #tpu.memory_space<vmem>> -> memref<1x128x384xf32, #tpu.memory_space<vmem>>
    %dma_wait3A_172 = tpu.memref_squeeze %dma_wait3A_171 : memref<1x128x384xf32, #tpu.memory_space<vmem>> -> memref<128x384xf32, #tpu.memory_space<vmem>>
    %dma_wait3A_173 = arith.constant 0 : i32
    %dma_wait3A_174 = tpu.memref_slice %arg4[%add3A_151, %dma_wait3A_173] : memref<65536x384xf32, #tpu.memory_space<hbm>> -> memref<128x384xf32, #tpu.memory_space<hbm>>
    %dma_wait3A_175 = arith.constant 0 : i32
    %dma_wait3A_176 = tpu.memref_slice %arg4[%add3A_151, %dma_wait3A_175] : memref<65536x384xf32, #tpu.memory_space<hbm>> -> memref<128x384xf32, #tpu.memory_space<hbm>>
    %dma_wait3A_177 = arith.constant 0 : i32
    %dma_wait3A_178 = arith.constant 0 : i32
    %dma_wait3A_179 = tpu.memref_slice %arg6[%dma_wait3A_168, %dma_wait3A_177, %dma_wait3A_178] : memref<2x128x384xf32, #tpu.memory_space<vmem>> -> memref<1x128x384xf32, #tpu.memory_space<vmem>>
    %dma_wait3A_180 = tpu.memref_squeeze %dma_wait3A_179 : memref<1x128x384xf32, #tpu.memory_space<vmem>> -> memref<128x384xf32, #tpu.memory_space<vmem>>
    tpu.wait_dma2 semaphore(%arg9 : memref<!tpu.dma_semaphore, #tpu.memory_space<semaphore_mem>>) src(%dma_wait3A_180 : memref<128x384xf32, #tpu.memory_space<vmem>>) dst(%dma_wait3A_176 : memref<128x384xf32, #tpu.memory_space<hbm>>)
    %dma_start3A_181 = arith.constant 0 : i32
    %dma_start3A_182 = arith.constant 0 : i32
    %dma_start3A_183 = arith.constant 0 : i32
    %dma_start3A_184 = arith.constant 0 : i32
    %dma_start3A_185 = tpu.memref_slice %arg6[%dma_start3A_182, %dma_start3A_183, %dma_start3A_184] : memref<2x128x384xf32, #tpu.memory_space<vmem>> -> memref<1x128x384xf32, #tpu.memory_space<vmem>>
    %dma_start3A_186 = tpu.memref_squeeze %dma_start3A_185 : memref<1x128x384xf32, #tpu.memory_space<vmem>> -> memref<128x384xf32, #tpu.memory_space<vmem>>
    %dma_start3A_187 = arith.constant 0 : i32
    %dma_start3A_188 = tpu.memref_slice %arg5[%dma_start3A_181, %dma_start3A_187] : memref<2x128xi32, #tpu.memory_space<vmem>> -> memref<1x128xi32, #tpu.memory_space<vmem>>
    %dma_start3A_189 = tpu.memref_squeeze %dma_start3A_188 : memref<1x128xi32, #tpu.memory_space<vmem>> -> memref<128xi32, #tpu.memory_space<vmem>>
    %dma_start3A_190 = arith.constant 0 : i32
    %dma_start3A_191 = arith.constant 0 : i32
    %dma_start3A_192 = tpu.memref_slice %arg2[%dma_start3A_190, %dma_start3A_191] : memref<4096x384xf32, #tpu.memory_space<hbm>> -> memref<4096x384xf32, #tpu.memory_space<hbm>>
    tpu.enqueue_indirect_dma source(%dma_start3A_192 : memref<4096x384xf32, #tpu.memory_space<hbm>>) target(%dma_start3A_186 : memref<128x384xf32, #tpu.memory_space<vmem>>) offsets(%dma_start3A_189 : memref<128xi32, #tpu.memory_space<vmem>>) semaphore(%arg7 : memref<!tpu.dma_semaphore, #tpu.memory_space<semaphore_mem>>)
    %dma_wait3A_193 = arith.constant 1 : i32
    %dma_wait3A_194 = arith.constant 1 : i32
    %dma_wait3A_195 = arith.constant 0 : i32
    %dma_wait3A_196 = arith.constant 0 : i32
    %dma_wait3A_197 = tpu.memref_slice %arg6[%dma_wait3A_194, %dma_wait3A_195, %dma_wait3A_196] : memref<2x128x384xf32, #tpu.memory_space<vmem>> -> memref<1x128x384xf32, #tpu.memory_space<vmem>>
    %dma_wait3A_198 = tpu.memref_squeeze %dma_wait3A_197 : memref<1x128x384xf32, #tpu.memory_space<vmem>> -> memref<128x384xf32, #tpu.memory_space<vmem>>
    %dma_wait3A_199 = arith.constant 0 : i32
    %dma_wait3A_200 = tpu.memref_slice %arg5[%dma_wait3A_193, %dma_wait3A_199] : memref<2x128xi32, #tpu.memory_space<vmem>> -> memref<1x128xi32, #tpu.memory_space<vmem>>
    %dma_wait3A_201 = tpu.memref_squeeze %dma_wait3A_200 : memref<1x128xi32, #tpu.memory_space<vmem>> -> memref<128xi32, #tpu.memory_space<vmem>>
    %dma_wait3A_202 = arith.constant 0 : i32
    %dma_wait3A_203 = arith.constant 0 : i32
    %dma_wait3A_204 = tpu.memref_slice %arg2[%dma_wait3A_202, %dma_wait3A_203] : memref<4096x384xf32, #tpu.memory_space<hbm>> -> memref<4096x384xf32, #tpu.memory_space<hbm>>
    tpu.wait_indirect_dma semaphore(%arg8 : memref<!tpu.dma_semaphore, #tpu.memory_space<semaphore_mem>>) src(%dma_wait3A_204 : memref<4096x384xf32, #tpu.memory_space<hbm>>) dst(%dma_wait3A_198 : memref<128x384xf32, #tpu.memory_space<vmem>>)
    %add3A_205 = arith.constant 384 : i32
    %add3A_206 = arith.addi %mul3A_2, %add3A_205 : i32
    %dma_start3A_207 = arith.constant 1 : i32
    %dma_start3A_208 = arith.constant 0 : i32
    %dma_start3A_209 = arith.constant 0 : i32
    %dma_start3A_210 = tpu.memref_slice %arg6[%dma_start3A_207, %dma_start3A_208, %dma_start3A_209] : memref<2x128x384xf32, #tpu.memory_space<vmem>> -> memref<1x128x384xf32, #tpu.memory_space<vmem>>
    %dma_start3A_211 = tpu.memref_squeeze %dma_start3A_210 : memref<1x128x384xf32, #tpu.memory_space<vmem>> -> memref<128x384xf32, #tpu.memory_space<vmem>>
    %dma_start3A_212 = arith.constant 0 : i32
    %dma_start3A_213 = tpu.memref_slice %arg4[%add3A_206, %dma_start3A_212] : memref<65536x384xf32, #tpu.memory_space<hbm>> -> memref<128x384xf32, #tpu.memory_space<hbm>>
    %dma_start3A_214 = arith.constant 0 : i32
    %dma_start3A_215 = tpu.memref_slice %arg4[%add3A_206, %dma_start3A_214] : memref<65536x384xf32, #tpu.memory_space<hbm>> -> memref<128x384xf32, #tpu.memory_space<hbm>>
    %dma_start3A_216 = arith.constant 0 : i32
    %dma_start3A_217 = arith.constant 0 : i32
    %dma_start3A_218 = tpu.memref_slice %arg6[%dma_start3A_207, %dma_start3A_216, %dma_start3A_217] : memref<2x128x384xf32, #tpu.memory_space<vmem>> -> memref<1x128x384xf32, #tpu.memory_space<vmem>>
    %dma_start3A_219 = tpu.memref_squeeze %dma_start3A_218 : memref<1x128x384xf32, #tpu.memory_space<vmem>> -> memref<128x384xf32, #tpu.memory_space<vmem>>
    tpu.enqueue_dma source(%dma_start3A_219 : memref<128x384xf32, #tpu.memory_space<vmem>>) target(%dma_start3A_215 : memref<128x384xf32, #tpu.memory_space<hbm>>) target_semaphore(%arg10 : memref<!tpu.dma_semaphore, #tpu.memory_space<semaphore_mem>>)
    %add3A_220 = arith.constant 640 : i32
    %add3A_221 = arith.addi %mul3A_2, %add3A_220 : i32
    %run_scoped3A_222 = arith.constant 1 : i32
    "tpu.region"() ({
      %run_scoped3A_878 = tpu.sem_alloc : memref<!tpu.dma_semaphore, #tpu.memory_space<semaphore_mem>>
      %dma_start3A_879 = arith.constant 0 : i32
      %dma_start3A_880 = tpu.memref_slice %arg5[%run_scoped3A_222, %dma_start3A_879] : memref<2x128xi32, #tpu.memory_space<vmem>> -> memref<1x128xi32, #tpu.memory_space<vmem>>
      %dma_start3A_881 = tpu.memref_squeeze %dma_start3A_880 : memref<1x128xi32, #tpu.memory_space<vmem>> -> memref<128xi32, #tpu.memory_space<vmem>>
      %dma_start3A_882 = tpu.memref_slice %arg3[%add3A_221] : memref<65536xi32, #tpu.memory_space<hbm>> -> memref<128xi32, #tpu.memory_space<hbm>>
      %dma_start3A_883 = arith.constant 0 : i32
      %dma_start3A_884 = tpu.memref_slice %arg5[%run_scoped3A_222, %dma_start3A_883] : memref<2x128xi32, #tpu.memory_space<vmem>> -> memref<1x128xi32, #tpu.memory_space<vmem>>
      %dma_start3A_885 = tpu.memref_squeeze %dma_start3A_884 : memref<1x128xi32, #tpu.memory_space<vmem>> -> memref<128xi32, #tpu.memory_space<vmem>>
      %dma_start3A_886 = tpu.memref_slice %arg3[%add3A_221] : memref<65536xi32, #tpu.memory_space<hbm>> -> memref<128xi32, #tpu.memory_space<hbm>>
      tpu.enqueue_dma source(%dma_start3A_886 : memref<128xi32, #tpu.memory_space<hbm>>) target(%dma_start3A_885 : memref<128xi32, #tpu.memory_space<vmem>>) target_semaphore(%run_scoped3A_878 : memref<!tpu.dma_semaphore, #tpu.memory_space<semaphore_mem>>)
      %dma_wait3A_887 = arith.constant 0 : i32
      %dma_wait3A_888 = tpu.memref_slice %arg5[%run_scoped3A_222, %dma_wait3A_887] : memref<2x128xi32, #tpu.memory_space<vmem>> -> memref<1x128xi32, #tpu.memory_space<vmem>>
      %dma_wait3A_889 = tpu.memref_squeeze %dma_wait3A_888 : memref<1x128xi32, #tpu.memory_space<vmem>> -> memref<128xi32, #tpu.memory_space<vmem>>
      %dma_wait3A_890 = tpu.memref_slice %arg3[%add3A_221] : memref<65536xi32, #tpu.memory_space<hbm>> -> memref<128xi32, #tpu.memory_space<hbm>>
      %dma_wait3A_891 = arith.constant 0 : i32
      %dma_wait3A_892 = tpu.memref_slice %arg5[%run_scoped3A_222, %dma_wait3A_891] : memref<2x128xi32, #tpu.memory_space<vmem>> -> memref<1x128xi32, #tpu.memory_space<vmem>>
      %dma_wait3A_893 = tpu.memref_squeeze %dma_wait3A_892 : memref<1x128xi32, #tpu.memory_space<vmem>> -> memref<128xi32, #tpu.memory_space<vmem>>
      %dma_wait3A_894 = tpu.memref_slice %arg3[%add3A_221] : memref<65536xi32, #tpu.memory_space<hbm>> -> memref<128xi32, #tpu.memory_space<hbm>>
      tpu.wait_dma2 semaphore(%run_scoped3A_878 : memref<!tpu.dma_semaphore, #tpu.memory_space<semaphore_mem>>) src(%dma_wait3A_894 : memref<128xi32, #tpu.memory_space<hbm>>) dst(%dma_wait3A_893 : memref<128xi32, #tpu.memory_space<vmem>>)
      tpu.yield
    }) : () -> ()
    %dma_wait3A_223 = arith.constant 1 : i32
    %dma_wait3A_224 = arith.constant 0 : i32
    %dma_wait3A_225 = arith.constant 0 : i32
    %dma_wait3A_226 = tpu.memref_slice %arg6[%dma_wait3A_223, %dma_wait3A_224, %dma_wait3A_225] : memref<2x128x384xf32, #tpu.memory_space<vmem>> -> memref<1x128x384xf32, #tpu.memory_space<vmem>>
    %dma_wait3A_227 = tpu.memref_squeeze %dma_wait3A_226 : memref<1x128x384xf32, #tpu.memory_space<vmem>> -> memref<128x384xf32, #tpu.memory_space<vmem>>
    %dma_wait3A_228 = arith.constant 0 : i32
    %dma_wait3A_229 = tpu.memref_slice %arg4[%add3A_206, %dma_wait3A_228] : memref<65536x384xf32, #tpu.memory_space<hbm>> -> memref<128x384xf32, #tpu.memory_space<hbm>>
    %dma_wait3A_230 = arith.constant 0 : i32
    %dma_wait3A_231 = tpu.memref_slice %arg4[%add3A_206, %dma_wait3A_230] : memref<65536x384xf32, #tpu.memory_space<hbm>> -> memref<128x384xf32, #tpu.memory_space<hbm>>
    %dma_wait3A_232 = arith.constant 0 : i32
    %dma_wait3A_233 = arith.constant 0 : i32
    %dma_wait3A_234 = tpu.memref_slice %arg6[%dma_wait3A_223, %dma_wait3A_232, %dma_wait3A_233] : memref<2x128x384xf32, #tpu.memory_space<vmem>> -> memref<1x128x384xf32, #tpu.memory_space<vmem>>
    %dma_wait3A_235 = tpu.memref_squeeze %dma_wait3A_234 : memref<1x128x384xf32, #tpu.memory_space<vmem>> -> memref<128x384xf32, #tpu.memory_space<vmem>>
    tpu.wait_dma2 semaphore(%arg10 : memref<!tpu.dma_semaphore, #tpu.memory_space<semaphore_mem>>) src(%dma_wait3A_235 : memref<128x384xf32, #tpu.memory_space<vmem>>) dst(%dma_wait3A_231 : memref<128x384xf32, #tpu.memory_space<hbm>>)
    %dma_start3A_236 = arith.constant 1 : i32
    %dma_start3A_237 = arith.constant 1 : i32
    %dma_start3A_238 = arith.constant 0 : i32
    %dma_start3A_239 = arith.constant 0 : i32
    %dma_start3A_240 = tpu.memref_slice %arg6[%dma_start3A_237, %dma_start3A_238, %dma_start3A_239] : memref<2x128x384xf32, #tpu.memory_space<vmem>> -> memref<1x128x384xf32, #tpu.memory_space<vmem>>
    %dma_start3A_241 = tpu.memref_squeeze %dma_start3A_240 : memref<1x128x384xf32, #tpu.memory_space<vmem>> -> memref<128x384xf32, #tpu.memory_space<vmem>>
    %dma_start3A_242 = arith.constant 0 : i32
    %dma_start3A_243 = tpu.memref_slice %arg5[%dma_start3A_236, %dma_start3A_242] : memref<2x128xi32, #tpu.memory_space<vmem>> -> memref<1x128xi32, #tpu.memory_space<vmem>>
    %dma_start3A_244 = tpu.memref_squeeze %dma_start3A_243 : memref<1x128xi32, #tpu.memory_space<vmem>> -> memref<128xi32, #tpu.memory_space<vmem>>
    %dma_start3A_245 = arith.constant 0 : i32
    %dma_start3A_246 = arith.constant 0 : i32
    %dma_start3A_247 = tpu.memref_slice %arg2[%dma_start3A_245, %dma_start3A_246] : memref<4096x384xf32, #tpu.memory_space<hbm>> -> memref<4096x384xf32, #tpu.memory_space<hbm>>
    tpu.enqueue_indirect_dma source(%dma_start3A_247 : memref<4096x384xf32, #tpu.memory_space<hbm>>) target(%dma_start3A_241 : memref<128x384xf32, #tpu.memory_space<vmem>>) offsets(%dma_start3A_244 : memref<128xi32, #tpu.memory_space<vmem>>) semaphore(%arg8 : memref<!tpu.dma_semaphore, #tpu.memory_space<semaphore_mem>>)
    %dma_wait3A_248 = arith.constant 0 : i32
    %dma_wait3A_249 = arith.constant 0 : i32
    %dma_wait3A_250 = arith.constant 0 : i32
    %dma_wait3A_251 = arith.constant 0 : i32
    %dma_wait3A_252 = tpu.memref_slice %arg6[%dma_wait3A_249, %dma_wait3A_250, %dma_wait3A_251] : memref<2x128x384xf32, #tpu.memory_space<vmem>> -> memref<1x128x384xf32, #tpu.memory_space<vmem>>
    %dma_wait3A_253 = tpu.memref_squeeze %dma_wait3A_252 : memref<1x128x384xf32, #tpu.memory_space<vmem>> -> memref<128x384xf32, #tpu.memory_space<vmem>>
    %dma_wait3A_254 = arith.constant 0 : i32
    %dma_wait3A_255 = tpu.memref_slice %arg5[%dma_wait3A_248, %dma_wait3A_254] : memref<2x128xi32, #tpu.memory_space<vmem>> -> memref<1x128xi32, #tpu.memory_space<vmem>>
    %dma_wait3A_256 = tpu.memref_squeeze %dma_wait3A_255 : memref<1x128xi32, #tpu.memory_space<vmem>> -> memref<128xi32, #tpu.memory_space<vmem>>
    %dma_wait3A_257 = arith.constant 0 : i32
    %dma_wait3A_258 = arith.constant 0 : i32
    %dma_wait3A_259 = tpu.memref_slice %arg2[%dma_wait3A_257, %dma_wait3A_258] : memref<4096x384xf32, #tpu.memory_space<hbm>> -> memref<4096x384xf32, #tpu.memory_space<hbm>>
    tpu.wait_indirect_dma semaphore(%arg7 : memref<!tpu.dma_semaphore, #tpu.memory_space<semaphore_mem>>) src(%dma_wait3A_259 : memref<4096x384xf32, #tpu.memory_space<hbm>>) dst(%dma_wait3A_253 : memref<128x384xf32, #tpu.memory_space<vmem>>)
    %add3A_260 = arith.constant 512 : i32
    %add3A_261 = arith.addi %mul3A_2, %add3A_260 : i32
    %dma_start3A_262 = arith.constant 0 : i32
    %dma_start3A_263 = arith.constant 0 : i32
    %dma_start3A_264 = arith.constant 0 : i32
    %dma_start3A_265 = tpu.memref_slice %arg6[%dma_start3A_262, %dma_start3A_263, %dma_start3A_264] : memref<2x128x384xf32, #tpu.memory_space<vmem>> -> memref<1x128x384xf32, #tpu.memory_space<vmem>>
    %dma_start3A_266 = tpu.memref_squeeze %dma_start3A_265 : memref<1x128x384xf32, #tpu.memory_space<vmem>> -> memref<128x384xf32, #tpu.memory_space<vmem>>
    %dma_start3A_267 = arith.constant 0 : i32
    %dma_start3A_268 = tpu.memref_slice %arg4[%add3A_261, %dma_start3A_267] : memref<65536x384xf32, #tpu.memory_space<hbm>> -> memref<128x384xf32, #tpu.memory_space<hbm>>
    %dma_start3A_269 = arith.constant 0 : i32
    %dma_start3A_270 = tpu.memref_slice %arg4[%add3A_261, %dma_start3A_269] : memref<65536x384xf32, #tpu.memory_space<hbm>> -> memref<128x384xf32, #tpu.memory_space<hbm>>
    %dma_start3A_271 = arith.constant 0 : i32
    %dma_start3A_272 = arith.constant 0 : i32
    %dma_start3A_273 = tpu.memref_slice %arg6[%dma_start3A_262, %dma_start3A_271, %dma_start3A_272] : memref<2x128x384xf32, #tpu.memory_space<vmem>> -> memref<1x128x384xf32, #tpu.memory_space<vmem>>
    %dma_start3A_274 = tpu.memref_squeeze %dma_start3A_273 : memref<1x128x384xf32, #tpu.memory_space<vmem>> -> memref<128x384xf32, #tpu.memory_space<vmem>>
    tpu.enqueue_dma source(%dma_start3A_274 : memref<128x384xf32, #tpu.memory_space<vmem>>) target(%dma_start3A_270 : memref<128x384xf32, #tpu.memory_space<hbm>>) target_semaphore(%arg9 : memref<!tpu.dma_semaphore, #tpu.memory_space<semaphore_mem>>)
    %add3A_275 = arith.constant 768 : i32
    %add3A_276 = arith.addi %mul3A_2, %add3A_275 : i32
    %run_scoped3A_277 = arith.constant 0 : i32
    "tpu.region"() ({
      %run_scoped3A_878 = tpu.sem_alloc : memref<!tpu.dma_semaphore, #tpu.memory_space<semaphore_mem>>
      %dma_start3A_879 = arith.constant 0 : i32
      %dma_start3A_880 = tpu.memref_slice %arg5[%run_scoped3A_277, %dma_start3A_879] : memref<2x128xi32, #tpu.memory_space<vmem>> -> memref<1x128xi32, #tpu.memory_space<vmem>>
      %dma_start3A_881 = tpu.memref_squeeze %dma_start3A_880 : memref<1x128xi32, #tpu.memory_space<vmem>> -> memref<128xi32, #tpu.memory_space<vmem>>
      %dma_start3A_882 = tpu.memref_slice %arg3[%add3A_276] : memref<65536xi32, #tpu.memory_space<hbm>> -> memref<128xi32, #tpu.memory_space<hbm>>
      %dma_start3A_883 = arith.constant 0 : i32
      %dma_start3A_884 = tpu.memref_slice %arg5[%run_scoped3A_277, %dma_start3A_883] : memref<2x128xi32, #tpu.memory_space<vmem>> -> memref<1x128xi32, #tpu.memory_space<vmem>>
      %dma_start3A_885 = tpu.memref_squeeze %dma_start3A_884 : memref<1x128xi32, #tpu.memory_space<vmem>> -> memref<128xi32, #tpu.memory_space<vmem>>
      %dma_start3A_886 = tpu.memref_slice %arg3[%add3A_276] : memref<65536xi32, #tpu.memory_space<hbm>> -> memref<128xi32, #tpu.memory_space<hbm>>
      tpu.enqueue_dma source(%dma_start3A_886 : memref<128xi32, #tpu.memory_space<hbm>>) target(%dma_start3A_885 : memref<128xi32, #tpu.memory_space<vmem>>) target_semaphore(%run_scoped3A_878 : memref<!tpu.dma_semaphore, #tpu.memory_space<semaphore_mem>>)
      %dma_wait3A_887 = arith.constant 0 : i32
      %dma_wait3A_888 = tpu.memref_slice %arg5[%run_scoped3A_277, %dma_wait3A_887] : memref<2x128xi32, #tpu.memory_space<vmem>> -> memref<1x128xi32, #tpu.memory_space<vmem>>
      %dma_wait3A_889 = tpu.memref_squeeze %dma_wait3A_888 : memref<1x128xi32, #tpu.memory_space<vmem>> -> memref<128xi32, #tpu.memory_space<vmem>>
      %dma_wait3A_890 = tpu.memref_slice %arg3[%add3A_276] : memref<65536xi32, #tpu.memory_space<hbm>> -> memref<128xi32, #tpu.memory_space<hbm>>
      %dma_wait3A_891 = arith.constant 0 : i32
      %dma_wait3A_892 = tpu.memref_slice %arg5[%run_scoped3A_277, %dma_wait3A_891] : memref<2x128xi32, #tpu.memory_space<vmem>> -> memref<1x128xi32, #tpu.memory_space<vmem>>
      %dma_wait3A_893 = tpu.memref_squeeze %dma_wait3A_892 : memref<1x128xi32, #tpu.memory_space<vmem>> -> memref<128xi32, #tpu.memory_space<vmem>>
      %dma_wait3A_894 = tpu.memref_slice %arg3[%add3A_276] : memref<65536xi32, #tpu.memory_space<hbm>> -> memref<128xi32, #tpu.memory_space<hbm>>
      tpu.wait_dma2 semaphore(%run_scoped3A_878 : memref<!tpu.dma_semaphore, #tpu.memory_space<semaphore_mem>>) src(%dma_wait3A_894 : memref<128xi32, #tpu.memory_space<hbm>>) dst(%dma_wait3A_893 : memref<128xi32, #tpu.memory_space<vmem>>)
      tpu.yield
    }) : () -> ()
    %dma_wait3A_278 = arith.constant 0 : i32
    %dma_wait3A_279 = arith.constant 0 : i32
    %dma_wait3A_280 = arith.constant 0 : i32
    %dma_wait3A_281 = tpu.memref_slice %arg6[%dma_wait3A_278, %dma_wait3A_279, %dma_wait3A_280] : memref<2x128x384xf32, #tpu.memory_space<vmem>> -> memref<1x128x384xf32, #tpu.memory_space<vmem>>
    %dma_wait3A_282 = tpu.memref_squeeze %dma_wait3A_281 : memref<1x128x384xf32, #tpu.memory_space<vmem>> -> memref<128x384xf32, #tpu.memory_space<vmem>>
    %dma_wait3A_283 = arith.constant 0 : i32
    %dma_wait3A_284 = tpu.memref_slice %arg4[%add3A_261, %dma_wait3A_283] : memref<65536x384xf32, #tpu.memory_space<hbm>> -> memref<128x384xf32, #tpu.memory_space<hbm>>
    %dma_wait3A_285 = arith.constant 0 : i32
    %dma_wait3A_286 = tpu.memref_slice %arg4[%add3A_261, %dma_wait3A_285] : memref<65536x384xf32, #tpu.memory_space<hbm>> -> memref<128x384xf32, #tpu.memory_space<hbm>>
    %dma_wait3A_287 = arith.constant 0 : i32
    %dma_wait3A_288 = arith.constant 0 : i32
    %dma_wait3A_289 = tpu.memref_slice %arg6[%dma_wait3A_278, %dma_wait3A_287, %dma_wait3A_288] : memref<2x128x384xf32, #tpu.memory_space<vmem>> -> memref<1x128x384xf32, #tpu.memory_space<vmem>>
    %dma_wait3A_290 = tpu.memref_squeeze %dma_wait3A_289 : memref<1x128x384xf32, #tpu.memory_space<vmem>> -> memref<128x384xf32, #tpu.memory_space<vmem>>
    tpu.wait_dma2 semaphore(%arg9 : memref<!tpu.dma_semaphore, #tpu.memory_space<semaphore_mem>>) src(%dma_wait3A_290 : memref<128x384xf32, #tpu.memory_space<vmem>>) dst(%dma_wait3A_286 : memref<128x384xf32, #tpu.memory_space<hbm>>)
    %dma_start3A_291 = arith.constant 0 : i32
    %dma_start3A_292 = arith.constant 0 : i32
    %dma_start3A_293 = arith.constant 0 : i32
    %dma_start3A_294 = arith.constant 0 : i32
    %dma_start3A_295 = tpu.memref_slice %arg6[%dma_start3A_292, %dma_start3A_293, %dma_start3A_294] : memref<2x128x384xf32, #tpu.memory_space<vmem>> -> memref<1x128x384xf32, #tpu.memory_space<vmem>>
    %dma_start3A_296 = tpu.memref_squeeze %dma_start3A_295 : memref<1x128x384xf32, #tpu.memory_space<vmem>> -> memref<128x384xf32, #tpu.memory_space<vmem>>
    %dma_start3A_297 = arith.constant 0 : i32
    %dma_start3A_298 = tpu.memref_slice %arg5[%dma_start3A_291, %dma_start3A_297] : memref<2x128xi32, #tpu.memory_space<vmem>> -> memref<1x128xi32, #tpu.memory_space<vmem>>
    %dma_start3A_299 = tpu.memref_squeeze %dma_start3A_298 : memref<1x128xi32, #tpu.memory_space<vmem>> -> memref<128xi32, #tpu.memory_space<vmem>>
    %dma_start3A_300 = arith.constant 0 : i32
    %dma_start3A_301 = arith.constant 0 : i32
    %dma_start3A_302 = tpu.memref_slice %arg2[%dma_start3A_300, %dma_start3A_301] : memref<4096x384xf32, #tpu.memory_space<hbm>> -> memref<4096x384xf32, #tpu.memory_space<hbm>>
    tpu.enqueue_indirect_dma source(%dma_start3A_302 : memref<4096x384xf32, #tpu.memory_space<hbm>>) target(%dma_start3A_296 : memref<128x384xf32, #tpu.memory_space<vmem>>) offsets(%dma_start3A_299 : memref<128xi32, #tpu.memory_space<vmem>>) semaphore(%arg7 : memref<!tpu.dma_semaphore, #tpu.memory_space<semaphore_mem>>)
    %dma_wait3A_303 = arith.constant 1 : i32
    %dma_wait3A_304 = arith.constant 1 : i32
    %dma_wait3A_305 = arith.constant 0 : i32
    %dma_wait3A_306 = arith.constant 0 : i32
    %dma_wait3A_307 = tpu.memref_slice %arg6[%dma_wait3A_304, %dma_wait3A_305, %dma_wait3A_306] : memref<2x128x384xf32, #tpu.memory_space<vmem>> -> memref<1x128x384xf32, #tpu.memory_space<vmem>>
    %dma_wait3A_308 = tpu.memref_squeeze %dma_wait3A_307 : memref<1x128x384xf32, #tpu.memory_space<vmem>> -> memref<128x384xf32, #tpu.memory_space<vmem>>
    %dma_wait3A_309 = arith.constant 0 : i32
    %dma_wait3A_310 = tpu.memref_slice %arg5[%dma_wait3A_303, %dma_wait3A_309] : memref<2x128xi32, #tpu.memory_space<vmem>> -> memref<1x128xi32, #tpu.memory_space<vmem>>
    %dma_wait3A_311 = tpu.memref_squeeze %dma_wait3A_310 : memref<1x128xi32, #tpu.memory_space<vmem>> -> memref<128xi32, #tpu.memory_space<vmem>>
    %dma_wait3A_312 = arith.constant 0 : i32
    %dma_wait3A_313 = arith.constant 0 : i32
    %dma_wait3A_314 = tpu.memref_slice %arg2[%dma_wait3A_312, %dma_wait3A_313] : memref<4096x384xf32, #tpu.memory_space<hbm>> -> memref<4096x384xf32, #tpu.memory_space<hbm>>
    tpu.wait_indirect_dma semaphore(%arg8 : memref<!tpu.dma_semaphore, #tpu.memory_space<semaphore_mem>>) src(%dma_wait3A_314 : memref<4096x384xf32, #tpu.memory_space<hbm>>) dst(%dma_wait3A_308 : memref<128x384xf32, #tpu.memory_space<vmem>>)
    %add3A_315 = arith.constant 640 : i32
    %add3A_316 = arith.addi %mul3A_2, %add3A_315 : i32
    %dma_start3A_317 = arith.constant 1 : i32
    %dma_start3A_318 = arith.constant 0 : i32
    %dma_start3A_319 = arith.constant 0 : i32
    %dma_start3A_320 = tpu.memref_slice %arg6[%dma_start3A_317, %dma_start3A_318, %dma_start3A_319] : memref<2x128x384xf32, #tpu.memory_space<vmem>> -> memref<1x128x384xf32, #tpu.memory_space<vmem>>
    %dma_start3A_321 = tpu.memref_squeeze %dma_start3A_320 : memref<1x128x384xf32, #tpu.memory_space<vmem>> -> memref<128x384xf32, #tpu.memory_space<vmem>>
    %dma_start3A_322 = arith.constant 0 : i32
    %dma_start3A_323 = tpu.memref_slice %arg4[%add3A_316, %dma_start3A_322] : memref<65536x384xf32, #tpu.memory_space<hbm>> -> memref<128x384xf32, #tpu.memory_space<hbm>>
    %dma_start3A_324 = arith.constant 0 : i32
    %dma_start3A_325 = tpu.memref_slice %arg4[%add3A_316, %dma_start3A_324] : memref<65536x384xf32, #tpu.memory_space<hbm>> -> memref<128x384xf32, #tpu.memory_space<hbm>>
    %dma_start3A_326 = arith.constant 0 : i32
    %dma_start3A_327 = arith.constant 0 : i32
    %dma_start3A_328 = tpu.memref_slice %arg6[%dma_start3A_317, %dma_start3A_326, %dma_start3A_327] : memref<2x128x384xf32, #tpu.memory_space<vmem>> -> memref<1x128x384xf32, #tpu.memory_space<vmem>>
    %dma_start3A_329 = tpu.memref_squeeze %dma_start3A_328 : memref<1x128x384xf32, #tpu.memory_space<vmem>> -> memref<128x384xf32, #tpu.memory_space<vmem>>
    tpu.enqueue_dma source(%dma_start3A_329 : memref<128x384xf32, #tpu.memory_space<vmem>>) target(%dma_start3A_325 : memref<128x384xf32, #tpu.memory_space<hbm>>) target_semaphore(%arg10 : memref<!tpu.dma_semaphore, #tpu.memory_space<semaphore_mem>>)
    %add3A_330 = arith.constant 896 : i32
    %add3A_331 = arith.addi %mul3A_2, %add3A_330 : i32
    %run_scoped3A_332 = arith.constant 1 : i32
    "tpu.region"() ({
      %run_scoped3A_878 = tpu.sem_alloc : memref<!tpu.dma_semaphore, #tpu.memory_space<semaphore_mem>>
      %dma_start3A_879 = arith.constant 0 : i32
      %dma_start3A_880 = tpu.memref_slice %arg5[%run_scoped3A_332, %dma_start3A_879] : memref<2x128xi32, #tpu.memory_space<vmem>> -> memref<1x128xi32, #tpu.memory_space<vmem>>
      %dma_start3A_881 = tpu.memref_squeeze %dma_start3A_880 : memref<1x128xi32, #tpu.memory_space<vmem>> -> memref<128xi32, #tpu.memory_space<vmem>>
      %dma_start3A_882 = tpu.memref_slice %arg3[%add3A_331] : memref<65536xi32, #tpu.memory_space<hbm>> -> memref<128xi32, #tpu.memory_space<hbm>>
      %dma_start3A_883 = arith.constant 0 : i32
      %dma_start3A_884 = tpu.memref_slice %arg5[%run_scoped3A_332, %dma_start3A_883] : memref<2x128xi32, #tpu.memory_space<vmem>> -> memref<1x128xi32, #tpu.memory_space<vmem>>
      %dma_start3A_885 = tpu.memref_squeeze %dma_start3A_884 : memref<1x128xi32, #tpu.memory_space<vmem>> -> memref<128xi32, #tpu.memory_space<vmem>>
      %dma_start3A_886 = tpu.memref_slice %arg3[%add3A_331] : memref<65536xi32, #tpu.memory_space<hbm>> -> memref<128xi32, #tpu.memory_space<hbm>>
      tpu.enqueue_dma source(%dma_start3A_886 : memref<128xi32, #tpu.memory_space<hbm>>) target(%dma_start3A_885 : memref<128xi32, #tpu.memory_space<vmem>>) target_semaphore(%run_scoped3A_878 : memref<!tpu.dma_semaphore, #tpu.memory_space<semaphore_mem>>)
      %dma_wait3A_887 = arith.constant 0 : i32
      %dma_wait3A_888 = tpu.memref_slice %arg5[%run_scoped3A_332, %dma_wait3A_887] : memref<2x128xi32, #tpu.memory_space<vmem>> -> memref<1x128xi32, #tpu.memory_space<vmem>>
      %dma_wait3A_889 = tpu.memref_squeeze %dma_wait3A_888 : memref<1x128xi32, #tpu.memory_space<vmem>> -> memref<128xi32, #tpu.memory_space<vmem>>
      %dma_wait3A_890 = tpu.memref_slice %arg3[%add3A_331] : memref<65536xi32, #tpu.memory_space<hbm>> -> memref<128xi32, #tpu.memory_space<hbm>>
      %dma_wait3A_891 = arith.constant 0 : i32
      %dma_wait3A_892 = tpu.memref_slice %arg5[%run_scoped3A_332, %dma_wait3A_891] : memref<2x128xi32, #tpu.memory_space<vmem>> -> memref<1x128xi32, #tpu.memory_space<vmem>>
      %dma_wait3A_893 = tpu.memref_squeeze %dma_wait3A_892 : memref<1x128xi32, #tpu.memory_space<vmem>> -> memref<128xi32, #tpu.memory_space<vmem>>
      %dma_wait3A_894 = tpu.memref_slice %arg3[%add3A_331] : memref<65536xi32, #tpu.memory_space<hbm>> -> memref<128xi32, #tpu.memory_space<hbm>>
      tpu.wait_dma2 semaphore(%run_scoped3A_878 : memref<!tpu.dma_semaphore, #tpu.memory_space<semaphore_mem>>) src(%dma_wait3A_894 : memref<128xi32, #tpu.memory_space<hbm>>) dst(%dma_wait3A_893 : memref<128xi32, #tpu.memory_space<vmem>>)
      tpu.yield
    }) : () -> ()
    %dma_wait3A_333 = arith.constant 1 : i32
    %dma_wait3A_334 = arith.constant 0 : i32
    %dma_wait3A_335 = arith.constant 0 : i32
    %dma_wait3A_336 = tpu.memref_slice %arg6[%dma_wait3A_333, %dma_wait3A_334, %dma_wait3A_335] : memref<2x128x384xf32, #tpu.memory_space<vmem>> -> memref<1x128x384xf32, #tpu.memory_space<vmem>>
    %dma_wait3A_337 = tpu.memref_squeeze %dma_wait3A_336 : memref<1x128x384xf32, #tpu.memory_space<vmem>> -> memref<128x384xf32, #tpu.memory_space<vmem>>
    %dma_wait3A_338 = arith.constant 0 : i32
    %dma_wait3A_339 = tpu.memref_slice %arg4[%add3A_316, %dma_wait3A_338] : memref<65536x384xf32, #tpu.memory_space<hbm>> -> memref<128x384xf32, #tpu.memory_space<hbm>>
    %dma_wait3A_340 = arith.constant 0 : i32
    %dma_wait3A_341 = tpu.memref_slice %arg4[%add3A_316, %dma_wait3A_340] : memref<65536x384xf32, #tpu.memory_space<hbm>> -> memref<128x384xf32, #tpu.memory_space<hbm>>
    %dma_wait3A_342 = arith.constant 0 : i32
    %dma_wait3A_343 = arith.constant 0 : i32
    %dma_wait3A_344 = tpu.memref_slice %arg6[%dma_wait3A_333, %dma_wait3A_342, %dma_wait3A_343] : memref<2x128x384xf32, #tpu.memory_space<vmem>> -> memref<1x128x384xf32, #tpu.memory_space<vmem>>
    %dma_wait3A_345 = tpu.memref_squeeze %dma_wait3A_344 : memref<1x128x384xf32, #tpu.memory_space<vmem>> -> memref<128x384xf32, #tpu.memory_space<vmem>>
    tpu.wait_dma2 semaphore(%arg10 : memref<!tpu.dma_semaphore, #tpu.memory_space<semaphore_mem>>) src(%dma_wait3A_345 : memref<128x384xf32, #tpu.memory_space<vmem>>) dst(%dma_wait3A_341 : memref<128x384xf32, #tpu.memory_space<hbm>>)
    %dma_start3A_346 = arith.constant 1 : i32
    %dma_start3A_347 = arith.constant 1 : i32
    %dma_start3A_348 = arith.constant 0 : i32
    %dma_start3A_349 = arith.constant 0 : i32
    %dma_start3A_350 = tpu.memref_slice %arg6[%dma_start3A_347, %dma_start3A_348, %dma_start3A_349] : memref<2x128x384xf32, #tpu.memory_space<vmem>> -> memref<1x128x384xf32, #tpu.memory_space<vmem>>
    %dma_start3A_351 = tpu.memref_squeeze %dma_start3A_350 : memref<1x128x384xf32, #tpu.memory_space<vmem>> -> memref<128x384xf32, #tpu.memory_space<vmem>>
    %dma_start3A_352 = arith.constant 0 : i32
    %dma_start3A_353 = tpu.memref_slice %arg5[%dma_start3A_346, %dma_start3A_352] : memref<2x128xi32, #tpu.memory_space<vmem>> -> memref<1x128xi32, #tpu.memory_space<vmem>>
    %dma_start3A_354 = tpu.memref_squeeze %dma_start3A_353 : memref<1x128xi32, #tpu.memory_space<vmem>> -> memref<128xi32, #tpu.memory_space<vmem>>
    %dma_start3A_355 = arith.constant 0 : i32
    %dma_start3A_356 = arith.constant 0 : i32
    %dma_start3A_357 = tpu.memref_slice %arg2[%dma_start3A_355, %dma_start3A_356] : memref<4096x384xf32, #tpu.memory_space<hbm>> -> memref<4096x384xf32, #tpu.memory_space<hbm>>
    tpu.enqueue_indirect_dma source(%dma_start3A_357 : memref<4096x384xf32, #tpu.memory_space<hbm>>) target(%dma_start3A_351 : memref<128x384xf32, #tpu.memory_space<vmem>>) offsets(%dma_start3A_354 : memref<128xi32, #tpu.memory_space<vmem>>) semaphore(%arg8 : memref<!tpu.dma_semaphore, #tpu.memory_space<semaphore_mem>>)
    %dma_wait3A_358 = arith.constant 0 : i32
    %dma_wait3A_359 = arith.constant 0 : i32
    %dma_wait3A_360 = arith.constant 0 : i32
    %dma_wait3A_361 = arith.constant 0 : i32
    %dma_wait3A_362 = tpu.memref_slice %arg6[%dma_wait3A_359, %dma_wait3A_360, %dma_wait3A_361] : memref<2x128x384xf32, #tpu.memory_space<vmem>> -> memref<1x128x384xf32, #tpu.memory_space<vmem>>
    %dma_wait3A_363 = tpu.memref_squeeze %dma_wait3A_362 : memref<1x128x384xf32, #tpu.memory_space<vmem>> -> memref<128x384xf32, #tpu.memory_space<vmem>>
    %dma_wait3A_364 = arith.constant 0 : i32
    %dma_wait3A_365 = tpu.memref_slice %arg5[%dma_wait3A_358, %dma_wait3A_364] : memref<2x128xi32, #tpu.memory_space<vmem>> -> memref<1x128xi32, #tpu.memory_space<vmem>>
    %dma_wait3A_366 = tpu.memref_squeeze %dma_wait3A_365 : memref<1x128xi32, #tpu.memory_space<vmem>> -> memref<128xi32, #tpu.memory_space<vmem>>
    %dma_wait3A_367 = arith.constant 0 : i32
    %dma_wait3A_368 = arith.constant 0 : i32
    %dma_wait3A_369 = tpu.memref_slice %arg2[%dma_wait3A_367, %dma_wait3A_368] : memref<4096x384xf32, #tpu.memory_space<hbm>> -> memref<4096x384xf32, #tpu.memory_space<hbm>>
    tpu.wait_indirect_dma semaphore(%arg7 : memref<!tpu.dma_semaphore, #tpu.memory_space<semaphore_mem>>) src(%dma_wait3A_369 : memref<4096x384xf32, #tpu.memory_space<hbm>>) dst(%dma_wait3A_363 : memref<128x384xf32, #tpu.memory_space<vmem>>)
    %add3A_370 = arith.constant 768 : i32
    %add3A_371 = arith.addi %mul3A_2, %add3A_370 : i32
    %dma_start3A_372 = arith.constant 0 : i32
    %dma_start3A_373 = arith.constant 0 : i32
    %dma_start3A_374 = arith.constant 0 : i32
    %dma_start3A_375 = tpu.memref_slice %arg6[%dma_start3A_372, %dma_start3A_373, %dma_start3A_374] : memref<2x128x384xf32, #tpu.memory_space<vmem>> -> memref<1x128x384xf32, #tpu.memory_space<vmem>>
    %dma_start3A_376 = tpu.memref_squeeze %dma_start3A_375 : memref<1x128x384xf32, #tpu.memory_space<vmem>> -> memref<128x384xf32, #tpu.memory_space<vmem>>
    %dma_start3A_377 = arith.constant 0 : i32
    %dma_start3A_378 = tpu.memref_slice %arg4[%add3A_371, %dma_start3A_377] : memref<65536x384xf32, #tpu.memory_space<hbm>> -> memref<128x384xf32, #tpu.memory_space<hbm>>
    %dma_start3A_379 = arith.constant 0 : i32
    %dma_start3A_380 = tpu.memref_slice %arg4[%add3A_371, %dma_start3A_379] : memref<65536x384xf32, #tpu.memory_space<hbm>> -> memref<128x384xf32, #tpu.memory_space<hbm>>
    %dma_start3A_381 = arith.constant 0 : i32
    %dma_start3A_382 = arith.constant 0 : i32
    %dma_start3A_383 = tpu.memref_slice %arg6[%dma_start3A_372, %dma_start3A_381, %dma_start3A_382] : memref<2x128x384xf32, #tpu.memory_space<vmem>> -> memref<1x128x384xf32, #tpu.memory_space<vmem>>
    %dma_start3A_384 = tpu.memref_squeeze %dma_start3A_383 : memref<1x128x384xf32, #tpu.memory_space<vmem>> -> memref<128x384xf32, #tpu.memory_space<vmem>>
    tpu.enqueue_dma source(%dma_start3A_384 : memref<128x384xf32, #tpu.memory_space<vmem>>) target(%dma_start3A_380 : memref<128x384xf32, #tpu.memory_space<hbm>>) target_semaphore(%arg9 : memref<!tpu.dma_semaphore, #tpu.memory_space<semaphore_mem>>)
    %add3A_385 = arith.constant 1024 : i32
    %add3A_386 = arith.addi %mul3A_2, %add3A_385 : i32
    %run_scoped3A_387 = arith.constant 0 : i32
    "tpu.region"() ({
      %run_scoped3A_878 = tpu.sem_alloc : memref<!tpu.dma_semaphore, #tpu.memory_space<semaphore_mem>>
      %dma_start3A_879 = arith.constant 0 : i32
      %dma_start3A_880 = tpu.memref_slice %arg5[%run_scoped3A_387, %dma_start3A_879] : memref<2x128xi32, #tpu.memory_space<vmem>> -> memref<1x128xi32, #tpu.memory_space<vmem>>
      %dma_start3A_881 = tpu.memref_squeeze %dma_start3A_880 : memref<1x128xi32, #tpu.memory_space<vmem>> -> memref<128xi32, #tpu.memory_space<vmem>>
      %dma_start3A_882 = tpu.memref_slice %arg3[%add3A_386] : memref<65536xi32, #tpu.memory_space<hbm>> -> memref<128xi32, #tpu.memory_space<hbm>>
      %dma_start3A_883 = arith.constant 0 : i32
      %dma_start3A_884 = tpu.memref_slice %arg5[%run_scoped3A_387, %dma_start3A_883] : memref<2x128xi32, #tpu.memory_space<vmem>> -> memref<1x128xi32, #tpu.memory_space<vmem>>
      %dma_start3A_885 = tpu.memref_squeeze %dma_start3A_884 : memref<1x128xi32, #tpu.memory_space<vmem>> -> memref<128xi32, #tpu.memory_space<vmem>>
      %dma_start3A_886 = tpu.memref_slice %arg3[%add3A_386] : memref<65536xi32, #tpu.memory_space<hbm>> -> memref<128xi32, #tpu.memory_space<hbm>>
      tpu.enqueue_dma source(%dma_start3A_886 : memref<128xi32, #tpu.memory_space<hbm>>) target(%dma_start3A_885 : memref<128xi32, #tpu.memory_space<vmem>>) target_semaphore(%run_scoped3A_878 : memref<!tpu.dma_semaphore, #tpu.memory_space<semaphore_mem>>)
      %dma_wait3A_887 = arith.constant 0 : i32
      %dma_wait3A_888 = tpu.memref_slice %arg5[%run_scoped3A_387, %dma_wait3A_887] : memref<2x128xi32, #tpu.memory_space<vmem>> -> memref<1x128xi32, #tpu.memory_space<vmem>>
      %dma_wait3A_889 = tpu.memref_squeeze %dma_wait3A_888 : memref<1x128xi32, #tpu.memory_space<vmem>> -> memref<128xi32, #tpu.memory_space<vmem>>
      %dma_wait3A_890 = tpu.memref_slice %arg3[%add3A_386] : memref<65536xi32, #tpu.memory_space<hbm>> -> memref<128xi32, #tpu.memory_space<hbm>>
      %dma_wait3A_891 = arith.constant 0 : i32
      %dma_wait3A_892 = tpu.memref_slice %arg5[%run_scoped3A_387, %dma_wait3A_891] : memref<2x128xi32, #tpu.memory_space<vmem>> -> memref<1x128xi32, #tpu.memory_space<vmem>>
      %dma_wait3A_893 = tpu.memref_squeeze %dma_wait3A_892 : memref<1x128xi32, #tpu.memory_space<vmem>> -> memref<128xi32, #tpu.memory_space<vmem>>
      %dma_wait3A_894 = tpu.memref_slice %arg3[%add3A_386] : memref<65536xi32, #tpu.memory_space<hbm>> -> memref<128xi32, #tpu.memory_space<hbm>>
      tpu.wait_dma2 semaphore(%run_scoped3A_878 : memref<!tpu.dma_semaphore, #tpu.memory_space<semaphore_mem>>) src(%dma_wait3A_894 : memref<128xi32, #tpu.memory_space<hbm>>) dst(%dma_wait3A_893 : memref<128xi32, #tpu.memory_space<vmem>>)
      tpu.yield
    }) : () -> ()
    %dma_wait3A_388 = arith.constant 0 : i32
    %dma_wait3A_389 = arith.constant 0 : i32
    %dma_wait3A_390 = arith.constant 0 : i32
    %dma_wait3A_391 = tpu.memref_slice %arg6[%dma_wait3A_388, %dma_wait3A_389, %dma_wait3A_390] : memref<2x128x384xf32, #tpu.memory_space<vmem>> -> memref<1x128x384xf32, #tpu.memory_space<vmem>>
    %dma_wait3A_392 = tpu.memref_squeeze %dma_wait3A_391 : memref<1x128x384xf32, #tpu.memory_space<vmem>> -> memref<128x384xf32, #tpu.memory_space<vmem>>
    %dma_wait3A_393 = arith.constant 0 : i32
    %dma_wait3A_394 = tpu.memref_slice %arg4[%add3A_371, %dma_wait3A_393] : memref<65536x384xf32, #tpu.memory_space<hbm>> -> memref<128x384xf32, #tpu.memory_space<hbm>>
    %dma_wait3A_395 = arith.constant 0 : i32
    %dma_wait3A_396 = tpu.memref_slice %arg4[%add3A_371, %dma_wait3A_395] : memref<65536x384xf32, #tpu.memory_space<hbm>> -> memref<128x384xf32, #tpu.memory_space<hbm>>
    %dma_wait3A_397 = arith.constant 0 : i32
    %dma_wait3A_398 = arith.constant 0 : i32
    %dma_wait3A_399 = tpu.memref_slice %arg6[%dma_wait3A_388, %dma_wait3A_397, %dma_wait3A_398] : memref<2x128x384xf32, #tpu.memory_space<vmem>> -> memref<1x128x384xf32, #tpu.memory_space<vmem>>
    %dma_wait3A_400 = tpu.memref_squeeze %dma_wait3A_399 : memref<1x128x384xf32, #tpu.memory_space<vmem>> -> memref<128x384xf32, #tpu.memory_space<vmem>>
    tpu.wait_dma2 semaphore(%arg9 : memref<!tpu.dma_semaphore, #tpu.memory_space<semaphore_mem>>) src(%dma_wait3A_400 : memref<128x384xf32, #tpu.memory_space<vmem>>) dst(%dma_wait3A_396 : memref<128x384xf32, #tpu.memory_space<hbm>>)
    %dma_start3A_401 = arith.constant 0 : i32
    %dma_start3A_402 = arith.constant 0 : i32
    %dma_start3A_403 = arith.constant 0 : i32
    %dma_start3A_404 = arith.constant 0 : i32
    %dma_start3A_405 = tpu.memref_slice %arg6[%dma_start3A_402, %dma_start3A_403, %dma_start3A_404] : memref<2x128x384xf32, #tpu.memory_space<vmem>> -> memref<1x128x384xf32, #tpu.memory_space<vmem>>
    %dma_start3A_406 = tpu.memref_squeeze %dma_start3A_405 : memref<1x128x384xf32, #tpu.memory_space<vmem>> -> memref<128x384xf32, #tpu.memory_space<vmem>>
    %dma_start3A_407 = arith.constant 0 : i32
    %dma_start3A_408 = tpu.memref_slice %arg5[%dma_start3A_401, %dma_start3A_407] : memref<2x128xi32, #tpu.memory_space<vmem>> -> memref<1x128xi32, #tpu.memory_space<vmem>>
    %dma_start3A_409 = tpu.memref_squeeze %dma_start3A_408 : memref<1x128xi32, #tpu.memory_space<vmem>> -> memref<128xi32, #tpu.memory_space<vmem>>
    %dma_start3A_410 = arith.constant 0 : i32
    %dma_start3A_411 = arith.constant 0 : i32
    %dma_start3A_412 = tpu.memref_slice %arg2[%dma_start3A_410, %dma_start3A_411] : memref<4096x384xf32, #tpu.memory_space<hbm>> -> memref<4096x384xf32, #tpu.memory_space<hbm>>
    tpu.enqueue_indirect_dma source(%dma_start3A_412 : memref<4096x384xf32, #tpu.memory_space<hbm>>) target(%dma_start3A_406 : memref<128x384xf32, #tpu.memory_space<vmem>>) offsets(%dma_start3A_409 : memref<128xi32, #tpu.memory_space<vmem>>) semaphore(%arg7 : memref<!tpu.dma_semaphore, #tpu.memory_space<semaphore_mem>>)
    %dma_wait3A_413 = arith.constant 1 : i32
    %dma_wait3A_414 = arith.constant 1 : i32
    %dma_wait3A_415 = arith.constant 0 : i32
    %dma_wait3A_416 = arith.constant 0 : i32
    %dma_wait3A_417 = tpu.memref_slice %arg6[%dma_wait3A_414, %dma_wait3A_415, %dma_wait3A_416] : memref<2x128x384xf32, #tpu.memory_space<vmem>> -> memref<1x128x384xf32, #tpu.memory_space<vmem>>
    %dma_wait3A_418 = tpu.memref_squeeze %dma_wait3A_417 : memref<1x128x384xf32, #tpu.memory_space<vmem>> -> memref<128x384xf32, #tpu.memory_space<vmem>>
    %dma_wait3A_419 = arith.constant 0 : i32
    %dma_wait3A_420 = tpu.memref_slice %arg5[%dma_wait3A_413, %dma_wait3A_419] : memref<2x128xi32, #tpu.memory_space<vmem>> -> memref<1x128xi32, #tpu.memory_space<vmem>>
    %dma_wait3A_421 = tpu.memref_squeeze %dma_wait3A_420 : memref<1x128xi32, #tpu.memory_space<vmem>> -> memref<128xi32, #tpu.memory_space<vmem>>
    %dma_wait3A_422 = arith.constant 0 : i32
    %dma_wait3A_423 = arith.constant 0 : i32
    %dma_wait3A_424 = tpu.memref_slice %arg2[%dma_wait3A_422, %dma_wait3A_423] : memref<4096x384xf32, #tpu.memory_space<hbm>> -> memref<4096x384xf32, #tpu.memory_space<hbm>>
    tpu.wait_indirect_dma semaphore(%arg8 : memref<!tpu.dma_semaphore, #tpu.memory_space<semaphore_mem>>) src(%dma_wait3A_424 : memref<4096x384xf32, #tpu.memory_space<hbm>>) dst(%dma_wait3A_418 : memref<128x384xf32, #tpu.memory_space<vmem>>)
    %add3A_425 = arith.constant 896 : i32
    %add3A_426 = arith.addi %mul3A_2, %add3A_425 : i32
    %dma_start3A_427 = arith.constant 1 : i32
    %dma_start3A_428 = arith.constant 0 : i32
    %dma_start3A_429 = arith.constant 0 : i32
    %dma_start3A_430 = tpu.memref_slice %arg6[%dma_start3A_427, %dma_start3A_428, %dma_start3A_429] : memref<2x128x384xf32, #tpu.memory_space<vmem>> -> memref<1x128x384xf32, #tpu.memory_space<vmem>>
    %dma_start3A_431 = tpu.memref_squeeze %dma_start3A_430 : memref<1x128x384xf32, #tpu.memory_space<vmem>> -> memref<128x384xf32, #tpu.memory_space<vmem>>
    %dma_start3A_432 = arith.constant 0 : i32
    %dma_start3A_433 = tpu.memref_slice %arg4[%add3A_426, %dma_start3A_432] : memref<65536x384xf32, #tpu.memory_space<hbm>> -> memref<128x384xf32, #tpu.memory_space<hbm>>
    %dma_start3A_434 = arith.constant 0 : i32
    %dma_start3A_435 = tpu.memref_slice %arg4[%add3A_426, %dma_start3A_434] : memref<65536x384xf32, #tpu.memory_space<hbm>> -> memref<128x384xf32, #tpu.memory_space<hbm>>
    %dma_start3A_436 = arith.constant 0 : i32
    %dma_start3A_437 = arith.constant 0 : i32
    %dma_start3A_438 = tpu.memref_slice %arg6[%dma_start3A_427, %dma_start3A_436, %dma_start3A_437] : memref<2x128x384xf32, #tpu.memory_space<vmem>> -> memref<1x128x384xf32, #tpu.memory_space<vmem>>
    %dma_start3A_439 = tpu.memref_squeeze %dma_start3A_438 : memref<1x128x384xf32, #tpu.memory_space<vmem>> -> memref<128x384xf32, #tpu.memory_space<vmem>>
    tpu.enqueue_dma source(%dma_start3A_439 : memref<128x384xf32, #tpu.memory_space<vmem>>) target(%dma_start3A_435 : memref<128x384xf32, #tpu.memory_space<hbm>>) target_semaphore(%arg10 : memref<!tpu.dma_semaphore, #tpu.memory_space<semaphore_mem>>)
    %add3A_440 = arith.constant 1152 : i32
    %add3A_441 = arith.addi %mul3A_2, %add3A_440 : i32
    %run_scoped3A_442 = arith.constant 1 : i32
    "tpu.region"() ({
      %run_scoped3A_878 = tpu.sem_alloc : memref<!tpu.dma_semaphore, #tpu.memory_space<semaphore_mem>>
      %dma_start3A_879 = arith.constant 0 : i32
      %dma_start3A_880 = tpu.memref_slice %arg5[%run_scoped3A_442, %dma_start3A_879] : memref<2x128xi32, #tpu.memory_space<vmem>> -> memref<1x128xi32, #tpu.memory_space<vmem>>
      %dma_start3A_881 = tpu.memref_squeeze %dma_start3A_880 : memref<1x128xi32, #tpu.memory_space<vmem>> -> memref<128xi32, #tpu.memory_space<vmem>>
      %dma_start3A_882 = tpu.memref_slice %arg3[%add3A_441] : memref<65536xi32, #tpu.memory_space<hbm>> -> memref<128xi32, #tpu.memory_space<hbm>>
      %dma_start3A_883 = arith.constant 0 : i32
      %dma_start3A_884 = tpu.memref_slice %arg5[%run_scoped3A_442, %dma_start3A_883] : memref<2x128xi32, #tpu.memory_space<vmem>> -> memref<1x128xi32, #tpu.memory_space<vmem>>
      %dma_start3A_885 = tpu.memref_squeeze %dma_start3A_884 : memref<1x128xi32, #tpu.memory_space<vmem>> -> memref<128xi32, #tpu.memory_space<vmem>>
      %dma_start3A_886 = tpu.memref_slice %arg3[%add3A_441] : memref<65536xi32, #tpu.memory_space<hbm>> -> memref<128xi32, #tpu.memory_space<hbm>>
      tpu.enqueue_dma source(%dma_start3A_886 : memref<128xi32, #tpu.memory_space<hbm>>) target(%dma_start3A_885 : memref<128xi32, #tpu.memory_space<vmem>>) target_semaphore(%run_scoped3A_878 : memref<!tpu.dma_semaphore, #tpu.memory_space<semaphore_mem>>)
      %dma_wait3A_887 = arith.constant 0 : i32
      %dma_wait3A_888 = tpu.memref_slice %arg5[%run_scoped3A_442, %dma_wait3A_887] : memref<2x128xi32, #tpu.memory_space<vmem>> -> memref<1x128xi32, #tpu.memory_space<vmem>>
      %dma_wait3A_889 = tpu.memref_squeeze %dma_wait3A_888 : memref<1x128xi32, #tpu.memory_space<vmem>> -> memref<128xi32, #tpu.memory_space<vmem>>
      %dma_wait3A_890 = tpu.memref_slice %arg3[%add3A_441] : memref<65536xi32, #tpu.memory_space<hbm>> -> memref<128xi32, #tpu.memory_space<hbm>>
      %dma_wait3A_891 = arith.constant 0 : i32
      %dma_wait3A_892 = tpu.memref_slice %arg5[%run_scoped3A_442, %dma_wait3A_891] : memref<2x128xi32, #tpu.memory_space<vmem>> -> memref<1x128xi32, #tpu.memory_space<vmem>>
      %dma_wait3A_893 = tpu.memref_squeeze %dma_wait3A_892 : memref<1x128xi32, #tpu.memory_space<vmem>> -> memref<128xi32, #tpu.memory_space<vmem>>
      %dma_wait3A_894 = tpu.memref_slice %arg3[%add3A_441] : memref<65536xi32, #tpu.memory_space<hbm>> -> memref<128xi32, #tpu.memory_space<hbm>>
      tpu.wait_dma2 semaphore(%run_scoped3A_878 : memref<!tpu.dma_semaphore, #tpu.memory_space<semaphore_mem>>) src(%dma_wait3A_894 : memref<128xi32, #tpu.memory_space<hbm>>) dst(%dma_wait3A_893 : memref<128xi32, #tpu.memory_space<vmem>>)
      tpu.yield
    }) : () -> ()
    %dma_wait3A_443 = arith.constant 1 : i32
    %dma_wait3A_444 = arith.constant 0 : i32
    %dma_wait3A_445 = arith.constant 0 : i32
    %dma_wait3A_446 = tpu.memref_slice %arg6[%dma_wait3A_443, %dma_wait3A_444, %dma_wait3A_445] : memref<2x128x384xf32, #tpu.memory_space<vmem>> -> memref<1x128x384xf32, #tpu.memory_space<vmem>>
    %dma_wait3A_447 = tpu.memref_squeeze %dma_wait3A_446 : memref<1x128x384xf32, #tpu.memory_space<vmem>> -> memref<128x384xf32, #tpu.memory_space<vmem>>
    %dma_wait3A_448 = arith.constant 0 : i32
    %dma_wait3A_449 = tpu.memref_slice %arg4[%add3A_426, %dma_wait3A_448] : memref<65536x384xf32, #tpu.memory_space<hbm>> -> memref<128x384xf32, #tpu.memory_space<hbm>>
    %dma_wait3A_450 = arith.constant 0 : i32
    %dma_wait3A_451 = tpu.memref_slice %arg4[%add3A_426, %dma_wait3A_450] : memref<65536x384xf32, #tpu.memory_space<hbm>> -> memref<128x384xf32, #tpu.memory_space<hbm>>
    %dma_wait3A_452 = arith.constant 0 : i32
    %dma_wait3A_453 = arith.constant 0 : i32
    %dma_wait3A_454 = tpu.memref_slice %arg6[%dma_wait3A_443, %dma_wait3A_452, %dma_wait3A_453] : memref<2x128x384xf32, #tpu.memory_space<vmem>> -> memref<1x128x384xf32, #tpu.memory_space<vmem>>
    %dma_wait3A_455 = tpu.memref_squeeze %dma_wait3A_454 : memref<1x128x384xf32, #tpu.memory_space<vmem>> -> memref<128x384xf32, #tpu.memory_space<vmem>>
    tpu.wait_dma2 semaphore(%arg10 : memref<!tpu.dma_semaphore, #tpu.memory_space<semaphore_mem>>) src(%dma_wait3A_455 : memref<128x384xf32, #tpu.memory_space<vmem>>) dst(%dma_wait3A_451 : memref<128x384xf32, #tpu.memory_space<hbm>>)
    %dma_start3A_456 = arith.constant 1 : i32
    %dma_start3A_457 = arith.constant 1 : i32
    %dma_start3A_458 = arith.constant 0 : i32
    %dma_start3A_459 = arith.constant 0 : i32
    %dma_start3A_460 = tpu.memref_slice %arg6[%dma_start3A_457, %dma_start3A_458, %dma_start3A_459] : memref<2x128x384xf32, #tpu.memory_space<vmem>> -> memref<1x128x384xf32, #tpu.memory_space<vmem>>
    %dma_start3A_461 = tpu.memref_squeeze %dma_start3A_460 : memref<1x128x384xf32, #tpu.memory_space<vmem>> -> memref<128x384xf32, #tpu.memory_space<vmem>>
    %dma_start3A_462 = arith.constant 0 : i32
    %dma_start3A_463 = tpu.memref_slice %arg5[%dma_start3A_456, %dma_start3A_462] : memref<2x128xi32, #tpu.memory_space<vmem>> -> memref<1x128xi32, #tpu.memory_space<vmem>>
    %dma_start3A_464 = tpu.memref_squeeze %dma_start3A_463 : memref<1x128xi32, #tpu.memory_space<vmem>> -> memref<128xi32, #tpu.memory_space<vmem>>
    %dma_start3A_465 = arith.constant 0 : i32
    %dma_start3A_466 = arith.constant 0 : i32
    %dma_start3A_467 = tpu.memref_slice %arg2[%dma_start3A_465, %dma_start3A_466] : memref<4096x384xf32, #tpu.memory_space<hbm>> -> memref<4096x384xf32, #tpu.memory_space<hbm>>
    tpu.enqueue_indirect_dma source(%dma_start3A_467 : memref<4096x384xf32, #tpu.memory_space<hbm>>) target(%dma_start3A_461 : memref<128x384xf32, #tpu.memory_space<vmem>>) offsets(%dma_start3A_464 : memref<128xi32, #tpu.memory_space<vmem>>) semaphore(%arg8 : memref<!tpu.dma_semaphore, #tpu.memory_space<semaphore_mem>>)
    %dma_wait3A_468 = arith.constant 0 : i32
    %dma_wait3A_469 = arith.constant 0 : i32
    %dma_wait3A_470 = arith.constant 0 : i32
    %dma_wait3A_471 = arith.constant 0 : i32
    %dma_wait3A_472 = tpu.memref_slice %arg6[%dma_wait3A_469, %dma_wait3A_470, %dma_wait3A_471] : memref<2x128x384xf32, #tpu.memory_space<vmem>> -> memref<1x128x384xf32, #tpu.memory_space<vmem>>
    %dma_wait3A_473 = tpu.memref_squeeze %dma_wait3A_472 : memref<1x128x384xf32, #tpu.memory_space<vmem>> -> memref<128x384xf32, #tpu.memory_space<vmem>>
    %dma_wait3A_474 = arith.constant 0 : i32
    %dma_wait3A_475 = tpu.memref_slice %arg5[%dma_wait3A_468, %dma_wait3A_474] : memref<2x128xi32, #tpu.memory_space<vmem>> -> memref<1x128xi32, #tpu.memory_space<vmem>>
    %dma_wait3A_476 = tpu.memref_squeeze %dma_wait3A_475 : memref<1x128xi32, #tpu.memory_space<vmem>> -> memref<128xi32, #tpu.memory_space<vmem>>
    %dma_wait3A_477 = arith.constant 0 : i32
    %dma_wait3A_478 = arith.constant 0 : i32
    %dma_wait3A_479 = tpu.memref_slice %arg2[%dma_wait3A_477, %dma_wait3A_478] : memref<4096x384xf32, #tpu.memory_space<hbm>> -> memref<4096x384xf32, #tpu.memory_space<hbm>>
    tpu.wait_indirect_dma semaphore(%arg7 : memref<!tpu.dma_semaphore, #tpu.memory_space<semaphore_mem>>) src(%dma_wait3A_479 : memref<4096x384xf32, #tpu.memory_space<hbm>>) dst(%dma_wait3A_473 : memref<128x384xf32, #tpu.memory_space<vmem>>)
    %add3A_480 = arith.constant 1024 : i32
    %add3A_481 = arith.addi %mul3A_2, %add3A_480 : i32
    %dma_start3A_482 = arith.constant 0 : i32
    %dma_start3A_483 = arith.constant 0 : i32
    %dma_start3A_484 = arith.constant 0 : i32
    %dma_start3A_485 = tpu.memref_slice %arg6[%dma_start3A_482, %dma_start3A_483, %dma_start3A_484] : memref<2x128x384xf32, #tpu.memory_space<vmem>> -> memref<1x128x384xf32, #tpu.memory_space<vmem>>
    %dma_start3A_486 = tpu.memref_squeeze %dma_start3A_485 : memref<1x128x384xf32, #tpu.memory_space<vmem>> -> memref<128x384xf32, #tpu.memory_space<vmem>>
    %dma_start3A_487 = arith.constant 0 : i32
    %dma_start3A_488 = tpu.memref_slice %arg4[%add3A_481, %dma_start3A_487] : memref<65536x384xf32, #tpu.memory_space<hbm>> -> memref<128x384xf32, #tpu.memory_space<hbm>>
    %dma_start3A_489 = arith.constant 0 : i32
    %dma_start3A_490 = tpu.memref_slice %arg4[%add3A_481, %dma_start3A_489] : memref<65536x384xf32, #tpu.memory_space<hbm>> -> memref<128x384xf32, #tpu.memory_space<hbm>>
    %dma_start3A_491 = arith.constant 0 : i32
    %dma_start3A_492 = arith.constant 0 : i32
    %dma_start3A_493 = tpu.memref_slice %arg6[%dma_start3A_482, %dma_start3A_491, %dma_start3A_492] : memref<2x128x384xf32, #tpu.memory_space<vmem>> -> memref<1x128x384xf32, #tpu.memory_space<vmem>>
    %dma_start3A_494 = tpu.memref_squeeze %dma_start3A_493 : memref<1x128x384xf32, #tpu.memory_space<vmem>> -> memref<128x384xf32, #tpu.memory_space<vmem>>
    tpu.enqueue_dma source(%dma_start3A_494 : memref<128x384xf32, #tpu.memory_space<vmem>>) target(%dma_start3A_490 : memref<128x384xf32, #tpu.memory_space<hbm>>) target_semaphore(%arg9 : memref<!tpu.dma_semaphore, #tpu.memory_space<semaphore_mem>>)
    %add3A_495 = arith.constant 1280 : i32
    %add3A_496 = arith.addi %mul3A_2, %add3A_495 : i32
    %run_scoped3A_497 = arith.constant 0 : i32
    "tpu.region"() ({
      %run_scoped3A_878 = tpu.sem_alloc : memref<!tpu.dma_semaphore, #tpu.memory_space<semaphore_mem>>
      %dma_start3A_879 = arith.constant 0 : i32
      %dma_start3A_880 = tpu.memref_slice %arg5[%run_scoped3A_497, %dma_start3A_879] : memref<2x128xi32, #tpu.memory_space<vmem>> -> memref<1x128xi32, #tpu.memory_space<vmem>>
      %dma_start3A_881 = tpu.memref_squeeze %dma_start3A_880 : memref<1x128xi32, #tpu.memory_space<vmem>> -> memref<128xi32, #tpu.memory_space<vmem>>
      %dma_start3A_882 = tpu.memref_slice %arg3[%add3A_496] : memref<65536xi32, #tpu.memory_space<hbm>> -> memref<128xi32, #tpu.memory_space<hbm>>
      %dma_start3A_883 = arith.constant 0 : i32
      %dma_start3A_884 = tpu.memref_slice %arg5[%run_scoped3A_497, %dma_start3A_883] : memref<2x128xi32, #tpu.memory_space<vmem>> -> memref<1x128xi32, #tpu.memory_space<vmem>>
      %dma_start3A_885 = tpu.memref_squeeze %dma_start3A_884 : memref<1x128xi32, #tpu.memory_space<vmem>> -> memref<128xi32, #tpu.memory_space<vmem>>
      %dma_start3A_886 = tpu.memref_slice %arg3[%add3A_496] : memref<65536xi32, #tpu.memory_space<hbm>> -> memref<128xi32, #tpu.memory_space<hbm>>
      tpu.enqueue_dma source(%dma_start3A_886 : memref<128xi32, #tpu.memory_space<hbm>>) target(%dma_start3A_885 : memref<128xi32, #tpu.memory_space<vmem>>) target_semaphore(%run_scoped3A_878 : memref<!tpu.dma_semaphore, #tpu.memory_space<semaphore_mem>>)
      %dma_wait3A_887 = arith.constant 0 : i32
      %dma_wait3A_888 = tpu.memref_slice %arg5[%run_scoped3A_497, %dma_wait3A_887] : memref<2x128xi32, #tpu.memory_space<vmem>> -> memref<1x128xi32, #tpu.memory_space<vmem>>
      %dma_wait3A_889 = tpu.memref_squeeze %dma_wait3A_888 : memref<1x128xi32, #tpu.memory_space<vmem>> -> memref<128xi32, #tpu.memory_space<vmem>>
      %dma_wait3A_890 = tpu.memref_slice %arg3[%add3A_496] : memref<65536xi32, #tpu.memory_space<hbm>> -> memref<128xi32, #tpu.memory_space<hbm>>
      %dma_wait3A_891 = arith.constant 0 : i32
      %dma_wait3A_892 = tpu.memref_slice %arg5[%run_scoped3A_497, %dma_wait3A_891] : memref<2x128xi32, #tpu.memory_space<vmem>> -> memref<1x128xi32, #tpu.memory_space<vmem>>
      %dma_wait3A_893 = tpu.memref_squeeze %dma_wait3A_892 : memref<1x128xi32, #tpu.memory_space<vmem>> -> memref<128xi32, #tpu.memory_space<vmem>>
      %dma_wait3A_894 = tpu.memref_slice %arg3[%add3A_496] : memref<65536xi32, #tpu.memory_space<hbm>> -> memref<128xi32, #tpu.memory_space<hbm>>
      tpu.wait_dma2 semaphore(%run_scoped3A_878 : memref<!tpu.dma_semaphore, #tpu.memory_space<semaphore_mem>>) src(%dma_wait3A_894 : memref<128xi32, #tpu.memory_space<hbm>>) dst(%dma_wait3A_893 : memref<128xi32, #tpu.memory_space<vmem>>)
      tpu.yield
    }) : () -> ()
    %dma_wait3A_498 = arith.constant 0 : i32
    %dma_wait3A_499 = arith.constant 0 : i32
    %dma_wait3A_500 = arith.constant 0 : i32
    %dma_wait3A_501 = tpu.memref_slice %arg6[%dma_wait3A_498, %dma_wait3A_499, %dma_wait3A_500] : memref<2x128x384xf32, #tpu.memory_space<vmem>> -> memref<1x128x384xf32, #tpu.memory_space<vmem>>
    %dma_wait3A_502 = tpu.memref_squeeze %dma_wait3A_501 : memref<1x128x384xf32, #tpu.memory_space<vmem>> -> memref<128x384xf32, #tpu.memory_space<vmem>>
    %dma_wait3A_503 = arith.constant 0 : i32
    %dma_wait3A_504 = tpu.memref_slice %arg4[%add3A_481, %dma_wait3A_503] : memref<65536x384xf32, #tpu.memory_space<hbm>> -> memref<128x384xf32, #tpu.memory_space<hbm>>
    %dma_wait3A_505 = arith.constant 0 : i32
    %dma_wait3A_506 = tpu.memref_slice %arg4[%add3A_481, %dma_wait3A_505] : memref<65536x384xf32, #tpu.memory_space<hbm>> -> memref<128x384xf32, #tpu.memory_space<hbm>>
    %dma_wait3A_507 = arith.constant 0 : i32
    %dma_wait3A_508 = arith.constant 0 : i32
    %dma_wait3A_509 = tpu.memref_slice %arg6[%dma_wait3A_498, %dma_wait3A_507, %dma_wait3A_508] : memref<2x128x384xf32, #tpu.memory_space<vmem>> -> memref<1x128x384xf32, #tpu.memory_space<vmem>>
    %dma_wait3A_510 = tpu.memref_squeeze %dma_wait3A_509 : memref<1x128x384xf32, #tpu.memory_space<vmem>> -> memref<128x384xf32, #tpu.memory_space<vmem>>
    tpu.wait_dma2 semaphore(%arg9 : memref<!tpu.dma_semaphore, #tpu.memory_space<semaphore_mem>>) src(%dma_wait3A_510 : memref<128x384xf32, #tpu.memory_space<vmem>>) dst(%dma_wait3A_506 : memref<128x384xf32, #tpu.memory_space<hbm>>)
    %dma_start3A_511 = arith.constant 0 : i32
    %dma_start3A_512 = arith.constant 0 : i32
    %dma_start3A_513 = arith.constant 0 : i32
    %dma_start3A_514 = arith.constant 0 : i32
    %dma_start3A_515 = tpu.memref_slice %arg6[%dma_start3A_512, %dma_start3A_513, %dma_start3A_514] : memref<2x128x384xf32, #tpu.memory_space<vmem>> -> memref<1x128x384xf32, #tpu.memory_space<vmem>>
    %dma_start3A_516 = tpu.memref_squeeze %dma_start3A_515 : memref<1x128x384xf32, #tpu.memory_space<vmem>> -> memref<128x384xf32, #tpu.memory_space<vmem>>
    %dma_start3A_517 = arith.constant 0 : i32
    %dma_start3A_518 = tpu.memref_slice %arg5[%dma_start3A_511, %dma_start3A_517] : memref<2x128xi32, #tpu.memory_space<vmem>> -> memref<1x128xi32, #tpu.memory_space<vmem>>
    %dma_start3A_519 = tpu.memref_squeeze %dma_start3A_518 : memref<1x128xi32, #tpu.memory_space<vmem>> -> memref<128xi32, #tpu.memory_space<vmem>>
    %dma_start3A_520 = arith.constant 0 : i32
    %dma_start3A_521 = arith.constant 0 : i32
    %dma_start3A_522 = tpu.memref_slice %arg2[%dma_start3A_520, %dma_start3A_521] : memref<4096x384xf32, #tpu.memory_space<hbm>> -> memref<4096x384xf32, #tpu.memory_space<hbm>>
    tpu.enqueue_indirect_dma source(%dma_start3A_522 : memref<4096x384xf32, #tpu.memory_space<hbm>>) target(%dma_start3A_516 : memref<128x384xf32, #tpu.memory_space<vmem>>) offsets(%dma_start3A_519 : memref<128xi32, #tpu.memory_space<vmem>>) semaphore(%arg7 : memref<!tpu.dma_semaphore, #tpu.memory_space<semaphore_mem>>)
    %dma_wait3A_523 = arith.constant 1 : i32
    %dma_wait3A_524 = arith.constant 1 : i32
    %dma_wait3A_525 = arith.constant 0 : i32
    %dma_wait3A_526 = arith.constant 0 : i32
    %dma_wait3A_527 = tpu.memref_slice %arg6[%dma_wait3A_524, %dma_wait3A_525, %dma_wait3A_526] : memref<2x128x384xf32, #tpu.memory_space<vmem>> -> memref<1x128x384xf32, #tpu.memory_space<vmem>>
    %dma_wait3A_528 = tpu.memref_squeeze %dma_wait3A_527 : memref<1x128x384xf32, #tpu.memory_space<vmem>> -> memref<128x384xf32, #tpu.memory_space<vmem>>
    %dma_wait3A_529 = arith.constant 0 : i32
    %dma_wait3A_530 = tpu.memref_slice %arg5[%dma_wait3A_523, %dma_wait3A_529] : memref<2x128xi32, #tpu.memory_space<vmem>> -> memref<1x128xi32, #tpu.memory_space<vmem>>
    %dma_wait3A_531 = tpu.memref_squeeze %dma_wait3A_530 : memref<1x128xi32, #tpu.memory_space<vmem>> -> memref<128xi32, #tpu.memory_space<vmem>>
    %dma_wait3A_532 = arith.constant 0 : i32
    %dma_wait3A_533 = arith.constant 0 : i32
    %dma_wait3A_534 = tpu.memref_slice %arg2[%dma_wait3A_532, %dma_wait3A_533] : memref<4096x384xf32, #tpu.memory_space<hbm>> -> memref<4096x384xf32, #tpu.memory_space<hbm>>
    tpu.wait_indirect_dma semaphore(%arg8 : memref<!tpu.dma_semaphore, #tpu.memory_space<semaphore_mem>>) src(%dma_wait3A_534 : memref<4096x384xf32, #tpu.memory_space<hbm>>) dst(%dma_wait3A_528 : memref<128x384xf32, #tpu.memory_space<vmem>>)
    %add3A_535 = arith.constant 1152 : i32
    %add3A_536 = arith.addi %mul3A_2, %add3A_535 : i32
    %dma_start3A_537 = arith.constant 1 : i32
    %dma_start3A_538 = arith.constant 0 : i32
    %dma_start3A_539 = arith.constant 0 : i32
    %dma_start3A_540 = tpu.memref_slice %arg6[%dma_start3A_537, %dma_start3A_538, %dma_start3A_539] : memref<2x128x384xf32, #tpu.memory_space<vmem>> -> memref<1x128x384xf32, #tpu.memory_space<vmem>>
    %dma_start3A_541 = tpu.memref_squeeze %dma_start3A_540 : memref<1x128x384xf32, #tpu.memory_space<vmem>> -> memref<128x384xf32, #tpu.memory_space<vmem>>
    %dma_start3A_542 = arith.constant 0 : i32
    %dma_start3A_543 = tpu.memref_slice %arg4[%add3A_536, %dma_start3A_542] : memref<65536x384xf32, #tpu.memory_space<hbm>> -> memref<128x384xf32, #tpu.memory_space<hbm>>
    %dma_start3A_544 = arith.constant 0 : i32
    %dma_start3A_545 = tpu.memref_slice %arg4[%add3A_536, %dma_start3A_544] : memref<65536x384xf32, #tpu.memory_space<hbm>> -> memref<128x384xf32, #tpu.memory_space<hbm>>
    %dma_start3A_546 = arith.constant 0 : i32
    %dma_start3A_547 = arith.constant 0 : i32
    %dma_start3A_548 = tpu.memref_slice %arg6[%dma_start3A_537, %dma_start3A_546, %dma_start3A_547] : memref<2x128x384xf32, #tpu.memory_space<vmem>> -> memref<1x128x384xf32, #tpu.memory_space<vmem>>
    %dma_start3A_549 = tpu.memref_squeeze %dma_start3A_548 : memref<1x128x384xf32, #tpu.memory_space<vmem>> -> memref<128x384xf32, #tpu.memory_space<vmem>>
    tpu.enqueue_dma source(%dma_start3A_549 : memref<128x384xf32, #tpu.memory_space<vmem>>) target(%dma_start3A_545 : memref<128x384xf32, #tpu.memory_space<hbm>>) target_semaphore(%arg10 : memref<!tpu.dma_semaphore, #tpu.memory_space<semaphore_mem>>)
    %add3A_550 = arith.constant 1408 : i32
    %add3A_551 = arith.addi %mul3A_2, %add3A_550 : i32
    %run_scoped3A_552 = arith.constant 1 : i32
    "tpu.region"() ({
      %run_scoped3A_878 = tpu.sem_alloc : memref<!tpu.dma_semaphore, #tpu.memory_space<semaphore_mem>>
      %dma_start3A_879 = arith.constant 0 : i32
      %dma_start3A_880 = tpu.memref_slice %arg5[%run_scoped3A_552, %dma_start3A_879] : memref<2x128xi32, #tpu.memory_space<vmem>> -> memref<1x128xi32, #tpu.memory_space<vmem>>
      %dma_start3A_881 = tpu.memref_squeeze %dma_start3A_880 : memref<1x128xi32, #tpu.memory_space<vmem>> -> memref<128xi32, #tpu.memory_space<vmem>>
      %dma_start3A_882 = tpu.memref_slice %arg3[%add3A_551] : memref<65536xi32, #tpu.memory_space<hbm>> -> memref<128xi32, #tpu.memory_space<hbm>>
      %dma_start3A_883 = arith.constant 0 : i32
      %dma_start3A_884 = tpu.memref_slice %arg5[%run_scoped3A_552, %dma_start3A_883] : memref<2x128xi32, #tpu.memory_space<vmem>> -> memref<1x128xi32, #tpu.memory_space<vmem>>
      %dma_start3A_885 = tpu.memref_squeeze %dma_start3A_884 : memref<1x128xi32, #tpu.memory_space<vmem>> -> memref<128xi32, #tpu.memory_space<vmem>>
      %dma_start3A_886 = tpu.memref_slice %arg3[%add3A_551] : memref<65536xi32, #tpu.memory_space<hbm>> -> memref<128xi32, #tpu.memory_space<hbm>>
      tpu.enqueue_dma source(%dma_start3A_886 : memref<128xi32, #tpu.memory_space<hbm>>) target(%dma_start3A_885 : memref<128xi32, #tpu.memory_space<vmem>>) target_semaphore(%run_scoped3A_878 : memref<!tpu.dma_semaphore, #tpu.memory_space<semaphore_mem>>)
      %dma_wait3A_887 = arith.constant 0 : i32
      %dma_wait3A_888 = tpu.memref_slice %arg5[%run_scoped3A_552, %dma_wait3A_887] : memref<2x128xi32, #tpu.memory_space<vmem>> -> memref<1x128xi32, #tpu.memory_space<vmem>>
      %dma_wait3A_889 = tpu.memref_squeeze %dma_wait3A_888 : memref<1x128xi32, #tpu.memory_space<vmem>> -> memref<128xi32, #tpu.memory_space<vmem>>
      %dma_wait3A_890 = tpu.memref_slice %arg3[%add3A_551] : memref<65536xi32, #tpu.memory_space<hbm>> -> memref<128xi32, #tpu.memory_space<hbm>>
      %dma_wait3A_891 = arith.constant 0 : i32
      %dma_wait3A_892 = tpu.memref_slice %arg5[%run_scoped3A_552, %dma_wait3A_891] : memref<2x128xi32, #tpu.memory_space<vmem>> -> memref<1x128xi32, #tpu.memory_space<vmem>>
      %dma_wait3A_893 = tpu.memref_squeeze %dma_wait3A_892 : memref<1x128xi32, #tpu.memory_space<vmem>> -> memref<128xi32, #tpu.memory_space<vmem>>
      %dma_wait3A_894 = tpu.memref_slice %arg3[%add3A_551] : memref<65536xi32, #tpu.memory_space<hbm>> -> memref<128xi32, #tpu.memory_space<hbm>>
      tpu.wait_dma2 semaphore(%run_scoped3A_878 : memref<!tpu.dma_semaphore, #tpu.memory_space<semaphore_mem>>) src(%dma_wait3A_894 : memref<128xi32, #tpu.memory_space<hbm>>) dst(%dma_wait3A_893 : memref<128xi32, #tpu.memory_space<vmem>>)
      tpu.yield
    }) : () -> ()
    %dma_wait3A_553 = arith.constant 1 : i32
    %dma_wait3A_554 = arith.constant 0 : i32
    %dma_wait3A_555 = arith.constant 0 : i32
    %dma_wait3A_556 = tpu.memref_slice %arg6[%dma_wait3A_553, %dma_wait3A_554, %dma_wait3A_555] : memref<2x128x384xf32, #tpu.memory_space<vmem>> -> memref<1x128x384xf32, #tpu.memory_space<vmem>>
    %dma_wait3A_557 = tpu.memref_squeeze %dma_wait3A_556 : memref<1x128x384xf32, #tpu.memory_space<vmem>> -> memref<128x384xf32, #tpu.memory_space<vmem>>
    %dma_wait3A_558 = arith.constant 0 : i32
    %dma_wait3A_559 = tpu.memref_slice %arg4[%add3A_536, %dma_wait3A_558] : memref<65536x384xf32, #tpu.memory_space<hbm>> -> memref<128x384xf32, #tpu.memory_space<hbm>>
    %dma_wait3A_560 = arith.constant 0 : i32
    %dma_wait3A_561 = tpu.memref_slice %arg4[%add3A_536, %dma_wait3A_560] : memref<65536x384xf32, #tpu.memory_space<hbm>> -> memref<128x384xf32, #tpu.memory_space<hbm>>
    %dma_wait3A_562 = arith.constant 0 : i32
    %dma_wait3A_563 = arith.constant 0 : i32
    %dma_wait3A_564 = tpu.memref_slice %arg6[%dma_wait3A_553, %dma_wait3A_562, %dma_wait3A_563] : memref<2x128x384xf32, #tpu.memory_space<vmem>> -> memref<1x128x384xf32, #tpu.memory_space<vmem>>
    %dma_wait3A_565 = tpu.memref_squeeze %dma_wait3A_564 : memref<1x128x384xf32, #tpu.memory_space<vmem>> -> memref<128x384xf32, #tpu.memory_space<vmem>>
    tpu.wait_dma2 semaphore(%arg10 : memref<!tpu.dma_semaphore, #tpu.memory_space<semaphore_mem>>) src(%dma_wait3A_565 : memref<128x384xf32, #tpu.memory_space<vmem>>) dst(%dma_wait3A_561 : memref<128x384xf32, #tpu.memory_space<hbm>>)
    %dma_start3A_566 = arith.constant 1 : i32
    %dma_start3A_567 = arith.constant 1 : i32
    %dma_start3A_568 = arith.constant 0 : i32
    %dma_start3A_569 = arith.constant 0 : i32
    %dma_start3A_570 = tpu.memref_slice %arg6[%dma_start3A_567, %dma_start3A_568, %dma_start3A_569] : memref<2x128x384xf32, #tpu.memory_space<vmem>> -> memref<1x128x384xf32, #tpu.memory_space<vmem>>
    %dma_start3A_571 = tpu.memref_squeeze %dma_start3A_570 : memref<1x128x384xf32, #tpu.memory_space<vmem>> -> memref<128x384xf32, #tpu.memory_space<vmem>>
    %dma_start3A_572 = arith.constant 0 : i32
    %dma_start3A_573 = tpu.memref_slice %arg5[%dma_start3A_566, %dma_start3A_572] : memref<2x128xi32, #tpu.memory_space<vmem>> -> memref<1x128xi32, #tpu.memory_space<vmem>>
    %dma_start3A_574 = tpu.memref_squeeze %dma_start3A_573 : memref<1x128xi32, #tpu.memory_space<vmem>> -> memref<128xi32, #tpu.memory_space<vmem>>
    %dma_start3A_575 = arith.constant 0 : i32
    %dma_start3A_576 = arith.constant 0 : i32
    %dma_start3A_577 = tpu.memref_slice %arg2[%dma_start3A_575, %dma_start3A_576] : memref<4096x384xf32, #tpu.memory_space<hbm>> -> memref<4096x384xf32, #tpu.memory_space<hbm>>
    tpu.enqueue_indirect_dma source(%dma_start3A_577 : memref<4096x384xf32, #tpu.memory_space<hbm>>) target(%dma_start3A_571 : memref<128x384xf32, #tpu.memory_space<vmem>>) offsets(%dma_start3A_574 : memref<128xi32, #tpu.memory_space<vmem>>) semaphore(%arg8 : memref<!tpu.dma_semaphore, #tpu.memory_space<semaphore_mem>>)
    %dma_wait3A_578 = arith.constant 0 : i32
    %dma_wait3A_579 = arith.constant 0 : i32
    %dma_wait3A_580 = arith.constant 0 : i32
    %dma_wait3A_581 = arith.constant 0 : i32
    %dma_wait3A_582 = tpu.memref_slice %arg6[%dma_wait3A_579, %dma_wait3A_580, %dma_wait3A_581] : memref<2x128x384xf32, #tpu.memory_space<vmem>> -> memref<1x128x384xf32, #tpu.memory_space<vmem>>
    %dma_wait3A_583 = tpu.memref_squeeze %dma_wait3A_582 : memref<1x128x384xf32, #tpu.memory_space<vmem>> -> memref<128x384xf32, #tpu.memory_space<vmem>>
    %dma_wait3A_584 = arith.constant 0 : i32
    %dma_wait3A_585 = tpu.memref_slice %arg5[%dma_wait3A_578, %dma_wait3A_584] : memref<2x128xi32, #tpu.memory_space<vmem>> -> memref<1x128xi32, #tpu.memory_space<vmem>>
    %dma_wait3A_586 = tpu.memref_squeeze %dma_wait3A_585 : memref<1x128xi32, #tpu.memory_space<vmem>> -> memref<128xi32, #tpu.memory_space<vmem>>
    %dma_wait3A_587 = arith.constant 0 : i32
    %dma_wait3A_588 = arith.constant 0 : i32
    %dma_wait3A_589 = tpu.memref_slice %arg2[%dma_wait3A_587, %dma_wait3A_588] : memref<4096x384xf32, #tpu.memory_space<hbm>> -> memref<4096x384xf32, #tpu.memory_space<hbm>>
    tpu.wait_indirect_dma semaphore(%arg7 : memref<!tpu.dma_semaphore, #tpu.memory_space<semaphore_mem>>) src(%dma_wait3A_589 : memref<4096x384xf32, #tpu.memory_space<hbm>>) dst(%dma_wait3A_583 : memref<128x384xf32, #tpu.memory_space<vmem>>)
    %add3A_590 = arith.constant 1280 : i32
    %add3A_591 = arith.addi %mul3A_2, %add3A_590 : i32
    %dma_start3A_592 = arith.constant 0 : i32
    %dma_start3A_593 = arith.constant 0 : i32
    %dma_start3A_594 = arith.constant 0 : i32
    %dma_start3A_595 = tpu.memref_slice %arg6[%dma_start3A_592, %dma_start3A_593, %dma_start3A_594] : memref<2x128x384xf32, #tpu.memory_space<vmem>> -> memref<1x128x384xf32, #tpu.memory_space<vmem>>
    %dma_start3A_596 = tpu.memref_squeeze %dma_start3A_595 : memref<1x128x384xf32, #tpu.memory_space<vmem>> -> memref<128x384xf32, #tpu.memory_space<vmem>>
    %dma_start3A_597 = arith.constant 0 : i32
    %dma_start3A_598 = tpu.memref_slice %arg4[%add3A_591, %dma_start3A_597] : memref<65536x384xf32, #tpu.memory_space<hbm>> -> memref<128x384xf32, #tpu.memory_space<hbm>>
    %dma_start3A_599 = arith.constant 0 : i32
    %dma_start3A_600 = tpu.memref_slice %arg4[%add3A_591, %dma_start3A_599] : memref<65536x384xf32, #tpu.memory_space<hbm>> -> memref<128x384xf32, #tpu.memory_space<hbm>>
    %dma_start3A_601 = arith.constant 0 : i32
    %dma_start3A_602 = arith.constant 0 : i32
    %dma_start3A_603 = tpu.memref_slice %arg6[%dma_start3A_592, %dma_start3A_601, %dma_start3A_602] : memref<2x128x384xf32, #tpu.memory_space<vmem>> -> memref<1x128x384xf32, #tpu.memory_space<vmem>>
    %dma_start3A_604 = tpu.memref_squeeze %dma_start3A_603 : memref<1x128x384xf32, #tpu.memory_space<vmem>> -> memref<128x384xf32, #tpu.memory_space<vmem>>
    tpu.enqueue_dma source(%dma_start3A_604 : memref<128x384xf32, #tpu.memory_space<vmem>>) target(%dma_start3A_600 : memref<128x384xf32, #tpu.memory_space<hbm>>) target_semaphore(%arg9 : memref<!tpu.dma_semaphore, #tpu.memory_space<semaphore_mem>>)
    %add3A_605 = arith.constant 1536 : i32
    %add3A_606 = arith.addi %mul3A_2, %add3A_605 : i32
    %run_scoped3A_607 = arith.constant 0 : i32
    "tpu.region"() ({
      %run_scoped3A_878 = tpu.sem_alloc : memref<!tpu.dma_semaphore, #tpu.memory_space<semaphore_mem>>
      %dma_start3A_879 = arith.constant 0 : i32
      %dma_start3A_880 = tpu.memref_slice %arg5[%run_scoped3A_607, %dma_start3A_879] : memref<2x128xi32, #tpu.memory_space<vmem>> -> memref<1x128xi32, #tpu.memory_space<vmem>>
      %dma_start3A_881 = tpu.memref_squeeze %dma_start3A_880 : memref<1x128xi32, #tpu.memory_space<vmem>> -> memref<128xi32, #tpu.memory_space<vmem>>
      %dma_start3A_882 = tpu.memref_slice %arg3[%add3A_606] : memref<65536xi32, #tpu.memory_space<hbm>> -> memref<128xi32, #tpu.memory_space<hbm>>
      %dma_start3A_883 = arith.constant 0 : i32
      %dma_start3A_884 = tpu.memref_slice %arg5[%run_scoped3A_607, %dma_start3A_883] : memref<2x128xi32, #tpu.memory_space<vmem>> -> memref<1x128xi32, #tpu.memory_space<vmem>>
      %dma_start3A_885 = tpu.memref_squeeze %dma_start3A_884 : memref<1x128xi32, #tpu.memory_space<vmem>> -> memref<128xi32, #tpu.memory_space<vmem>>
      %dma_start3A_886 = tpu.memref_slice %arg3[%add3A_606] : memref<65536xi32, #tpu.memory_space<hbm>> -> memref<128xi32, #tpu.memory_space<hbm>>
      tpu.enqueue_dma source(%dma_start3A_886 : memref<128xi32, #tpu.memory_space<hbm>>) target(%dma_start3A_885 : memref<128xi32, #tpu.memory_space<vmem>>) target_semaphore(%run_scoped3A_878 : memref<!tpu.dma_semaphore, #tpu.memory_space<semaphore_mem>>)
      %dma_wait3A_887 = arith.constant 0 : i32
      %dma_wait3A_888 = tpu.memref_slice %arg5[%run_scoped3A_607, %dma_wait3A_887] : memref<2x128xi32, #tpu.memory_space<vmem>> -> memref<1x128xi32, #tpu.memory_space<vmem>>
      %dma_wait3A_889 = tpu.memref_squeeze %dma_wait3A_888 : memref<1x128xi32, #tpu.memory_space<vmem>> -> memref<128xi32, #tpu.memory_space<vmem>>
      %dma_wait3A_890 = tpu.memref_slice %arg3[%add3A_606] : memref<65536xi32, #tpu.memory_space<hbm>> -> memref<128xi32, #tpu.memory_space<hbm>>
      %dma_wait3A_891 = arith.constant 0 : i32
      %dma_wait3A_892 = tpu.memref_slice %arg5[%run_scoped3A_607, %dma_wait3A_891] : memref<2x128xi32, #tpu.memory_space<vmem>> -> memref<1x128xi32, #tpu.memory_space<vmem>>
      %dma_wait3A_893 = tpu.memref_squeeze %dma_wait3A_892 : memref<1x128xi32, #tpu.memory_space<vmem>> -> memref<128xi32, #tpu.memory_space<vmem>>
      %dma_wait3A_894 = tpu.memref_slice %arg3[%add3A_606] : memref<65536xi32, #tpu.memory_space<hbm>> -> memref<128xi32, #tpu.memory_space<hbm>>
      tpu.wait_dma2 semaphore(%run_scoped3A_878 : memref<!tpu.dma_semaphore, #tpu.memory_space<semaphore_mem>>) src(%dma_wait3A_894 : memref<128xi32, #tpu.memory_space<hbm>>) dst(%dma_wait3A_893 : memref<128xi32, #tpu.memory_space<vmem>>)
      tpu.yield
    }) : () -> ()
    %dma_wait3A_608 = arith.constant 0 : i32
    %dma_wait3A_609 = arith.constant 0 : i32
    %dma_wait3A_610 = arith.constant 0 : i32
    %dma_wait3A_611 = tpu.memref_slice %arg6[%dma_wait3A_608, %dma_wait3A_609, %dma_wait3A_610] : memref<2x128x384xf32, #tpu.memory_space<vmem>> -> memref<1x128x384xf32, #tpu.memory_space<vmem>>
    %dma_wait3A_612 = tpu.memref_squeeze %dma_wait3A_611 : memref<1x128x384xf32, #tpu.memory_space<vmem>> -> memref<128x384xf32, #tpu.memory_space<vmem>>
    %dma_wait3A_613 = arith.constant 0 : i32
    %dma_wait3A_614 = tpu.memref_slice %arg4[%add3A_591, %dma_wait3A_613] : memref<65536x384xf32, #tpu.memory_space<hbm>> -> memref<128x384xf32, #tpu.memory_space<hbm>>
    %dma_wait3A_615 = arith.constant 0 : i32
    %dma_wait3A_616 = tpu.memref_slice %arg4[%add3A_591, %dma_wait3A_615] : memref<65536x384xf32, #tpu.memory_space<hbm>> -> memref<128x384xf32, #tpu.memory_space<hbm>>
    %dma_wait3A_617 = arith.constant 0 : i32
    %dma_wait3A_618 = arith.constant 0 : i32
    %dma_wait3A_619 = tpu.memref_slice %arg6[%dma_wait3A_608, %dma_wait3A_617, %dma_wait3A_618] : memref<2x128x384xf32, #tpu.memory_space<vmem>> -> memref<1x128x384xf32, #tpu.memory_space<vmem>>
    %dma_wait3A_620 = tpu.memref_squeeze %dma_wait3A_619 : memref<1x128x384xf32, #tpu.memory_space<vmem>> -> memref<128x384xf32, #tpu.memory_space<vmem>>
    tpu.wait_dma2 semaphore(%arg9 : memref<!tpu.dma_semaphore, #tpu.memory_space<semaphore_mem>>) src(%dma_wait3A_620 : memref<128x384xf32, #tpu.memory_space<vmem>>) dst(%dma_wait3A_616 : memref<128x384xf32, #tpu.memory_space<hbm>>)
    %dma_start3A_621 = arith.constant 0 : i32
    %dma_start3A_622 = arith.constant 0 : i32
    %dma_start3A_623 = arith.constant 0 : i32
    %dma_start3A_624 = arith.constant 0 : i32
    %dma_start3A_625 = tpu.memref_slice %arg6[%dma_start3A_622, %dma_start3A_623, %dma_start3A_624] : memref<2x128x384xf32, #tpu.memory_space<vmem>> -> memref<1x128x384xf32, #tpu.memory_space<vmem>>
    %dma_start3A_626 = tpu.memref_squeeze %dma_start3A_625 : memref<1x128x384xf32, #tpu.memory_space<vmem>> -> memref<128x384xf32, #tpu.memory_space<vmem>>
    %dma_start3A_627 = arith.constant 0 : i32
    %dma_start3A_628 = tpu.memref_slice %arg5[%dma_start3A_621, %dma_start3A_627] : memref<2x128xi32, #tpu.memory_space<vmem>> -> memref<1x128xi32, #tpu.memory_space<vmem>>
    %dma_start3A_629 = tpu.memref_squeeze %dma_start3A_628 : memref<1x128xi32, #tpu.memory_space<vmem>> -> memref<128xi32, #tpu.memory_space<vmem>>
    %dma_start3A_630 = arith.constant 0 : i32
    %dma_start3A_631 = arith.constant 0 : i32
    %dma_start3A_632 = tpu.memref_slice %arg2[%dma_start3A_630, %dma_start3A_631] : memref<4096x384xf32, #tpu.memory_space<hbm>> -> memref<4096x384xf32, #tpu.memory_space<hbm>>
    tpu.enqueue_indirect_dma source(%dma_start3A_632 : memref<4096x384xf32, #tpu.memory_space<hbm>>) target(%dma_start3A_626 : memref<128x384xf32, #tpu.memory_space<vmem>>) offsets(%dma_start3A_629 : memref<128xi32, #tpu.memory_space<vmem>>) semaphore(%arg7 : memref<!tpu.dma_semaphore, #tpu.memory_space<semaphore_mem>>)
    %dma_wait3A_633 = arith.constant 1 : i32
    %dma_wait3A_634 = arith.constant 1 : i32
    %dma_wait3A_635 = arith.constant 0 : i32
    %dma_wait3A_636 = arith.constant 0 : i32
    %dma_wait3A_637 = tpu.memref_slice %arg6[%dma_wait3A_634, %dma_wait3A_635, %dma_wait3A_636] : memref<2x128x384xf32, #tpu.memory_space<vmem>> -> memref<1x128x384xf32, #tpu.memory_space<vmem>>
    %dma_wait3A_638 = tpu.memref_squeeze %dma_wait3A_637 : memref<1x128x384xf32, #tpu.memory_space<vmem>> -> memref<128x384xf32, #tpu.memory_space<vmem>>
    %dma_wait3A_639 = arith.constant 0 : i32
    %dma_wait3A_640 = tpu.memref_slice %arg5[%dma_wait3A_633, %dma_wait3A_639] : memref<2x128xi32, #tpu.memory_space<vmem>> -> memref<1x128xi32, #tpu.memory_space<vmem>>
    %dma_wait3A_641 = tpu.memref_squeeze %dma_wait3A_640 : memref<1x128xi32, #tpu.memory_space<vmem>> -> memref<128xi32, #tpu.memory_space<vmem>>
    %dma_wait3A_642 = arith.constant 0 : i32
    %dma_wait3A_643 = arith.constant 0 : i32
    %dma_wait3A_644 = tpu.memref_slice %arg2[%dma_wait3A_642, %dma_wait3A_643] : memref<4096x384xf32, #tpu.memory_space<hbm>> -> memref<4096x384xf32, #tpu.memory_space<hbm>>
    tpu.wait_indirect_dma semaphore(%arg8 : memref<!tpu.dma_semaphore, #tpu.memory_space<semaphore_mem>>) src(%dma_wait3A_644 : memref<4096x384xf32, #tpu.memory_space<hbm>>) dst(%dma_wait3A_638 : memref<128x384xf32, #tpu.memory_space<vmem>>)
    %add3A_645 = arith.constant 1408 : i32
    %add3A_646 = arith.addi %mul3A_2, %add3A_645 : i32
    %dma_start3A_647 = arith.constant 1 : i32
    %dma_start3A_648 = arith.constant 0 : i32
    %dma_start3A_649 = arith.constant 0 : i32
    %dma_start3A_650 = tpu.memref_slice %arg6[%dma_start3A_647, %dma_start3A_648, %dma_start3A_649] : memref<2x128x384xf32, #tpu.memory_space<vmem>> -> memref<1x128x384xf32, #tpu.memory_space<vmem>>
    %dma_start3A_651 = tpu.memref_squeeze %dma_start3A_650 : memref<1x128x384xf32, #tpu.memory_space<vmem>> -> memref<128x384xf32, #tpu.memory_space<vmem>>
    %dma_start3A_652 = arith.constant 0 : i32
    %dma_start3A_653 = tpu.memref_slice %arg4[%add3A_646, %dma_start3A_652] : memref<65536x384xf32, #tpu.memory_space<hbm>> -> memref<128x384xf32, #tpu.memory_space<hbm>>
    %dma_start3A_654 = arith.constant 0 : i32
    %dma_start3A_655 = tpu.memref_slice %arg4[%add3A_646, %dma_start3A_654] : memref<65536x384xf32, #tpu.memory_space<hbm>> -> memref<128x384xf32, #tpu.memory_space<hbm>>
    %dma_start3A_656 = arith.constant 0 : i32
    %dma_start3A_657 = arith.constant 0 : i32
    %dma_start3A_658 = tpu.memref_slice %arg6[%dma_start3A_647, %dma_start3A_656, %dma_start3A_657] : memref<2x128x384xf32, #tpu.memory_space<vmem>> -> memref<1x128x384xf32, #tpu.memory_space<vmem>>
    %dma_start3A_659 = tpu.memref_squeeze %dma_start3A_658 : memref<1x128x384xf32, #tpu.memory_space<vmem>> -> memref<128x384xf32, #tpu.memory_space<vmem>>
    tpu.enqueue_dma source(%dma_start3A_659 : memref<128x384xf32, #tpu.memory_space<vmem>>) target(%dma_start3A_655 : memref<128x384xf32, #tpu.memory_space<hbm>>) target_semaphore(%arg10 : memref<!tpu.dma_semaphore, #tpu.memory_space<semaphore_mem>>)
    %add3A_660 = arith.constant 1664 : i32
    %add3A_661 = arith.addi %mul3A_2, %add3A_660 : i32
    %run_scoped3A_662 = arith.constant 1 : i32
    "tpu.region"() ({
      %run_scoped3A_878 = tpu.sem_alloc : memref<!tpu.dma_semaphore, #tpu.memory_space<semaphore_mem>>
      %dma_start3A_879 = arith.constant 0 : i32
      %dma_start3A_880 = tpu.memref_slice %arg5[%run_scoped3A_662, %dma_start3A_879] : memref<2x128xi32, #tpu.memory_space<vmem>> -> memref<1x128xi32, #tpu.memory_space<vmem>>
      %dma_start3A_881 = tpu.memref_squeeze %dma_start3A_880 : memref<1x128xi32, #tpu.memory_space<vmem>> -> memref<128xi32, #tpu.memory_space<vmem>>
      %dma_start3A_882 = tpu.memref_slice %arg3[%add3A_661] : memref<65536xi32, #tpu.memory_space<hbm>> -> memref<128xi32, #tpu.memory_space<hbm>>
      %dma_start3A_883 = arith.constant 0 : i32
      %dma_start3A_884 = tpu.memref_slice %arg5[%run_scoped3A_662, %dma_start3A_883] : memref<2x128xi32, #tpu.memory_space<vmem>> -> memref<1x128xi32, #tpu.memory_space<vmem>>
      %dma_start3A_885 = tpu.memref_squeeze %dma_start3A_884 : memref<1x128xi32, #tpu.memory_space<vmem>> -> memref<128xi32, #tpu.memory_space<vmem>>
      %dma_start3A_886 = tpu.memref_slice %arg3[%add3A_661] : memref<65536xi32, #tpu.memory_space<hbm>> -> memref<128xi32, #tpu.memory_space<hbm>>
      tpu.enqueue_dma source(%dma_start3A_886 : memref<128xi32, #tpu.memory_space<hbm>>) target(%dma_start3A_885 : memref<128xi32, #tpu.memory_space<vmem>>) target_semaphore(%run_scoped3A_878 : memref<!tpu.dma_semaphore, #tpu.memory_space<semaphore_mem>>)
      %dma_wait3A_887 = arith.constant 0 : i32
      %dma_wait3A_888 = tpu.memref_slice %arg5[%run_scoped3A_662, %dma_wait3A_887] : memref<2x128xi32, #tpu.memory_space<vmem>> -> memref<1x128xi32, #tpu.memory_space<vmem>>
      %dma_wait3A_889 = tpu.memref_squeeze %dma_wait3A_888 : memref<1x128xi32, #tpu.memory_space<vmem>> -> memref<128xi32, #tpu.memory_space<vmem>>
      %dma_wait3A_890 = tpu.memref_slice %arg3[%add3A_661] : memref<65536xi32, #tpu.memory_space<hbm>> -> memref<128xi32, #tpu.memory_space<hbm>>
      %dma_wait3A_891 = arith.constant 0 : i32
      %dma_wait3A_892 = tpu.memref_slice %arg5[%run_scoped3A_662, %dma_wait3A_891] : memref<2x128xi32, #tpu.memory_space<vmem>> -> memref<1x128xi32, #tpu.memory_space<vmem>>
      %dma_wait3A_893 = tpu.memref_squeeze %dma_wait3A_892 : memref<1x128xi32, #tpu.memory_space<vmem>> -> memref<128xi32, #tpu.memory_space<vmem>>
      %dma_wait3A_894 = tpu.memref_slice %arg3[%add3A_661] : memref<65536xi32, #tpu.memory_space<hbm>> -> memref<128xi32, #tpu.memory_space<hbm>>
      tpu.wait_dma2 semaphore(%run_scoped3A_878 : memref<!tpu.dma_semaphore, #tpu.memory_space<semaphore_mem>>) src(%dma_wait3A_894 : memref<128xi32, #tpu.memory_space<hbm>>) dst(%dma_wait3A_893 : memref<128xi32, #tpu.memory_space<vmem>>)
      tpu.yield
    }) : () -> ()
    %dma_wait3A_663 = arith.constant 1 : i32
    %dma_wait3A_664 = arith.constant 0 : i32
    %dma_wait3A_665 = arith.constant 0 : i32
    %dma_wait3A_666 = tpu.memref_slice %arg6[%dma_wait3A_663, %dma_wait3A_664, %dma_wait3A_665] : memref<2x128x384xf32, #tpu.memory_space<vmem>> -> memref<1x128x384xf32, #tpu.memory_space<vmem>>
    %dma_wait3A_667 = tpu.memref_squeeze %dma_wait3A_666 : memref<1x128x384xf32, #tpu.memory_space<vmem>> -> memref<128x384xf32, #tpu.memory_space<vmem>>
    %dma_wait3A_668 = arith.constant 0 : i32
    %dma_wait3A_669 = tpu.memref_slice %arg4[%add3A_646, %dma_wait3A_668] : memref<65536x384xf32, #tpu.memory_space<hbm>> -> memref<128x384xf32, #tpu.memory_space<hbm>>
    %dma_wait3A_670 = arith.constant 0 : i32
    %dma_wait3A_671 = tpu.memref_slice %arg4[%add3A_646, %dma_wait3A_670] : memref<65536x384xf32, #tpu.memory_space<hbm>> -> memref<128x384xf32, #tpu.memory_space<hbm>>
    %dma_wait3A_672 = arith.constant 0 : i32
    %dma_wait3A_673 = arith.constant 0 : i32
    %dma_wait3A_674 = tpu.memref_slice %arg6[%dma_wait3A_663, %dma_wait3A_672, %dma_wait3A_673] : memref<2x128x384xf32, #tpu.memory_space<vmem>> -> memref<1x128x384xf32, #tpu.memory_space<vmem>>
    %dma_wait3A_675 = tpu.memref_squeeze %dma_wait3A_674 : memref<1x128x384xf32, #tpu.memory_space<vmem>> -> memref<128x384xf32, #tpu.memory_space<vmem>>
    tpu.wait_dma2 semaphore(%arg10 : memref<!tpu.dma_semaphore, #tpu.memory_space<semaphore_mem>>) src(%dma_wait3A_675 : memref<128x384xf32, #tpu.memory_space<vmem>>) dst(%dma_wait3A_671 : memref<128x384xf32, #tpu.memory_space<hbm>>)
    %dma_start3A_676 = arith.constant 1 : i32
    %dma_start3A_677 = arith.constant 1 : i32
    %dma_start3A_678 = arith.constant 0 : i32
    %dma_start3A_679 = arith.constant 0 : i32
    %dma_start3A_680 = tpu.memref_slice %arg6[%dma_start3A_677, %dma_start3A_678, %dma_start3A_679] : memref<2x128x384xf32, #tpu.memory_space<vmem>> -> memref<1x128x384xf32, #tpu.memory_space<vmem>>
    %dma_start3A_681 = tpu.memref_squeeze %dma_start3A_680 : memref<1x128x384xf32, #tpu.memory_space<vmem>> -> memref<128x384xf32, #tpu.memory_space<vmem>>
    %dma_start3A_682 = arith.constant 0 : i32
    %dma_start3A_683 = tpu.memref_slice %arg5[%dma_start3A_676, %dma_start3A_682] : memref<2x128xi32, #tpu.memory_space<vmem>> -> memref<1x128xi32, #tpu.memory_space<vmem>>
    %dma_start3A_684 = tpu.memref_squeeze %dma_start3A_683 : memref<1x128xi32, #tpu.memory_space<vmem>> -> memref<128xi32, #tpu.memory_space<vmem>>
    %dma_start3A_685 = arith.constant 0 : i32
    %dma_start3A_686 = arith.constant 0 : i32
    %dma_start3A_687 = tpu.memref_slice %arg2[%dma_start3A_685, %dma_start3A_686] : memref<4096x384xf32, #tpu.memory_space<hbm>> -> memref<4096x384xf32, #tpu.memory_space<hbm>>
    tpu.enqueue_indirect_dma source(%dma_start3A_687 : memref<4096x384xf32, #tpu.memory_space<hbm>>) target(%dma_start3A_681 : memref<128x384xf32, #tpu.memory_space<vmem>>) offsets(%dma_start3A_684 : memref<128xi32, #tpu.memory_space<vmem>>) semaphore(%arg8 : memref<!tpu.dma_semaphore, #tpu.memory_space<semaphore_mem>>)
    %dma_wait3A_688 = arith.constant 0 : i32
    %dma_wait3A_689 = arith.constant 0 : i32
    %dma_wait3A_690 = arith.constant 0 : i32
    %dma_wait3A_691 = arith.constant 0 : i32
    %dma_wait3A_692 = tpu.memref_slice %arg6[%dma_wait3A_689, %dma_wait3A_690, %dma_wait3A_691] : memref<2x128x384xf32, #tpu.memory_space<vmem>> -> memref<1x128x384xf32, #tpu.memory_space<vmem>>
    %dma_wait3A_693 = tpu.memref_squeeze %dma_wait3A_692 : memref<1x128x384xf32, #tpu.memory_space<vmem>> -> memref<128x384xf32, #tpu.memory_space<vmem>>
    %dma_wait3A_694 = arith.constant 0 : i32
    %dma_wait3A_695 = tpu.memref_slice %arg5[%dma_wait3A_688, %dma_wait3A_694] : memref<2x128xi32, #tpu.memory_space<vmem>> -> memref<1x128xi32, #tpu.memory_space<vmem>>
    %dma_wait3A_696 = tpu.memref_squeeze %dma_wait3A_695 : memref<1x128xi32, #tpu.memory_space<vmem>> -> memref<128xi32, #tpu.memory_space<vmem>>
    %dma_wait3A_697 = arith.constant 0 : i32
    %dma_wait3A_698 = arith.constant 0 : i32
    %dma_wait3A_699 = tpu.memref_slice %arg2[%dma_wait3A_697, %dma_wait3A_698] : memref<4096x384xf32, #tpu.memory_space<hbm>> -> memref<4096x384xf32, #tpu.memory_space<hbm>>
    tpu.wait_indirect_dma semaphore(%arg7 : memref<!tpu.dma_semaphore, #tpu.memory_space<semaphore_mem>>) src(%dma_wait3A_699 : memref<4096x384xf32, #tpu.memory_space<hbm>>) dst(%dma_wait3A_693 : memref<128x384xf32, #tpu.memory_space<vmem>>)
    %add3A_700 = arith.constant 1536 : i32
    %add3A_701 = arith.addi %mul3A_2, %add3A_700 : i32
    %dma_start3A_702 = arith.constant 0 : i32
    %dma_start3A_703 = arith.constant 0 : i32
    %dma_start3A_704 = arith.constant 0 : i32
    %dma_start3A_705 = tpu.memref_slice %arg6[%dma_start3A_702, %dma_start3A_703, %dma_start3A_704] : memref<2x128x384xf32, #tpu.memory_space<vmem>> -> memref<1x128x384xf32, #tpu.memory_space<vmem>>
    %dma_start3A_706 = tpu.memref_squeeze %dma_start3A_705 : memref<1x128x384xf32, #tpu.memory_space<vmem>> -> memref<128x384xf32, #tpu.memory_space<vmem>>
    %dma_start3A_707 = arith.constant 0 : i32
    %dma_start3A_708 = tpu.memref_slice %arg4[%add3A_701, %dma_start3A_707] : memref<65536x384xf32, #tpu.memory_space<hbm>> -> memref<128x384xf32, #tpu.memory_space<hbm>>
    %dma_start3A_709 = arith.constant 0 : i32
    %dma_start3A_710 = tpu.memref_slice %arg4[%add3A_701, %dma_start3A_709] : memref<65536x384xf32, #tpu.memory_space<hbm>> -> memref<128x384xf32, #tpu.memory_space<hbm>>
    %dma_start3A_711 = arith.constant 0 : i32
    %dma_start3A_712 = arith.constant 0 : i32
    %dma_start3A_713 = tpu.memref_slice %arg6[%dma_start3A_702, %dma_start3A_711, %dma_start3A_712] : memref<2x128x384xf32, #tpu.memory_space<vmem>> -> memref<1x128x384xf32, #tpu.memory_space<vmem>>
    %dma_start3A_714 = tpu.memref_squeeze %dma_start3A_713 : memref<1x128x384xf32, #tpu.memory_space<vmem>> -> memref<128x384xf32, #tpu.memory_space<vmem>>
    tpu.enqueue_dma source(%dma_start3A_714 : memref<128x384xf32, #tpu.memory_space<vmem>>) target(%dma_start3A_710 : memref<128x384xf32, #tpu.memory_space<hbm>>) target_semaphore(%arg9 : memref<!tpu.dma_semaphore, #tpu.memory_space<semaphore_mem>>)
    %add3A_715 = arith.constant 1792 : i32
    %add3A_716 = arith.addi %mul3A_2, %add3A_715 : i32
    %run_scoped3A_717 = arith.constant 0 : i32
    "tpu.region"() ({
      %run_scoped3A_878 = tpu.sem_alloc : memref<!tpu.dma_semaphore, #tpu.memory_space<semaphore_mem>>
      %dma_start3A_879 = arith.constant 0 : i32
      %dma_start3A_880 = tpu.memref_slice %arg5[%run_scoped3A_717, %dma_start3A_879] : memref<2x128xi32, #tpu.memory_space<vmem>> -> memref<1x128xi32, #tpu.memory_space<vmem>>
      %dma_start3A_881 = tpu.memref_squeeze %dma_start3A_880 : memref<1x128xi32, #tpu.memory_space<vmem>> -> memref<128xi32, #tpu.memory_space<vmem>>
      %dma_start3A_882 = tpu.memref_slice %arg3[%add3A_716] : memref<65536xi32, #tpu.memory_space<hbm>> -> memref<128xi32, #tpu.memory_space<hbm>>
      %dma_start3A_883 = arith.constant 0 : i32
      %dma_start3A_884 = tpu.memref_slice %arg5[%run_scoped3A_717, %dma_start3A_883] : memref<2x128xi32, #tpu.memory_space<vmem>> -> memref<1x128xi32, #tpu.memory_space<vmem>>
      %dma_start3A_885 = tpu.memref_squeeze %dma_start3A_884 : memref<1x128xi32, #tpu.memory_space<vmem>> -> memref<128xi32, #tpu.memory_space<vmem>>
      %dma_start3A_886 = tpu.memref_slice %arg3[%add3A_716] : memref<65536xi32, #tpu.memory_space<hbm>> -> memref<128xi32, #tpu.memory_space<hbm>>
      tpu.enqueue_dma source(%dma_start3A_886 : memref<128xi32, #tpu.memory_space<hbm>>) target(%dma_start3A_885 : memref<128xi32, #tpu.memory_space<vmem>>) target_semaphore(%run_scoped3A_878 : memref<!tpu.dma_semaphore, #tpu.memory_space<semaphore_mem>>)
      %dma_wait3A_887 = arith.constant 0 : i32
      %dma_wait3A_888 = tpu.memref_slice %arg5[%run_scoped3A_717, %dma_wait3A_887] : memref<2x128xi32, #tpu.memory_space<vmem>> -> memref<1x128xi32, #tpu.memory_space<vmem>>
      %dma_wait3A_889 = tpu.memref_squeeze %dma_wait3A_888 : memref<1x128xi32, #tpu.memory_space<vmem>> -> memref<128xi32, #tpu.memory_space<vmem>>
      %dma_wait3A_890 = tpu.memref_slice %arg3[%add3A_716] : memref<65536xi32, #tpu.memory_space<hbm>> -> memref<128xi32, #tpu.memory_space<hbm>>
      %dma_wait3A_891 = arith.constant 0 : i32
      %dma_wait3A_892 = tpu.memref_slice %arg5[%run_scoped3A_717, %dma_wait3A_891] : memref<2x128xi32, #tpu.memory_space<vmem>> -> memref<1x128xi32, #tpu.memory_space<vmem>>
      %dma_wait3A_893 = tpu.memref_squeeze %dma_wait3A_892 : memref<1x128xi32, #tpu.memory_space<vmem>> -> memref<128xi32, #tpu.memory_space<vmem>>
      %dma_wait3A_894 = tpu.memref_slice %arg3[%add3A_716] : memref<65536xi32, #tpu.memory_space<hbm>> -> memref<128xi32, #tpu.memory_space<hbm>>
      tpu.wait_dma2 semaphore(%run_scoped3A_878 : memref<!tpu.dma_semaphore, #tpu.memory_space<semaphore_mem>>) src(%dma_wait3A_894 : memref<128xi32, #tpu.memory_space<hbm>>) dst(%dma_wait3A_893 : memref<128xi32, #tpu.memory_space<vmem>>)
      tpu.yield
    }) : () -> ()
    %dma_wait3A_718 = arith.constant 0 : i32
    %dma_wait3A_719 = arith.constant 0 : i32
    %dma_wait3A_720 = arith.constant 0 : i32
    %dma_wait3A_721 = tpu.memref_slice %arg6[%dma_wait3A_718, %dma_wait3A_719, %dma_wait3A_720] : memref<2x128x384xf32, #tpu.memory_space<vmem>> -> memref<1x128x384xf32, #tpu.memory_space<vmem>>
    %dma_wait3A_722 = tpu.memref_squeeze %dma_wait3A_721 : memref<1x128x384xf32, #tpu.memory_space<vmem>> -> memref<128x384xf32, #tpu.memory_space<vmem>>
    %dma_wait3A_723 = arith.constant 0 : i32
    %dma_wait3A_724 = tpu.memref_slice %arg4[%add3A_701, %dma_wait3A_723] : memref<65536x384xf32, #tpu.memory_space<hbm>> -> memref<128x384xf32, #tpu.memory_space<hbm>>
    %dma_wait3A_725 = arith.constant 0 : i32
    %dma_wait3A_726 = tpu.memref_slice %arg4[%add3A_701, %dma_wait3A_725] : memref<65536x384xf32, #tpu.memory_space<hbm>> -> memref<128x384xf32, #tpu.memory_space<hbm>>
    %dma_wait3A_727 = arith.constant 0 : i32
    %dma_wait3A_728 = arith.constant 0 : i32
    %dma_wait3A_729 = tpu.memref_slice %arg6[%dma_wait3A_718, %dma_wait3A_727, %dma_wait3A_728] : memref<2x128x384xf32, #tpu.memory_space<vmem>> -> memref<1x128x384xf32, #tpu.memory_space<vmem>>
    %dma_wait3A_730 = tpu.memref_squeeze %dma_wait3A_729 : memref<1x128x384xf32, #tpu.memory_space<vmem>> -> memref<128x384xf32, #tpu.memory_space<vmem>>
    tpu.wait_dma2 semaphore(%arg9 : memref<!tpu.dma_semaphore, #tpu.memory_space<semaphore_mem>>) src(%dma_wait3A_730 : memref<128x384xf32, #tpu.memory_space<vmem>>) dst(%dma_wait3A_726 : memref<128x384xf32, #tpu.memory_space<hbm>>)
    %dma_start3A_731 = arith.constant 0 : i32
    %dma_start3A_732 = arith.constant 0 : i32
    %dma_start3A_733 = arith.constant 0 : i32
    %dma_start3A_734 = arith.constant 0 : i32
    %dma_start3A_735 = tpu.memref_slice %arg6[%dma_start3A_732, %dma_start3A_733, %dma_start3A_734] : memref<2x128x384xf32, #tpu.memory_space<vmem>> -> memref<1x128x384xf32, #tpu.memory_space<vmem>>
    %dma_start3A_736 = tpu.memref_squeeze %dma_start3A_735 : memref<1x128x384xf32, #tpu.memory_space<vmem>> -> memref<128x384xf32, #tpu.memory_space<vmem>>
    %dma_start3A_737 = arith.constant 0 : i32
    %dma_start3A_738 = tpu.memref_slice %arg5[%dma_start3A_731, %dma_start3A_737] : memref<2x128xi32, #tpu.memory_space<vmem>> -> memref<1x128xi32, #tpu.memory_space<vmem>>
    %dma_start3A_739 = tpu.memref_squeeze %dma_start3A_738 : memref<1x128xi32, #tpu.memory_space<vmem>> -> memref<128xi32, #tpu.memory_space<vmem>>
    %dma_start3A_740 = arith.constant 0 : i32
    %dma_start3A_741 = arith.constant 0 : i32
    %dma_start3A_742 = tpu.memref_slice %arg2[%dma_start3A_740, %dma_start3A_741] : memref<4096x384xf32, #tpu.memory_space<hbm>> -> memref<4096x384xf32, #tpu.memory_space<hbm>>
    tpu.enqueue_indirect_dma source(%dma_start3A_742 : memref<4096x384xf32, #tpu.memory_space<hbm>>) target(%dma_start3A_736 : memref<128x384xf32, #tpu.memory_space<vmem>>) offsets(%dma_start3A_739 : memref<128xi32, #tpu.memory_space<vmem>>) semaphore(%arg7 : memref<!tpu.dma_semaphore, #tpu.memory_space<semaphore_mem>>)
    %dma_wait3A_743 = arith.constant 1 : i32
    %dma_wait3A_744 = arith.constant 1 : i32
    %dma_wait3A_745 = arith.constant 0 : i32
    %dma_wait3A_746 = arith.constant 0 : i32
    %dma_wait3A_747 = tpu.memref_slice %arg6[%dma_wait3A_744, %dma_wait3A_745, %dma_wait3A_746] : memref<2x128x384xf32, #tpu.memory_space<vmem>> -> memref<1x128x384xf32, #tpu.memory_space<vmem>>
    %dma_wait3A_748 = tpu.memref_squeeze %dma_wait3A_747 : memref<1x128x384xf32, #tpu.memory_space<vmem>> -> memref<128x384xf32, #tpu.memory_space<vmem>>
    %dma_wait3A_749 = arith.constant 0 : i32
    %dma_wait3A_750 = tpu.memref_slice %arg5[%dma_wait3A_743, %dma_wait3A_749] : memref<2x128xi32, #tpu.memory_space<vmem>> -> memref<1x128xi32, #tpu.memory_space<vmem>>
    %dma_wait3A_751 = tpu.memref_squeeze %dma_wait3A_750 : memref<1x128xi32, #tpu.memory_space<vmem>> -> memref<128xi32, #tpu.memory_space<vmem>>
    %dma_wait3A_752 = arith.constant 0 : i32
    %dma_wait3A_753 = arith.constant 0 : i32
    %dma_wait3A_754 = tpu.memref_slice %arg2[%dma_wait3A_752, %dma_wait3A_753] : memref<4096x384xf32, #tpu.memory_space<hbm>> -> memref<4096x384xf32, #tpu.memory_space<hbm>>
    tpu.wait_indirect_dma semaphore(%arg8 : memref<!tpu.dma_semaphore, #tpu.memory_space<semaphore_mem>>) src(%dma_wait3A_754 : memref<4096x384xf32, #tpu.memory_space<hbm>>) dst(%dma_wait3A_748 : memref<128x384xf32, #tpu.memory_space<vmem>>)
    %add3A_755 = arith.constant 1664 : i32
    %add3A_756 = arith.addi %mul3A_2, %add3A_755 : i32
    %dma_start3A_757 = arith.constant 1 : i32
    %dma_start3A_758 = arith.constant 0 : i32
    %dma_start3A_759 = arith.constant 0 : i32
    %dma_start3A_760 = tpu.memref_slice %arg6[%dma_start3A_757, %dma_start3A_758, %dma_start3A_759] : memref<2x128x384xf32, #tpu.memory_space<vmem>> -> memref<1x128x384xf32, #tpu.memory_space<vmem>>
    %dma_start3A_761 = tpu.memref_squeeze %dma_start3A_760 : memref<1x128x384xf32, #tpu.memory_space<vmem>> -> memref<128x384xf32, #tpu.memory_space<vmem>>
    %dma_start3A_762 = arith.constant 0 : i32
    %dma_start3A_763 = tpu.memref_slice %arg4[%add3A_756, %dma_start3A_762] : memref<65536x384xf32, #tpu.memory_space<hbm>> -> memref<128x384xf32, #tpu.memory_space<hbm>>
    %dma_start3A_764 = arith.constant 0 : i32
    %dma_start3A_765 = tpu.memref_slice %arg4[%add3A_756, %dma_start3A_764] : memref<65536x384xf32, #tpu.memory_space<hbm>> -> memref<128x384xf32, #tpu.memory_space<hbm>>
    %dma_start3A_766 = arith.constant 0 : i32
    %dma_start3A_767 = arith.constant 0 : i32
    %dma_start3A_768 = tpu.memref_slice %arg6[%dma_start3A_757, %dma_start3A_766, %dma_start3A_767] : memref<2x128x384xf32, #tpu.memory_space<vmem>> -> memref<1x128x384xf32, #tpu.memory_space<vmem>>
    %dma_start3A_769 = tpu.memref_squeeze %dma_start3A_768 : memref<1x128x384xf32, #tpu.memory_space<vmem>> -> memref<128x384xf32, #tpu.memory_space<vmem>>
    tpu.enqueue_dma source(%dma_start3A_769 : memref<128x384xf32, #tpu.memory_space<vmem>>) target(%dma_start3A_765 : memref<128x384xf32, #tpu.memory_space<hbm>>) target_semaphore(%arg10 : memref<!tpu.dma_semaphore, #tpu.memory_space<semaphore_mem>>)
    %add3A_770 = arith.constant 1920 : i32
    %add3A_771 = arith.addi %mul3A_2, %add3A_770 : i32
    %run_scoped3A_772 = arith.constant 1 : i32
    "tpu.region"() ({
      %run_scoped3A_878 = tpu.sem_alloc : memref<!tpu.dma_semaphore, #tpu.memory_space<semaphore_mem>>
      %dma_start3A_879 = arith.constant 0 : i32
      %dma_start3A_880 = tpu.memref_slice %arg5[%run_scoped3A_772, %dma_start3A_879] : memref<2x128xi32, #tpu.memory_space<vmem>> -> memref<1x128xi32, #tpu.memory_space<vmem>>
      %dma_start3A_881 = tpu.memref_squeeze %dma_start3A_880 : memref<1x128xi32, #tpu.memory_space<vmem>> -> memref<128xi32, #tpu.memory_space<vmem>>
      %dma_start3A_882 = tpu.memref_slice %arg3[%add3A_771] : memref<65536xi32, #tpu.memory_space<hbm>> -> memref<128xi32, #tpu.memory_space<hbm>>
      %dma_start3A_883 = arith.constant 0 : i32
      %dma_start3A_884 = tpu.memref_slice %arg5[%run_scoped3A_772, %dma_start3A_883] : memref<2x128xi32, #tpu.memory_space<vmem>> -> memref<1x128xi32, #tpu.memory_space<vmem>>
      %dma_start3A_885 = tpu.memref_squeeze %dma_start3A_884 : memref<1x128xi32, #tpu.memory_space<vmem>> -> memref<128xi32, #tpu.memory_space<vmem>>
      %dma_start3A_886 = tpu.memref_slice %arg3[%add3A_771] : memref<65536xi32, #tpu.memory_space<hbm>> -> memref<128xi32, #tpu.memory_space<hbm>>
      tpu.enqueue_dma source(%dma_start3A_886 : memref<128xi32, #tpu.memory_space<hbm>>) target(%dma_start3A_885 : memref<128xi32, #tpu.memory_space<vmem>>) target_semaphore(%run_scoped3A_878 : memref<!tpu.dma_semaphore, #tpu.memory_space<semaphore_mem>>)
      %dma_wait3A_887 = arith.constant 0 : i32
      %dma_wait3A_888 = tpu.memref_slice %arg5[%run_scoped3A_772, %dma_wait3A_887] : memref<2x128xi32, #tpu.memory_space<vmem>> -> memref<1x128xi32, #tpu.memory_space<vmem>>
      %dma_wait3A_889 = tpu.memref_squeeze %dma_wait3A_888 : memref<1x128xi32, #tpu.memory_space<vmem>> -> memref<128xi32, #tpu.memory_space<vmem>>
      %dma_wait3A_890 = tpu.memref_slice %arg3[%add3A_771] : memref<65536xi32, #tpu.memory_space<hbm>> -> memref<128xi32, #tpu.memory_space<hbm>>
      %dma_wait3A_891 = arith.constant 0 : i32
      %dma_wait3A_892 = tpu.memref_slice %arg5[%run_scoped3A_772, %dma_wait3A_891] : memref<2x128xi32, #tpu.memory_space<vmem>> -> memref<1x128xi32, #tpu.memory_space<vmem>>
      %dma_wait3A_893 = tpu.memref_squeeze %dma_wait3A_892 : memref<1x128xi32, #tpu.memory_space<vmem>> -> memref<128xi32, #tpu.memory_space<vmem>>
      %dma_wait3A_894 = tpu.memref_slice %arg3[%add3A_771] : memref<65536xi32, #tpu.memory_space<hbm>> -> memref<128xi32, #tpu.memory_space<hbm>>
      tpu.wait_dma2 semaphore(%run_scoped3A_878 : memref<!tpu.dma_semaphore, #tpu.memory_space<semaphore_mem>>) src(%dma_wait3A_894 : memref<128xi32, #tpu.memory_space<hbm>>) dst(%dma_wait3A_893 : memref<128xi32, #tpu.memory_space<vmem>>)
      tpu.yield
    }) : () -> ()
    %dma_wait3A_773 = arith.constant 1 : i32
    %dma_wait3A_774 = arith.constant 0 : i32
    %dma_wait3A_775 = arith.constant 0 : i32
    %dma_wait3A_776 = tpu.memref_slice %arg6[%dma_wait3A_773, %dma_wait3A_774, %dma_wait3A_775] : memref<2x128x384xf32, #tpu.memory_space<vmem>> -> memref<1x128x384xf32, #tpu.memory_space<vmem>>
    %dma_wait3A_777 = tpu.memref_squeeze %dma_wait3A_776 : memref<1x128x384xf32, #tpu.memory_space<vmem>> -> memref<128x384xf32, #tpu.memory_space<vmem>>
    %dma_wait3A_778 = arith.constant 0 : i32
    %dma_wait3A_779 = tpu.memref_slice %arg4[%add3A_756, %dma_wait3A_778] : memref<65536x384xf32, #tpu.memory_space<hbm>> -> memref<128x384xf32, #tpu.memory_space<hbm>>
    %dma_wait3A_780 = arith.constant 0 : i32
    %dma_wait3A_781 = tpu.memref_slice %arg4[%add3A_756, %dma_wait3A_780] : memref<65536x384xf32, #tpu.memory_space<hbm>> -> memref<128x384xf32, #tpu.memory_space<hbm>>
    %dma_wait3A_782 = arith.constant 0 : i32
    %dma_wait3A_783 = arith.constant 0 : i32
    %dma_wait3A_784 = tpu.memref_slice %arg6[%dma_wait3A_773, %dma_wait3A_782, %dma_wait3A_783] : memref<2x128x384xf32, #tpu.memory_space<vmem>> -> memref<1x128x384xf32, #tpu.memory_space<vmem>>
    %dma_wait3A_785 = tpu.memref_squeeze %dma_wait3A_784 : memref<1x128x384xf32, #tpu.memory_space<vmem>> -> memref<128x384xf32, #tpu.memory_space<vmem>>
    tpu.wait_dma2 semaphore(%arg10 : memref<!tpu.dma_semaphore, #tpu.memory_space<semaphore_mem>>) src(%dma_wait3A_785 : memref<128x384xf32, #tpu.memory_space<vmem>>) dst(%dma_wait3A_781 : memref<128x384xf32, #tpu.memory_space<hbm>>)
    %dma_start3A_786 = arith.constant 1 : i32
    %dma_start3A_787 = arith.constant 1 : i32
    %dma_start3A_788 = arith.constant 0 : i32
    %dma_start3A_789 = arith.constant 0 : i32
    %dma_start3A_790 = tpu.memref_slice %arg6[%dma_start3A_787, %dma_start3A_788, %dma_start3A_789] : memref<2x128x384xf32, #tpu.memory_space<vmem>> -> memref<1x128x384xf32, #tpu.memory_space<vmem>>
    %dma_start3A_791 = tpu.memref_squeeze %dma_start3A_790 : memref<1x128x384xf32, #tpu.memory_space<vmem>> -> memref<128x384xf32, #tpu.memory_space<vmem>>
    %dma_start3A_792 = arith.constant 0 : i32
    %dma_start3A_793 = tpu.memref_slice %arg5[%dma_start3A_786, %dma_start3A_792] : memref<2x128xi32, #tpu.memory_space<vmem>> -> memref<1x128xi32, #tpu.memory_space<vmem>>
    %dma_start3A_794 = tpu.memref_squeeze %dma_start3A_793 : memref<1x128xi32, #tpu.memory_space<vmem>> -> memref<128xi32, #tpu.memory_space<vmem>>
    %dma_start3A_795 = arith.constant 0 : i32
    %dma_start3A_796 = arith.constant 0 : i32
    %dma_start3A_797 = tpu.memref_slice %arg2[%dma_start3A_795, %dma_start3A_796] : memref<4096x384xf32, #tpu.memory_space<hbm>> -> memref<4096x384xf32, #tpu.memory_space<hbm>>
    tpu.enqueue_indirect_dma source(%dma_start3A_797 : memref<4096x384xf32, #tpu.memory_space<hbm>>) target(%dma_start3A_791 : memref<128x384xf32, #tpu.memory_space<vmem>>) offsets(%dma_start3A_794 : memref<128xi32, #tpu.memory_space<vmem>>) semaphore(%arg8 : memref<!tpu.dma_semaphore, #tpu.memory_space<semaphore_mem>>)
    %dma_wait3A_798 = arith.constant 0 : i32
    %dma_wait3A_799 = arith.constant 0 : i32
    %dma_wait3A_800 = arith.constant 0 : i32
    %dma_wait3A_801 = arith.constant 0 : i32
    %dma_wait3A_802 = tpu.memref_slice %arg6[%dma_wait3A_799, %dma_wait3A_800, %dma_wait3A_801] : memref<2x128x384xf32, #tpu.memory_space<vmem>> -> memref<1x128x384xf32, #tpu.memory_space<vmem>>
    %dma_wait3A_803 = tpu.memref_squeeze %dma_wait3A_802 : memref<1x128x384xf32, #tpu.memory_space<vmem>> -> memref<128x384xf32, #tpu.memory_space<vmem>>
    %dma_wait3A_804 = arith.constant 0 : i32
    %dma_wait3A_805 = tpu.memref_slice %arg5[%dma_wait3A_798, %dma_wait3A_804] : memref<2x128xi32, #tpu.memory_space<vmem>> -> memref<1x128xi32, #tpu.memory_space<vmem>>
    %dma_wait3A_806 = tpu.memref_squeeze %dma_wait3A_805 : memref<1x128xi32, #tpu.memory_space<vmem>> -> memref<128xi32, #tpu.memory_space<vmem>>
    %dma_wait3A_807 = arith.constant 0 : i32
    %dma_wait3A_808 = arith.constant 0 : i32
    %dma_wait3A_809 = tpu.memref_slice %arg2[%dma_wait3A_807, %dma_wait3A_808] : memref<4096x384xf32, #tpu.memory_space<hbm>> -> memref<4096x384xf32, #tpu.memory_space<hbm>>
    tpu.wait_indirect_dma semaphore(%arg7 : memref<!tpu.dma_semaphore, #tpu.memory_space<semaphore_mem>>) src(%dma_wait3A_809 : memref<4096x384xf32, #tpu.memory_space<hbm>>) dst(%dma_wait3A_803 : memref<128x384xf32, #tpu.memory_space<vmem>>)
    %add3A_810 = arith.constant 1792 : i32
    %add3A_811 = arith.addi %mul3A_2, %add3A_810 : i32
    %dma_start3A_812 = arith.constant 0 : i32
    %dma_start3A_813 = arith.constant 0 : i32
    %dma_start3A_814 = arith.constant 0 : i32
    %dma_start3A_815 = tpu.memref_slice %arg6[%dma_start3A_812, %dma_start3A_813, %dma_start3A_814] : memref<2x128x384xf32, #tpu.memory_space<vmem>> -> memref<1x128x384xf32, #tpu.memory_space<vmem>>
    %dma_start3A_816 = tpu.memref_squeeze %dma_start3A_815 : memref<1x128x384xf32, #tpu.memory_space<vmem>> -> memref<128x384xf32, #tpu.memory_space<vmem>>
    %dma_start3A_817 = arith.constant 0 : i32
    %dma_start3A_818 = tpu.memref_slice %arg4[%add3A_811, %dma_start3A_817] : memref<65536x384xf32, #tpu.memory_space<hbm>> -> memref<128x384xf32, #tpu.memory_space<hbm>>
    %dma_start3A_819 = arith.constant 0 : i32
    %dma_start3A_820 = tpu.memref_slice %arg4[%add3A_811, %dma_start3A_819] : memref<65536x384xf32, #tpu.memory_space<hbm>> -> memref<128x384xf32, #tpu.memory_space<hbm>>
    %dma_start3A_821 = arith.constant 0 : i32
    %dma_start3A_822 = arith.constant 0 : i32
    %dma_start3A_823 = tpu.memref_slice %arg6[%dma_start3A_812, %dma_start3A_821, %dma_start3A_822] : memref<2x128x384xf32, #tpu.memory_space<vmem>> -> memref<1x128x384xf32, #tpu.memory_space<vmem>>
    %dma_start3A_824 = tpu.memref_squeeze %dma_start3A_823 : memref<1x128x384xf32, #tpu.memory_space<vmem>> -> memref<128x384xf32, #tpu.memory_space<vmem>>
    tpu.enqueue_dma source(%dma_start3A_824 : memref<128x384xf32, #tpu.memory_space<vmem>>) target(%dma_start3A_820 : memref<128x384xf32, #tpu.memory_space<hbm>>) target_semaphore(%arg9 : memref<!tpu.dma_semaphore, #tpu.memory_space<semaphore_mem>>)
    %dma_wait3A_825 = arith.constant 1 : i32
    %dma_wait3A_826 = arith.constant 1 : i32
    %dma_wait3A_827 = arith.constant 0 : i32
    %dma_wait3A_828 = arith.constant 0 : i32
    %dma_wait3A_829 = tpu.memref_slice %arg6[%dma_wait3A_826, %dma_wait3A_827, %dma_wait3A_828] : memref<2x128x384xf32, #tpu.memory_space<vmem>> -> memref<1x128x384xf32, #tpu.memory_space<vmem>>
    %dma_wait3A_830 = tpu.memref_squeeze %dma_wait3A_829 : memref<1x128x384xf32, #tpu.memory_space<vmem>> -> memref<128x384xf32, #tpu.memory_space<vmem>>
    %dma_wait3A_831 = arith.constant 0 : i32
    %dma_wait3A_832 = tpu.memref_slice %arg5[%dma_wait3A_825, %dma_wait3A_831] : memref<2x128xi32, #tpu.memory_space<vmem>> -> memref<1x128xi32, #tpu.memory_space<vmem>>
    %dma_wait3A_833 = tpu.memref_squeeze %dma_wait3A_832 : memref<1x128xi32, #tpu.memory_space<vmem>> -> memref<128xi32, #tpu.memory_space<vmem>>
    %dma_wait3A_834 = arith.constant 0 : i32
    %dma_wait3A_835 = arith.constant 0 : i32
    %dma_wait3A_836 = tpu.memref_slice %arg2[%dma_wait3A_834, %dma_wait3A_835] : memref<4096x384xf32, #tpu.memory_space<hbm>> -> memref<4096x384xf32, #tpu.memory_space<hbm>>
    tpu.wait_indirect_dma semaphore(%arg8 : memref<!tpu.dma_semaphore, #tpu.memory_space<semaphore_mem>>) src(%dma_wait3A_836 : memref<4096x384xf32, #tpu.memory_space<hbm>>) dst(%dma_wait3A_830 : memref<128x384xf32, #tpu.memory_space<vmem>>)
    %add3A_837 = arith.constant 1920 : i32
    %add3A_838 = arith.addi %mul3A_2, %add3A_837 : i32
    %dma_start3A_839 = arith.constant 1 : i32
    %dma_start3A_840 = arith.constant 0 : i32
    %dma_start3A_841 = arith.constant 0 : i32
    %dma_start3A_842 = tpu.memref_slice %arg6[%dma_start3A_839, %dma_start3A_840, %dma_start3A_841] : memref<2x128x384xf32, #tpu.memory_space<vmem>> -> memref<1x128x384xf32, #tpu.memory_space<vmem>>
    %dma_start3A_843 = tpu.memref_squeeze %dma_start3A_842 : memref<1x128x384xf32, #tpu.memory_space<vmem>> -> memref<128x384xf32, #tpu.memory_space<vmem>>
    %dma_start3A_844 = arith.constant 0 : i32
    %dma_start3A_845 = tpu.memref_slice %arg4[%add3A_838, %dma_start3A_844] : memref<65536x384xf32, #tpu.memory_space<hbm>> -> memref<128x384xf32, #tpu.memory_space<hbm>>
    %dma_start3A_846 = arith.constant 0 : i32
    %dma_start3A_847 = tpu.memref_slice %arg4[%add3A_838, %dma_start3A_846] : memref<65536x384xf32, #tpu.memory_space<hbm>> -> memref<128x384xf32, #tpu.memory_space<hbm>>
    %dma_start3A_848 = arith.constant 0 : i32
    %dma_start3A_849 = arith.constant 0 : i32
    %dma_start3A_850 = tpu.memref_slice %arg6[%dma_start3A_839, %dma_start3A_848, %dma_start3A_849] : memref<2x128x384xf32, #tpu.memory_space<vmem>> -> memref<1x128x384xf32, #tpu.memory_space<vmem>>
    %dma_start3A_851 = tpu.memref_squeeze %dma_start3A_850 : memref<1x128x384xf32, #tpu.memory_space<vmem>> -> memref<128x384xf32, #tpu.memory_space<vmem>>
    tpu.enqueue_dma source(%dma_start3A_851 : memref<128x384xf32, #tpu.memory_space<vmem>>) target(%dma_start3A_847 : memref<128x384xf32, #tpu.memory_space<hbm>>) target_semaphore(%arg10 : memref<!tpu.dma_semaphore, #tpu.memory_space<semaphore_mem>>)
    %dma_wait3A_852 = arith.constant 0 : i32
    %dma_wait3A_853 = arith.constant 0 : i32
    %dma_wait3A_854 = arith.constant 0 : i32
    %dma_wait3A_855 = tpu.memref_slice %arg6[%dma_wait3A_852, %dma_wait3A_853, %dma_wait3A_854] : memref<2x128x384xf32, #tpu.memory_space<vmem>> -> memref<1x128x384xf32, #tpu.memory_space<vmem>>
    %dma_wait3A_856 = tpu.memref_squeeze %dma_wait3A_855 : memref<1x128x384xf32, #tpu.memory_space<vmem>> -> memref<128x384xf32, #tpu.memory_space<vmem>>
    %dma_wait3A_857 = arith.constant 0 : i32
    %dma_wait3A_858 = tpu.memref_slice %arg4[%add3A_811, %dma_wait3A_857] : memref<65536x384xf32, #tpu.memory_space<hbm>> -> memref<128x384xf32, #tpu.memory_space<hbm>>
    %dma_wait3A_859 = arith.constant 0 : i32
    %dma_wait3A_860 = tpu.memref_slice %arg4[%add3A_811, %dma_wait3A_859] : memref<65536x384xf32, #tpu.memory_space<hbm>> -> memref<128x384xf32, #tpu.memory_space<hbm>>
    %dma_wait3A_861 = arith.constant 0 : i32
    %dma_wait3A_862 = arith.constant 0 : i32
    %dma_wait3A_863 = tpu.memref_slice %arg6[%dma_wait3A_852, %dma_wait3A_861, %dma_wait3A_862] : memref<2x128x384xf32, #tpu.memory_space<vmem>> -> memref<1x128x384xf32, #tpu.memory_space<vmem>>
    %dma_wait3A_864 = tpu.memref_squeeze %dma_wait3A_863 : memref<1x128x384xf32, #tpu.memory_space<vmem>> -> memref<128x384xf32, #tpu.memory_space<vmem>>
    tpu.wait_dma2 semaphore(%arg9 : memref<!tpu.dma_semaphore, #tpu.memory_space<semaphore_mem>>) src(%dma_wait3A_864 : memref<128x384xf32, #tpu.memory_space<vmem>>) dst(%dma_wait3A_860 : memref<128x384xf32, #tpu.memory_space<hbm>>)
    %dma_wait3A_865 = arith.constant 1 : i32
    %dma_wait3A_866 = arith.constant 0 : i32
    %dma_wait3A_867 = arith.constant 0 : i32
    %dma_wait3A_868 = tpu.memref_slice %arg6[%dma_wait3A_865, %dma_wait3A_866, %dma_wait3A_867] : memref<2x128x384xf32, #tpu.memory_space<vmem>> -> memref<1x128x384xf32, #tpu.memory_space<vmem>>
    %dma_wait3A_869 = tpu.memref_squeeze %dma_wait3A_868 : memref<1x128x384xf32, #tpu.memory_space<vmem>> -> memref<128x384xf32, #tpu.memory_space<vmem>>
    %dma_wait3A_870 = arith.constant 0 : i32
    %dma_wait3A_871 = tpu.memref_slice %arg4[%add3A_838, %dma_wait3A_870] : memref<65536x384xf32, #tpu.memory_space<hbm>> -> memref<128x384xf32, #tpu.memory_space<hbm>>
    %dma_wait3A_872 = arith.constant 0 : i32
    %dma_wait3A_873 = tpu.memref_slice %arg4[%add3A_838, %dma_wait3A_872] : memref<65536x384xf32, #tpu.memory_space<hbm>> -> memref<128x384xf32, #tpu.memory_space<hbm>>
    %dma_wait3A_874 = arith.constant 0 : i32
    %dma_wait3A_875 = arith.constant 0 : i32
    %dma_wait3A_876 = tpu.memref_slice %arg6[%dma_wait3A_865, %dma_wait3A_874, %dma_wait3A_875] : memref<2x128x384xf32, #tpu.memory_space<vmem>> -> memref<1x128x384xf32, #tpu.memory_space<vmem>>
    %dma_wait3A_877 = tpu.memref_squeeze %dma_wait3A_876 : memref<1x128x384xf32, #tpu.memory_space<vmem>> -> memref<128x384xf32, #tpu.memory_space<vmem>>
    tpu.wait_dma2 semaphore(%arg10 : memref<!tpu.dma_semaphore, #tpu.memory_space<semaphore_mem>>) src(%dma_wait3A_877 : memref<128x384xf32, #tpu.memory_space<vmem>>) dst(%dma_wait3A_873 : memref<128x384xf32, #tpu.memory_space<hbm>>)
    return
  }
}

module attributes {stable_mosaic.version = 14 : i64} {
  func.func @_fused_body(%arg0: i32, %arg1: i32, %arg2: memref<1x2048x384xf32, #tpu.memory_space<vmem>>, %arg3: memref<1x128x256xf32, #tpu.memory_space<vmem>>, %arg4: memref<1x128x256xf32, #tpu.memory_space<vmem>>, %arg5: memref<1x128x256xf32, #tpu.memory_space<vmem>>, %arg6: memref<256x512xf32, #tpu.memory_space<vmem>>, %arg7: memref<256x512xf32, #tpu.memory_space<vmem>>, %arg8: memref<1x512xf32, #tpu.memory_space<vmem>>, %arg9: memref<3x256xf32, #tpu.memory_space<vmem>>, %arg10: memref<1x256xf32, #tpu.memory_space<vmem>>, %arg11: memref<1x256xf32, #tpu.memory_space<vmem>>, %arg12: memref<256x256xf32, #tpu.memory_space<vmem>>, %arg13: memref<1x256xf32, #tpu.memory_space<vmem>>, %arg14: memref<256x256xf32, #tpu.memory_space<vmem>>, %arg15: memref<1x256xf32, #tpu.memory_space<vmem>>, %arg16: memref<1x128x256xf32, #tpu.memory_space<vmem>>, %arg17: memref<1x128x16x256xf32, #tpu.memory_space<vmem>>) attributes {dimension_semantics = [#tpu.dimension_semantics<arbitrary>, #tpu.dimension_semantics<arbitrary>], iteration_bounds = array<i64: 4, 8>, scalar_prefetch = 0 : i64, scratch_operands = 0 : i64, tpu.core_type = #tpu.core_type<tc>, window_params = [{transform_indices = @transform_0, window_bounds = array<i64: 1, 2048, 384>}, {transform_indices = @transform_1, window_bounds = array<i64: 1, 128, 256>}, {transform_indices = @transform_2, window_bounds = array<i64: 1, 128, 256>}, {transform_indices = @transform_3, window_bounds = array<i64: 1, 128, 256>}, {pipeline_mode = #tpu.pipeline_mode<synchronous>, transform_indices = @transform_4, window_bounds = array<i64: 256, 512>}, {pipeline_mode = #tpu.pipeline_mode<synchronous>, transform_indices = @transform_5, window_bounds = array<i64: 256, 512>}, {pipeline_mode = #tpu.pipeline_mode<synchronous>, transform_indices = @transform_6, window_bounds = array<i64: 1, 512>}, {pipeline_mode = #tpu.pipeline_mode<synchronous>, transform_indices = @transform_7, window_bounds = array<i64: 3, 256>}, {pipeline_mode = #tpu.pipeline_mode<synchronous>, transform_indices = @transform_8, window_bounds = array<i64: 1, 256>}, {pipeline_mode = #tpu.pipeline_mode<synchronous>, transform_indices = @transform_9, window_bounds = array<i64: 1, 256>}, {pipeline_mode = #tpu.pipeline_mode<synchronous>, transform_indices = @transform_10, window_bounds = array<i64: 256, 256>}, {pipeline_mode = #tpu.pipeline_mode<synchronous>, transform_indices = @transform_11, window_bounds = array<i64: 1, 256>}, {pipeline_mode = #tpu.pipeline_mode<synchronous>, transform_indices = @transform_12, window_bounds = array<i64: 256, 256>}, {pipeline_mode = #tpu.pipeline_mode<synchronous>, transform_indices = @transform_13, window_bounds = array<i64: 1, 256>}, {transform_indices = @transform_14, window_bounds = array<i64: 1, 128, 256>}, {transform_indices = @transform_15, window_bounds = array<i64: 1, 128, 16, 256>}]} {
    %get3A = arith.constant 0 : index
    %get3A_0 = arith.constant 0 : index
    %get3A_1 = arith.constant 0 : index
    %get3A_2 = vector.load %arg2[%get3A, %get3A_0, %get3A_1] : memref<1x2048x384xf32, #tpu.memory_space<vmem>>, vector<1x2048x384xf32>
    %get3A_3 = vector.shape_cast %get3A_2 : vector<1x2048x384xf32> to vector<2048x384xf32>
    %slice3A = vector.extract_strided_slice %get3A_3 {offsets = [0, 0], sizes = [2048, 256], strides = [1, 1]} : vector<2048x384xf32> to vector<2048x256xf32>
    %slice3A_4 = vector.extract_strided_slice %get3A_3 {offsets = [0, 256], sizes = [2048, 128], strides = [1, 1]} : vector<2048x384xf32> to vector<2048x128xf32>
    %slice3A_5 = vector.extract_strided_slice %slice3A_4 {offsets = [0, 0], sizes = [2048, 3], strides = [1, 1]} : vector<2048x128xf32> to vector<2048x3xf32>
    %get3A_6 = arith.constant 0 : index
    %get3A_7 = arith.constant 0 : index
    %get3A_8 = vector.load %arg9[%get3A_6, %get3A_7] : memref<3x256xf32, #tpu.memory_space<vmem>>, vector<3x256xf32>
    %dot_general3A = arith.constant dense<0.000000e+00> : vector<2048x256xf32>
    %dot_general3A_9 = tpu.matmul %slice3A_5, %get3A_8, %dot_general3A {dimension_numbers = #tpu.dot_dimension_numbers<[1], [0], [0], [1], [0, 0, 1, 1], [], []>, transpose_lhs_hint = false} : vector<2048x3xf32>, vector<3x256xf32>, vector<2048x256xf32> -> vector<2048x256xf32>
    %get3A_10 = arith.constant 0 : index
    %get3A_11 = arith.constant 0 : index
    %get3A_12 = arith.constant 0 : index
    %get3A_13 = vector.load %arg4[%get3A_10, %get3A_11, %get3A_12] : memref<1x128x256xf32, #tpu.memory_space<vmem>>, vector<1x128x256xf32>
    %get3A_14 = vector.shape_cast %get3A_13 : vector<1x128x256xf32> to vector<128x256xf32>
    %broadcast_in_dim3A = vector.shape_cast %get3A_14 : vector<128x256xf32> to vector<128x1x256xf32>
    %reshape3A = vector.shape_cast %dot_general3A_9 : vector<2048x256xf32> to vector<128x16x256xf32>
    %sub3A = vector.broadcast %broadcast_in_dim3A : vector<128x1x256xf32> to vector<128x16x256xf32>
    %sub3A_15 = arith.subf %sub3A, %reshape3A : vector<128x16x256xf32>
    %get3A_16 = arith.constant 0 : index
    %get3A_17 = arith.constant 0 : index
    %get3A_18 = vector.load %arg10[%get3A_16, %get3A_17] : memref<1x256xf32, #tpu.memory_space<vmem>>, vector<1x256xf32>
    %broadcast_in_dim3A_19 = vector.shape_cast %get3A_18 : vector<1x256xf32> to vector<1x1x256xf32>
    %add3A = vector.broadcast %broadcast_in_dim3A_19 : vector<1x1x256xf32> to vector<128x16x256xf32>
    %add3A_20 = arith.addf %sub3A_15, %add3A : vector<128x16x256xf32>
    %max3A = arith.constant 0.000000e+00 : f32
    %max3A_21 = vector.broadcast %max3A : f32 to vector<128x16x256xf32>
    %max3A_22 = arith.maximumf %add3A_20, %max3A_21 : vector<128x16x256xf32>
    %reshape3A_23 = vector.shape_cast %max3A_22 : vector<128x16x256xf32> to vector<2048x256xf32>
    %get3A_24 = arith.constant 0 : index
    %get3A_25 = arith.constant 0 : index
    %get3A_26 = vector.load %arg7[%get3A_24, %get3A_25] : memref<256x512xf32, #tpu.memory_space<vmem>>, vector<256x512xf32>
    %dot_general3A_27 = arith.constant dense<0.000000e+00> : vector<2048x512xf32>
    %dot_general3A_28 = tpu.matmul %reshape3A_23, %get3A_26, %dot_general3A_27 {dimension_numbers = #tpu.dot_dimension_numbers<[1], [0], [0], [1], [0, 0, 1, 1], [], []>, transpose_lhs_hint = false} : vector<2048x256xf32>, vector<256x512xf32>, vector<2048x512xf32> -> vector<2048x512xf32>
    %get3A_29 = arith.constant 0 : index
    %get3A_30 = arith.constant 0 : index
    %get3A_31 = vector.load %arg8[%get3A_29, %get3A_30] : memref<1x512xf32, #tpu.memory_space<vmem>>, vector<1x512xf32>
    %add3A_32 = vector.broadcast %get3A_31 : vector<1x512xf32> to vector<2048x512xf32>
    %add3A_33 = arith.addf %dot_general3A_28, %add3A_32 : vector<2048x512xf32>
    %slice3A_34 = vector.extract_strided_slice %add3A_33 {offsets = [0, 0], sizes = [2048, 256], strides = [1, 1]} : vector<2048x512xf32> to vector<2048x256xf32>
    %slice3A_35 = vector.extract_strided_slice %add3A_33 {offsets = [0, 256], sizes = [2048, 256], strides = [1, 1]} : vector<2048x512xf32> to vector<2048x256xf32>
    %get3A_36 = arith.constant 0 : index
    %get3A_37 = arith.constant 0 : index
    %get3A_38 = vector.load %arg6[%get3A_36, %get3A_37] : memref<256x512xf32, #tpu.memory_space<vmem>>, vector<256x512xf32>
    %dot_general3A_39 = arith.constant dense<0.000000e+00> : vector<2048x512xf32>
    %dot_general3A_40 = tpu.matmul %slice3A, %get3A_38, %dot_general3A_39 {dimension_numbers = #tpu.dot_dimension_numbers<[1], [0], [0], [1], [0, 0, 1, 1], [], []>, transpose_lhs_hint = false} : vector<2048x256xf32>, vector<256x512xf32>, vector<2048x512xf32> -> vector<2048x512xf32>
    %slice3A_41 = vector.extract_strided_slice %dot_general3A_40 {offsets = [0, 0], sizes = [2048, 256], strides = [1, 1]} : vector<2048x512xf32> to vector<2048x256xf32>
    %slice3A_42 = vector.extract_strided_slice %dot_general3A_40 {offsets = [0, 256], sizes = [2048, 256], strides = [1, 1]} : vector<2048x512xf32> to vector<2048x256xf32>
    %get3A_43 = arith.constant 0 : index
    %get3A_44 = arith.constant 0 : index
    %get3A_45 = arith.constant 0 : index
    %get3A_46 = vector.load %arg3[%get3A_43, %get3A_44, %get3A_45] : memref<1x128x256xf32, #tpu.memory_space<vmem>>, vector<1x128x256xf32>
    %get3A_47 = vector.shape_cast %get3A_46 : vector<1x128x256xf32> to vector<128x256xf32>
    %broadcast_in_dim3A_48 = vector.shape_cast %get3A_47 : vector<128x256xf32> to vector<128x1x256xf32>
    %reshape3A_49 = vector.shape_cast %slice3A_41 : vector<2048x256xf32> to vector<128x16x256xf32>
    %sub3A_50 = vector.broadcast %broadcast_in_dim3A_48 : vector<128x1x256xf32> to vector<128x16x256xf32>
    %sub3A_51 = arith.subf %sub3A_50, %reshape3A_49 : vector<128x16x256xf32>
    %reshape3A_52 = vector.shape_cast %slice3A_35 : vector<2048x256xf32> to vector<128x16x256xf32>
    %add3A_53 = arith.addf %sub3A_51, %reshape3A_52 : vector<128x16x256xf32>
    %get3A_54 = arith.constant 0 : index
    %get3A_55 = arith.constant 0 : index
    %get3A_56 = vector.load %arg11[%get3A_54, %get3A_55] : memref<1x256xf32, #tpu.memory_space<vmem>>, vector<1x256xf32>
    %broadcast_in_dim3A_57 = vector.shape_cast %get3A_56 : vector<1x256xf32> to vector<1x1x256xf32>
    %add3A_58 = vector.broadcast %broadcast_in_dim3A_57 : vector<1x1x256xf32> to vector<128x16x256xf32>
    %add3A_59 = arith.addf %add3A_53, %add3A_58 : vector<128x16x256xf32>
    %max3A_60 = arith.constant 0.000000e+00 : f32
    %max3A_61 = vector.broadcast %max3A_60 : f32 to vector<128x16x256xf32>
    %max3A_62 = arith.maximumf %add3A_59, %max3A_61 : vector<128x16x256xf32>
    %reshape3A_63 = vector.shape_cast %max3A_62 : vector<128x16x256xf32> to vector<2048x256xf32>
    %get3A_64 = arith.constant 0 : index
    %get3A_65 = arith.constant 0 : index
    %get3A_66 = vector.load %arg12[%get3A_64, %get3A_65] : memref<256x256xf32, #tpu.memory_space<vmem>>, vector<256x256xf32>
    %dot_general3A_67 = arith.constant dense<0.000000e+00> : vector<2048x256xf32>
    %dot_general3A_68 = tpu.matmul %reshape3A_63, %get3A_66, %dot_general3A_67 {dimension_numbers = #tpu.dot_dimension_numbers<[1], [0], [0], [1], [0, 0, 1, 1], [], []>, transpose_lhs_hint = false} : vector<2048x256xf32>, vector<256x256xf32>, vector<2048x256xf32> -> vector<2048x256xf32>
    %get3A_69 = arith.constant 0 : index
    %get3A_70 = arith.constant 0 : index
    %get3A_71 = vector.load %arg13[%get3A_69, %get3A_70] : memref<1x256xf32, #tpu.memory_space<vmem>>, vector<1x256xf32>
    %add3A_72 = vector.broadcast %get3A_71 : vector<1x256xf32> to vector<2048x256xf32>
    %add3A_73 = arith.addf %dot_general3A_68, %add3A_72 : vector<2048x256xf32>
    %reshape3A_74 = vector.shape_cast %add3A_73 : vector<2048x256xf32> to vector<128x16x256xf32>
    %mul3A = arith.constant 6.250000e-02 : f32
    %mul3A_75 = vector.broadcast %mul3A : f32 to vector<128x16x256xf32>
    %mul3A_76 = arith.mulf %reshape3A_74, %mul3A_75 : vector<128x16x256xf32>
    %reduce_max3A = arith.constant dense<0xFF800000> : vector<128x256xf32>
    %reduce_max3A_77 = vector.multi_reduction <maximumf>, %mul3A_76, %reduce_max3A [1] : vector<128x16x256xf32> to vector<128x256xf32>
    %broadcast_in_dim3A_78 = vector.shape_cast %reduce_max3A_77 : vector<128x256xf32> to vector<128x1x256xf32>
    %sub3A_79 = vector.broadcast %broadcast_in_dim3A_78 : vector<128x1x256xf32> to vector<128x16x256xf32>
    %sub3A_80 = arith.subf %mul3A_76, %sub3A_79 : vector<128x16x256xf32>
    %exp3A = math.exp %sub3A_80 : vector<128x16x256xf32>
    %reduce_sum3A = arith.constant dense<0.000000e+00> : vector<128x256xf32>
    %reduce_sum3A_81 = vector.multi_reduction <add>, %exp3A, %reduce_sum3A [1] : vector<128x16x256xf32> to vector<128x256xf32>
    %broadcast_in_dim3A_82 = vector.shape_cast %reduce_sum3A_81 : vector<128x256xf32> to vector<128x1x256xf32>
    %div3A = vector.broadcast %broadcast_in_dim3A_82 : vector<128x1x256xf32> to vector<128x16x256xf32>
    %div3A_83 = arith.divf %exp3A, %div3A : vector<128x16x256xf32>
    %swap3A = arith.constant 0 : index
    %swap3A_84 = arith.constant 0 : index
    %swap3A_85 = arith.constant 0 : index
    %swap3A_86 = arith.constant 0 : index
    %swap3A_87 = vector.load %arg17[%swap3A, %swap3A_84, %swap3A_85, %swap3A_86] : memref<1x128x16x256xf32, #tpu.memory_space<vmem>>, vector<1x128x16x256xf32>
    %swap3A_88 = vector.shape_cast %swap3A_87 : vector<1x128x16x256xf32> to vector<128x16x256xf32>
    %swap3A_89 = vector.shape_cast %div3A_83 : vector<128x16x256xf32> to vector<1x128x16x256xf32>
    tpu.vector_store %arg17[%swap3A, %swap3A_84, %swap3A_85, %swap3A_86], %swap3A_89 {strides = array<i32>} : memref<1x128x16x256xf32, #tpu.memory_space<vmem>>, vector<1x128x16x256xf32>,
    %reshape3A_90 = vector.shape_cast %slice3A_42 : vector<2048x256xf32> to vector<128x16x256xf32>
    %reshape3A_91 = vector.shape_cast %slice3A_34 : vector<2048x256xf32> to vector<128x16x256xf32>
    %add3A_92 = arith.addf %reshape3A_90, %reshape3A_91 : vector<128x16x256xf32>
    %mul3A_93 = arith.mulf %div3A_83, %add3A_92 : vector<128x16x256xf32>
    %reduce_sum3A_94 = arith.constant dense<0.000000e+00> : vector<128x256xf32>
    %reduce_sum3A_95 = vector.multi_reduction <add>, %mul3A_93, %reduce_sum3A_94 [1] : vector<128x16x256xf32> to vector<128x256xf32>
    %get3A_96 = arith.constant 0 : index
    %get3A_97 = arith.constant 0 : index
    %get3A_98 = vector.load %arg14[%get3A_96, %get3A_97] : memref<256x256xf32, #tpu.memory_space<vmem>>, vector<256x256xf32>
    %dot_general3A_99 = arith.constant dense<0.000000e+00> : vector<128x256xf32>
    %dot_general3A_100 = tpu.matmul %reduce_sum3A_95, %get3A_98, %dot_general3A_99 {dimension_numbers = #tpu.dot_dimension_numbers<[1], [0], [0], [1], [0, 0, 1, 1], [], []>, transpose_lhs_hint = false} : vector<128x256xf32>, vector<256x256xf32>, vector<128x256xf32> -> vector<128x256xf32>
    %get3A_101 = arith.constant 0 : index
    %get3A_102 = arith.constant 0 : index
    %get3A_103 = vector.load %arg15[%get3A_101, %get3A_102] : memref<1x256xf32, #tpu.memory_space<vmem>>, vector<1x256xf32>
    %add3A_104 = vector.broadcast %get3A_103 : vector<1x256xf32> to vector<128x256xf32>
    %add3A_105 = arith.addf %dot_general3A_100, %add3A_104 : vector<128x256xf32>
    %get3A_106 = arith.constant 0 : index
    %get3A_107 = arith.constant 0 : index
    %get3A_108 = arith.constant 0 : index
    %get3A_109 = vector.load %arg5[%get3A_106, %get3A_107, %get3A_108] : memref<1x128x256xf32, #tpu.memory_space<vmem>>, vector<1x128x256xf32>
    %get3A_110 = vector.shape_cast %get3A_109 : vector<1x128x256xf32> to vector<128x256xf32>
    %add3A_111 = arith.addf %add3A_105, %get3A_110 : vector<128x256xf32>
    %swap3A_112 = arith.constant 0 : index
    %swap3A_113 = arith.constant 0 : index
    %swap3A_114 = arith.constant 0 : index
    %swap3A_115 = vector.load %arg16[%swap3A_112, %swap3A_113, %swap3A_114] : memref<1x128x256xf32, #tpu.memory_space<vmem>>, vector<1x128x256xf32>
    %swap3A_116 = vector.shape_cast %swap3A_115 : vector<1x128x256xf32> to vector<128x256xf32>
    %swap3A_117 = vector.shape_cast %add3A_111 : vector<128x256xf32> to vector<1x128x256xf32>
    tpu.vector_store %arg16[%swap3A_112, %swap3A_113, %swap3A_114], %swap3A_117 {strides = array<i32>} : memref<1x128x256xf32, #tpu.memory_space<vmem>>, vector<1x128x256xf32>,
    return
  }
  func.func @transform_0(%arg0: i32, %arg1: i32) -> (i32, i32, i32) {
    %c0_i32 = arith.constant 0 : i32
    %c0_i32_0 = arith.constant 0 : i32
    return %arg0, %arg1, %c0_i32 : i32, i32, i32
  }
  func.func @transform_1(%arg0: i32, %arg1: i32) -> (i32, i32, i32) {
    %c0_i32 = arith.constant 0 : i32
    %c0_i32_0 = arith.constant 0 : i32
    return %arg0, %arg1, %c0_i32 : i32, i32, i32
  }
  func.func @transform_2(%arg0: i32, %arg1: i32) -> (i32, i32, i32) {
    %c0_i32 = arith.constant 0 : i32
    %c0_i32_0 = arith.constant 0 : i32
    return %arg0, %arg1, %c0_i32 : i32, i32, i32
  }
  func.func @transform_3(%arg0: i32, %arg1: i32) -> (i32, i32, i32) {
    %c0_i32 = arith.constant 0 : i32
    %c0_i32_0 = arith.constant 0 : i32
    return %arg0, %arg1, %c0_i32 : i32, i32, i32
  }
  func.func @transform_4(%arg0: i32, %arg1: i32) -> (i32, i32) {
    %c0_i32 = arith.constant 0 : i32
    %c0_i32_0 = arith.constant 0 : i32
    %c0_i32_1 = arith.constant 0 : i32
    return %c0_i32, %c0_i32_0 : i32, i32
  }
  func.func @transform_5(%arg0: i32, %arg1: i32) -> (i32, i32) {
    %c0_i32 = arith.constant 0 : i32
    %c0_i32_0 = arith.constant 0 : i32
    %c0_i32_1 = arith.constant 0 : i32
    return %c0_i32, %c0_i32_0 : i32, i32
  }
  func.func @transform_6(%arg0: i32, %arg1: i32) -> (i32, i32) {
    %c0_i32 = arith.constant 0 : i32
    %c0_i32_0 = arith.constant 0 : i32
    %c0_i32_1 = arith.constant 0 : i32
    return %c0_i32, %c0_i32_0 : i32, i32
  }
  func.func @transform_7(%arg0: i32, %arg1: i32) -> (i32, i32) {
    %c0_i32 = arith.constant 0 : i32
    %c0_i32_0 = arith.constant 0 : i32
    %c0_i32_1 = arith.constant 0 : i32
    return %c0_i32, %c0_i32_0 : i32, i32
  }
  func.func @transform_8(%arg0: i32, %arg1: i32) -> (i32, i32) {
    %c0_i32 = arith.constant 0 : i32
    %c0_i32_0 = arith.constant 0 : i32
    %c0_i32_1 = arith.constant 0 : i32
    return %c0_i32, %c0_i32_0 : i32, i32
  }
  func.func @transform_9(%arg0: i32, %arg1: i32) -> (i32, i32) {
    %c0_i32 = arith.constant 0 : i32
    %c0_i32_0 = arith.constant 0 : i32
    %c0_i32_1 = arith.constant 0 : i32
    return %c0_i32, %c0_i32_0 : i32, i32
  }
  func.func @transform_10(%arg0: i32, %arg1: i32) -> (i32, i32) {
    %c0_i32 = arith.constant 0 : i32
    %c0_i32_0 = arith.constant 0 : i32
    %c0_i32_1 = arith.constant 0 : i32
    return %c0_i32, %c0_i32_0 : i32, i32
  }
  func.func @transform_11(%arg0: i32, %arg1: i32) -> (i32, i32) {
    %c0_i32 = arith.constant 0 : i32
    %c0_i32_0 = arith.constant 0 : i32
    %c0_i32_1 = arith.constant 0 : i32
    return %c0_i32, %c0_i32_0 : i32, i32
  }
  func.func @transform_12(%arg0: i32, %arg1: i32) -> (i32, i32) {
    %c0_i32 = arith.constant 0 : i32
    %c0_i32_0 = arith.constant 0 : i32
    %c0_i32_1 = arith.constant 0 : i32
    return %c0_i32, %c0_i32_0 : i32, i32
  }
  func.func @transform_13(%arg0: i32, %arg1: i32) -> (i32, i32) {
    %c0_i32 = arith.constant 0 : i32
    %c0_i32_0 = arith.constant 0 : i32
    %c0_i32_1 = arith.constant 0 : i32
    return %c0_i32, %c0_i32_0 : i32, i32
  }
  func.func @transform_14(%arg0: i32, %arg1: i32) -> (i32, i32, i32) {
    %c0_i32 = arith.constant 0 : i32
    %c0_i32_0 = arith.constant 0 : i32
    return %arg0, %arg1, %c0_i32 : i32, i32, i32
  }
  func.func @transform_15(%arg0: i32, %arg1: i32) -> (i32, i32, i32, i32) {
    %c0_i32 = arith.constant 0 : i32
    %c0_i32_0 = arith.constant 0 : i32
    %c0_i32_1 = arith.constant 0 : i32
    return %arg0, %arg1, %c0_i32, %c0_i32_0 : i32, i32, i32, i32
  }
}

module attributes {stable_mosaic.version = 14 : i64} {
  func.func @_topk_body(%arg0: i32, %arg1: memref<1x1024x3xf32, #tpu.memory_space<vmem>>, %arg2: memref<1x1024x256xf32, #tpu.memory_space<vmem>>, %arg3: memref<256x256xf32, #tpu.memory_space<vmem>>, %arg4: memref<1x256xf32, #tpu.memory_space<vmem>>, %arg5: memref<256x256xf32, #tpu.memory_space<vmem>>, %arg6: memref<256x256xf32, #tpu.memory_space<vmem>>, %arg7: memref<256x256xf32, #tpu.memory_space<vmem>>, %arg8: memref<256x256xf32, #tpu.memory_space<vmem>>, %arg9: memref<3x256xf32, #tpu.memory_space<vmem>>, %arg10: memref<256x256xf32, #tpu.memory_space<vmem>>, %arg11: memref<1x256xf32, #tpu.memory_space<vmem>>, %arg12: memref<1x1024x16xi32, #tpu.memory_space<vmem>>, %arg13: memref<1x1024x256xf32, #tpu.memory_space<vmem>>, %arg14: memref<1x1024x256xf32, #tpu.memory_space<vmem>>, %arg15: memref<1x1024x384xf32, #tpu.memory_space<vmem>>, %arg16: memref<256x512xf32, #tpu.memory_space<vmem>>, %arg17: memref<256x512xf32, #tpu.memory_space<vmem>>, %arg18: memref<1x512xf32, #tpu.memory_space<vmem>>) attributes {dimension_semantics = [#tpu.dimension_semantics<arbitrary>], iteration_bounds = array<i64: 4>, scalar_prefetch = 0 : i64, scratch_operands = 0 : i64, tpu.core_type = #tpu.core_type<tc>, window_params = [{transform_indices = @transform_0, window_bounds = array<i64: 1, 1024, 3>}, {transform_indices = @transform_1, window_bounds = array<i64: 1, 1024, 256>}, {pipeline_mode = #tpu.pipeline_mode<synchronous>, transform_indices = @transform_2, window_bounds = array<i64: 256, 256>}, {pipeline_mode = #tpu.pipeline_mode<synchronous>, transform_indices = @transform_3, window_bounds = array<i64: 1, 256>}, {pipeline_mode = #tpu.pipeline_mode<synchronous>, transform_indices = @transform_4, window_bounds = array<i64: 256, 256>}, {pipeline_mode = #tpu.pipeline_mode<synchronous>, transform_indices = @transform_5, window_bounds = array<i64: 256, 256>}, {pipeline_mode = #tpu.pipeline_mode<synchronous>, transform_indices = @transform_6, window_bounds = array<i64: 256, 256>}, {pipeline_mode = #tpu.pipeline_mode<synchronous>, transform_indices = @transform_7, window_bounds = array<i64: 256, 256>}, {pipeline_mode = #tpu.pipeline_mode<synchronous>, transform_indices = @transform_8, window_bounds = array<i64: 3, 256>}, {pipeline_mode = #tpu.pipeline_mode<synchronous>, transform_indices = @transform_9, window_bounds = array<i64: 256, 256>}, {pipeline_mode = #tpu.pipeline_mode<synchronous>, transform_indices = @transform_10, window_bounds = array<i64: 1, 256>}, {transform_indices = @transform_11, window_bounds = array<i64: 1, 1024, 16>}, {transform_indices = @transform_12, window_bounds = array<i64: 1, 1024, 256>}, {transform_indices = @transform_13, window_bounds = array<i64: 1, 1024, 256>}, {transform_indices = @transform_14, window_bounds = array<i64: 1, 1024, 384>}, {pipeline_mode = #tpu.pipeline_mode<synchronous>, transform_indices = @transform_15, window_bounds = array<i64: 256, 512>}, {pipeline_mode = #tpu.pipeline_mode<synchronous>, transform_indices = @transform_16, window_bounds = array<i64: 256, 512>}, {pipeline_mode = #tpu.pipeline_mode<synchronous>, transform_indices = @transform_17, window_bounds = array<i64: 1, 512>}]} {
    %get3A = arith.constant 0 : index
    %get3A_0 = arith.constant 0 : index
    %get3A_1 = arith.constant 0 : index
    %get3A_2 = vector.load %arg2[%get3A, %get3A_0, %get3A_1] : memref<1x1024x256xf32, #tpu.memory_space<vmem>>, vector<1x1024x256xf32>
    %get3A_3 = vector.shape_cast %get3A_2 : vector<1x1024x256xf32> to vector<1024x256xf32>
    %get3A_4 = arith.constant 0 : index
    %get3A_5 = arith.constant 0 : index
    %get3A_6 = vector.load %arg3[%get3A_4, %get3A_5] : memref<256x256xf32, #tpu.memory_space<vmem>>, vector<256x256xf32>
    %dot_general3A = arith.constant dense<0.000000e+00> : vector<1024x256xf32>
    %dot_general3A_7 = tpu.matmul %get3A_3, %get3A_6, %dot_general3A {dimension_numbers = #tpu.dot_dimension_numbers<[1], [0], [0], [1], [0, 0, 1, 1], [], []>, transpose_lhs_hint = false} : vector<1024x256xf32>, vector<256x256xf32>, vector<1024x256xf32> -> vector<1024x256xf32>
    %get3A_8 = arith.constant 0 : index
    %get3A_9 = arith.constant 0 : index
    %get3A_10 = vector.load %arg4[%get3A_8, %get3A_9] : memref<1x256xf32, #tpu.memory_space<vmem>>, vector<1x256xf32>
    %add3A = vector.broadcast %get3A_10 : vector<1x256xf32> to vector<1024x256xf32>
    %add3A_11 = arith.addf %dot_general3A_7, %add3A : vector<1024x256xf32>
    %get3A_12 = arith.constant 0 : index
    %get3A_13 = arith.constant 0 : index
    %get3A_14 = vector.load %arg8[%get3A_12, %get3A_13] : memref<256x256xf32, #tpu.memory_space<vmem>>, vector<256x256xf32>
    %get3A_15 = arith.constant 0 : index
    %get3A_16 = arith.constant 0 : index
    %get3A_17 = vector.load %arg5[%get3A_15, %get3A_16] : memref<256x256xf32, #tpu.memory_space<vmem>>, vector<256x256xf32>
    %dot_general3A_18 = arith.constant dense<0.000000e+00> : vector<256x256xf32>
    %dot_general3A_19 = tpu.matmul %get3A_17, %get3A_14, %dot_general3A_18 {dimension_numbers = #tpu.dot_dimension_numbers<[1], [0], [0], [1], [0, 0, 1, 1], [], []>, transpose_lhs_hint = false} : vector<256x256xf32>, vector<256x256xf32>, vector<256x256xf32> -> vector<256x256xf32>
    %dot_general3A_20 = arith.constant dense<0.000000e+00> : vector<1024x256xf32>
    %dot_general3A_21 = tpu.matmul %add3A_11, %dot_general3A_19, %dot_general3A_20 {dimension_numbers = #tpu.dot_dimension_numbers<[1], [0], [0], [1], [0, 0, 1, 1], [], []>, transpose_lhs_hint = false} : vector<1024x256xf32>, vector<256x256xf32>, vector<1024x256xf32> -> vector<1024x256xf32>
    %swap3A = arith.constant 0 : index
    %swap3A_22 = arith.constant 0 : index
    %swap3A_23 = arith.constant 0 : index
    %swap3A_24 = vector.load %arg13[%swap3A, %swap3A_22, %swap3A_23] : memref<1x1024x256xf32, #tpu.memory_space<vmem>>, vector<1x1024x256xf32>
    %swap3A_25 = vector.shape_cast %swap3A_24 : vector<1x1024x256xf32> to vector<1024x256xf32>
    %swap3A_26 = vector.shape_cast %dot_general3A_21 : vector<1024x256xf32> to vector<1x1024x256xf32>
    tpu.vector_store %arg13[%swap3A, %swap3A_22, %swap3A_23], %swap3A_26 {strides = array<i32>} : memref<1x1024x256xf32, #tpu.memory_space<vmem>>, vector<1x1024x256xf32>,
    %get3A_27 = arith.constant 0 : index
    %get3A_28 = arith.constant 0 : index
    %get3A_29 = arith.constant 0 : index
    %get3A_30 = vector.load %arg1[%get3A_27, %get3A_28, %get3A_29] : memref<1x1024x3xf32, #tpu.memory_space<vmem>>, vector<1x1024x3xf32>
    %get3A_31 = vector.shape_cast %get3A_30 : vector<1x1024x3xf32> to vector<1024x3xf32>
    %get3A_32 = arith.constant 0 : index
    %get3A_33 = arith.constant 0 : index
    %get3A_34 = vector.load %arg9[%get3A_32, %get3A_33] : memref<3x256xf32, #tpu.memory_space<vmem>>, vector<3x256xf32>
    %dot_general3A_35 = arith.constant dense<0.000000e+00> : vector<1024x256xf32>
    %dot_general3A_36 = tpu.matmul %get3A_31, %get3A_34, %dot_general3A_35 {dimension_numbers = #tpu.dot_dimension_numbers<[1], [0], [0], [1], [0, 0, 1, 1], [], []>, transpose_lhs_hint = false} : vector<1024x3xf32>, vector<3x256xf32>, vector<1024x256xf32> -> vector<1024x256xf32>
    %swap3A_37 = arith.constant 0 : index
    %swap3A_38 = arith.constant 0 : index
    %swap3A_39 = arith.constant 0 : index
    %swap3A_40 = vector.load %arg14[%swap3A_37, %swap3A_38, %swap3A_39] : memref<1x1024x256xf32, #tpu.memory_space<vmem>>, vector<1x1024x256xf32>
    %swap3A_41 = vector.shape_cast %swap3A_40 : vector<1x1024x256xf32> to vector<1024x256xf32>
    %swap3A_42 = vector.shape_cast %dot_general3A_36 : vector<1024x256xf32> to vector<1x1024x256xf32>
    tpu.vector_store %arg14[%swap3A_37, %swap3A_38, %swap3A_39], %swap3A_42 {strides = array<i32>} : memref<1x1024x256xf32, #tpu.memory_space<vmem>>, vector<1x1024x256xf32>,
    %broadcast_in_dim3A = arith.constant 0.000000e+00 : f32
    %broadcast_in_dim3A_43 = vector.broadcast %broadcast_in_dim3A : f32 to vector<1024x125xf32>
    %concatenate3A = tpu.concatenate %add3A_11, %get3A_31, %broadcast_in_dim3A_43 in 1 : vector<1024x256xf32>, vector<1024x3xf32>, vector<1024x125xf32> -> vector<1024x384xf32>
    %swap3A_44 = arith.constant 0 : index
    %swap3A_45 = arith.constant 0 : index
    %swap3A_46 = arith.constant 0 : index
    %swap3A_47 = vector.load %arg15[%swap3A_44, %swap3A_45, %swap3A_46] : memref<1x1024x384xf32, #tpu.memory_space<vmem>>, vector<1x1024x384xf32>
    %swap3A_48 = vector.shape_cast %swap3A_47 : vector<1x1024x384xf32> to vector<1024x384xf32>
    %swap3A_49 = vector.shape_cast %concatenate3A : vector<1024x384xf32> to vector<1x1024x384xf32>
    tpu.vector_store %arg15[%swap3A_44, %swap3A_45, %swap3A_46], %swap3A_49 {strides = array<i32>} : memref<1x1024x384xf32, #tpu.memory_space<vmem>>, vector<1x1024x384xf32>,
    %get3A_50 = arith.constant 0 : index
    %get3A_51 = arith.constant 0 : index
    %get3A_52 = vector.load %arg6[%get3A_50, %get3A_51] : memref<256x256xf32, #tpu.memory_space<vmem>>, vector<256x256xf32>
    %dot_general3A_53 = arith.constant dense<0.000000e+00> : vector<256x256xf32>
    %dot_general3A_54 = tpu.matmul %get3A_52, %get3A_14, %dot_general3A_53 {dimension_numbers = #tpu.dot_dimension_numbers<[1], [0], [0], [1], [0, 0, 1, 1], [], []>, transpose_lhs_hint = false} : vector<256x256xf32>, vector<256x256xf32>, vector<256x256xf32> -> vector<256x256xf32>
    %get3A_55 = arith.constant 0 : index
    %get3A_56 = arith.constant 0 : index
    %get3A_57 = vector.load %arg7[%get3A_55, %get3A_56] : memref<256x256xf32, #tpu.memory_space<vmem>>, vector<256x256xf32>
    %concatenate3A_58 = tpu.concatenate %dot_general3A_54, %get3A_57 in 1 : vector<256x256xf32>, vector<256x256xf32> -> vector<256x512xf32>
    %swap3A_59 = arith.constant 0 : index
    %swap3A_60 = arith.constant 0 : index
    %swap3A_61 = vector.load %arg16[%swap3A_59, %swap3A_60] : memref<256x512xf32, #tpu.memory_space<vmem>>, vector<256x512xf32>
    tpu.vector_store %arg16[%swap3A_59, %swap3A_60], %concatenate3A_58 {strides = array<i32>} : memref<256x512xf32, #tpu.memory_space<vmem>>, vector<256x512xf32>,
    %get3A_62 = arith.constant 0 : index
    %get3A_63 = arith.constant 0 : index
    %get3A_64 = vector.load %arg10[%get3A_62, %get3A_63] : memref<256x256xf32, #tpu.memory_space<vmem>>, vector<256x256xf32>
    %dot_general3A_65 = arith.constant dense<0.000000e+00> : vector<256x256xf32>
    %dot_general3A_66 = tpu.matmul %get3A_64, %get3A_14, %dot_general3A_65 {dimension_numbers = #tpu.dot_dimension_numbers<[1], [0], [0], [1], [0, 0, 1, 1], [], []>, transpose_lhs_hint = false} : vector<256x256xf32>, vector<256x256xf32>, vector<256x256xf32> -> vector<256x256xf32>
    %concatenate3A_67 = tpu.concatenate %get3A_64, %dot_general3A_66 in 1 : vector<256x256xf32>, vector<256x256xf32> -> vector<256x512xf32>
    %swap3A_68 = arith.constant 0 : index
    %swap3A_69 = arith.constant 0 : index
    %swap3A_70 = vector.load %arg17[%swap3A_68, %swap3A_69] : memref<256x512xf32, #tpu.memory_space<vmem>>, vector<256x512xf32>
    tpu.vector_store %arg17[%swap3A_68, %swap3A_69], %concatenate3A_67 {strides = array<i32>} : memref<256x512xf32, #tpu.memory_space<vmem>>, vector<256x512xf32>,
    %get3A_71 = arith.constant 0 : index
    %get3A_72 = arith.constant 0 : index
    %get3A_73 = vector.load %arg11[%get3A_71, %get3A_72] : memref<1x256xf32, #tpu.memory_space<vmem>>, vector<1x256xf32>
    %dot_general3A_74 = arith.constant dense<0.000000e+00> : vector<1x256xf32>
    %dot_general3A_75 = tpu.matmul %get3A_73, %get3A_14, %dot_general3A_74 {dimension_numbers = #tpu.dot_dimension_numbers<[1], [0], [0], [1], [0, 0, 1, 1], [], []>, transpose_lhs_hint = false} : vector<1x256xf32>, vector<256x256xf32>, vector<1x256xf32> -> vector<1x256xf32>
    %concatenate3A_76 = tpu.concatenate %get3A_73, %dot_general3A_75 in 1 : vector<1x256xf32>, vector<1x256xf32> -> vector<1x512xf32>
    %swap3A_77 = arith.constant 0 : index
    %swap3A_78 = arith.constant 0 : index
    %swap3A_79 = vector.load %arg18[%swap3A_77, %swap3A_78] : memref<1x512xf32, #tpu.memory_space<vmem>>, vector<1x512xf32>
    tpu.vector_store %arg18[%swap3A_77, %swap3A_78], %concatenate3A_76 {strides = array<i32>} : memref<1x512xf32, #tpu.memory_space<vmem>>, vector<1x512xf32>,
    %get3A_80 = arith.constant 0 : index
    %get3A_81 = arith.constant 0 : index
    %get3A_82 = arith.constant 0 : index
    %get3A_83 = vector.load %arg1[%get3A_80, %get3A_81, %get3A_82] : memref<1x1024x3xf32, #tpu.memory_space<vmem>>, vector<1x1024x3xf32>
    %get3A_84 = vector.shape_cast %get3A_83 : vector<1x1024x3xf32> to vector<1024x3xf32>
    %transpose3A = tpu.transpose %get3A_84, [1, 0] : vector<1024x3xf32> -> vector<3x1024xf32>
    %mul3A = arith.mulf %get3A_84, %get3A_84 : vector<1024x3xf32>
    %reduce_sum3A = arith.constant dense<0.000000e+00> : vector<1024xf32>
    %reduce_sum3A_85 = vector.multi_reduction <add>, %mul3A, %reduce_sum3A [1] : vector<1024x3xf32> to vector<1024xf32>
    %broadcast_in_dim3A_86 = vector.shape_cast %reduce_sum3A_85 : vector<1024xf32> to vector<1024x1xf32>
    %mul3A_87 = arith.mulf %transpose3A, %transpose3A : vector<3x1024xf32>
    %reduce_sum3A_88 = arith.constant dense<0.000000e+00> : vector<1024xf32>
    %reduce_sum3A_89 = vector.multi_reduction <add>, %mul3A_87, %reduce_sum3A_88 [0] : vector<3x1024xf32> to vector<1024xf32>
    %broadcast_in_dim3A_90 = vector.shape_cast %reduce_sum3A_89 : vector<1024xf32> to vector<1x1024xf32>
    %dot_general3A_91 = arith.constant dense<0.000000e+00> : vector<1024x1024xf32>
    %dot_general3A_92 = tpu.matmul %get3A_84, %transpose3A, %dot_general3A_91 {dimension_numbers = #tpu.dot_dimension_numbers<[1], [0], [0], [1], [0, 0, 1, 1], [], []>, transpose_lhs_hint = false} : vector<1024x3xf32>, vector<3x1024xf32>, vector<1024x1024xf32> -> vector<1024x1024xf32>
    %mul3A_93 = arith.constant 2.000000e+00 : f32
    %mul3A_94 = vector.broadcast %mul3A_93 : f32 to vector<1024x1024xf32>
    %mul3A_95 = arith.mulf %mul3A_94, %dot_general3A_92 : vector<1024x1024xf32>
    %sub3A = vector.broadcast %broadcast_in_dim3A_86 : vector<1024x1xf32> to vector<1024x1024xf32>
    %sub3A_96 = arith.subf %sub3A, %mul3A_95 : vector<1024x1024xf32>
    %add3A_97 = vector.broadcast %broadcast_in_dim3A_90 : vector<1x1024xf32> to vector<1024x1024xf32>
    %add3A_98 = arith.addf %sub3A_96, %add3A_97 : vector<1024x1024xf32>
    %iota3A = tpu.iota {dimensions = array<i32: 1>} : vector<1024x1024xi32>
    %convert_element_type3A = arith.sitofp %iota3A : vector<1024x1024xi32> to vector<1024x1024xf32>
    %reduce_min3A = arith.constant dense<0x7F800000> : vector<1024xf32>
    %reduce_min3A_99 = vector.multi_reduction <minimumf>, %add3A_98, %reduce_min3A [1] : vector<1024x1024xf32> to vector<1024xf32>
    %broadcast_in_dim3A_100 = vector.shape_cast %reduce_min3A_99 : vector<1024xf32> to vector<1024x1xf32>
    %le3A = vector.broadcast %broadcast_in_dim3A_100 : vector<1024x1xf32> to vector<1024x1024xf32>
    %le3A_101 = arith.cmpf ole, %add3A_98, %le3A : vector<1024x1024xf32>
    %jit3A = arith.constant 2.000000e+09 : f32
    %broadcast_in_dim3A_102 = vector.broadcast %jit3A : f32 to vector<1024x1024xf32>
    %select_n3A = arith.select %le3A_101, %convert_element_type3A, %broadcast_in_dim3A_102 : vector<1024x1024xi1>, vector<1024x1024xf32>
    %reduce_min3A_103 = arith.constant dense<0x7F800000> : vector<1024xf32>
    %reduce_min3A_104 = vector.multi_reduction <minimumf>, %select_n3A, %reduce_min3A_103 [1] : vector<1024x1024xf32> to vector<1024xf32>
    %broadcast_in_dim3A_105 = vector.shape_cast %reduce_min3A_104 : vector<1024xf32> to vector<1024x1xf32>
    %eq3A = vector.broadcast %broadcast_in_dim3A_105 : vector<1024x1xf32> to vector<1024x1024xf32>
    %eq3A_106 = arith.cmpf oeq, %convert_element_type3A, %eq3A : vector<1024x1024xf32>
    %jit3A_107 = arith.constant 0x7F800000 : f32
    %broadcast_in_dim3A_108 = vector.broadcast %jit3A_107 : f32 to vector<1024x1024xf32>
    %select_n3A_109 = arith.select %eq3A_106, %broadcast_in_dim3A_108, %add3A_98 : vector<1024x1024xi1>, vector<1024x1024xf32>
    %reduce_min3A_110 = arith.constant dense<0x7F800000> : vector<1024xf32>
    %reduce_min3A_111 = vector.multi_reduction <minimumf>, %select_n3A_109, %reduce_min3A_110 [1] : vector<1024x1024xf32> to vector<1024xf32>
    %broadcast_in_dim3A_112 = vector.shape_cast %reduce_min3A_111 : vector<1024xf32> to vector<1024x1xf32>
    %le3A_113 = vector.broadcast %broadcast_in_dim3A_112 : vector<1024x1xf32> to vector<1024x1024xf32>
    %le3A_114 = arith.cmpf ole, %select_n3A_109, %le3A_113 : vector<1024x1024xf32>
    %jit3A_115 = arith.constant 2.000000e+09 : f32
    %broadcast_in_dim3A_116 = vector.broadcast %jit3A_115 : f32 to vector<1024x1024xf32>
    %select_n3A_117 = arith.select %le3A_114, %convert_element_type3A, %broadcast_in_dim3A_116 : vector<1024x1024xi1>, vector<1024x1024xf32>
    %reduce_min3A_118 = arith.constant dense<0x7F800000> : vector<1024xf32>
    %reduce_min3A_119 = vector.multi_reduction <minimumf>, %select_n3A_117, %reduce_min3A_118 [1] : vector<1024x1024xf32> to vector<1024xf32>
    %broadcast_in_dim3A_120 = vector.shape_cast %reduce_min3A_119 : vector<1024xf32> to vector<1024x1xf32>
    %eq3A_121 = vector.broadcast %broadcast_in_dim3A_120 : vector<1024x1xf32> to vector<1024x1024xf32>
    %eq3A_122 = arith.cmpf oeq, %convert_element_type3A, %eq3A_121 : vector<1024x1024xf32>
    %jit3A_123 = arith.constant 0x7F800000 : f32
    %broadcast_in_dim3A_124 = vector.broadcast %jit3A_123 : f32 to vector<1024x1024xf32>
    %select_n3A_125 = arith.select %eq3A_122, %broadcast_in_dim3A_124, %select_n3A_109 : vector<1024x1024xi1>, vector<1024x1024xf32>
    %reduce_min3A_126 = arith.constant dense<0x7F800000> : vector<1024xf32>
    %reduce_min3A_127 = vector.multi_reduction <minimumf>, %select_n3A_125, %reduce_min3A_126 [1] : vector<1024x1024xf32> to vector<1024xf32>
    %broadcast_in_dim3A_128 = vector.shape_cast %reduce_min3A_127 : vector<1024xf32> to vector<1024x1xf32>
    %le3A_129 = vector.broadcast %broadcast_in_dim3A_128 : vector<1024x1xf32> to vector<1024x1024xf32>
    %le3A_130 = arith.cmpf ole, %select_n3A_125, %le3A_129 : vector<1024x1024xf32>
    %jit3A_131 = arith.constant 2.000000e+09 : f32
    %broadcast_in_dim3A_132 = vector.broadcast %jit3A_131 : f32 to vector<1024x1024xf32>
    %select_n3A_133 = arith.select %le3A_130, %convert_element_type3A, %broadcast_in_dim3A_132 : vector<1024x1024xi1>, vector<1024x1024xf32>
    %reduce_min3A_134 = arith.constant dense<0x7F800000> : vector<1024xf32>
    %reduce_min3A_135 = vector.multi_reduction <minimumf>, %select_n3A_133, %reduce_min3A_134 [1] : vector<1024x1024xf32> to vector<1024xf32>
    %broadcast_in_dim3A_136 = vector.shape_cast %reduce_min3A_135 : vector<1024xf32> to vector<1024x1xf32>
    %eq3A_137 = vector.broadcast %broadcast_in_dim3A_136 : vector<1024x1xf32> to vector<1024x1024xf32>
    %eq3A_138 = arith.cmpf oeq, %convert_element_type3A, %eq3A_137 : vector<1024x1024xf32>
    %jit3A_139 = arith.constant 0x7F800000 : f32
    %broadcast_in_dim3A_140 = vector.broadcast %jit3A_139 : f32 to vector<1024x1024xf32>
    %select_n3A_141 = arith.select %eq3A_138, %broadcast_in_dim3A_140, %select_n3A_125 : vector<1024x1024xi1>, vector<1024x1024xf32>
    %reduce_min3A_142 = arith.constant dense<0x7F800000> : vector<1024xf32>
    %reduce_min3A_143 = vector.multi_reduction <minimumf>, %select_n3A_141, %reduce_min3A_142 [1] : vector<1024x1024xf32> to vector<1024xf32>
    %broadcast_in_dim3A_144 = vector.shape_cast %reduce_min3A_143 : vector<1024xf32> to vector<1024x1xf32>
    %le3A_145 = vector.broadcast %broadcast_in_dim3A_144 : vector<1024x1xf32> to vector<1024x1024xf32>
    %le3A_146 = arith.cmpf ole, %select_n3A_141, %le3A_145 : vector<1024x1024xf32>
    %jit3A_147 = arith.constant 2.000000e+09 : f32
    %broadcast_in_dim3A_148 = vector.broadcast %jit3A_147 : f32 to vector<1024x1024xf32>
    %select_n3A_149 = arith.select %le3A_146, %convert_element_type3A, %broadcast_in_dim3A_148 : vector<1024x1024xi1>, vector<1024x1024xf32>
    %reduce_min3A_150 = arith.constant dense<0x7F800000> : vector<1024xf32>
    %reduce_min3A_151 = vector.multi_reduction <minimumf>, %select_n3A_149, %reduce_min3A_150 [1] : vector<1024x1024xf32> to vector<1024xf32>
    %broadcast_in_dim3A_152 = vector.shape_cast %reduce_min3A_151 : vector<1024xf32> to vector<1024x1xf32>
    %eq3A_153 = vector.broadcast %broadcast_in_dim3A_152 : vector<1024x1xf32> to vector<1024x1024xf32>
    %eq3A_154 = arith.cmpf oeq, %convert_element_type3A, %eq3A_153 : vector<1024x1024xf32>
    %jit3A_155 = arith.constant 0x7F800000 : f32
    %broadcast_in_dim3A_156 = vector.broadcast %jit3A_155 : f32 to vector<1024x1024xf32>
    %select_n3A_157 = arith.select %eq3A_154, %broadcast_in_dim3A_156, %select_n3A_141 : vector<1024x1024xi1>, vector<1024x1024xf32>
    %reduce_min3A_158 = arith.constant dense<0x7F800000> : vector<1024xf32>
    %reduce_min3A_159 = vector.multi_reduction <minimumf>, %select_n3A_157, %reduce_min3A_158 [1] : vector<1024x1024xf32> to vector<1024xf32>
    %broadcast_in_dim3A_160 = vector.shape_cast %reduce_min3A_159 : vector<1024xf32> to vector<1024x1xf32>
    %le3A_161 = vector.broadcast %broadcast_in_dim3A_160 : vector<1024x1xf32> to vector<1024x1024xf32>
    %le3A_162 = arith.cmpf ole, %select_n3A_157, %le3A_161 : vector<1024x1024xf32>
    %jit3A_163 = arith.constant 2.000000e+09 : f32
    %broadcast_in_dim3A_164 = vector.broadcast %jit3A_163 : f32 to vector<1024x1024xf32>
    %select_n3A_165 = arith.select %le3A_162, %convert_element_type3A, %broadcast_in_dim3A_164 : vector<1024x1024xi1>, vector<1024x1024xf32>
    %reduce_min3A_166 = arith.constant dense<0x7F800000> : vector<1024xf32>
    %reduce_min3A_167 = vector.multi_reduction <minimumf>, %select_n3A_165, %reduce_min3A_166 [1] : vector<1024x1024xf32> to vector<1024xf32>
    %broadcast_in_dim3A_168 = vector.shape_cast %reduce_min3A_167 : vector<1024xf32> to vector<1024x1xf32>
    %eq3A_169 = vector.broadcast %broadcast_in_dim3A_168 : vector<1024x1xf32> to vector<1024x1024xf32>
    %eq3A_170 = arith.cmpf oeq, %convert_element_type3A, %eq3A_169 : vector<1024x1024xf32>
    %jit3A_171 = arith.constant 0x7F800000 : f32
    %broadcast_in_dim3A_172 = vector.broadcast %jit3A_171 : f32 to vector<1024x1024xf32>
    %select_n3A_173 = arith.select %eq3A_170, %broadcast_in_dim3A_172, %select_n3A_157 : vector<1024x1024xi1>, vector<1024x1024xf32>
    %reduce_min3A_174 = arith.constant dense<0x7F800000> : vector<1024xf32>
    %reduce_min3A_175 = vector.multi_reduction <minimumf>, %select_n3A_173, %reduce_min3A_174 [1] : vector<1024x1024xf32> to vector<1024xf32>
    %broadcast_in_dim3A_176 = vector.shape_cast %reduce_min3A_175 : vector<1024xf32> to vector<1024x1xf32>
    %le3A_177 = vector.broadcast %broadcast_in_dim3A_176 : vector<1024x1xf32> to vector<1024x1024xf32>
    %le3A_178 = arith.cmpf ole, %select_n3A_173, %le3A_177 : vector<1024x1024xf32>
    %jit3A_179 = arith.constant 2.000000e+09 : f32
    %broadcast_in_dim3A_180 = vector.broadcast %jit3A_179 : f32 to vector<1024x1024xf32>
    %select_n3A_181 = arith.select %le3A_178, %convert_element_type3A, %broadcast_in_dim3A_180 : vector<1024x1024xi1>, vector<1024x1024xf32>
    %reduce_min3A_182 = arith.constant dense<0x7F800000> : vector<1024xf32>
    %reduce_min3A_183 = vector.multi_reduction <minimumf>, %select_n3A_181, %reduce_min3A_182 [1] : vector<1024x1024xf32> to vector<1024xf32>
    %broadcast_in_dim3A_184 = vector.shape_cast %reduce_min3A_183 : vector<1024xf32> to vector<1024x1xf32>
    %eq3A_185 = vector.broadcast %broadcast_in_dim3A_184 : vector<1024x1xf32> to vector<1024x1024xf32>
    %eq3A_186 = arith.cmpf oeq, %convert_element_type3A, %eq3A_185 : vector<1024x1024xf32>
    %jit3A_187 = arith.constant 0x7F800000 : f32
    %broadcast_in_dim3A_188 = vector.broadcast %jit3A_187 : f32 to vector<1024x1024xf32>
    %select_n3A_189 = arith.select %eq3A_186, %broadcast_in_dim3A_188, %select_n3A_173 : vector<1024x1024xi1>, vector<1024x1024xf32>
    %reduce_min3A_190 = arith.constant dense<0x7F800000> : vector<1024xf32>
    %reduce_min3A_191 = vector.multi_reduction <minimumf>, %select_n3A_189, %reduce_min3A_190 [1] : vector<1024x1024xf32> to vector<1024xf32>
    %broadcast_in_dim3A_192 = vector.shape_cast %reduce_min3A_191 : vector<1024xf32> to vector<1024x1xf32>
    %le3A_193 = vector.broadcast %broadcast_in_dim3A_192 : vector<1024x1xf32> to vector<1024x1024xf32>
    %le3A_194 = arith.cmpf ole, %select_n3A_189, %le3A_193 : vector<1024x1024xf32>
    %jit3A_195 = arith.constant 2.000000e+09 : f32
    %broadcast_in_dim3A_196 = vector.broadcast %jit3A_195 : f32 to vector<1024x1024xf32>
    %select_n3A_197 = arith.select %le3A_194, %convert_element_type3A, %broadcast_in_dim3A_196 : vector<1024x1024xi1>, vector<1024x1024xf32>
    %reduce_min3A_198 = arith.constant dense<0x7F800000> : vector<1024xf32>
    %reduce_min3A_199 = vector.multi_reduction <minimumf>, %select_n3A_197, %reduce_min3A_198 [1] : vector<1024x1024xf32> to vector<1024xf32>
    %broadcast_in_dim3A_200 = vector.shape_cast %reduce_min3A_199 : vector<1024xf32> to vector<1024x1xf32>
    %eq3A_201 = vector.broadcast %broadcast_in_dim3A_200 : vector<1024x1xf32> to vector<1024x1024xf32>
    %eq3A_202 = arith.cmpf oeq, %convert_element_type3A, %eq3A_201 : vector<1024x1024xf32>
    %jit3A_203 = arith.constant 0x7F800000 : f32
    %broadcast_in_dim3A_204 = vector.broadcast %jit3A_203 : f32 to vector<1024x1024xf32>
    %select_n3A_205 = arith.select %eq3A_202, %broadcast_in_dim3A_204, %select_n3A_189 : vector<1024x1024xi1>, vector<1024x1024xf32>
    %reduce_min3A_206 = arith.constant dense<0x7F800000> : vector<1024xf32>
    %reduce_min3A_207 = vector.multi_reduction <minimumf>, %select_n3A_205, %reduce_min3A_206 [1] : vector<1024x1024xf32> to vector<1024xf32>
    %broadcast_in_dim3A_208 = vector.shape_cast %reduce_min3A_207 : vector<1024xf32> to vector<1024x1xf32>
    %le3A_209 = vector.broadcast %broadcast_in_dim3A_208 : vector<1024x1xf32> to vector<1024x1024xf32>
    %le3A_210 = arith.cmpf ole, %select_n3A_205, %le3A_209 : vector<1024x1024xf32>
    %jit3A_211 = arith.constant 2.000000e+09 : f32
    %broadcast_in_dim3A_212 = vector.broadcast %jit3A_211 : f32 to vector<1024x1024xf32>
    %select_n3A_213 = arith.select %le3A_210, %convert_element_type3A, %broadcast_in_dim3A_212 : vector<1024x1024xi1>, vector<1024x1024xf32>
    %reduce_min3A_214 = arith.constant dense<0x7F800000> : vector<1024xf32>
    %reduce_min3A_215 = vector.multi_reduction <minimumf>, %select_n3A_213, %reduce_min3A_214 [1] : vector<1024x1024xf32> to vector<1024xf32>
    %broadcast_in_dim3A_216 = vector.shape_cast %reduce_min3A_215 : vector<1024xf32> to vector<1024x1xf32>
    %eq3A_217 = vector.broadcast %broadcast_in_dim3A_216 : vector<1024x1xf32> to vector<1024x1024xf32>
    %eq3A_218 = arith.cmpf oeq, %convert_element_type3A, %eq3A_217 : vector<1024x1024xf32>
    %jit3A_219 = arith.constant 0x7F800000 : f32
    %broadcast_in_dim3A_220 = vector.broadcast %jit3A_219 : f32 to vector<1024x1024xf32>
    %select_n3A_221 = arith.select %eq3A_218, %broadcast_in_dim3A_220, %select_n3A_205 : vector<1024x1024xi1>, vector<1024x1024xf32>
    %reduce_min3A_222 = arith.constant dense<0x7F800000> : vector<1024xf32>
    %reduce_min3A_223 = vector.multi_reduction <minimumf>, %select_n3A_221, %reduce_min3A_222 [1] : vector<1024x1024xf32> to vector<1024xf32>
    %broadcast_in_dim3A_224 = vector.shape_cast %reduce_min3A_223 : vector<1024xf32> to vector<1024x1xf32>
    %le3A_225 = vector.broadcast %broadcast_in_dim3A_224 : vector<1024x1xf32> to vector<1024x1024xf32>
    %le3A_226 = arith.cmpf ole, %select_n3A_221, %le3A_225 : vector<1024x1024xf32>
    %jit3A_227 = arith.constant 2.000000e+09 : f32
    %broadcast_in_dim3A_228 = vector.broadcast %jit3A_227 : f32 to vector<1024x1024xf32>
    %select_n3A_229 = arith.select %le3A_226, %convert_element_type3A, %broadcast_in_dim3A_228 : vector<1024x1024xi1>, vector<1024x1024xf32>
    %reduce_min3A_230 = arith.constant dense<0x7F800000> : vector<1024xf32>
    %reduce_min3A_231 = vector.multi_reduction <minimumf>, %select_n3A_229, %reduce_min3A_230 [1] : vector<1024x1024xf32> to vector<1024xf32>
    %broadcast_in_dim3A_232 = vector.shape_cast %reduce_min3A_231 : vector<1024xf32> to vector<1024x1xf32>
    %eq3A_233 = vector.broadcast %broadcast_in_dim3A_232 : vector<1024x1xf32> to vector<1024x1024xf32>
    %eq3A_234 = arith.cmpf oeq, %convert_element_type3A, %eq3A_233 : vector<1024x1024xf32>
    %jit3A_235 = arith.constant 0x7F800000 : f32
    %broadcast_in_dim3A_236 = vector.broadcast %jit3A_235 : f32 to vector<1024x1024xf32>
    %select_n3A_237 = arith.select %eq3A_234, %broadcast_in_dim3A_236, %select_n3A_221 : vector<1024x1024xi1>, vector<1024x1024xf32>
    %reduce_min3A_238 = arith.constant dense<0x7F800000> : vector<1024xf32>
    %reduce_min3A_239 = vector.multi_reduction <minimumf>, %select_n3A_237, %reduce_min3A_238 [1] : vector<1024x1024xf32> to vector<1024xf32>
    %broadcast_in_dim3A_240 = vector.shape_cast %reduce_min3A_239 : vector<1024xf32> to vector<1024x1xf32>
    %le3A_241 = vector.broadcast %broadcast_in_dim3A_240 : vector<1024x1xf32> to vector<1024x1024xf32>
    %le3A_242 = arith.cmpf ole, %select_n3A_237, %le3A_241 : vector<1024x1024xf32>
    %jit3A_243 = arith.constant 2.000000e+09 : f32
    %broadcast_in_dim3A_244 = vector.broadcast %jit3A_243 : f32 to vector<1024x1024xf32>
    %select_n3A_245 = arith.select %le3A_242, %convert_element_type3A, %broadcast_in_dim3A_244 : vector<1024x1024xi1>, vector<1024x1024xf32>
    %reduce_min3A_246 = arith.constant dense<0x7F800000> : vector<1024xf32>
    %reduce_min3A_247 = vector.multi_reduction <minimumf>, %select_n3A_245, %reduce_min3A_246 [1] : vector<1024x1024xf32> to vector<1024xf32>
    %broadcast_in_dim3A_248 = vector.shape_cast %reduce_min3A_247 : vector<1024xf32> to vector<1024x1xf32>
    %eq3A_249 = vector.broadcast %broadcast_in_dim3A_248 : vector<1024x1xf32> to vector<1024x1024xf32>
    %eq3A_250 = arith.cmpf oeq, %convert_element_type3A, %eq3A_249 : vector<1024x1024xf32>
    %jit3A_251 = arith.constant 0x7F800000 : f32
    %broadcast_in_dim3A_252 = vector.broadcast %jit3A_251 : f32 to vector<1024x1024xf32>
    %select_n3A_253 = arith.select %eq3A_250, %broadcast_in_dim3A_252, %select_n3A_237 : vector<1024x1024xi1>, vector<1024x1024xf32>
    %reduce_min3A_254 = arith.constant dense<0x7F800000> : vector<1024xf32>
    %reduce_min3A_255 = vector.multi_reduction <minimumf>, %select_n3A_253, %reduce_min3A_254 [1] : vector<1024x1024xf32> to vector<1024xf32>
    %broadcast_in_dim3A_256 = vector.shape_cast %reduce_min3A_255 : vector<1024xf32> to vector<1024x1xf32>
    %le3A_257 = vector.broadcast %broadcast_in_dim3A_256 : vector<1024x1xf32> to vector<1024x1024xf32>
    %le3A_258 = arith.cmpf ole, %select_n3A_253, %le3A_257 : vector<1024x1024xf32>
    %jit3A_259 = arith.constant 2.000000e+09 : f32
    %broadcast_in_dim3A_260 = vector.broadcast %jit3A_259 : f32 to vector<1024x1024xf32>
    %select_n3A_261 = arith.select %le3A_258, %convert_element_type3A, %broadcast_in_dim3A_260 : vector<1024x1024xi1>, vector<1024x1024xf32>
    %reduce_min3A_262 = arith.constant dense<0x7F800000> : vector<1024xf32>
    %reduce_min3A_263 = vector.multi_reduction <minimumf>, %select_n3A_261, %reduce_min3A_262 [1] : vector<1024x1024xf32> to vector<1024xf32>
    %broadcast_in_dim3A_264 = vector.shape_cast %reduce_min3A_263 : vector<1024xf32> to vector<1024x1xf32>
    %eq3A_265 = vector.broadcast %broadcast_in_dim3A_264 : vector<1024x1xf32> to vector<1024x1024xf32>
    %eq3A_266 = arith.cmpf oeq, %convert_element_type3A, %eq3A_265 : vector<1024x1024xf32>
    %jit3A_267 = arith.constant 0x7F800000 : f32
    %broadcast_in_dim3A_268 = vector.broadcast %jit3A_267 : f32 to vector<1024x1024xf32>
    %select_n3A_269 = arith.select %eq3A_266, %broadcast_in_dim3A_268, %select_n3A_253 : vector<1024x1024xi1>, vector<1024x1024xf32>
    %reduce_min3A_270 = arith.constant dense<0x7F800000> : vector<1024xf32>
    %reduce_min3A_271 = vector.multi_reduction <minimumf>, %select_n3A_269, %reduce_min3A_270 [1] : vector<1024x1024xf32> to vector<1024xf32>
    %broadcast_in_dim3A_272 = vector.shape_cast %reduce_min3A_271 : vector<1024xf32> to vector<1024x1xf32>
    %le3A_273 = vector.broadcast %broadcast_in_dim3A_272 : vector<1024x1xf32> to vector<1024x1024xf32>
    %le3A_274 = arith.cmpf ole, %select_n3A_269, %le3A_273 : vector<1024x1024xf32>
    %jit3A_275 = arith.constant 2.000000e+09 : f32
    %broadcast_in_dim3A_276 = vector.broadcast %jit3A_275 : f32 to vector<1024x1024xf32>
    %select_n3A_277 = arith.select %le3A_274, %convert_element_type3A, %broadcast_in_dim3A_276 : vector<1024x1024xi1>, vector<1024x1024xf32>
    %reduce_min3A_278 = arith.constant dense<0x7F800000> : vector<1024xf32>
    %reduce_min3A_279 = vector.multi_reduction <minimumf>, %select_n3A_277, %reduce_min3A_278 [1] : vector<1024x1024xf32> to vector<1024xf32>
    %broadcast_in_dim3A_280 = vector.shape_cast %reduce_min3A_279 : vector<1024xf32> to vector<1024x1xf32>
    %eq3A_281 = vector.broadcast %broadcast_in_dim3A_280 : vector<1024x1xf32> to vector<1024x1024xf32>
    %eq3A_282 = arith.cmpf oeq, %convert_element_type3A, %eq3A_281 : vector<1024x1024xf32>
    %jit3A_283 = arith.constant 0x7F800000 : f32
    %broadcast_in_dim3A_284 = vector.broadcast %jit3A_283 : f32 to vector<1024x1024xf32>
    %select_n3A_285 = arith.select %eq3A_282, %broadcast_in_dim3A_284, %select_n3A_269 : vector<1024x1024xi1>, vector<1024x1024xf32>
    %reduce_min3A_286 = arith.constant dense<0x7F800000> : vector<1024xf32>
    %reduce_min3A_287 = vector.multi_reduction <minimumf>, %select_n3A_285, %reduce_min3A_286 [1] : vector<1024x1024xf32> to vector<1024xf32>
    %broadcast_in_dim3A_288 = vector.shape_cast %reduce_min3A_287 : vector<1024xf32> to vector<1024x1xf32>
    %le3A_289 = vector.broadcast %broadcast_in_dim3A_288 : vector<1024x1xf32> to vector<1024x1024xf32>
    %le3A_290 = arith.cmpf ole, %select_n3A_285, %le3A_289 : vector<1024x1024xf32>
    %jit3A_291 = arith.constant 2.000000e+09 : f32
    %broadcast_in_dim3A_292 = vector.broadcast %jit3A_291 : f32 to vector<1024x1024xf32>
    %select_n3A_293 = arith.select %le3A_290, %convert_element_type3A, %broadcast_in_dim3A_292 : vector<1024x1024xi1>, vector<1024x1024xf32>
    %reduce_min3A_294 = arith.constant dense<0x7F800000> : vector<1024xf32>
    %reduce_min3A_295 = vector.multi_reduction <minimumf>, %select_n3A_293, %reduce_min3A_294 [1] : vector<1024x1024xf32> to vector<1024xf32>
    %broadcast_in_dim3A_296 = vector.shape_cast %reduce_min3A_295 : vector<1024xf32> to vector<1024x1xf32>
    %eq3A_297 = vector.broadcast %broadcast_in_dim3A_296 : vector<1024x1xf32> to vector<1024x1024xf32>
    %eq3A_298 = arith.cmpf oeq, %convert_element_type3A, %eq3A_297 : vector<1024x1024xf32>
    %jit3A_299 = arith.constant 0x7F800000 : f32
    %broadcast_in_dim3A_300 = vector.broadcast %jit3A_299 : f32 to vector<1024x1024xf32>
    %select_n3A_301 = arith.select %eq3A_298, %broadcast_in_dim3A_300, %select_n3A_285 : vector<1024x1024xi1>, vector<1024x1024xf32>
    %reduce_min3A_302 = arith.constant dense<0x7F800000> : vector<1024xf32>
    %reduce_min3A_303 = vector.multi_reduction <minimumf>, %select_n3A_301, %reduce_min3A_302 [1] : vector<1024x1024xf32> to vector<1024xf32>
    %broadcast_in_dim3A_304 = vector.shape_cast %reduce_min3A_303 : vector<1024xf32> to vector<1024x1xf32>
    %le3A_305 = vector.broadcast %broadcast_in_dim3A_304 : vector<1024x1xf32> to vector<1024x1024xf32>
    %le3A_306 = arith.cmpf ole, %select_n3A_301, %le3A_305 : vector<1024x1024xf32>
    %jit3A_307 = arith.constant 2.000000e+09 : f32
    %broadcast_in_dim3A_308 = vector.broadcast %jit3A_307 : f32 to vector<1024x1024xf32>
    %select_n3A_309 = arith.select %le3A_306, %convert_element_type3A, %broadcast_in_dim3A_308 : vector<1024x1024xi1>, vector<1024x1024xf32>
    %reduce_min3A_310 = arith.constant dense<0x7F800000> : vector<1024xf32>
    %reduce_min3A_311 = vector.multi_reduction <minimumf>, %select_n3A_309, %reduce_min3A_310 [1] : vector<1024x1024xf32> to vector<1024xf32>
    %broadcast_in_dim3A_312 = vector.shape_cast %reduce_min3A_311 : vector<1024xf32> to vector<1024x1xf32>
    %eq3A_313 = vector.broadcast %broadcast_in_dim3A_312 : vector<1024x1xf32> to vector<1024x1024xf32>
    %eq3A_314 = arith.cmpf oeq, %convert_element_type3A, %eq3A_313 : vector<1024x1024xf32>
    %jit3A_315 = arith.constant 0x7F800000 : f32
    %broadcast_in_dim3A_316 = vector.broadcast %jit3A_315 : f32 to vector<1024x1024xf32>
    %select_n3A_317 = arith.select %eq3A_314, %broadcast_in_dim3A_316, %select_n3A_301 : vector<1024x1024xi1>, vector<1024x1024xf32>
    %reduce_min3A_318 = arith.constant dense<0x7F800000> : vector<1024xf32>
    %reduce_min3A_319 = vector.multi_reduction <minimumf>, %select_n3A_317, %reduce_min3A_318 [1] : vector<1024x1024xf32> to vector<1024xf32>
    %broadcast_in_dim3A_320 = vector.shape_cast %reduce_min3A_319 : vector<1024xf32> to vector<1024x1xf32>
    %le3A_321 = vector.broadcast %broadcast_in_dim3A_320 : vector<1024x1xf32> to vector<1024x1024xf32>
    %le3A_322 = arith.cmpf ole, %select_n3A_317, %le3A_321 : vector<1024x1024xf32>
    %jit3A_323 = arith.constant 2.000000e+09 : f32
    %broadcast_in_dim3A_324 = vector.broadcast %jit3A_323 : f32 to vector<1024x1024xf32>
    %select_n3A_325 = arith.select %le3A_322, %convert_element_type3A, %broadcast_in_dim3A_324 : vector<1024x1024xi1>, vector<1024x1024xf32>
    %reduce_min3A_326 = arith.constant dense<0x7F800000> : vector<1024xf32>
    %reduce_min3A_327 = vector.multi_reduction <minimumf>, %select_n3A_325, %reduce_min3A_326 [1] : vector<1024x1024xf32> to vector<1024xf32>
    %broadcast_in_dim3A_328 = vector.shape_cast %reduce_min3A_327 : vector<1024xf32> to vector<1024x1xf32>
    %eq3A_329 = vector.broadcast %broadcast_in_dim3A_328 : vector<1024x1xf32> to vector<1024x1024xf32>
    %eq3A_330 = arith.cmpf oeq, %convert_element_type3A, %eq3A_329 : vector<1024x1024xf32>
    %jit3A_331 = arith.constant 0x7F800000 : f32
    %broadcast_in_dim3A_332 = vector.broadcast %jit3A_331 : f32 to vector<1024x1024xf32>
    %select_n3A_333 = arith.select %eq3A_330, %broadcast_in_dim3A_332, %select_n3A_317 : vector<1024x1024xi1>, vector<1024x1024xf32>
    %reduce_min3A_334 = arith.constant dense<0x7F800000> : vector<1024xf32>
    %reduce_min3A_335 = vector.multi_reduction <minimumf>, %select_n3A_333, %reduce_min3A_334 [1] : vector<1024x1024xf32> to vector<1024xf32>
    %broadcast_in_dim3A_336 = vector.shape_cast %reduce_min3A_335 : vector<1024xf32> to vector<1024x1xf32>
    %le3A_337 = vector.broadcast %broadcast_in_dim3A_336 : vector<1024x1xf32> to vector<1024x1024xf32>
    %le3A_338 = arith.cmpf ole, %select_n3A_333, %le3A_337 : vector<1024x1024xf32>
    %jit3A_339 = arith.constant 2.000000e+09 : f32
    %broadcast_in_dim3A_340 = vector.broadcast %jit3A_339 : f32 to vector<1024x1024xf32>
    %select_n3A_341 = arith.select %le3A_338, %convert_element_type3A, %broadcast_in_dim3A_340 : vector<1024x1024xi1>, vector<1024x1024xf32>
    %reduce_min3A_342 = arith.constant dense<0x7F800000> : vector<1024xf32>
    %reduce_min3A_343 = vector.multi_reduction <minimumf>, %select_n3A_341, %reduce_min3A_342 [1] : vector<1024x1024xf32> to vector<1024xf32>
    %broadcast_in_dim3A_344 = vector.shape_cast %reduce_min3A_343 : vector<1024xf32> to vector<1024x1xf32>
    %mul3A_345 = arith.constant 1024 : i32
    %mul3A_346 = arith.muli %arg0, %mul3A_345 : i32
    %concatenate3A_347 = tpu.concatenate %broadcast_in_dim3A_105, %broadcast_in_dim3A_120, %broadcast_in_dim3A_136, %broadcast_in_dim3A_152, %broadcast_in_dim3A_168, %broadcast_in_dim3A_184, %broadcast_in_dim3A_200, %broadcast_in_dim3A_216, %broadcast_in_dim3A_232, %broadcast_in_dim3A_248, %broadcast_in_dim3A_264, %broadcast_in_dim3A_280, %broadcast_in_dim3A_296, %broadcast_in_dim3A_312, %broadcast_in_dim3A_328, %broadcast_in_dim3A_344 in 1 : vector<1024x1xf32>, vector<1024x1xf32>, vector<1024x1xf32>, vector<1024x1xf32>, vector<1024x1xf32>, vector<1024x1xf32>, vector<1024x1xf32>, vector<1024x1xf32>, vector<1024x1xf32>, vector<1024x1xf32>, vector<1024x1xf32>, vector<1024x1xf32>, vector<1024x1xf32>, vector<1024x1xf32>, vector<1024x1xf32>, vector<1024x1xf32> -> vector<1024x16xf32>
    %convert_element_type3A_348 = arith.fptosi %concatenate3A_347 : vector<1024x16xf32> to vector<1024x16xi32>
    %add3A_349 = vector.broadcast %mul3A_346 : i32 to vector<1024x16xi32>
    %add3A_350 = arith.addi %convert_element_type3A_348, %add3A_349 : vector<1024x16xi32>
    %swap3A_351 = arith.constant 0 : index
    %swap3A_352 = arith.constant 0 : index
    %swap3A_353 = arith.constant 0 : index
    %swap3A_354 = vector.load %arg12[%swap3A_351, %swap3A_352, %swap3A_353] : memref<1x1024x16xi32, #tpu.memory_space<vmem>>, vector<1x1024x16xi32>
    %swap3A_355 = vector.shape_cast %swap3A_354 : vector<1x1024x16xi32> to vector<1024x16xi32>
    %swap3A_356 = vector.shape_cast %add3A_350 : vector<1024x16xi32> to vector<1x1024x16xi32>
    tpu.vector_store %arg12[%swap3A_351, %swap3A_352, %swap3A_353], %swap3A_356 {strides = array<i32>} : memref<1x1024x16xi32, #tpu.memory_space<vmem>>, vector<1x1024x16xi32>,
    return
  }
  func.func @transform_0(%arg0: i32) -> (i32, i32, i32) {
    %c0_i32 = arith.constant 0 : i32
    %c0_i32_0 = arith.constant 0 : i32
    %c0_i32_1 = arith.constant 0 : i32
    return %arg0, %c0_i32, %c0_i32_0 : i32, i32, i32
  }
  func.func @transform_1(%arg0: i32) -> (i32, i32, i32) {
    %c0_i32 = arith.constant 0 : i32
    %c0_i32_0 = arith.constant 0 : i32
    %c0_i32_1 = arith.constant 0 : i32
    return %arg0, %c0_i32, %c0_i32_0 : i32, i32, i32
  }
  func.func @transform_2(%arg0: i32) -> (i32, i32) {
    %c0_i32 = arith.constant 0 : i32
    %c0_i32_0 = arith.constant 0 : i32
    %c0_i32_1 = arith.constant 0 : i32
    return %c0_i32, %c0_i32_0 : i32, i32
  }
  func.func @transform_3(%arg0: i32) -> (i32, i32) {
    %c0_i32 = arith.constant 0 : i32
    %c0_i32_0 = arith.constant 0 : i32
    %c0_i32_1 = arith.constant 0 : i32
    return %c0_i32, %c0_i32_0 : i32, i32
  }
  func.func @transform_4(%arg0: i32) -> (i32, i32) {
    %c0_i32 = arith.constant 0 : i32
    %c0_i32_0 = arith.constant 0 : i32
    %c0_i32_1 = arith.constant 0 : i32
    return %c0_i32, %c0_i32_0 : i32, i32
  }
  func.func @transform_5(%arg0: i32) -> (i32, i32) {
    %c0_i32 = arith.constant 0 : i32
    %c0_i32_0 = arith.constant 0 : i32
    %c0_i32_1 = arith.constant 0 : i32
    return %c0_i32, %c0_i32_0 : i32, i32
  }
  func.func @transform_6(%arg0: i32) -> (i32, i32) {
    %c0_i32 = arith.constant 0 : i32
    %c0_i32_0 = arith.constant 0 : i32
    %c0_i32_1 = arith.constant 0 : i32
    return %c0_i32, %c0_i32_0 : i32, i32
  }
  func.func @transform_7(%arg0: i32) -> (i32, i32) {
    %c0_i32 = arith.constant 0 : i32
    %c0_i32_0 = arith.constant 0 : i32
    %c0_i32_1 = arith.constant 0 : i32
    return %c0_i32, %c0_i32_0 : i32, i32
  }
  func.func @transform_8(%arg0: i32) -> (i32, i32) {
    %c0_i32 = arith.constant 0 : i32
    %c0_i32_0 = arith.constant 0 : i32
    %c0_i32_1 = arith.constant 0 : i32
    return %c0_i32, %c0_i32_0 : i32, i32
  }
  func.func @transform_9(%arg0: i32) -> (i32, i32) {
    %c0_i32 = arith.constant 0 : i32
    %c0_i32_0 = arith.constant 0 : i32
    %c0_i32_1 = arith.constant 0 : i32
    return %c0_i32, %c0_i32_0 : i32, i32
  }
  func.func @transform_10(%arg0: i32) -> (i32, i32) {
    %c0_i32 = arith.constant 0 : i32
    %c0_i32_0 = arith.constant 0 : i32
    %c0_i32_1 = arith.constant 0 : i32
    return %c0_i32, %c0_i32_0 : i32, i32
  }
  func.func @transform_11(%arg0: i32) -> (i32, i32, i32) {
    %c0_i32 = arith.constant 0 : i32
    %c0_i32_0 = arith.constant 0 : i32
    %c0_i32_1 = arith.constant 0 : i32
    return %arg0, %c0_i32, %c0_i32_0 : i32, i32, i32
  }
  func.func @transform_12(%arg0: i32) -> (i32, i32, i32) {
    %c0_i32 = arith.constant 0 : i32
    %c0_i32_0 = arith.constant 0 : i32
    %c0_i32_1 = arith.constant 0 : i32
    return %arg0, %c0_i32, %c0_i32_0 : i32, i32, i32
  }
  func.func @transform_13(%arg0: i32) -> (i32, i32, i32) {
    %c0_i32 = arith.constant 0 : i32
    %c0_i32_0 = arith.constant 0 : i32
    %c0_i32_1 = arith.constant 0 : i32
    return %arg0, %c0_i32, %c0_i32_0 : i32, i32, i32
  }
  func.func @transform_14(%arg0: i32) -> (i32, i32, i32) {
    %c0_i32 = arith.constant 0 : i32
    %c0_i32_0 = arith.constant 0 : i32
    %c0_i32_1 = arith.constant 0 : i32
    return %arg0, %c0_i32, %c0_i32_0 : i32, i32, i32
  }
  func.func @transform_15(%arg0: i32) -> (i32, i32) {
    %c0_i32 = arith.constant 0 : i32
    %c0_i32_0 = arith.constant 0 : i32
    %c0_i32_1 = arith.constant 0 : i32
    return %c0_i32, %c0_i32_0 : i32, i32
  }
  func.func @transform_16(%arg0: i32) -> (i32, i32) {
    %c0_i32 = arith.constant 0 : i32
    %c0_i32_0 = arith.constant 0 : i32
    %c0_i32_1 = arith.constant 0 : i32
    return %c0_i32, %c0_i32_0 : i32, i32
  }
  func.func @transform_17(%arg0: i32) -> (i32, i32) {
    %c0_i32 = arith.constant 0 : i32
    %c0_i32_0 = arith.constant 0 : i32
    %c0_i32_1 = arith.constant 0 : i32
    return %c0_i32, %c0_i32_0 : i32, i32
  }
}

</mosaic_0001>

<sc_bundles>
// kernel: kernel.5.cloned.1.call-start
scs
__scs_entry_jumppad:
0x0: {  	(pc) =	sbr.rel $0x88, $3  }
0x1: {  	(tag) =	ssettag $0x0;
	lr =	simm.s32 $0x1  }
0x2: {  	[smem:$0x3F90] =	sst lr;
	_ =	strace $0xD0000000  }
0x3: {  	_ = 	snop  }
0x4: {  	_ = 	snop  }
0x5: {  	_ = 	snop  }
0x6: {  	_ = 	snop  }
0x7: {  	_ = 	snop  }
__scs_overlays_trampoline_lowered:
0x8: {  	[smem:$0x3F9F] =	sst s0  }
0x9: {  	[smem:$0x3FA0] =	sst s1  }
0xa: {  	[smem:$0x3FA1] =	sst s2  }
0xb: {  	[smem:$0x3FA2] =	sst s3  }
0xc: {  	[smem:$0x3FA3] =	sst s4  }
0xd: {  	[smem:$0x3FA4] =	sst s5  }
0xe: {  	[smem:$0x3FA5] =	sst s6  }
0xf: {  	[smem:$0x3FA6] =	sst s7  }
0x10: {  	[smem:$0x3FA7] =	sst s8  }
0x11: {  	[smem:$0x3FA8] =	sst s9;
	s0 =	simm.s32 @!p0 $0x0  }
0x12: {  	s1 =	sld [smem:$0x3F8E];
	s0 =	simm.s32 @p0 $0x1  }
0x13: {  	[smem:$0x3FA9] =	sst s0;
	s0 =	simm.s32 @!p1 $0x0  }
0x14: {  	s2 =	sld [smem:$0x3F8D];
	s0 =	simm.s32 @p1 $0x1  }
0x15: {  	[smem:$0x3FAA] =	sst s0;
	s0 =	simm.s32 @!p2 $0x0  }
0x16: {  	s3 =	sld [smem:$0x3FDB];
	s0 =	simm.s32 @p2 $0x1  }
0x17: {  	s4 =	simm.s32 $0x1BF5;
	[smem:$0x3FAC] =	sst s0  }
0x18: {  	s0 =	sld [smem:$0x3F8F];
	_ =	swait.ge [sflag:s4], $0x0  }
0x19: {  	s7 =	sld [smem:$0x3F90]  }
0x1a: {  	s8 =	sadd.s32 $0xFFFFE003, lr  }
0x1b: {  	s9 =	sadd.s32 $0xFFFFFEF7, lr;
	s5 =	simm.s32 $0xFFFFFFFF;
	p2 =	slt.u32 s8, $0xFFFFF086  }
0x1c: {  	p1 =	slt.u32 s9, $0xF7A;
	s5 =	simm.s32 @!p2 $0x0  }
0x1d: {  	s5 =	simm.s32 @p1 $0x1;
	p0 =	seq.s32 s7, s2  }
0x1e: {  	s7 =	smul.u32 @!p0 $0xF7A, s2;
	p2 =	seq.s32 @!p0 s5, $0x0  }
0x1f: {  	s9 =	smul.u32 $0xF7A, s1;
	s8 =	simm.s32 @!p0 $0x1BF5;
	p2 =	por !p2, p0  }
0x20: {  	[sflag:s8] =	ssyncset.s32 @!p0 $0xFFFFF086;
	s6 =	sadd.s32 @!p0 s3, s7;
	s7 =	simm.s32 @!p0 $0x108  }
0x21: {  	s3 =	sadd.s32 s3, s9;
	s6 =	sadd.s32 @!p0 $0x88, s6;
	s7 =	simm.s32 @p2 $0x1082  }
0x22: {  	[simem:s7], [sflag:s8] =	dma.local @!p0 [hbm:s6], $0xF7A  }
0x23: {  	s9 =	sor.u32 $0xD0000000, s2;
	s6 =	simm.s32 $0x108;
	_ =	swait.ge @!p0 [sflag:s8], $0x0  }
0x24: {  	s3 =	sadd.s32 $0x88, s3;
	s6 =	simm.s32 @!p1 $0x1082;
	[sflag:s4] =	ssyncset.s32 $0xFFFFF086  }
0x25: {  	[simem:s6], [sflag:s4] =	dma.local [hbm:s3], $0xF7A  }
0x26: {  	[smem:$0x3F90] =	sst s1;
	(tag) =	ssettag s2;
	_ =	strace s9  }
0x27: {  	s1 =	sld [smem:$0x3FA0]  }
0x28: {  	s2 =	sld [smem:$0x3FA1]  }
0x29: {  	s4 =	sld [smem:$0x3FA3]  }
0x2a: {  	p0 =	seq.s32 s5, $0x0;
	s5 =	sld [smem:$0x3FA4]  }
0x2b: {  	s6 =	sld [smem:$0x3FA5]  }
0x2c: {  	s7 =	sld [smem:$0x3FA6]  }
0x2d: {  	s3 =	simm.s32 $0x108;
	s8 =	sld [smem:$0x3FA7]  }
0x2e: {  	s3 =	simm.s32 @!p0 $0x1082;
	s9 =	sld [smem:$0x3FA8]  }
0x2f: {  	lr =	sadd.s32 s0, s3;
	s0 =	sld [smem:$0x3F9F]  }
0x30: {  	s3 =	sld [smem:$0x3FA2]  }
0x31: {  	[smem:$0x3FAB] =	sst s10  }
0x32: {  	s10 =	sld [smem:$0x3FA9];
	_ =	sdelay $0x3  }
0x33: {  	p0 =	seq.s32 s10, $0x1;
	s10 =	sld [smem:$0x3FAB];
	_ =	sdelay $0x3  }
0x34: {  	[smem:$0x3FAB] =	sst s10  }
0x35: {  	s10 =	sld [smem:$0x3FAA];
	_ =	sdelay $0x3  }
0x36: {  	p1 =	seq.s32 s10, $0x1;
	s10 =	sld [smem:$0x3FAB];
	_ =	sdelay $0x3  }
0x37: {  	[smem:$0x3FAB] =	sst s10  }
0x38: {  	s10 =	sld [smem:$0x3FAC]  }
0x39: {  	_ = 	snop;
	(pc) =	sbr.ind lr, $3  }
0x3a: {  	_ = 	snop  }
0x3b: {  	_ = 	snop  }
0x3c: {  	p2 =	seq.s32 s10, $0x1;
	s10 =	sld [smem:$0x3FAB]  }
0x3d: {  	_ =	shalt  }
0x3e: {  	_ =	shalt  }
0x3f: {  	_ =	shalt  }
0x40: {  	_ =	shalt  }
0x41: {  	_ =	shalt  }
0x42: {  	_ =	shalt  }
0x43: {  	_ =	shalt  }
0x44: {  	_ =	shalt  }
0x45: {  	_ =	shalt  }
0x46: {  	_ =	shalt  }
0x47: {  	_ =	shalt  }
0x48: {  	_ =	shalt  }
0x49: {  	_ =	shalt  }
0x4a: {  	_ =	shalt  }
0x4b: {  	_ =	shalt  }
0x4c: {  	_ =	shalt  }
0x4d: {  	_ =	shalt  }
0x4e: {  	_ =	shalt  }
0x4f: {  	_ =	shalt  }
0x50: {  	_ =	shalt  }
0x51: {  	_ =	shalt  }
0x52: {  	_ =	shalt  }
0x53: {  	_ =	shalt  }
0x54: {  	_ =	shalt  }
0x55: {  	_ =	shalt  }
0x56: {  	_ =	shalt  }
0x57: {  	_ =	shalt  }
0x58: {  	_ =	shalt  }
0x59: {  	_ =	shalt  }
0x5a: {  	_ =	shalt  }
0x5b: {  	_ =	shalt  }
0x5c: {  	_ =	shalt  }
0x5d: {  	_ =	shalt  }
0x5e: {  	_ =	shalt  }
0x5f: {  	_ =	shalt  }
0x60: {  	_ =	shalt  }
0x61: {  	_ =	shalt  }
0x62: {  	_ =	shalt  }
0x63: {  	_ =	shalt  }
0x64: {  	_ =	shalt  }
0x65: {  	_ =	shalt  }
0x66: {  	_ =	shalt  }
0x67: {  	_ =	shalt  }
0x68: {  	_ =	shalt  }
0x69: {  	_ =	shalt  }
0x6a: {  	_ =	shalt  }
0x6b: {  	_ =	shalt  }
0x6c: {  	_ =	shalt  }
0x6d: {  	_ =	shalt  }
0x6e: {  	_ =	shalt  }
0x6f: {  	_ =	shalt  }
0x70: {  	_ =	shalt  }
0x71: {  	_ =	shalt  }
0x72: {  	_ =	shalt  }
0x73: {  	_ =	shalt  }
0x74: {  	_ =	shalt  }
0x75: {  	_ =	shalt  }
0x76: {  	_ =	shalt  }
0x77: {  	_ =	shalt  }
0x78: {  	_ =	shalt  }
0x79: {  	_ =	shalt  }
0x7a: {  	_ =	shalt  }
0x7b: {  	_ =	shalt  }
0x7c: {  	_ =	shalt  }
0x7d: {  	_ =	shalt  }
0x7e: {  	_ =	shalt  }
0x7f: {  	_ =	shalt  }
0x80: {  	_ =	shalt  }
0x81: {  	_ =	shalt  }
0x82: {  	_ =	shalt  }
0x83: {  	_ =	shalt  }
0x84: {  	_ =	shalt  }
0x85: {  	_ =	shalt  }
0x86: {  	_ =	shalt  }
0x87: {  	_ =	shalt  }
.Lfunc_end0:
.L_simem_size_0:
called_computation_lowered:
.L_overlay_start_0:
0x88: {  	s2 =	sld [smem:$0x3FD9]  }
0x89: {  	s3 =	sld [smem:$0x3FFE];
	_ =	sdelay $0x1  }
0x8a: {  	s1 =	srdreg.scid  }
0x8b: {  	s0 =	sand.u32 $0x1, s1  }
0x8c: {  	s14 =	sshll.u32 s0, $0xA;
	s2 =	sadd.s32 s3, s2  }
0x8d: {  	s2 =	sadd.s32 s2, s14  }
0x8e: {  	[smem:$0x3FB7] =	sst s2  }
0x8f: {  	_ = 	snop  }
0x90: {  	s2 =	sld [smem:$0x3FD0];
	_ =	sdelay $0x2  }
0x91: {  	s15 =	simm.s32 $0xA;
	s4 =	simm.s32 $0x10  }
0x92: {  	[smem:s4], [sflag:s15] =	dma.local [hbm:s2], $0x1  }
0x93: {  	_ =	swait.eq [sflag:s15], $0x1  }
0x94: {  	[sflag:s15] =	ssyncset.done $0x0  }
0x95: {  	s16 =	sld [smem:$0x10];
	[sflag:s15] =	ssyncadd.s32 $0xFFFFFFFF  }
0x96: {  	s17 =	sld [smem:$0x11];
	(tm) =	ssettm $0x1  }
0x97: {  	s18 =	sld [smem:$0x3FFB];
	_ =	sdelay $0x3  }
0x98: {  	_ =	strace s18  }
0x99: {  	s4 =	sld [smem:$0x3FFC];
	_ =	sdelay $0x3  }
0x9a: {  	_ =	strace s4  }
0x9b: {  	s4 =	sld [smem:$0x3FFD];
	_ =	sdelay $0x3  }
0x9c: {  	_ =	strace s4  }
0x9d: {  	_ =	strace $0x8FFFFFFF  }
0x9e: {  	s19 =	sld [smem:$0x3FDB];
	_ =	sdelay $0x1  }
0x9f: {  	s5 =	simm.s32 $_scs_section_size  }
0xa0: {  	s6 =	simm.s32 $_size__tile_overlayer_lowered;
	s7 =	simm.s32 $_tile_overlayer_lowered  }
0xa1: {  	s22 =	simm.s32 $0x1BFF;
	s21 =	sshll.u32 s7, $0x1;
	s4 =	sadd.s32 s5, s19  }
0xa2: {  	s8 =	simm.s32 $0x0;
	s20 =	sshll.u32 s6, $0x1;
	s6 =	sadd.s32 s21, s4  }
0xa3: {  	[timem:s8], [sflag:s22] =	dma.local [hbm:s6], s20  }
0xa4: {  	_ =	swait.ge [sflag:s22], s20  }
0xa5: {  	s5 =	ssub.s32 $0x0, s20;
	[sflag:s22] =	ssyncset.done $0x0  }
0xa6: {  	[sflag:s22] =	ssyncadd.s32 s5;
	_ =	sdelay $0x1  }
0xa7: {  	s23 =	simm.s32 $0x1B8B  }
0xa8: {  	_ =	swait.ge [sflag:s23], $0x1  }
0xa9: {  	[sflag:s23] =	ssyncset.done $0x0  }
0xaa: {  	s25 =	simm.s32 $0x1B8E;
	s24 =	sld [smem:$0x3FFE];
	[sflag:s23] =	ssyncadd.s32 $0xFFFFFFFF  }
0xab: {  	s26 =	simm.s32 $execute0_lowered;
	[smem:$0x3FD2] =	sst s25  }
0xac: {  	s6 =	sshll.u32 s26, $0x1;
	_ =	strace $0x80000046;
	[dreg:$0x1] =	wrdreg $0xFFFFFFFF  }
0xad: {  	s28 =	simm.s32 $_size_execute0_lowered;
	s4 =	sadd.s32 s4, s6;
	[dreg:$0x0] =	wrdreg $0x0  }
0xae: {  	s6 =	sshll.u32 s28, $0x1;
	[dreg:$0x2] =	wrdreg s4  }
0xaf: {  	[dreg:$0x3] =	wrdreg s6  }
0xb0: {  	[dreg:$0x4] =	wrdreg $0xC0  }
0xb1: {  	_ =	task [dreg:s8], $0x5FFFF  }
0xb2: {  	[dreg:$0x1] =	wrdreg $0xFFFFFFFF  }
0xb3: {  	[dreg:$0x0] =	wrdreg $0x60  }
0xb4: {  	[dreg:$0x2] =	wrdreg s17  }
0xb5: {  	[dreg:$0x3] =	wrdreg s16  }
0xb6: {  	[dreg:$0x4] =	wrdreg s24  }
0xb7: {  	[dreg:$0x5] =	wrdreg $0x9  }
0xb8: {  	_ =	task.clear_ibuf [dreg:s8], $0x6FFFF;
	_ =	strace $0x90000046  }
0xb9: {  	s29 =	simm.s32 $0x9;
	_ =	strace $0x80000048  }
0xba: {  	_ =	swait.ge [sflag:s29], $0x1  }
0xbb: {  	[sflag:s29] =	ssyncadd.s32 $0xFFFFFFFF  }
0xbc: {  	_ =	strace $0x90000048  }
0xbd: {  	_ =	sfence  }
0xbe: {  	s30 =	sld [smem:$0x0];
	_ =	sdelay $0x2  }
0xbf: {  	s31 =	sshll.u32 s1, $0xD;
	s1 =	sshrl.u32 s1, $0x2  }
0xc0: {  	s3 =	sand.u32 $0x4000, s31;
	s1 =	sadd.s32 s1, s30  }
0xc1: {  	s0 =	sor.u32 s3, s0;
	s1 =	sshll.u32 s1, $0x11  }
0xc2: {  	s0 =	sor.u32 s1, s0  }
0xc3: {  	s0 =	sadd.s32 $0x8F2B, s0  }
0xc4: {  	[sflag:s0] =	ssyncadd.remote.s32 $0x1  }
0xc5: {  	_ =	sfence.sel $0xFFFF  }
0xc6: {  	[dreg:$0x0] =	wrdreg $0xFFFFFFFF;
	(pc) =	sbr.abs _section_cstart, $3  }
0xc7: {  	[dreg:$0x1] =	wrdreg $0xFFFFFFFF  }
0xc8: {  	_ =	task.clear_ibuf [dreg:s8], $0x2FFFF;
	_ =	strace $0x9FFFFFFF  }
0xc9: {  	(tm) =	ssettm $0x7FFFFFFF  }
tec
execute0_lowered:
.L_overlay_start_1:
0x0: {  	(tag) =	ssettag $0x1  }
0x1: {  	s1 =	rddreg [dreg:$0x0]  }
0x2: {  	s0 =	rddreg [dreg:$0x1]  }
0x3: {  	s2 =	rddreg [dreg:$0x2];
	s4 =	srdreg.scid  }
0x4: {  	s3 =	simm.s32 $0x0;
	s6 =	stileid.u32;
	s5 =	sand.u32 $0x1, s4  }
0x5: {  	[smem:$0x7FF] =	sst s3;
	s7 =	sshll.u32 s6, $0x9;
	s8 =	sshll.u32 s5, $0x8  }
0x6: {  	s2 =	sadd.s32 $0x2800, s2;
	_ =	strace $0x80000047;
	s4 =	sor.u32 s8, s7  }
0x7: {  	s5 =	ssub.s32 $0x2, s5;
	s6 =	sadd.s32 s0, s4;
	s7 =	sor.u32 $0x10, s4  }
0x8: {  	s8 =	smul.u32 $0x180, s4;
	s11 =	sor.u32 $0x20, s4;
	s14 =	sor.u32 $0x30, s4  }
0x9: {  	s17 =	sor.u32 $0x40, s4;
	[dreg:$0x4] =	wrdreg s6;
	s9 =	sadd.s32 s0, s7  }
0xa: {  	s20 =	sor.u32 $0x50, s4;
	s12 =	sadd.s32 s0, s11;
	[dreg:$0x5] =	wrdreg s9  }
0xb: {  	s23 =	sor.u32 $0x60, s4;
	s15 =	sadd.s32 s0, s14;
	[dreg:$0x7] =	wrdreg s12  }
0xc: {  	s26 =	sor.u32 $0x70, s4;
	s18 =	sadd.s32 s0, s17;
	[dreg:$0x9] =	wrdreg s15  }
0xd: {  	s30 =	sor.u32 $0x80, s4;
	s21 =	sadd.s32 s0, s20;
	[dreg:$0xb] =	wrdreg s18  }
0xe: {  	s7 =	smul.u32 $0x180, s7;
	s24 =	sadd.s32 s0, s23;
	[dreg:$0xd] =	wrdreg s21  }
0xf: {  	s28 =	sadd.s32 s0, s26;
	s31 =	sadd.s32 s0, s30;
	[dreg:$0xf] =	wrdreg s24  }
0x10: {  	s6 =	simm.s32 $0x5;
	s10 =	sadd.s32 s2, s8;
	[dreg:$0x11] =	wrdreg s28  }
0x11: {  	s8 =	smul.u32 $0x180, s11;
	[dreg:$0x13] =	wrdreg s31;
	s9 =	sor.u32 $0x90, s4  }
0x12: {  	s12 =	sor.u32 $0xA0, s4;
	[dreg:$0x6] =	wrdreg s10;
	s13 =	sadd.s32 s2, s7  }
0x13: {  	s15 =	sor.u32 $0xB0, s4;
	s10 =	sadd.s32 s0, s9;
	[dreg:$0x8] =	wrdreg s13  }
0x14: {  	s7 =	smul.u32 $0x180, s14;
	s16 =	sadd.s32 s2, s8;
	[dreg:$0x15] =	wrdreg s10  }
0x15: {  	s18 =	sor.u32 $0xC0, s4;
	s13 =	sadd.s32 s0, s12;
	[dreg:$0xa] =	wrdreg s16  }
0x16: {  	s8 =	smul.u32 $0x180, s17;
	s19 =	sadd.s32 s2, s7;
	[dreg:$0x17] =	wrdreg s13  }
0x17: {  	s21 =	sor.u32 $0xD0, s4;
	s16 =	sadd.s32 s0, s15;
	[dreg:$0xc] =	wrdreg s19  }
0x18: {  	s7 =	smul.u32 $0x180, s20;
	s22 =	sadd.s32 s2, s8;
	[dreg:$0x19] =	wrdreg s16  }
0x19: {  	s24 =	sor.u32 $0xE0, s4;
	s19 =	sadd.s32 s0, s18;
	[dreg:$0xe] =	wrdreg s22  }
0x1a: {  	s8 =	smul.u32 $0x180, s23;
	s25 =	sadd.s32 s2, s7;
	[dreg:$0x1b] =	wrdreg s19  }
0x1b: {  	s4 =	sor.u32 $0xF0, s4;
	s22 =	sadd.s32 s0, s21;
	[dreg:$0x10] =	wrdreg s25  }
0x1c: {  	s28 =	smul.u32 $0x180, s24;
	s29 =	sadd.s32 s2, s8;
	[dreg:$0x1d] =	wrdreg s22  }
0x1d: {  	s7 =	smul.u32 $0x180, s26;
	s25 =	sadd.s32 s0, s24;
	[dreg:$0x12] =	wrdreg s29  }
0x1e: {  	s8 =	smul.u32 $0x180, s30;
	s0 =	sadd.s32 s0, s4;
	[dreg:$0x1f] =	wrdreg s25  }
0x1f: {  	s30 =	sadd.s32 s2, s28;
	s24 =	simm.s32 $0x3;
	[smem:$0x7FB] =	sst s0  }
0x20: {  	s7 =	sadd.s32 s2, s7;
	s29 =	smul.u32 $0x180, s4;
	[smem:$0x7FC] =	sst s30  }
0x21: {  	s4 =	sadd.s32 $0x100, s1;
	[dreg:$0x14] =	wrdreg s7;
	s7 =	smul.u32 $0x180, s9  }
0x22: {  	s25 =	simm.s32 $0x2;
	s11 =	sadd.s32 s2, s8;
	s8 =	smul.u32 $0x180, s12  }
0x23: {  	s9 =	sshrl.u32 s5, $0x1;
	[dreg:$0x16] =	wrdreg s11;
	s31 =	sadd.s32 s2, s29  }
0x24: {  	s14 =	sadd.s32 s2, s7;
	s7 =	smul.u32 $0x180, s15;
	[smem:$0x7FD] =	sst s31  }
0x25: {  	s17 =	sadd.s32 s2, s8;
	s8 =	smul.u32 $0x180, s18;
	[dreg:$0x18] =	wrdreg s14  }
0x26: {  	[dreg:$0x1a] =	wrdreg s17;
	s20 =	sadd.s32 s2, s7;
	s7 =	smul.u32 $0x180, s21  }
0x27: {  	v2 =	vlaneseq.u32;
	s5 =	ssub.s32 s5, s9;
	s23 =	sadd.s32 s2, s8;
	[dreg:$0x1c] =	wrdreg s20  }
0x28: {  	vm0 =	vmmov $0xffff;
	vm1 =	vmmov $0xff;
	v1 =	vshrl.u32 v2, $0x3;
	s0 =	smax.u32 s5, $0x1;
	[dreg:$0x1e] =	wrdreg s23;
	s26 =	sadd.s32 s2, s7  }
0x29: {  	v0 =	vand.u32 $0x7, v2;
	v2 =	vor.u32 $0x8, v2;
	v1 =	vmul.u32 $0x8, v1;
	s23 =	simm.s32 $0x1;
	[smem:$0x7FA] =	sst s26;
	s26 =	simm.s32 $0x4  }
.LBB2_1:
0x2a: {  	[smem:$0x7F9] =	sst s0  }
0x2b: {  	s28 =	rddreg [dreg:$0x4]  }
0x2c: {  	[tilespmem:s3], [sflag:$0x5] =	stream.linear.gather [hbm4b:s28+s3], $0x80, $0x38;
	[tilespmem:$0x18100] =	vst v63  }
0x2d: {  	_ =	swait.ge [sflag:s6], $0x80  }
0x2e: {  	[sflag:s6] =	ssyncset.done $0x0  }
0x2f: {  	[sflag:s6] =	ssyncadd.s32 $0xFFFFFF80  }
0x30: {  	v3 =	vld [tilespmem:$0x0];
	_ =	sdelay $0x4  }
0x31: {  	v4 =	vshrl.u32 v3, $0x3  }
0x32: {  	v4 =	vmul.u32 $0x18, v4  }
0x33: {  	v3 =	vand.u32 $0x7, v3  }
0x34: {  	v3 =	vor.u32 v3, v4  }
0x35: {  	v4 =	vperm.xlane v3, v0;
	_ =	sdelay $0x1  }
0x36: {  	v4 =	vadd.s32 v1, v4;
	_ =	sdelay $0x1  }
0x37: {  	v3 =	vperm.xlane v3, v2;
	_ =	sdelay $0x1  }
0x38: {  	s28 =	simm.s32 $0x100;
	v3 =	vadd.s32 v1, v3  }
0x39: {  	[tilespmem:s28], [sflag:$0x1] =	stream.indirect_vreg.gather [hbm4b:s1+s3], $0x80, v4, vm0, $0xb8;
	[tilespmem:$0x18100] =	vst v63  }
0x3a: {  	s29 =	simm.s32 $0x900  }
0x3b: {  	[tilespmem:s29], [sflag:$0x1] =	stream.indirect_vreg.gather [hbm4b:s4+s3], $0x80, v4, vm1, $0xb8;
	[tilespmem:$0x18100] =	vst v63  }
0x3c: {  	s30 =	simm.s32 $0xD00  }
0x3d: {  	[tilespmem:s30], [sflag:$0x1] =	stream.indirect_vreg.gather [hbm4b:s1+s3], $0x80, v3, vm0, $0xb8;
	[tilespmem:$0x18100] =	vst v63  }
0x3e: {  	s31 =	simm.s32 $0x1500  }
0x3f: {  	[tilespmem:s31], [sflag:$0x1] =	stream.indirect_vreg.gather [hbm4b:s4+s3], $0x80, v3, vm1, $0xb8;
	[tilespmem:$0x18100] =	vst v63  }
0x40: {  	v3 =	vld [tilespmem:$0x10];
	_ =	sdelay $0x4  }
0x41: {  	v49 =	vshrl.u32 v3, $0x3  }
0x42: {  	v4 =	vmul.u32 $0x18, v49  }
0x43: {  	v3 =	vand.u32 $0x7, v3  }
0x44: {  	v3 =	vor.u32 v3, v4  }
0x45: {  	v4 =	vperm.xlane v3, v0;
	_ =	sdelay $0x1  }
0x46: {  	v4 =	vadd.s32 v1, v4;
	_ =	sdelay $0x1  }
0x47: {  	v3 =	vperm.xlane v3, v2;
	_ =	sdelay $0x1  }
0x48: {  	s2 =	simm.s32 $0x1900;
	v3 =	vadd.s32 v1, v3  }
0x49: {  	[tilespmem:s2], [sflag:$0x1] =	stream.indirect_vreg.gather [hbm4b:s1+s3], $0x80, v4, vm0, $0xb8;
	[tilespmem:$0x18100] =	vst v63  }
0x4a: {  	s7 =	simm.s32 $0x2100  }
0x4b: {  	[tilespmem:s7], [sflag:$0x1] =	stream.indirect_vreg.gather [hbm4b:s4+s3], $0x80, v4, vm1, $0xb8;
	[tilespmem:$0x18100] =	vst v63  }
0x4c: {  	s8 =	simm.s32 $0x2500  }
0x4d: {  	[tilespmem:s8], [sflag:$0x1] =	stream.indirect_vreg.gather [hbm4b:s1+s3], $0x80, v3, vm0, $0xb8;
	[tilespmem:$0x18100] =	vst v63  }
0x4e: {  	s9 =	simm.s32 $0x2D00  }
0x4f: {  	[tilespmem:s9], [sflag:$0x1] =	stream.indirect_vreg.gather [hbm4b:s4+s3], $0x80, v3, vm1, $0xb8;
	[tilespmem:$0x18100] =	vst v63  }
0x50: {  	v3 =	vld [tilespmem:$0x20];
	_ =	sdelay $0x4  }
0x51: {  	v50 =	vshrl.u32 v3, $0x3  }
0x52: {  	v4 =	vmul.u32 $0x18, v50  }
0x53: {  	v3 =	vand.u32 $0x7, v3  }
0x54: {  	v3 =	vor.u32 v3, v4  }
0x55: {  	v4 =	vperm.xlane v3, v0;
	_ =	sdelay $0x1  }
0x56: {  	v4 =	vadd.s32 v1, v4;
	_ =	sdelay $0x1  }
0x57: {  	v3 =	vperm.xlane v3, v2;
	_ =	sdelay $0x1  }
0x58: {  	s10 =	simm.s32 $0x3100;
	v3 =	vadd.s32 v1, v3  }
0x59: {  	[tilespmem:s10], [sflag:$0x1] =	stream.indirect_vreg.gather [hbm4b:s1+s3], $0x80, v4, vm0, $0xb8;
	[tilespmem:$0x18100] =	vst v63  }
0x5a: {  	s11 =	simm.s32 $0x3900  }
0x5b: {  	[tilespmem:s11], [sflag:$0x1] =	stream.indirect_vreg.gather [hbm4b:s4+s3], $0x80, v4, vm1, $0xb8;
	[tilespmem:$0x18100] =	vst v63  }
0x5c: {  	s12 =	simm.s32 $0x3D00  }
0x5d: {  	[tilespmem:s12], [sflag:$0x1] =	stream.indirect_vreg.gather [hbm4b:s1+s3], $0x80, v3, vm0, $0xb8;
	[tilespmem:$0x18100] =	vst v63  }
0x5e: {  	s13 =	simm.s32 $0x4500  }
0x5f: {  	[tilespmem:s13], [sflag:$0x1] =	stream.indirect_vreg.gather [hbm4b:s4+s3], $0x80, v3, vm1, $0xb8;
	[tilespmem:$0x18100] =	vst v63  }
0x60: {  	v3 =	vld [tilespmem:$0x30];
	_ =	sdelay $0x4  }
0x61: {  	v51 =	vshrl.u32 v3, $0x3  }
0x62: {  	v4 =	vmul.u32 $0x18, v51  }
0x63: {  	v3 =	vand.u32 $0x7, v3  }
0x64: {  	v3 =	vor.u32 v3, v4  }
0x65: {  	v4 =	vperm.xlane v3, v0;
	_ =	sdelay $0x1  }
0x66: {  	v4 =	vadd.s32 v1, v4;
	_ =	sdelay $0x1  }
0x67: {  	v3 =	vperm.xlane v3, v2;
	_ =	sdelay $0x1  }
0x68: {  	s14 =	simm.s32 $0x4900;
	v3 =	vadd.s32 v1, v3  }
0x69: {  	[tilespmem:s14], [sflag:$0x1] =	stream.indirect_vreg.gather [hbm4b:s1+s3], $0x80, v4, vm0, $0xb8;
	[tilespmem:$0x18100] =	vst v63  }
0x6a: {  	s15 =	simm.s32 $0x5100  }
0x6b: {  	[tilespmem:s15], [sflag:$0x1] =	stream.indirect_vreg.gather [hbm4b:s4+s3], $0x80, v4, vm1, $0xb8;
	[tilespmem:$0x18100] =	vst v63  }
0x6c: {  	s16 =	simm.s32 $0x5500  }
0x6d: {  	[tilespmem:s16], [sflag:$0x1] =	stream.indirect_vreg.gather [hbm4b:s1+s3], $0x80, v3, vm0, $0xb8;
	[tilespmem:$0x18100] =	vst v63  }
0x6e: {  	s17 =	simm.s32 $0x5D00  }
0x6f: {  	[tilespmem:s17], [sflag:$0x1] =	stream.indirect_vreg.gather [hbm4b:s4+s3], $0x80, v3, vm1, $0xb8;
	[tilespmem:$0x18100] =	vst v63  }
0x70: {  	v3 =	vld [tilespmem:$0x40];
	_ =	sdelay $0x4  }
0x71: {  	v52 =	vshrl.u32 v3, $0x3  }
0x72: {  	v4 =	vmul.u32 $0x18, v52  }
0x73: {  	v3 =	vand.u32 $0x7, v3  }
0x74: {  	v3 =	vor.u32 v3, v4  }
0x75: {  	v4 =	vperm.xlane v3, v0;
	_ =	sdelay $0x1  }
0x76: {  	v4 =	vadd.s32 v1, v4;
	_ =	sdelay $0x1  }
0x77: {  	v3 =	vperm.xlane v3, v2;
	_ =	sdelay $0x1  }
0x78: {  	s18 =	simm.s32 $0x6100;
	v3 =	vadd.s32 v1, v3  }
0x79: {  	[tilespmem:s18], [sflag:$0x1] =	stream.indirect_vreg.gather [hbm4b:s1+s3], $0x80, v4, vm0, $0xb8;
	[tilespmem:$0x18100] =	vst v63  }
0x7a: {  	s19 =	simm.s32 $0x6900  }
0x7b: {  	[tilespmem:s19], [sflag:$0x1] =	stream.indirect_vreg.gather [hbm4b:s4+s3], $0x80, v4, vm1, $0xb8;
	[tilespmem:$0x18100] =	vst v63  }
0x7c: {  	s20 =	simm.s32 $0x6D00  }
0x7d: {  	[tilespmem:s20], [sflag:$0x1] =	stream.indirect_vreg.gather [hbm4b:s1+s3], $0x80, v3, vm0, $0xb8;
	[tilespmem:$0x18100] =	vst v63  }
0x7e: {  	s21 =	simm.s32 $0x7500  }
0x7f: {  	[tilespmem:s21], [sflag:$0x1] =	stream.indirect_vreg.gather [hbm4b:s4+s3], $0x80, v3, vm1, $0xb8;
	[tilespmem:$0x18100] =	vst v63  }
0x80: {  	v3 =	vld [tilespmem:$0x50];
	_ =	sdelay $0x4  }
0x81: {  	v53 =	vshrl.u32 v3, $0x3  }
0x82: {  	v4 =	vmul.u32 $0x18, v53  }
0x83: {  	v3 =	vand.u32 $0x7, v3  }
0x84: {  	v3 =	vor.u32 v3, v4  }
0x85: {  	v4 =	vperm.xlane v3, v0;
	_ =	sdelay $0x1  }
0x86: {  	v4 =	vadd.s32 v1, v4;
	_ =	sdelay $0x1  }
0x87: {  	v3 =	vperm.xlane v3, v2;
	_ =	sdelay $0x1  }
0x88: {  	s22 =	simm.s32 $0x7900;
	v3 =	vadd.s32 v1, v3  }
0x89: {  	[tilespmem:s22], [sflag:$0x1] =	stream.indirect_vreg.gather [hbm4b:s1+s3], $0x80, v4, vm0, $0xb8;
	[tilespmem:$0x18100] =	vst v63  }
0x8a: {  	s28 =	simm.s32 $0x8100  }
0x8b: {  	[tilespmem:s28], [sflag:$0x1] =	stream.indirect_vreg.gather [hbm4b:s4+s3], $0x80, v4, vm1, $0xb8;
	[tilespmem:$0x18100] =	vst v63  }
0x8c: {  	s29 =	simm.s32 $0x8500  }
0x8d: {  	[tilespmem:s29], [sflag:$0x1] =	stream.indirect_vreg.gather [hbm4b:s1+s3], $0x80, v3, vm0, $0xb8;
	[tilespmem:$0x18100] =	vst v63  }
0x8e: {  	s30 =	simm.s32 $0x8D00  }
0x8f: {  	[tilespmem:s30], [sflag:$0x1] =	stream.indirect_vreg.gather [hbm4b:s4+s3], $0x80, v3, vm1, $0xb8;
	[tilespmem:$0x18100] =	vst v63  }
0x90: {  	v3 =	vld [tilespmem:$0x60];
	_ =	sdelay $0x4  }
0x91: {  	v54 =	vshrl.u32 v3, $0x3  }
0x92: {  	v4 =	vmul.u32 $0x18, v54  }
0x93: {  	v3 =	vand.u32 $0x7, v3  }
0x94: {  	v3 =	vor.u32 v3, v4  }
0x95: {  	v4 =	vperm.xlane v3, v0;
	_ =	sdelay $0x1  }
0x96: {  	v4 =	vadd.s32 v1, v4;
	_ =	sdelay $0x1  }
0x97: {  	v3 =	vperm.xlane v3, v2;
	_ =	sdelay $0x1  }
0x98: {  	s31 =	simm.s32 $0x9100;
	v3 =	vadd.s32 v1, v3  }
0x99: {  	[tilespmem:s31], [sflag:$0x1] =	stream.indirect_vreg.gather [hbm4b:s1+s3], $0x80, v4, vm0, $0xb8;
	[tilespmem:$0x18100] =	vst v63  }
0x9a: {  	s2 =	simm.s32 $0x9900  }
0x9b: {  	[tilespmem:s2], [sflag:$0x1] =	stream.indirect_vreg.gather [hbm4b:s4+s3], $0x80, v4, vm1, $0xb8;
	[tilespmem:$0x18100] =	vst v63  }
0x9c: {  	s7 =	simm.s32 $0x9D00  }
0x9d: {  	[tilespmem:s7], [sflag:$0x1] =	stream.indirect_vreg.gather [hbm4b:s1+s3], $0x80, v3, vm0, $0xb8;
	[tilespmem:$0x18100] =	vst v63  }
0x9e: {  	s8 =	simm.s32 $0xA500  }
0x9f: {  	[tilespmem:s8], [sflag:$0x1] =	stream.indirect_vreg.gather [hbm4b:s4+s3], $0x80, v3, vm1, $0xb8;
	[tilespmem:$0x18100] =	vst v63  }
0xa0: {  	v3 =	vld [tilespmem:$0x70];
	_ =	sdelay $0x4  }
0xa1: {  	v55 =	vshrl.u32 v3, $0x3  }
0xa2: {  	v4 =	vmul.u32 $0x18, v55  }
0xa3: {  	v3 =	vand.u32 $0x7, v3  }
0xa4: {  	v3 =	vor.u32 v3, v4  }
0xa5: {  	v4 =	vperm.xlane v3, v0;
	_ =	sdelay $0x1  }
0xa6: {  	v4 =	vadd.s32 v1, v4;
	_ =	sdelay $0x1  }
0xa7: {  	v3 =	vperm.xlane v3, v2;
	_ =	sdelay $0x1  }
0xa8: {  	s10 =	simm.s32 $0xA900;
	v3 =	vadd.s32 v1, v3  }
0xa9: {  	[tilespmem:s10], [sflag:$0x1] =	stream.indirect_vreg.gather [hbm4b:s1+s3], $0x80, v4, vm0, $0xb8;
	[tilespmem:$0x18100] =	vst v63  }
0xaa: {  	s11 =	simm.s32 $0xB100  }
0xab: {  	[tilespmem:s11], [sflag:$0x1] =	stream.indirect_vreg.gather [hbm4b:s4+s3], $0x80, v4, vm1, $0xb8;
	[tilespmem:$0x18100] =	vst v63  }
0xac: {  	s13 =	simm.s32 $0xB500  }
0xad: {  	[tilespmem:s13], [sflag:$0x1] =	stream.indirect_vreg.gather [hbm4b:s1+s3], $0x80, v3, vm0, $0xb8;
	[tilespmem:$0x18100] =	vst v63  }
0xae: {  	s18 =	simm.s32 $0xBD00  }
0xaf: {  	[tilespmem:s18], [sflag:$0x1] =	stream.indirect_vreg.gather [hbm4b:s4+s3], $0x80, v3, vm1, $0xb8;
	[tilespmem:$0x18100] =	vst v63  }
0xb0: {  	s14 =	rddreg [dreg:$0x5];
	s19 =	simm.s32 $0x80  }
0xb1: {  	[tilespmem:s19], [sflag:$0x5] =	stream.linear.gather [hbm4b:s14+s3], $0x80, $0x38;
	[tilespmem:$0x18100] =	vst v63  }
0xb2: {  	_ =	swait.ge [sflag:s6], $0x80  }
0xb3: {  	[sflag:s6] =	ssyncset.done $0x0  }
0xb4: {  	[sflag:s6] =	ssyncadd.s32 $0xFFFFFF80  }
0xb5: {  	v3 =	vld [tilespmem:$0x80];
	_ =	sdelay $0x4  }
0xb6: {  	v56 =	vshrl.u32 v3, $0x3  }
0xb7: {  	v4 =	vmul.u32 $0x18, v56  }
0xb8: {  	v3 =	vand.u32 $0x7, v3  }
0xb9: {  	v3 =	vor.u32 v3, v4  }
0xba: {  	v4 =	vperm.xlane v3, v0;
	_ =	sdelay $0x1  }
0xbb: {  	v4 =	vadd.s32 v1, v4;
	_ =	sdelay $0x1  }
0xbc: {  	v3 =	vperm.xlane v3, v2;
	_ =	sdelay $0x1  }
0xbd: {  	s20 =	simm.s32 $0xC100;
	v3 =	vadd.s32 v1, v3  }
0xbe: {  	[tilespmem:s20], [sflag:$0x2] =	stream.indirect_vreg.gather [hbm4b:s1+s3], $0x80, v4, vm0, $0xb8;
	[tilespmem:$0x18100] =	vst v63  }
0xbf: {  	s21 =	simm.s32 $0xC900  }
0xc0: {  	[tilespmem:s21], [sflag:$0x2] =	stream.indirect_vreg.gather [hbm4b:s4+s3], $0x80, v4, vm1, $0xb8;
	[tilespmem:$0x18100] =	vst v63  }
0xc1: {  	s22 =	simm.s32 $0xCD00  }
0xc2: {  	[tilespmem:s22], [sflag:$0x2] =	stream.indirect_vreg.gather [hbm4b:s1+s3], $0x80, v3, vm0, $0xb8;
	[tilespmem:$0x18100] =	vst v63  }
0xc3: {  	s29 =	simm.s32 $0xD500  }
0xc4: {  	[tilespmem:s29], [sflag:$0x2] =	stream.indirect_vreg.gather [hbm4b:s4+s3], $0x80, v3, vm1, $0xb8;
	[tilespmem:$0x18100] =	vst v63  }
0xc5: {  	v3 =	vld [tilespmem:$0x90];
	_ =	sdelay $0x4  }
0xc6: {  	v57 =	vshrl.u32 v3, $0x3  }
0xc7: {  	v4 =	vmul.u32 $0x18, v57  }
0xc8: {  	v3 =	vand.u32 $0x7, v3  }
0xc9: {  	v3 =	vor.u32 v3, v4  }
0xca: {  	v4 =	vperm.xlane v3, v0;
	_ =	sdelay $0x1  }
0xcb: {  	v4 =	vadd.s32 v1, v4;
	_ =	sdelay $0x1  }
0xcc: {  	v3 =	vperm.xlane v3, v2;
	_ =	sdelay $0x1  }
0xcd: {  	s30 =	simm.s32 $0xD900;
	v3 =	vadd.s32 v1, v3  }
0xce: {  	[tilespmem:s30], [sflag:$0x2] =	stream.indirect_vreg.gather [hbm4b:s1+s3], $0x80, v4, vm0, $0xb8;
	[tilespmem:$0x18100] =	vst v63  }
0xcf: {  	s31 =	simm.s32 $0xE100  }
0xd0: {  	[tilespmem:s31], [sflag:$0x2] =	stream.indirect_vreg.gather [hbm4b:s4+s3], $0x80, v4, vm1, $0xb8;
	[tilespmem:$0x18100] =	vst v63  }
0xd1: {  	s0 =	simm.s32 $0xE500  }
0xd2: {  	[tilespmem:s0], [sflag:$0x2] =	stream.indirect_vreg.gather [hbm4b:s1+s3], $0x80, v3, vm0, $0xb8;
	[tilespmem:$0x18100] =	vst v63  }
0xd3: {  	s2 =	simm.s32 $0xED00  }
0xd4: {  	[tilespmem:s2], [sflag:$0x2] =	stream.indirect_vreg.gather [hbm4b:s4+s3], $0x80, v3, vm1, $0xb8;
	[tilespmem:$0x18100] =	vst v63  }
0xd5: {  	v3 =	vld [tilespmem:$0xA0];
	_ =	sdelay $0x4  }
0xd6: {  	v58 =	vshrl.u32 v3, $0x3  }
0xd7: {  	v4 =	vmul.u32 $0x18, v58  }
0xd8: {  	v3 =	vand.u32 $0x7, v3  }
0xd9: {  	v3 =	vor.u32 v3, v4  }
0xda: {  	v4 =	vperm.xlane v3, v0;
	_ =	sdelay $0x1  }
0xdb: {  	v4 =	vadd.s32 v1, v4;
	_ =	sdelay $0x1  }
0xdc: {  	v3 =	vperm.xlane v3, v2;
	_ =	sdelay $0x1  }
0xdd: {  	s7 =	simm.s32 $0xF100;
	v3 =	vadd.s32 v1, v3  }
0xde: {  	[tilespmem:s7], [sflag:$0x2] =	stream.indirect_vreg.gather [hbm4b:s1+s3], $0x80, v4, vm0, $0xb8;
	[tilespmem:$0x18100] =	vst v63  }
0xdf: {  	s8 =	simm.s32 $0xF900  }
0xe0: {  	[tilespmem:s8], [sflag:$0x2] =	stream.indirect_vreg.gather [hbm4b:s4+s3], $0x80, v4, vm1, $0xb8;
	[tilespmem:$0x18100] =	vst v63  }
0xe1: {  	s10 =	simm.s32 $0xFD00  }
0xe2: {  	[tilespmem:s10], [sflag:$0x2] =	stream.indirect_vreg.gather [hbm4b:s1+s3], $0x80, v3, vm0, $0xb8;
	[tilespmem:$0x18100] =	vst v63  }
0xe3: {  	s11 =	simm.s32 $0x10500  }
0xe4: {  	[tilespmem:s11], [sflag:$0x2] =	stream.indirect_vreg.gather [hbm4b:s4+s3], $0x80, v3, vm1, $0xb8;
	[tilespmem:$0x18100] =	vst v63  }
0xe5: {  	v3 =	vld [tilespmem:$0xB0];
	_ =	sdelay $0x4  }
0xe6: {  	v59 =	vshrl.u32 v3, $0x3  }
0xe7: {  	v4 =	vmul.u32 $0x18, v59  }
0xe8: {  	v3 =	vand.u32 $0x7, v3  }
0xe9: {  	v3 =	vor.u32 v3, v4  }
0xea: {  	v4 =	vperm.xlane v3, v0;
	_ =	sdelay $0x1  }
0xeb: {  	v4 =	vadd.s32 v1, v4;
	_ =	sdelay $0x1  }
0xec: {  	v3 =	vperm.xlane v3, v2;
	_ =	sdelay $0x1  }
0xed: {  	s13 =	simm.s32 $0x10900;
	v3 =	vadd.s32 v1, v3  }
0xee: {  	[tilespmem:s13], [sflag:$0x2] =	stream.indirect_vreg.gather [hbm4b:s1+s3], $0x80, v4, vm0, $0xb8;
	[tilespmem:$0x18100] =	vst v63  }
0xef: {  	s14 =	simm.s32 $0x11100  }
0xf0: {  	[tilespmem:s14], [sflag:$0x2] =	stream.indirect_vreg.gather [hbm4b:s4+s3], $0x80, v4, vm1, $0xb8;
	[tilespmem:$0x18100] =	vst v63  }
0xf1: {  	s18 =	simm.s32 $0x11500  }
0xf2: {  	[tilespmem:s18], [sflag:$0x2] =	stream.indirect_vreg.gather [hbm4b:s1+s3], $0x80, v3, vm0, $0xb8;
	[tilespmem:$0x18100] =	vst v63  }
0xf3: {  	s19 =	simm.s32 $0x11D00  }
0xf4: {  	[tilespmem:s19], [sflag:$0x2] =	stream.indirect_vreg.gather [hbm4b:s4+s3], $0x80, v3, vm1, $0xb8;
	[tilespmem:$0x18100] =	vst v63  }
0xf5: {  	v3 =	vld [tilespmem:$0xC0];
	_ =	sdelay $0x4  }
0xf6: {  	v60 =	vshrl.u32 v3, $0x3  }
0xf7: {  	v4 =	vmul.u32 $0x18, v60  }
0xf8: {  	v3 =	vand.u32 $0x7, v3  }
0xf9: {  	v3 =	vor.u32 v3, v4  }
0xfa: {  	v4 =	vperm.xlane v3, v0;
	_ =	sdelay $0x1  }
0xfb: {  	v4 =	vadd.s32 v1, v4;
	_ =	sdelay $0x1  }
0xfc: {  	v3 =	vperm.xlane v3, v2;
	_ =	sdelay $0x1  }
0xfd: {  	s20 =	simm.s32 $0x12100;
	v3 =	vadd.s32 v1, v3  }
0xfe: {  	[tilespmem:s20], [sflag:$0x2] =	stream.indirect_vreg.gather [hbm4b:s1+s3], $0x80, v4, vm0, $0xb8;
	[tilespmem:$0x18100] =	vst v63  }
0xff: {  	s21 =	simm.s32 $0x12900  }
0x100: {  	[tilespmem:s21], [sflag:$0x2] =	stream.indirect_vreg.gather [hbm4b:s4+s3], $0x80, v4, vm1, $0xb8;
	[tilespmem:$0x18100] =	vst v63  }
0x101: {  	s22 =	simm.s32 $0x12D00  }
0x102: {  	[tilespmem:s22], [sflag:$0x2] =	stream.indirect_vreg.gather [hbm4b:s1+s3], $0x80, v3, vm0, $0xb8;
	[tilespmem:$0x18100] =	vst v63  }
0x103: {  	s29 =	simm.s32 $0x13500  }
0x104: {  	[tilespmem:s29], [sflag:$0x2] =	stream.indirect_vreg.gather [hbm4b:s4+s3], $0x80, v3, vm1, $0xb8;
	[tilespmem:$0x18100] =	vst v63  }
0x105: {  	v3 =	vld [tilespmem:$0xD0];
	_ =	sdelay $0x4  }
0x106: {  	v61 =	vshrl.u32 v3, $0x3  }
0x107: {  	v4 =	vmul.u32 $0x18, v61  }
0x108: {  	v3 =	vand.u32 $0x7, v3  }
0x109: {  	v3 =	vor.u32 v3, v4  }
0x10a: {  	v4 =	vperm.xlane v3, v0;
	_ =	sdelay $0x1  }
0x10b: {  	v4 =	vadd.s32 v1, v4;
	_ =	sdelay $0x1  }
0x10c: {  	v3 =	vperm.xlane v3, v2;
	_ =	sdelay $0x1  }
0x10d: {  	s30 =	simm.s32 $0x13900;
	v3 =	vadd.s32 v1, v3  }
0x10e: {  	[tilespmem:s30], [sflag:$0x2] =	stream.indirect_vreg.gather [hbm4b:s1+s3], $0x80, v4, vm0, $0xb8;
	[tilespmem:$0x18100] =	vst v63  }
0x10f: {  	s31 =	simm.s32 $0x14100  }
0x110: {  	[tilespmem:s31], [sflag:$0x2] =	stream.indirect_vreg.gather [hbm4b:s4+s3], $0x80, v4, vm1, $0xb8;
	[tilespmem:$0x18100] =	vst v63  }
0x111: {  	s0 =	simm.s32 $0x14500  }
0x112: {  	[tilespmem:s0], [sflag:$0x2] =	stream.indirect_vreg.gather [hbm4b:s1+s3], $0x80, v3, vm0, $0xb8;
	[tilespmem:$0x18100] =	vst v63  }
0x113: {  	s2 =	simm.s32 $0x14D00  }
0x114: {  	[tilespmem:s2], [sflag:$0x2] =	stream.indirect_vreg.gather [hbm4b:s4+s3], $0x80, v3, vm1, $0xb8;
	[tilespmem:$0x18100] =	vst v63  }
0x115: {  	v3 =	vld [tilespmem:$0xE0];
	_ =	sdelay $0x4  }
0x116: {  	v62 =	vshrl.u32 v3, $0x3  }
0x117: {  	v4 =	vmul.u32 $0x18, v62  }
0x118: {  	v3 =	vand.u32 $0x7, v3  }
0x119: {  	v3 =	vor.u32 v3, v4  }
0x11a: {  	v4 =	vperm.xlane v3, v0;
	_ =	sdelay $0x1  }
0x11b: {  	v4 =	vadd.s32 v1, v4;
	_ =	sdelay $0x1  }
0x11c: {  	v3 =	vperm.xlane v3, v2;
	_ =	sdelay $0x1  }
0x11d: {  	s7 =	simm.s32 $0x15100;
	v3 =	vadd.s32 v1, v3  }
0x11e: {  	[tilespmem:s7], [sflag:$0x2] =	stream.indirect_vreg.gather [hbm4b:s1+s3], $0x80, v4, vm0, $0xb8;
	[tilespmem:$0x18100] =	vst v63  }
0x11f: {  	s8 =	simm.s32 $0x15900  }
0x120: {  	[tilespmem:s8], [sflag:$0x2] =	stream.indirect_vreg.gather [hbm4b:s4+s3], $0x80, v4, vm1, $0xb8;
	[tilespmem:$0x18100] =	vst v63  }
0x121: {  	s10 =	simm.s32 $0x15D00  }
0x122: {  	[tilespmem:s10], [sflag:$0x2] =	stream.indirect_vreg.gather [hbm4b:s1+s3], $0x80, v3, vm0, $0xb8;
	[tilespmem:$0x18100] =	vst v63  }
0x123: {  	s11 =	simm.s32 $0x16500  }
0x124: {  	[tilespmem:s11], [sflag:$0x2] =	stream.indirect_vreg.gather [hbm4b:s4+s3], $0x80, v3, vm1, $0xb8;
	[tilespmem:$0x18100] =	vst v63  }
0x125: {  	v3 =	vld [tilespmem:$0xF0];
	_ =	sdelay $0x4  }
0x126: {  	v63 =	vshrl.u32 v3, $0x3  }
0x127: {  	v4 =	vmul.u32 $0x18, v63  }
0x128: {  	v3 =	vand.u32 $0x7, v3  }
0x129: {  	v3 =	vor.u32 v3, v4  }
0x12a: {  	v4 =	vperm.xlane v3, v0;
	_ =	sdelay $0x1  }
0x12b: {  	v4 =	vadd.s32 v1, v4;
	_ =	sdelay $0x1  }
0x12c: {  	v3 =	vperm.xlane v3, v2;
	_ =	sdelay $0x1  }
0x12d: {  	s13 =	simm.s32 $0x16900;
	v3 =	vadd.s32 v1, v3  }
0x12e: {  	[tilespmem:s13], [sflag:$0x2] =	stream.indirect_vreg.gather [hbm4b:s1+s3], $0x80, v4, vm0, $0xb8;
	[tilespmem:$0x18100] =	vst v63  }
0x12f: {  	s14 =	simm.s32 $0x17100  }
0x130: {  	[tilespmem:s14], [sflag:$0x2] =	stream.indirect_vreg.gather [hbm4b:s4+s3], $0x80, v4, vm1, $0xb8;
	[tilespmem:$0x18100] =	vst v63  }
0x131: {  	s18 =	simm.s32 $0x17500  }
0x132: {  	[tilespmem:s18], [sflag:$0x2] =	stream.indirect_vreg.gather [hbm4b:s1+s3], $0x80, v3, vm0, $0xb8;
	[tilespmem:$0x18100] =	vst v63  }
0x133: {  	s19 =	simm.s32 $0x17D00  }
0x134: {  	[tilespmem:s19], [sflag:$0x2] =	stream.indirect_vreg.gather [hbm4b:s4+s3], $0x80, v3, vm1, $0xb8;
	[tilespmem:$0x18100] =	vst v63  }
0x135: {  	_ =	swait.ge [sflag:s23], $0xC000  }
0x136: {  	[sflag:s23] =	ssyncset.done $0x0  }
0x137: {  	s21 =	simm.s32 $0x100;
	s20 =	rddreg [dreg:$0x6];
	[sflag:s23] =	ssyncadd.s32 $0xFFFF4000  }
0x138: {  	[hbm4b:s20+s3] =	stream.linear.scatter [tilespmem:s21], [sflag:$0x3], $0xC000, $0x38;
	[tilespmem:$0x18100] =	vst v63  }
0x139: {  	s29 =	rddreg [dreg:$0x7]  }
0x13a: {  	[tilespmem:s3], [sflag:$0x5] =	stream.linear.gather [hbm4b:s29+s3], $0x80, $0x38;
	[tilespmem:$0x18100] =	vst v63  }
0x13b: {  	_ =	swait.ge [sflag:s6], $0x80  }
0x13c: {  	[sflag:s6] =	ssyncset.done $0x0  }
0x13d: {  	[sflag:s6] =	ssyncadd.s32 $0xFFFFFF80  }
0x13e: {  	_ =	swait.ge [sflag:s24], $0xC000  }
0x13f: {  	[sflag:s24] =	ssyncset.done $0x0  }
0x140: {  	[sflag:s24] =	ssyncadd.s32 $0xFFFF4000  }
0x141: {  	v3 =	vld [tilespmem:$0x0];
	_ =	sdelay $0x4  }
0x142: {  	v8 =	vshrl.u32 v3, $0x3  }
0x143: {  	v4 =	vmul.u32 $0x18, v8  }
0x144: {  	v3 =	vand.u32 $0x7, v3  }
0x145: {  	v3 =	vor.u32 v3, v4  }
0x146: {  	v4 =	vperm.xlane v3, v0;
	_ =	sdelay $0x1  }
0x147: {  	v4 =	vadd.s32 v1, v4;
	_ =	sdelay $0x1  }
0x148: {  	v3 =	vperm.xlane v3, v2;
	_ =	sdelay $0x1  }
0x149: {  	v3 =	vadd.s32 v1, v3  }
0x14a: {  	[tilespmem:s21], [sflag:$0x1] =	stream.indirect_vreg.gather [hbm4b:s1+s3], $0x80, v4, vm0, $0xb8;
	[tilespmem:$0x18100] =	vst v63  }
0x14b: {  	s22 =	simm.s32 $0x900  }
0x14c: {  	[tilespmem:s22], [sflag:$0x1] =	stream.indirect_vreg.gather [hbm4b:s4+s3], $0x80, v4, vm1, $0xb8;
	[tilespmem:$0x18100] =	vst v63  }
0x14d: {  	s2 =	simm.s32 $0xD00  }
0x14e: {  	[tilespmem:s2], [sflag:$0x1] =	stream.indirect_vreg.gather [hbm4b:s1+s3], $0x80, v3, vm0, $0xb8;
	[tilespmem:$0x18100] =	vst v63  }
0x14f: {  	s5 =	simm.s32 $0x1500  }
0x150: {  	[tilespmem:s5], [sflag:$0x1] =	stream.indirect_vreg.gather [hbm4b:s4+s3], $0x80, v3, vm1, $0xb8;
	[tilespmem:$0x18100] =	vst v63  }
0x151: {  	v3 =	vld [tilespmem:$0x10];
	_ =	sdelay $0x4  }
0x152: {  	v9 =	vshrl.u32 v3, $0x3  }
0x153: {  	v4 =	vmul.u32 $0x18, v9  }
0x154: {  	v3 =	vand.u32 $0x7, v3  }
0x155: {  	v3 =	vor.u32 v3, v4  }
0x156: {  	v4 =	vperm.xlane v3, v0;
	_ =	sdelay $0x1  }
0x157: {  	v4 =	vadd.s32 v1, v4;
	_ =	sdelay $0x1  }
0x158: {  	v3 =	vperm.xlane v3, v2;
	_ =	sdelay $0x1  }
0x159: {  	s28 =	simm.s32 $0x1900;
	v3 =	vadd.s32 v1, v3  }
0x15a: {  	[tilespmem:s28], [sflag:$0x1] =	stream.indirect_vreg.gather [hbm4b:s1+s3], $0x80, v4, vm0, $0xb8;
	[tilespmem:$0x18100] =	vst v63  }
0x15b: {  	s7 =	simm.s32 $0x2100  }
0x15c: {  	[tilespmem:s7], [sflag:$0x1] =	stream.indirect_vreg.gather [hbm4b:s4+s3], $0x80, v4, vm1, $0xb8;
	[tilespmem:$0x18100] =	vst v63  }
0x15d: {  	s8 =	simm.s32 $0x2500  }
0x15e: {  	[tilespmem:s8], [sflag:$0x1] =	stream.indirect_vreg.gather [hbm4b:s1+s3], $0x80, v3, vm0, $0xb8;
	[tilespmem:$0x18100] =	vst v63  }
0x15f: {  	s9 =	simm.s32 $0x2D00  }
0x160: {  	[tilespmem:s9], [sflag:$0x1] =	stream.indirect_vreg.gather [hbm4b:s4+s3], $0x80, v3, vm1, $0xb8;
	[tilespmem:$0x18100] =	vst v63  }
0x161: {  	v3 =	vld [tilespmem:$0x20];
	_ =	sdelay $0x4  }
0x162: {  	v10 =	vshrl.u32 v3, $0x3  }
0x163: {  	v4 =	vmul.u32 $0x18, v10  }
0x164: {  	v3 =	vand.u32 $0x7, v3  }
0x165: {  	v3 =	vor.u32 v3, v4  }
0x166: {  	v4 =	vperm.xlane v3, v0;
	_ =	sdelay $0x1  }
0x167: {  	v4 =	vadd.s32 v1, v4;
	_ =	sdelay $0x1  }
0x168: {  	v3 =	vperm.xlane v3, v2;
	_ =	sdelay $0x1  }
0x169: {  	s9 =	simm.s32 $0x3100;
	v3 =	vadd.s32 v1, v3  }
0x16a: {  	[tilespmem:s9], [sflag:$0x1] =	stream.indirect_vreg.gather [hbm4b:s1+s3], $0x80, v4, vm0, $0xb8;
	[tilespmem:$0x18100] =	vst v63  }
0x16b: {  	s10 =	simm.s32 $0x3900  }
0x16c: {  	[tilespmem:s10], [sflag:$0x1] =	stream.indirect_vreg.gather [hbm4b:s4+s3], $0x80, v4, vm1, $0xb8;
	[tilespmem:$0x18100] =	vst v63  }
0x16d: {  	s11 =	simm.s32 $0x3D00  }
0x16e: {  	[tilespmem:s11], [sflag:$0x1] =	stream.indirect_vreg.gather [hbm4b:s1+s3], $0x80, v3, vm0, $0xb8;
	[tilespmem:$0x18100] =	vst v63  }
0x16f: {  	s12 =	simm.s32 $0x4500  }
0x170: {  	[tilespmem:s12], [sflag:$0x1] =	stream.indirect_vreg.gather [hbm4b:s4+s3], $0x80, v3, vm1, $0xb8;
	[tilespmem:$0x18100] =	vst v63  }
0x171: {  	v3 =	vld [tilespmem:$0x30];
	_ =	sdelay $0x4  }
0x172: {  	v11 =	vshrl.u32 v3, $0x3  }
0x173: {  	v4 =	vmul.u32 $0x18, v11  }
0x174: {  	v3 =	vand.u32 $0x7, v3  }
0x175: {  	v3 =	vor.u32 v3, v4  }
0x176: {  	v4 =	vperm.xlane v3, v0;
	_ =	sdelay $0x1  }
0x177: {  	v4 =	vadd.s32 v1, v4;
	_ =	sdelay $0x1  }
0x178: {  	v3 =	vperm.xlane v3, v2;
	_ =	sdelay $0x1  }
0x179: {  	s12 =	simm.s32 $0x4900;
	v3 =	vadd.s32 v1, v3  }
0x17a: {  	[tilespmem:s12], [sflag:$0x1] =	stream.indirect_vreg.gather [hbm4b:s1+s3], $0x80, v4, vm0, $0xb8;
	[tilespmem:$0x18100] =	vst v63  }
0x17b: {  	s13 =	simm.s32 $0x5100  }
0x17c: {  	[tilespmem:s13], [sflag:$0x1] =	stream.indirect_vreg.gather [hbm4b:s4+s3], $0x80, v4, vm1, $0xb8;
	[tilespmem:$0x18100] =	vst v63  }
0x17d: {  	s14 =	simm.s32 $0x5500  }
0x17e: {  	[tilespmem:s14], [sflag:$0x1] =	stream.indirect_vreg.gather [hbm4b:s1+s3], $0x80, v3, vm0, $0xb8;
	[tilespmem:$0x18100] =	vst v63  }
0x17f: {  	s15 =	simm.s32 $0x5D00  }
0x180: {  	[tilespmem:s15], [sflag:$0x1] =	stream.indirect_vreg.gather [hbm4b:s4+s3], $0x80, v3, vm1, $0xb8;
	[tilespmem:$0x18100] =	vst v63  }
0x181: {  	v3 =	vld [tilespmem:$0x40];
	_ =	sdelay $0x4  }
0x182: {  	v12 =	vshrl.u32 v3, $0x3  }
0x183: {  	v4 =	vmul.u32 $0x18, v12  }
0x184: {  	v3 =	vand.u32 $0x7, v3  }
0x185: {  	v3 =	vor.u32 v3, v4  }
0x186: {  	v4 =	vperm.xlane v3, v0;
	_ =	sdelay $0x1  }
0x187: {  	v4 =	vadd.s32 v1, v4;
	_ =	sdelay $0x1  }
0x188: {  	v3 =	vperm.xlane v3, v2;
	_ =	sdelay $0x1  }
0x189: {  	s18 =	simm.s32 $0x6100;
	v3 =	vadd.s32 v1, v3  }
0x18a: {  	[tilespmem:s18], [sflag:$0x1] =	stream.indirect_vreg.gather [hbm4b:s1+s3], $0x80, v4, vm0, $0xb8;
	[tilespmem:$0x18100] =	vst v63  }
0x18b: {  	s19 =	simm.s32 $0x6900  }
0x18c: {  	[tilespmem:s19], [sflag:$0x1] =	stream.indirect_vreg.gather [hbm4b:s4+s3], $0x80, v4, vm1, $0xb8;
	[tilespmem:$0x18100] =	vst v63  }
0x18d: {  	s20 =	simm.s32 $0x6D00  }
0x18e: {  	[tilespmem:s20], [sflag:$0x1] =	stream.indirect_vreg.gather [hbm4b:s1+s3], $0x80, v3, vm0, $0xb8;
	[tilespmem:$0x18100] =	vst v63  }
0x18f: {  	s16 =	simm.s32 $0x7500  }
0x190: {  	[tilespmem:s16], [sflag:$0x1] =	stream.indirect_vreg.gather [hbm4b:s4+s3], $0x80, v3, vm1, $0xb8;
	[tilespmem:$0x18100] =	vst v63  }
0x191: {  	v3 =	vld [tilespmem:$0x50];
	_ =	sdelay $0x4  }
0x192: {  	v13 =	vshrl.u32 v3, $0x3  }
0x193: {  	v4 =	vmul.u32 $0x18, v13  }
0x194: {  	v3 =	vand.u32 $0x7, v3  }
0x195: {  	v3 =	vor.u32 v3, v4  }
0x196: {  	v4 =	vperm.xlane v3, v0;
	_ =	sdelay $0x1  }
0x197: {  	v4 =	vadd.s32 v1, v4;
	_ =	sdelay $0x1  }
0x198: {  	v3 =	vperm.xlane v3, v2;
	_ =	sdelay $0x1  }
0x199: {  	s21 =	simm.s32 $0x7900;
	v3 =	vadd.s32 v1, v3  }
0x19a: {  	[tilespmem:s21], [sflag:$0x1] =	stream.indirect_vreg.gather [hbm4b:s1+s3], $0x80, v4, vm0, $0xb8;
	[tilespmem:$0x18100] =	vst v63  }
0x19b: {  	s22 =	simm.s32 $0x8100  }
0x19c: {  	[tilespmem:s22], [sflag:$0x1] =	stream.indirect_vreg.gather [hbm4b:s4+s3], $0x80, v4, vm1, $0xb8;
	[tilespmem:$0x18100] =	vst v63  }
0x19d: {  	s30 =	simm.s32 $0x8500  }
0x19e: {  	[tilespmem:s30], [sflag:$0x1] =	stream.indirect_vreg.gather [hbm4b:s1+s3], $0x80, v3, vm0, $0xb8;
	[tilespmem:$0x18100] =	vst v63  }
0x19f: {  	s17 =	simm.s32 $0x8D00  }
0x1a0: {  	[tilespmem:s17], [sflag:$0x1] =	stream.indirect_vreg.gather [hbm4b:s4+s3], $0x80, v3, vm1, $0xb8;
	[tilespmem:$0x18100] =	vst v63  }
0x1a1: {  	v3 =	vld [tilespmem:$0x60];
	_ =	sdelay $0x4  }
0x1a2: {  	v14 =	vshrl.u32 v3, $0x3  }
0x1a3: {  	v4 =	vmul.u32 $0x18, v14  }
0x1a4: {  	v3 =	vand.u32 $0x7, v3  }
0x1a5: {  	v3 =	vor.u32 v3, v4  }
0x1a6: {  	v4 =	vperm.xlane v3, v0;
	_ =	sdelay $0x1  }
0x1a7: {  	v4 =	vadd.s32 v1, v4;
	_ =	sdelay $0x1  }
0x1a8: {  	v3 =	vperm.xlane v3, v2;
	_ =	sdelay $0x1  }
0x1a9: {  	s31 =	simm.s32 $0x9100;
	v3 =	vadd.s32 v1, v3  }
0x1aa: {  	[tilespmem:s31], [sflag:$0x1] =	stream.indirect_vreg.gather [hbm4b:s1+s3], $0x80, v4, vm0, $0xb8;
	[tilespmem:$0x18100] =	vst v63  }
0x1ab: {  	s17 =	simm.s32 $0x9900  }
0x1ac: {  	[tilespmem:s17], [sflag:$0x1] =	stream.indirect_vreg.gather [hbm4b:s4+s3], $0x80, v4, vm1, $0xb8;
	[tilespmem:$0x18100] =	vst v63  }
0x1ad: {  	s16 =	simm.s32 $0x9D00  }
0x1ae: {  	[tilespmem:s16], [sflag:$0x1] =	stream.indirect_vreg.gather [hbm4b:s1+s3], $0x80, v3, vm0, $0xb8;
	[tilespmem:$0x18100] =	vst v63  }
0x1af: {  	s29 =	simm.s32 $0xA500  }
0x1b0: {  	[tilespmem:s29], [sflag:$0x1] =	stream.indirect_vreg.gather [hbm4b:s4+s3], $0x80, v3, vm1, $0xb8;
	[tilespmem:$0x18100] =	vst v63  }
0x1b1: {  	v3 =	vld [tilespmem:$0x70];
	_ =	sdelay $0x4  }
0x1b2: {  	v15 =	vshrl.u32 v3, $0x3  }
0x1b3: {  	v4 =	vmul.u32 $0x18, v15  }
0x1b4: {  	v3 =	vand.u32 $0x7, v3  }
0x1b5: {  	v3 =	vor.u32 v3, v4  }
0x1b6: {  	v4 =	vperm.xlane v3, v0;
	_ =	sdelay $0x1  }
0x1b7: {  	v4 =	vadd.s32 v1, v4;
	_ =	sdelay $0x1  }
0x1b8: {  	v3 =	vperm.xlane v3, v2;
	_ =	sdelay $0x1  }
0x1b9: {  	s15 =	simm.s32 $0xA900;
	v3 =	vadd.s32 v1, v3  }
0x1ba: {  	[tilespmem:s15], [sflag:$0x1] =	stream.indirect_vreg.gather [hbm4b:s1+s3], $0x80, v4, vm0, $0xb8;
	[tilespmem:$0x18100] =	vst v63  }
0x1bb: {  	s5 =	simm.s32 $0xB100  }
0x1bc: {  	[tilespmem:s5], [sflag:$0x1] =	stream.indirect_vreg.gather [hbm4b:s4+s3], $0x80, v4, vm1, $0xb8;
	[tilespmem:$0x18100] =	vst v63  }
0x1bd: {  	s28 =	simm.s32 $0xB500  }
0x1be: {  	[tilespmem:s28], [sflag:$0x1] =	stream.indirect_vreg.gather [hbm4b:s1+s3], $0x80, v3, vm0, $0xb8;
	[tilespmem:$0x18100] =	vst v63  }
0x1bf: {  	s29 =	simm.s32 $0xBD00  }
0x1c0: {  	[tilespmem:s29], [sflag:$0x1] =	stream.indirect_vreg.gather [hbm4b:s4+s3], $0x80, v3, vm1, $0xb8;
	[tilespmem:$0x18100] =	vst v63  }
0x1c1: {  	_ =	swait.ge [sflag:s25], $0xC000  }
0x1c2: {  	[sflag:s25] =	ssyncset.done $0x0  }
0x1c3: {  	s0 =	simm.s32 $0xC100;
	s28 =	rddreg [dreg:$0x8];
	[sflag:s25] =	ssyncadd.s32 $0xFFFF4000  }
0x1c4: {  	[hbm4b:s28+s3] =	stream.linear.scatter [tilespmem:s0], [sflag:$0x4], $0xC000, $0x38;
	[tilespmem:$0x18100] =	vst v63  }
0x1c5: {  	s5 =	rddreg [dreg:$0x9];
	s28 =	simm.s32 $0x80  }
0x1c6: {  	[tilespmem:s28], [sflag:$0x5] =	stream.linear.gather [hbm4b:s5+s3], $0x80, $0x38;
	[tilespmem:$0x18100] =	vst v63  }
0x1c7: {  	_ =	swait.ge [sflag:s6], $0x80  }
0x1c8: {  	[sflag:s6] =	ssyncset.done $0x0  }
0x1c9: {  	[sflag:s6] =	ssyncadd.s32 $0xFFFFFF80  }
0x1ca: {  	_ =	swait.ge [sflag:s26], $0xC000  }
0x1cb: {  	[sflag:s26] =	ssyncset.done $0x0  }
0x1cc: {  	[sflag:s26] =	ssyncadd.s32 $0xFFFF4000  }
0x1cd: {  	v3 =	vld [tilespmem:$0x80];
	_ =	sdelay $0x4  }
0x1ce: {  	v16 =	vshrl.u32 v3, $0x3  }
0x1cf: {  	v4 =	vmul.u32 $0x18, v16  }
0x1d0: {  	v3 =	vand.u32 $0x7, v3  }
0x1d1: {  	v3 =	vor.u32 v3, v4  }
0x1d2: {  	v4 =	vperm.xlane v3, v0;
	_ =	sdelay $0x1  }
0x1d3: {  	v4 =	vadd.s32 v1, v4;
	_ =	sdelay $0x1  }
0x1d4: {  	v3 =	vperm.xlane v3, v2;
	_ =	sdelay $0x1  }
0x1d5: {  	v3 =	vadd.s32 v1, v3  }
0x1d6: {  	[tilespmem:s0], [sflag:$0x2] =	stream.indirect_vreg.gather [hbm4b:s1+s3], $0x80, v4, vm0, $0xb8;
	[tilespmem:$0x18100] =	vst v63  }
0x1d7: {  	s29 =	simm.s32 $0xC900  }
0x1d8: {  	[tilespmem:s29], [sflag:$0x2] =	stream.indirect_vreg.gather [hbm4b:s4+s3], $0x80, v4, vm1, $0xb8;
	[tilespmem:$0x18100] =	vst v63  }
0x1d9: {  	s5 =	simm.s32 $0xCD00  }
0x1da: {  	[tilespmem:s5], [sflag:$0x2] =	stream.indirect_vreg.gather [hbm4b:s1+s3], $0x80, v3, vm0, $0xb8;
	[tilespmem:$0x18100] =	vst v63  }
0x1db: {  	s28 =	simm.s32 $0xD500  }
0x1dc: {  	[tilespmem:s28], [sflag:$0x2] =	stream.indirect_vreg.gather [hbm4b:s4+s3], $0x80, v3, vm1, $0xb8;
	[tilespmem:$0x18100] =	vst v63  }
0x1dd: {  	v3 =	vld [tilespmem:$0x90];
	_ =	sdelay $0x4  }
0x1de: {  	v17 =	vshrl.u32 v3, $0x3  }
0x1df: {  	v4 =	vmul.u32 $0x18, v17  }
0x1e0: {  	v3 =	vand.u32 $0x7, v3  }
0x1e1: {  	v3 =	vor.u32 v3, v4  }
0x1e2: {  	v4 =	vperm.xlane v3, v0;
	_ =	sdelay $0x1  }
0x1e3: {  	v4 =	vadd.s32 v1, v4;
	_ =	sdelay $0x1  }
0x1e4: {  	v3 =	vperm.xlane v3, v2;
	_ =	sdelay $0x1  }
0x1e5: {  	s29 =	simm.s32 $0xD900;
	v3 =	vadd.s32 v1, v3  }
0x1e6: {  	[tilespmem:s29], [sflag:$0x2] =	stream.indirect_vreg.gather [hbm4b:s1+s3], $0x80, v4, vm0, $0xb8;
	[tilespmem:$0x18100] =	vst v63  }
0x1e7: {  	s5 =	simm.s32 $0xE100  }
0x1e8: {  	[tilespmem:s5], [sflag:$0x2] =	stream.indirect_vreg.gather [hbm4b:s4+s3], $0x80, v4, vm1, $0xb8;
	[tilespmem:$0x18100] =	vst v63  }
0x1e9: {  	s28 =	simm.s32 $0xE500  }
0x1ea: {  	[tilespmem:s28], [sflag:$0x2] =	stream.indirect_vreg.gather [hbm4b:s1+s3], $0x80, v3, vm0, $0xb8;
	[tilespmem:$0x18100] =	vst v63  }
0x1eb: {  	s29 =	simm.s32 $0xED00  }
0x1ec: {  	[tilespmem:s29], [sflag:$0x2] =	stream.indirect_vreg.gather [hbm4b:s4+s3], $0x80, v3, vm1, $0xb8;
	[tilespmem:$0x18100] =	vst v63  }
0x1ed: {  	v3 =	vld [tilespmem:$0xA0];
	_ =	sdelay $0x4  }
0x1ee: {  	v18 =	vshrl.u32 v3, $0x3  }
0x1ef: {  	v4 =	vmul.u32 $0x18, v18  }
0x1f0: {  	v3 =	vand.u32 $0x7, v3  }
0x1f1: {  	v3 =	vor.u32 v3, v4  }
0x1f2: {  	v4 =	vperm.xlane v3, v0;
	_ =	sdelay $0x1  }
0x1f3: {  	v4 =	vadd.s32 v1, v4;
	_ =	sdelay $0x1  }
0x1f4: {  	v3 =	vperm.xlane v3, v2;
	_ =	sdelay $0x1  }
0x1f5: {  	s5 =	simm.s32 $0xF100;
	v3 =	vadd.s32 v1, v3  }
0x1f6: {  	[tilespmem:s5], [sflag:$0x2] =	stream.indirect_vreg.gather [hbm4b:s1+s3], $0x80, v4, vm0, $0xb8;
	[tilespmem:$0x18100] =	vst v63  }
0x1f7: {  	s28 =	simm.s32 $0xF900  }
0x1f8: {  	[tilespmem:s28], [sflag:$0x2] =	stream.indirect_vreg.gather [hbm4b:s4+s3], $0x80, v4, vm1, $0xb8;
	[tilespmem:$0x18100] =	vst v63  }
0x1f9: {  	s29 =	simm.s32 $0xFD00  }
0x1fa: {  	[tilespmem:s29], [sflag:$0x2] =	stream.indirect_vreg.gather [hbm4b:s1+s3], $0x80, v3, vm0, $0xb8;
	[tilespmem:$0x18100] =	vst v63  }
0x1fb: {  	s5 =	simm.s32 $0x10500  }
0x1fc: {  	[tilespmem:s5], [sflag:$0x2] =	stream.indirect_vreg.gather [hbm4b:s4+s3], $0x80, v3, vm1, $0xb8;
	[tilespmem:$0x18100] =	vst v63  }
0x1fd: {  	v3 =	vld [tilespmem:$0xB0];
	_ =	sdelay $0x4  }
0x1fe: {  	v19 =	vshrl.u32 v3, $0x3  }
0x1ff: {  	v4 =	vmul.u32 $0x18, v19  }
0x200: {  	v3 =	vand.u32 $0x7, v3  }
0x201: {  	v3 =	vor.u32 v3, v4  }
0x202: {  	v4 =	vperm.xlane v3, v0;
	_ =	sdelay $0x1  }
0x203: {  	v4 =	vadd.s32 v1, v4;
	_ =	sdelay $0x1  }
0x204: {  	v3 =	vperm.xlane v3, v2;
	_ =	sdelay $0x1  }
0x205: {  	s28 =	simm.s32 $0x10900;
	v3 =	vadd.s32 v1, v3  }
0x206: {  	[tilespmem:s28], [sflag:$0x2] =	stream.indirect_vreg.gather [hbm4b:s1+s3], $0x80, v4, vm0, $0xb8;
	[tilespmem:$0x18100] =	vst v63  }
0x207: {  	s29 =	simm.s32 $0x11100  }
0x208: {  	[tilespmem:s29], [sflag:$0x2] =	stream.indirect_vreg.gather [hbm4b:s4+s3], $0x80, v4, vm1, $0xb8;
	[tilespmem:$0x18100] =	vst v63  }
0x209: {  	s5 =	simm.s32 $0x11500  }
0x20a: {  	[tilespmem:s5], [sflag:$0x2] =	stream.indirect_vreg.gather [hbm4b:s1+s3], $0x80, v3, vm0, $0xb8;
	[tilespmem:$0x18100] =	vst v63  }
0x20b: {  	s28 =	simm.s32 $0x11D00  }
0x20c: {  	[tilespmem:s28], [sflag:$0x2] =	stream.indirect_vreg.gather [hbm4b:s4+s3], $0x80, v3, vm1, $0xb8;
	[tilespmem:$0x18100] =	vst v63  }
0x20d: {  	v3 =	vld [tilespmem:$0xC0];
	_ =	sdelay $0x4  }
0x20e: {  	v20 =	vshrl.u32 v3, $0x3  }
0x20f: {  	v4 =	vmul.u32 $0x18, v20  }
0x210: {  	v3 =	vand.u32 $0x7, v3  }
0x211: {  	v3 =	vor.u32 v3, v4  }
0x212: {  	v4 =	vperm.xlane v3, v0;
	_ =	sdelay $0x1  }
0x213: {  	v4 =	vadd.s32 v1, v4;
	_ =	sdelay $0x1  }
0x214: {  	v3 =	vperm.xlane v3, v2;
	_ =	sdelay $0x1  }
0x215: {  	s29 =	simm.s32 $0x12100;
	v3 =	vadd.s32 v1, v3  }
0x216: {  	[tilespmem:s29], [sflag:$0x2] =	stream.indirect_vreg.gather [hbm4b:s1+s3], $0x80, v4, vm0, $0xb8;
	[tilespmem:$0x18100] =	vst v63  }
0x217: {  	s5 =	simm.s32 $0x12900  }
0x218: {  	[tilespmem:s5], [sflag:$0x2] =	stream.indirect_vreg.gather [hbm4b:s4+s3], $0x80, v4, vm1, $0xb8;
	[tilespmem:$0x18100] =	vst v63  }
0x219: {  	s28 =	simm.s32 $0x12D00  }
0x21a: {  	[tilespmem:s28], [sflag:$0x2] =	stream.indirect_vreg.gather [hbm4b:s1+s3], $0x80, v3, vm0, $0xb8;
	[tilespmem:$0x18100] =	vst v63  }
0x21b: {  	s29 =	simm.s32 $0x13500  }
0x21c: {  	[tilespmem:s29], [sflag:$0x2] =	stream.indirect_vreg.gather [hbm4b:s4+s3], $0x80, v3, vm1, $0xb8;
	[tilespmem:$0x18100] =	vst v63  }
0x21d: {  	v3 =	vld [tilespmem:$0xD0];
	_ =	sdelay $0x4  }
0x21e: {  	v21 =	vshrl.u32 v3, $0x3  }
0x21f: {  	v4 =	vmul.u32 $0x18, v21  }
0x220: {  	v3 =	vand.u32 $0x7, v3  }
0x221: {  	v3 =	vor.u32 v3, v4  }
0x222: {  	v4 =	vperm.xlane v3, v0;
	_ =	sdelay $0x1  }
0x223: {  	v4 =	vadd.s32 v1, v4;
	_ =	sdelay $0x1  }
0x224: {  	v3 =	vperm.xlane v3, v2;
	_ =	sdelay $0x1  }
0x225: {  	s5 =	simm.s32 $0x13900;
	v3 =	vadd.s32 v1, v3  }
0x226: {  	[tilespmem:s5], [sflag:$0x2] =	stream.indirect_vreg.gather [hbm4b:s1+s3], $0x80, v4, vm0, $0xb8;
	[tilespmem:$0x18100] =	vst v63  }
0x227: {  	s28 =	simm.s32 $0x14100  }
0x228: {  	[tilespmem:s28], [sflag:$0x2] =	stream.indirect_vreg.gather [hbm4b:s4+s3], $0x80, v4, vm1, $0xb8;
	[tilespmem:$0x18100] =	vst v63  }
0x229: {  	s29 =	simm.s32 $0x14500  }
0x22a: {  	[tilespmem:s29], [sflag:$0x2] =	stream.indirect_vreg.gather [hbm4b:s1+s3], $0x80, v3, vm0, $0xb8;
	[tilespmem:$0x18100] =	vst v63  }
0x22b: {  	s5 =	simm.s32 $0x14D00  }
0x22c: {  	[tilespmem:s5], [sflag:$0x2] =	stream.indirect_vreg.gather [hbm4b:s4+s3], $0x80, v3, vm1, $0xb8;
	[tilespmem:$0x18100] =	vst v63  }
0x22d: {  	v3 =	vld [tilespmem:$0xE0];
	_ =	sdelay $0x4  }
0x22e: {  	v22 =	vshrl.u32 v3, $0x3  }
0x22f: {  	v4 =	vmul.u32 $0x18, v22  }
0x230: {  	v3 =	vand.u32 $0x7, v3  }
0x231: {  	v3 =	vor.u32 v3, v4  }
0x232: {  	v4 =	vperm.xlane v3, v0;
	_ =	sdelay $0x1  }
0x233: {  	v4 =	vadd.s32 v1, v4;
	_ =	sdelay $0x1  }
0x234: {  	v3 =	vperm.xlane v3, v2;
	_ =	sdelay $0x1  }
0x235: {  	s28 =	simm.s32 $0x15100;
	v3 =	vadd.s32 v1, v3  }
0x236: {  	[tilespmem:s28], [sflag:$0x2] =	stream.indirect_vreg.gather [hbm4b:s1+s3], $0x80, v4, vm0, $0xb8;
	[tilespmem:$0x18100] =	vst v63  }
0x237: {  	s29 =	simm.s32 $0x15900  }
0x238: {  	[tilespmem:s29], [sflag:$0x2] =	stream.indirect_vreg.gather [hbm4b:s4+s3], $0x80, v4, vm1, $0xb8;
	[tilespmem:$0x18100] =	vst v63  }
0x239: {  	s5 =	simm.s32 $0x15D00  }
0x23a: {  	[tilespmem:s5], [sflag:$0x2] =	stream.indirect_vreg.gather [hbm4b:s1+s3], $0x80, v3, vm0, $0xb8;
	[tilespmem:$0x18100] =	vst v63  }
0x23b: {  	s28 =	simm.s32 $0x16500  }
0x23c: {  	[tilespmem:s28], [sflag:$0x2] =	stream.indirect_vreg.gather [hbm4b:s4+s3], $0x80, v3, vm1, $0xb8;
	[tilespmem:$0x18100] =	vst v63  }
0x23d: {  	v3 =	vld [tilespmem:$0xF0];
	_ =	sdelay $0x4  }
0x23e: {  	v23 =	vshrl.u32 v3, $0x3  }
0x23f: {  	v4 =	vmul.u32 $0x18, v23  }
0x240: {  	v3 =	vand.u32 $0x7, v3  }
0x241: {  	v3 =	vor.u32 v3, v4  }
0x242: {  	v4 =	vperm.xlane v3, v0;
	_ =	sdelay $0x1  }
0x243: {  	v4 =	vadd.s32 v1, v4;
	_ =	sdelay $0x1  }
0x244: {  	v3 =	vperm.xlane v3, v2;
	_ =	sdelay $0x1  }
0x245: {  	s29 =	simm.s32 $0x16900;
	v3 =	vadd.s32 v1, v3  }
0x246: {  	[tilespmem:s29], [sflag:$0x2] =	stream.indirect_vreg.gather [hbm4b:s1+s3], $0x80, v4, vm0, $0xb8;
	[tilespmem:$0x18100] =	vst v63  }
0x247: {  	s5 =	simm.s32 $0x17100  }
0x248: {  	[tilespmem:s5], [sflag:$0x2] =	stream.indirect_vreg.gather [hbm4b:s4+s3], $0x80, v4, vm1, $0xb8;
	[tilespmem:$0x18100] =	vst v63  }
0x249: {  	s28 =	simm.s32 $0x17500  }
0x24a: {  	[tilespmem:s28], [sflag:$0x2] =	stream.indirect_vreg.gather [hbm4b:s1+s3], $0x80, v3, vm0, $0xb8;
	[tilespmem:$0x18100] =	vst v63  }
0x24b: {  	s29 =	simm.s32 $0x17D00  }
0x24c: {  	[tilespmem:s29], [sflag:$0x2] =	stream.indirect_vreg.gather [hbm4b:s4+s3], $0x80, v3, vm1, $0xb8;
	[tilespmem:$0x18100] =	vst v63  }
0x24d: {  	_ =	swait.ge [sflag:s23], $0xC000  }
0x24e: {  	[sflag:s23] =	ssyncset.done $0x0  }
0x24f: {  	s5 =	simm.s32 $0x100;
	s28 =	rddreg [dreg:$0xa];
	[sflag:s23] =	ssyncadd.s32 $0xFFFF4000  }
0x250: {  	[hbm4b:s28+s3] =	stream.linear.scatter [tilespmem:s5], [sflag:$0x3], $0xC000, $0x38;
	[tilespmem:$0x18100] =	vst v63  }
0x251: {  	s0 =	rddreg [dreg:$0xb]  }
0x252: {  	[tilespmem:s3], [sflag:$0x5] =	stream.linear.gather [hbm4b:s0+s3], $0x80, $0x38;
	[tilespmem:$0x18100] =	vst v63  }
0x253: {  	_ =	swait.ge [sflag:s6], $0x80  }
0x254: {  	[sflag:s6] =	ssyncset.done $0x0  }
0x255: {  	[sflag:s6] =	ssyncadd.s32 $0xFFFFFF80  }
0x256: {  	_ =	swait.ge [sflag:s24], $0xC000  }
0x257: {  	[sflag:s24] =	ssyncset.done $0x0  }
0x258: {  	[sflag:s24] =	ssyncadd.s32 $0xFFFF4000  }
0x259: {  	v3 =	vld [tilespmem:$0x0];
	_ =	sdelay $0x4  }
0x25a: {  	v24 =	vshrl.u32 v3, $0x3  }
0x25b: {  	v4 =	vmul.u32 $0x18, v24  }
0x25c: {  	v3 =	vand.u32 $0x7, v3  }
0x25d: {  	v3 =	vor.u32 v3, v4  }
0x25e: {  	v4 =	vperm.xlane v3, v0;
	_ =	sdelay $0x1  }
0x25f: {  	v4 =	vadd.s32 v1, v4;
	_ =	sdelay $0x1  }
0x260: {  	v3 =	vperm.xlane v3, v2;
	_ =	sdelay $0x1  }
0x261: {  	v3 =	vadd.s32 v1, v3  }
0x262: {  	[tilespmem:s5], [sflag:$0x1] =	stream.indirect_vreg.gather [hbm4b:s1+s3], $0x80, v4, vm0, $0xb8;
	[tilespmem:$0x18100] =	vst v63  }
0x263: {  	s29 =	simm.s32 $0x900  }
0x264: {  	[tilespmem:s29], [sflag:$0x1] =	stream.indirect_vreg.gather [hbm4b:s4+s3], $0x80, v4, vm1, $0xb8;
	[tilespmem:$0x18100] =	vst v63  }
0x265: {  	_ = 	snop  }
0x266: {  	[tilespmem:s2], [sflag:$0x1] =	stream.indirect_vreg.gather [hbm4b:s1+s3], $0x80, v3, vm0, $0xb8;
	[tilespmem:$0x18100] =	vst v63  }
0x267: {  	s5 =	simm.s32 $0x1500  }
0x268: {  	[tilespmem:s5], [sflag:$0x1] =	stream.indirect_vreg.gather [hbm4b:s4+s3], $0x80, v3, vm1, $0xb8;
	[tilespmem:$0x18100] =	vst v63  }
0x269: {  	v3 =	vld [tilespmem:$0x10];
	_ =	sdelay $0x4  }
0x26a: {  	v25 =	vshrl.u32 v3, $0x3  }
0x26b: {  	v4 =	vmul.u32 $0x18, v25  }
0x26c: {  	v3 =	vand.u32 $0x7, v3  }
0x26d: {  	v3 =	vor.u32 v3, v4  }
0x26e: {  	v4 =	vperm.xlane v3, v0;
	_ =	sdelay $0x1  }
0x26f: {  	v4 =	vadd.s32 v1, v4;
	_ =	sdelay $0x1  }
0x270: {  	v3 =	vperm.xlane v3, v2;
	_ =	sdelay $0x1  }
0x271: {  	s2 =	simm.s32 $0x1900;
	v3 =	vadd.s32 v1, v3  }
0x272: {  	[tilespmem:s2], [sflag:$0x1] =	stream.indirect_vreg.gather [hbm4b:s1+s3], $0x80, v4, vm0, $0xb8;
	[tilespmem:$0x18100] =	vst v63  }
0x273: {  	_ = 	snop  }
0x274: {  	[tilespmem:s7], [sflag:$0x1] =	stream.indirect_vreg.gather [hbm4b:s4+s3], $0x80, v4, vm1, $0xb8;
	[tilespmem:$0x18100] =	vst v63  }
0x275: {  	_ = 	snop  }
0x276: {  	[tilespmem:s8], [sflag:$0x1] =	stream.indirect_vreg.gather [hbm4b:s1+s3], $0x80, v3, vm0, $0xb8;
	[tilespmem:$0x18100] =	vst v63  }
0x277: {  	s8 =	simm.s32 $0x2D00  }
0x278: {  	[tilespmem:s8], [sflag:$0x1] =	stream.indirect_vreg.gather [hbm4b:s4+s3], $0x80, v3, vm1, $0xb8;
	[tilespmem:$0x18100] =	vst v63  }
0x279: {  	v3 =	vld [tilespmem:$0x20];
	_ =	sdelay $0x4  }
0x27a: {  	v26 =	vshrl.u32 v3, $0x3  }
0x27b: {  	v4 =	vmul.u32 $0x18, v26  }
0x27c: {  	v3 =	vand.u32 $0x7, v3  }
0x27d: {  	v3 =	vor.u32 v3, v4  }
0x27e: {  	v4 =	vperm.xlane v3, v0;
	_ =	sdelay $0x1  }
0x27f: {  	v4 =	vadd.s32 v1, v4;
	_ =	sdelay $0x1  }
0x280: {  	v3 =	vperm.xlane v3, v2;
	_ =	sdelay $0x1  }
0x281: {  	v3 =	vadd.s32 v1, v3  }
0x282: {  	[tilespmem:s9], [sflag:$0x1] =	stream.indirect_vreg.gather [hbm4b:s1+s3], $0x80, v4, vm0, $0xb8;
	[tilespmem:$0x18100] =	vst v63  }
0x283: {  	_ = 	snop  }
0x284: {  	[tilespmem:s10], [sflag:$0x1] =	stream.indirect_vreg.gather [hbm4b:s4+s3], $0x80, v4, vm1, $0xb8;
	[tilespmem:$0x18100] =	vst v63  }
0x285: {  	_ = 	snop  }
0x286: {  	[tilespmem:s11], [sflag:$0x1] =	stream.indirect_vreg.gather [hbm4b:s1+s3], $0x80, v3, vm0, $0xb8;
	[tilespmem:$0x18100] =	vst v63  }
0x287: {  	s9 =	simm.s32 $0x4500  }
0x288: {  	[tilespmem:s9], [sflag:$0x1] =	stream.indirect_vreg.gather [hbm4b:s4+s3], $0x80, v3, vm1, $0xb8;
	[tilespmem:$0x18100] =	vst v63  }
0x289: {  	v3 =	vld [tilespmem:$0x30];
	_ =	sdelay $0x4  }
0x28a: {  	v27 =	vshrl.u32 v3, $0x3  }
0x28b: {  	v4 =	vmul.u32 $0x18, v27  }
0x28c: {  	v3 =	vand.u32 $0x7, v3  }
0x28d: {  	v3 =	vor.u32 v3, v4  }
0x28e: {  	v4 =	vperm.xlane v3, v0;
	_ =	sdelay $0x1  }
0x28f: {  	v4 =	vadd.s32 v1, v4;
	_ =	sdelay $0x1  }
0x290: {  	v3 =	vperm.xlane v3, v2;
	_ =	sdelay $0x1  }
0x291: {  	v3 =	vadd.s32 v1, v3  }
0x292: {  	[tilespmem:s12], [sflag:$0x1] =	stream.indirect_vreg.gather [hbm4b:s1+s3], $0x80, v4, vm0, $0xb8;
	[tilespmem:$0x18100] =	vst v63  }
0x293: {  	_ = 	snop  }
0x294: {  	[tilespmem:s13], [sflag:$0x1] =	stream.indirect_vreg.gather [hbm4b:s4+s3], $0x80, v4, vm1, $0xb8;
	[tilespmem:$0x18100] =	vst v63  }
0x295: {  	_ = 	snop  }
0x296: {  	[tilespmem:s14], [sflag:$0x1] =	stream.indirect_vreg.gather [hbm4b:s1+s3], $0x80, v3, vm0, $0xb8;
	[tilespmem:$0x18100] =	vst v63  }
0x297: {  	s10 =	simm.s32 $0x5D00  }
0x298: {  	[tilespmem:s10], [sflag:$0x1] =	stream.indirect_vreg.gather [hbm4b:s4+s3], $0x80, v3, vm1, $0xb8;
	[tilespmem:$0x18100] =	vst v63  }
0x299: {  	v3 =	vld [tilespmem:$0x40];
	_ =	sdelay $0x4  }
0x29a: {  	v28 =	vshrl.u32 v3, $0x3  }
0x29b: {  	v4 =	vmul.u32 $0x18, v28  }
0x29c: {  	v3 =	vand.u32 $0x7, v3  }
0x29d: {  	v3 =	vor.u32 v3, v4  }
0x29e: {  	v4 =	vperm.xlane v3, v0;
	_ =	sdelay $0x1  }
0x29f: {  	v4 =	vadd.s32 v1, v4;
	_ =	sdelay $0x1  }
0x2a0: {  	v3 =	vperm.xlane v3, v2;
	_ =	sdelay $0x1  }
0x2a1: {  	v3 =	vadd.s32 v1, v3  }
0x2a2: {  	[tilespmem:s18], [sflag:$0x1] =	stream.indirect_vreg.gather [hbm4b:s1+s3], $0x80, v4, vm0, $0xb8;
	[tilespmem:$0x18100] =	vst v63  }
0x2a3: {  	_ = 	snop  }
0x2a4: {  	[tilespmem:s19], [sflag:$0x1] =	stream.indirect_vreg.gather [hbm4b:s4+s3], $0x80, v4, vm1, $0xb8;
	[tilespmem:$0x18100] =	vst v63  }
0x2a5: {  	_ = 	snop  }
0x2a6: {  	[tilespmem:s20], [sflag:$0x1] =	stream.indirect_vreg.gather [hbm4b:s1+s3], $0x80, v3, vm0, $0xb8;
	[tilespmem:$0x18100] =	vst v63  }
0x2a7: {  	s11 =	simm.s32 $0x7500  }
0x2a8: {  	[tilespmem:s11], [sflag:$0x1] =	stream.indirect_vreg.gather [hbm4b:s4+s3], $0x80, v3, vm1, $0xb8;
	[tilespmem:$0x18100] =	vst v63  }
0x2a9: {  	v3 =	vld [tilespmem:$0x50];
	_ =	sdelay $0x4  }
0x2aa: {  	v29 =	vshrl.u32 v3, $0x3  }
0x2ab: {  	v4 =	vmul.u32 $0x18, v29  }
0x2ac: {  	v3 =	vand.u32 $0x7, v3  }
0x2ad: {  	v3 =	vor.u32 v3, v4  }
0x2ae: {  	v4 =	vperm.xlane v3, v0;
	_ =	sdelay $0x1  }
0x2af: {  	v4 =	vadd.s32 v1, v4;
	_ =	sdelay $0x1  }
0x2b0: {  	v3 =	vperm.xlane v3, v2;
	_ =	sdelay $0x1  }
0x2b1: {  	v3 =	vadd.s32 v1, v3  }
0x2b2: {  	[tilespmem:s21], [sflag:$0x1] =	stream.indirect_vreg.gather [hbm4b:s1+s3], $0x80, v4, vm0, $0xb8;
	[tilespmem:$0x18100] =	vst v63  }
0x2b3: {  	_ = 	snop  }
0x2b4: {  	[tilespmem:s22], [sflag:$0x1] =	stream.indirect_vreg.gather [hbm4b:s4+s3], $0x80, v4, vm1, $0xb8;
	[tilespmem:$0x18100] =	vst v63  }
0x2b5: {  	_ = 	snop  }
0x2b6: {  	[tilespmem:s30], [sflag:$0x1] =	stream.indirect_vreg.gather [hbm4b:s1+s3], $0x80, v3, vm0, $0xb8;
	[tilespmem:$0x18100] =	vst v63  }
0x2b7: {  	s12 =	simm.s32 $0x8D00  }
0x2b8: {  	[tilespmem:s12], [sflag:$0x1] =	stream.indirect_vreg.gather [hbm4b:s4+s3], $0x80, v3, vm1, $0xb8;
	[tilespmem:$0x18100] =	vst v63  }
0x2b9: {  	v3 =	vld [tilespmem:$0x60];
	_ =	sdelay $0x4  }
0x2ba: {  	v30 =	vshrl.u32 v3, $0x3  }
0x2bb: {  	v4 =	vmul.u32 $0x18, v30  }
0x2bc: {  	v3 =	vand.u32 $0x7, v3  }
0x2bd: {  	v3 =	vor.u32 v3, v4  }
0x2be: {  	v4 =	vperm.xlane v3, v0;
	_ =	sdelay $0x1  }
0x2bf: {  	v4 =	vadd.s32 v1, v4;
	_ =	sdelay $0x1  }
0x2c0: {  	v3 =	vperm.xlane v3, v2;
	_ =	sdelay $0x1  }
0x2c1: {  	v3 =	vadd.s32 v1, v3  }
0x2c2: {  	[tilespmem:s31], [sflag:$0x1] =	stream.indirect_vreg.gather [hbm4b:s1+s3], $0x80, v4, vm0, $0xb8;
	[tilespmem:$0x18100] =	vst v63  }
0x2c3: {  	_ = 	snop  }
0x2c4: {  	[tilespmem:s17], [sflag:$0x1] =	stream.indirect_vreg.gather [hbm4b:s4+s3], $0x80, v4, vm1, $0xb8;
	[tilespmem:$0x18100] =	vst v63  }
0x2c5: {  	_ = 	snop  }
0x2c6: {  	[tilespmem:s16], [sflag:$0x1] =	stream.indirect_vreg.gather [hbm4b:s1+s3], $0x80, v3, vm0, $0xb8;
	[tilespmem:$0x18100] =	vst v63  }
0x2c7: {  	s2 =	simm.s32 $0xA500  }
0x2c8: {  	[tilespmem:s2], [sflag:$0x1] =	stream.indirect_vreg.gather [hbm4b:s4+s3], $0x80, v3, vm1, $0xb8;
	[tilespmem:$0x18100] =	vst v63  }
0x2c9: {  	v3 =	vld [tilespmem:$0x70];
	_ =	sdelay $0x4  }
0x2ca: {  	v31 =	vshrl.u32 v3, $0x3  }
0x2cb: {  	v4 =	vmul.u32 $0x18, v31  }
0x2cc: {  	v3 =	vand.u32 $0x7, v3  }
0x2cd: {  	v3 =	vor.u32 v3, v4  }
0x2ce: {  	v4 =	vperm.xlane v3, v0;
	_ =	sdelay $0x1  }
0x2cf: {  	v4 =	vadd.s32 v1, v4;
	_ =	sdelay $0x1  }
0x2d0: {  	v3 =	vperm.xlane v3, v2;
	_ =	sdelay $0x1  }
0x2d1: {  	v3 =	vadd.s32 v1, v3  }
0x2d2: {  	[tilespmem:s15], [sflag:$0x1] =	stream.indirect_vreg.gather [hbm4b:s1+s3], $0x80, v4, vm0, $0xb8;
	[tilespmem:$0x18100] =	vst v63  }
0x2d3: {  	s15 =	simm.s32 $0xB100  }
0x2d4: {  	[tilespmem:s15], [sflag:$0x1] =	stream.indirect_vreg.gather [hbm4b:s4+s3], $0x80, v4, vm1, $0xb8;
	[tilespmem:$0x18100] =	vst v63  }
0x2d5: {  	s13 =	simm.s32 $0xB500  }
0x2d6: {  	[tilespmem:s13], [sflag:$0x1] =	stream.indirect_vreg.gather [hbm4b:s1+s3], $0x80, v3, vm0, $0xb8;
	[tilespmem:$0x18100] =	vst v63  }
0x2d7: {  	s7 =	simm.s32 $0xBD00  }
0x2d8: {  	[tilespmem:s7], [sflag:$0x1] =	stream.indirect_vreg.gather [hbm4b:s4+s3], $0x80, v3, vm1, $0xb8;
	[tilespmem:$0x18100] =	vst v63  }
0x2d9: {  	_ =	swait.ge [sflag:s25], $0xC000  }
0x2da: {  	[sflag:s25] =	ssyncset.done $0x0  }
0x2db: {  	s17 =	simm.s32 $0xC100;
	s14 =	rddreg [dreg:$0xc];
	[sflag:s25] =	ssyncadd.s32 $0xFFFF4000  }
0x2dc: {  	[hbm4b:s14+s3] =	stream.linear.scatter [tilespmem:s17], [sflag:$0x4], $0xC000, $0x38;
	[tilespmem:$0x18100] =	vst v63  }
0x2dd: {  	s18 =	simm.s32 $0x80;
	s16 =	rddreg [dreg:$0xd]  }
0x2de: {  	[tilespmem:s18], [sflag:$0x5] =	stream.linear.gather [hbm4b:s16+s3], $0x80, $0x38;
	[tilespmem:$0x18100] =	vst v63  }
0x2df: {  	_ =	swait.ge [sflag:s6], $0x80  }
0x2e0: {  	[sflag:s6] =	ssyncset.done $0x0  }
0x2e1: {  	[sflag:s6] =	ssyncadd.s32 $0xFFFFFF80  }
0x2e2: {  	_ =	swait.ge [sflag:s26], $0xC000  }
0x2e3: {  	[sflag:s26] =	ssyncset.done $0x0  }
0x2e4: {  	[sflag:s26] =	ssyncadd.s32 $0xFFFF4000  }
0x2e5: {  	v3 =	vld [tilespmem:$0x80];
	_ =	sdelay $0x4  }
0x2e6: {  	v32 =	vshrl.u32 v3, $0x3  }
0x2e7: {  	v4 =	vmul.u32 $0x18, v32  }
0x2e8: {  	v3 =	vand.u32 $0x7, v3  }
0x2e9: {  	v3 =	vor.u32 v3, v4  }
0x2ea: {  	v4 =	vperm.xlane v3, v0;
	_ =	sdelay $0x1  }
0x2eb: {  	v4 =	vadd.s32 v1, v4;
	_ =	sdelay $0x1  }
0x2ec: {  	v3 =	vperm.xlane v3, v2;
	_ =	sdelay $0x1  }
0x2ed: {  	v3 =	vadd.s32 v1, v3  }
0x2ee: {  	[tilespmem:s17], [sflag:$0x2] =	stream.indirect_vreg.gather [hbm4b:s1+s3], $0x80, v4, vm0, $0xb8;
	[tilespmem:$0x18100] =	vst v63  }
0x2ef: {  	s9 =	simm.s32 $0xC900  }
0x2f0: {  	[tilespmem:s9], [sflag:$0x2] =	stream.indirect_vreg.gather [hbm4b:s4+s3], $0x80, v4, vm1, $0xb8;
	[tilespmem:$0x18100] =	vst v63  }
0x2f1: {  	s10 =	simm.s32 $0xCD00  }
0x2f2: {  	[tilespmem:s10], [sflag:$0x2] =	stream.indirect_vreg.gather [hbm4b:s1+s3], $0x80, v3, vm0, $0xb8;
	[tilespmem:$0x18100] =	vst v63  }
0x2f3: {  	s19 =	simm.s32 $0xD500  }
0x2f4: {  	[tilespmem:s19], [sflag:$0x2] =	stream.indirect_vreg.gather [hbm4b:s4+s3], $0x80, v3, vm1, $0xb8;
	[tilespmem:$0x18100] =	vst v63  }
0x2f5: {  	v3 =	vld [tilespmem:$0x90];
	_ =	sdelay $0x4  }
0x2f6: {  	v33 =	vshrl.u32 v3, $0x3  }
0x2f7: {  	v4 =	vmul.u32 $0x18, v33  }
0x2f8: {  	v3 =	vand.u32 $0x7, v3  }
0x2f9: {  	v3 =	vor.u32 v3, v4  }
0x2fa: {  	v4 =	vperm.xlane v3, v0;
	_ =	sdelay $0x1  }
0x2fb: {  	v4 =	vadd.s32 v1, v4;
	_ =	sdelay $0x1  }
0x2fc: {  	v3 =	vperm.xlane v3, v2;
	_ =	sdelay $0x1  }
0x2fd: {  	s11 =	simm.s32 $0xD900;
	v3 =	vadd.s32 v1, v3  }
0x2fe: {  	[tilespmem:s11], [sflag:$0x2] =	stream.indirect_vreg.gather [hbm4b:s1+s3], $0x80, v4, vm0, $0xb8;
	[tilespmem:$0x18100] =	vst v63  }
0x2ff: {  	s12 =	simm.s32 $0xE100  }
0x300: {  	[tilespmem:s12], [sflag:$0x2] =	stream.indirect_vreg.gather [hbm4b:s4+s3], $0x80, v4, vm1, $0xb8;
	[tilespmem:$0x18100] =	vst v63  }
0x301: {  	s13 =	simm.s32 $0xE500  }
0x302: {  	[tilespmem:s13], [sflag:$0x2] =	stream.indirect_vreg.gather [hbm4b:s1+s3], $0x80, v3, vm0, $0xb8;
	[tilespmem:$0x18100] =	vst v63  }
0x303: {  	s20 =	simm.s32 $0xED00  }
0x304: {  	[tilespmem:s20], [sflag:$0x2] =	stream.indirect_vreg.gather [hbm4b:s4+s3], $0x80, v3, vm1, $0xb8;
	[tilespmem:$0x18100] =	vst v63  }
0x305: {  	v3 =	vld [tilespmem:$0xA0];
	_ =	sdelay $0x4  }
0x306: {  	v34 =	vshrl.u32 v3, $0x3  }
0x307: {  	v4 =	vmul.u32 $0x18, v34  }
0x308: {  	v3 =	vand.u32 $0x7, v3  }
0x309: {  	v3 =	vor.u32 v3, v4  }
0x30a: {  	v4 =	vperm.xlane v3, v0;
	_ =	sdelay $0x1  }
0x30b: {  	v4 =	vadd.s32 v1, v4;
	_ =	sdelay $0x1  }
0x30c: {  	v3 =	vperm.xlane v3, v2;
	_ =	sdelay $0x1  }
0x30d: {  	s14 =	simm.s32 $0xF100;
	v3 =	vadd.s32 v1, v3  }
0x30e: {  	[tilespmem:s14], [sflag:$0x2] =	stream.indirect_vreg.gather [hbm4b:s1+s3], $0x80, v4, vm0, $0xb8;
	[tilespmem:$0x18100] =	vst v63  }
0x30f: {  	s16 =	simm.s32 $0xF900  }
0x310: {  	[tilespmem:s16], [sflag:$0x2] =	stream.indirect_vreg.gather [hbm4b:s4+s3], $0x80, v4, vm1, $0xb8;
	[tilespmem:$0x18100] =	vst v63  }
0x311: {  	s17 =	simm.s32 $0xFD00  }
0x312: {  	[tilespmem:s17], [sflag:$0x2] =	stream.indirect_vreg.gather [hbm4b:s1+s3], $0x80, v3, vm0, $0xb8;
	[tilespmem:$0x18100] =	vst v63  }
0x313: {  	s21 =	simm.s32 $0x10500  }
0x314: {  	[tilespmem:s21], [sflag:$0x2] =	stream.indirect_vreg.gather [hbm4b:s4+s3], $0x80, v3, vm1, $0xb8;
	[tilespmem:$0x18100] =	vst v63  }
0x315: {  	v3 =	vld [tilespmem:$0xB0];
	_ =	sdelay $0x4  }
0x316: {  	v35 =	vshrl.u32 v3, $0x3  }
0x317: {  	v4 =	vmul.u32 $0x18, v35  }
0x318: {  	v3 =	vand.u32 $0x7, v3  }
0x319: {  	v3 =	vor.u32 v3, v4  }
0x31a: {  	v4 =	vperm.xlane v3, v0;
	_ =	sdelay $0x1  }
0x31b: {  	v4 =	vadd.s32 v1, v4;
	_ =	sdelay $0x1  }
0x31c: {  	v3 =	vperm.xlane v3, v2;
	_ =	sdelay $0x1  }
0x31d: {  	s18 =	simm.s32 $0x10900;
	v3 =	vadd.s32 v1, v3  }
0x31e: {  	[tilespmem:s18], [sflag:$0x2] =	stream.indirect_vreg.gather [hbm4b:s1+s3], $0x80, v4, vm0, $0xb8;
	[tilespmem:$0x18100] =	vst v63  }
0x31f: {  	s19 =	simm.s32 $0x11100  }
0x320: {  	[tilespmem:s19], [sflag:$0x2] =	stream.indirect_vreg.gather [hbm4b:s4+s3], $0x80, v4, vm1, $0xb8;
	[tilespmem:$0x18100] =	vst v63  }
0x321: {  	s20 =	simm.s32 $0x11500  }
0x322: {  	[tilespmem:s20], [sflag:$0x2] =	stream.indirect_vreg.gather [hbm4b:s1+s3], $0x80, v3, vm0, $0xb8;
	[tilespmem:$0x18100] =	vst v63  }
0x323: {  	s22 =	simm.s32 $0x11D00  }
0x324: {  	[tilespmem:s22], [sflag:$0x2] =	stream.indirect_vreg.gather [hbm4b:s4+s3], $0x80, v3, vm1, $0xb8;
	[tilespmem:$0x18100] =	vst v63  }
0x325: {  	v3 =	vld [tilespmem:$0xC0];
	_ =	sdelay $0x4  }
0x326: {  	v36 =	vshrl.u32 v3, $0x3  }
0x327: {  	v4 =	vmul.u32 $0x18, v36  }
0x328: {  	v3 =	vand.u32 $0x7, v3  }
0x329: {  	v3 =	vor.u32 v3, v4  }
0x32a: {  	v4 =	vperm.xlane v3, v0;
	_ =	sdelay $0x1  }
0x32b: {  	v4 =	vadd.s32 v1, v4;
	_ =	sdelay $0x1  }
0x32c: {  	v3 =	vperm.xlane v3, v2;
	_ =	sdelay $0x1  }
0x32d: {  	s21 =	simm.s32 $0x12100;
	v3 =	vadd.s32 v1, v3  }
0x32e: {  	[tilespmem:s21], [sflag:$0x2] =	stream.indirect_vreg.gather [hbm4b:s1+s3], $0x80, v4, vm0, $0xb8;
	[tilespmem:$0x18100] =	vst v63  }
0x32f: {  	s22 =	simm.s32 $0x12900  }
0x330: {  	[tilespmem:s22], [sflag:$0x2] =	stream.indirect_vreg.gather [hbm4b:s4+s3], $0x80, v4, vm1, $0xb8;
	[tilespmem:$0x18100] =	vst v63  }
0x331: {  	s30 =	simm.s32 $0x12D00  }
0x332: {  	[tilespmem:s30], [sflag:$0x2] =	stream.indirect_vreg.gather [hbm4b:s1+s3], $0x80, v3, vm0, $0xb8;
	[tilespmem:$0x18100] =	vst v63  }
0x333: {  	s28 =	simm.s32 $0x13500  }
0x334: {  	[tilespmem:s28], [sflag:$0x2] =	stream.indirect_vreg.gather [hbm4b:s4+s3], $0x80, v3, vm1, $0xb8;
	[tilespmem:$0x18100] =	vst v63  }
0x335: {  	v3 =	vld [tilespmem:$0xD0];
	_ =	sdelay $0x4  }
0x336: {  	v37 =	vshrl.u32 v3, $0x3  }
0x337: {  	v4 =	vmul.u32 $0x18, v37  }
0x338: {  	v3 =	vand.u32 $0x7, v3  }
0x339: {  	v3 =	vor.u32 v3, v4  }
0x33a: {  	v4 =	vperm.xlane v3, v0;
	_ =	sdelay $0x1  }
0x33b: {  	v4 =	vadd.s32 v1, v4;
	_ =	sdelay $0x1  }
0x33c: {  	v3 =	vperm.xlane v3, v2;
	_ =	sdelay $0x1  }
0x33d: {  	s31 =	simm.s32 $0x13900;
	v3 =	vadd.s32 v1, v3  }
0x33e: {  	[tilespmem:s31], [sflag:$0x2] =	stream.indirect_vreg.gather [hbm4b:s1+s3], $0x80, v4, vm0, $0xb8;
	[tilespmem:$0x18100] =	vst v63  }
0x33f: {  	s8 =	simm.s32 $0x14100  }
0x340: {  	[tilespmem:s8], [sflag:$0x2] =	stream.indirect_vreg.gather [hbm4b:s4+s3], $0x80, v4, vm1, $0xb8;
	[tilespmem:$0x18100] =	vst v63  }
0x341: {  	s29 =	simm.s32 $0x14500  }
0x342: {  	[tilespmem:s29], [sflag:$0x2] =	stream.indirect_vreg.gather [hbm4b:s1+s3], $0x80, v3, vm0, $0xb8;
	[tilespmem:$0x18100] =	vst v63  }
0x343: {  	s28 =	simm.s32 $0x14D00  }
0x344: {  	[tilespmem:s28], [sflag:$0x2] =	stream.indirect_vreg.gather [hbm4b:s4+s3], $0x80, v3, vm1, $0xb8;
	[tilespmem:$0x18100] =	vst v63  }
0x345: {  	v3 =	vld [tilespmem:$0xE0];
	_ =	sdelay $0x4  }
0x346: {  	v38 =	vshrl.u32 v3, $0x3  }
0x347: {  	v4 =	vmul.u32 $0x18, v38  }
0x348: {  	v3 =	vand.u32 $0x7, v3  }
0x349: {  	v3 =	vor.u32 v3, v4  }
0x34a: {  	v4 =	vperm.xlane v3, v0;
	_ =	sdelay $0x1  }
0x34b: {  	v4 =	vadd.s32 v1, v4;
	_ =	sdelay $0x1  }
0x34c: {  	v3 =	vperm.xlane v3, v2;
	_ =	sdelay $0x1  }
0x34d: {  	s29 =	simm.s32 $0x15100;
	v3 =	vadd.s32 v1, v3  }
0x34e: {  	[tilespmem:s29], [sflag:$0x2] =	stream.indirect_vreg.gather [hbm4b:s1+s3], $0x80, v4, vm0, $0xb8;
	[tilespmem:$0x18100] =	vst v63  }
0x34f: {  	s28 =	simm.s32 $0x15900  }
0x350: {  	[tilespmem:s28], [sflag:$0x2] =	stream.indirect_vreg.gather [hbm4b:s4+s3], $0x80, v4, vm1, $0xb8;
	[tilespmem:$0x18100] =	vst v63  }
0x351: {  	s29 =	simm.s32 $0x15D00  }
0x352: {  	[tilespmem:s29], [sflag:$0x2] =	stream.indirect_vreg.gather [hbm4b:s1+s3], $0x80, v3, vm0, $0xb8;
	[tilespmem:$0x18100] =	vst v63  }
0x353: {  	s28 =	simm.s32 $0x16500  }
0x354: {  	[tilespmem:s28], [sflag:$0x2] =	stream.indirect_vreg.gather [hbm4b:s4+s3], $0x80, v3, vm1, $0xb8;
	[tilespmem:$0x18100] =	vst v63  }
0x355: {  	v3 =	vld [tilespmem:$0xF0];
	_ =	sdelay $0x4  }
0x356: {  	v39 =	vshrl.u32 v3, $0x3  }
0x357: {  	v4 =	vmul.u32 $0x18, v39  }
0x358: {  	v3 =	vand.u32 $0x7, v3  }
0x359: {  	v3 =	vor.u32 v3, v4  }
0x35a: {  	v4 =	vperm.xlane v3, v0;
	_ =	sdelay $0x1  }
0x35b: {  	v4 =	vadd.s32 v1, v4;
	_ =	sdelay $0x1  }
0x35c: {  	v3 =	vperm.xlane v3, v2;
	_ =	sdelay $0x1  }
0x35d: {  	s29 =	simm.s32 $0x16900;
	v3 =	vadd.s32 v1, v3  }
0x35e: {  	[tilespmem:s29], [sflag:$0x2] =	stream.indirect_vreg.gather [hbm4b:s1+s3], $0x80, v4, vm0, $0xb8;
	[tilespmem:$0x18100] =	vst v63  }
0x35f: {  	s28 =	simm.s32 $0x17100  }
0x360: {  	[tilespmem:s28], [sflag:$0x2] =	stream.indirect_vreg.gather [hbm4b:s4+s3], $0x80, v4, vm1, $0xb8;
	[tilespmem:$0x18100] =	vst v63  }
0x361: {  	s29 =	simm.s32 $0x17500  }
0x362: {  	[tilespmem:s29], [sflag:$0x2] =	stream.indirect_vreg.gather [hbm4b:s1+s3], $0x80, v3, vm0, $0xb8;
	[tilespmem:$0x18100] =	vst v63  }
0x363: {  	s28 =	simm.s32 $0x17D00  }
0x364: {  	[tilespmem:s28], [sflag:$0x2] =	stream.indirect_vreg.gather [hbm4b:s4+s3], $0x80, v3, vm1, $0xb8;
	[tilespmem:$0x18100] =	vst v63  }
0x365: {  	_ =	swait.ge [sflag:s23], $0xC000  }
0x366: {  	[sflag:s23] =	ssyncset.done $0x0  }
0x367: {  	s0 =	simm.s32 $0x100;
	s28 =	rddreg [dreg:$0xe];
	[sflag:s23] =	ssyncadd.s32 $0xFFFF4000  }
0x368: {  	[hbm4b:s28+s3] =	stream.linear.scatter [tilespmem:s0], [sflag:$0x3], $0xC000, $0x38;
	[tilespmem:$0x18100] =	vst v63  }
0x369: {  	s29 =	rddreg [dreg:$0xf]  }
0x36a: {  	[tilespmem:s3], [sflag:$0x5] =	stream.linear.gather [hbm4b:s29+s3], $0x80, $0x38;
	[tilespmem:$0x18100] =	vst v63  }
0x36b: {  	_ =	swait.ge [sflag:s6], $0x80  }
0x36c: {  	[sflag:s6] =	ssyncset.done $0x0  }
0x36d: {  	[sflag:s6] =	ssyncadd.s32 $0xFFFFFF80  }
0x36e: {  	_ =	swait.ge [sflag:s24], $0xC000  }
0x36f: {  	[sflag:s24] =	ssyncset.done $0x0  }
0x370: {  	[sflag:s24] =	ssyncadd.s32 $0xFFFF4000  }
0x371: {  	v3 =	vld [tilespmem:$0x0];
	_ =	sdelay $0x4  }
0x372: {  	v40 =	vshrl.u32 v3, $0x3  }
0x373: {  	v4 =	vmul.u32 $0x18, v40  }
0x374: {  	v3 =	vand.u32 $0x7, v3  }
0x375: {  	v3 =	vor.u32 v3, v4  }
0x376: {  	v4 =	vperm.xlane v3, v0;
	_ =	sdelay $0x1  }
0x377: {  	v4 =	vadd.s32 v1, v4;
	_ =	sdelay $0x1  }
0x378: {  	v3 =	vperm.xlane v3, v2;
	_ =	sdelay $0x1  }
0x379: {  	v3 =	vadd.s32 v1, v3  }
0x37a: {  	[tilespmem:s0], [sflag:$0x1] =	stream.indirect_vreg.gather [hbm4b:s1+s3], $0x80, v4, vm0, $0xb8;
	[tilespmem:$0x18100] =	vst v63  }
0x37b: {  	s29 =	simm.s32 $0x900  }
0x37c: {  	[tilespmem:s29], [sflag:$0x1] =	stream.indirect_vreg.gather [hbm4b:s4+s3], $0x80, v4, vm1, $0xb8;
	[tilespmem:$0x18100] =	vst v63  }
0x37d: {  	s28 =	simm.s32 $0xD00  }
0x37e: {  	[tilespmem:s28], [sflag:$0x1] =	stream.indirect_vreg.gather [hbm4b:s1+s3], $0x80, v3, vm0, $0xb8;
	[tilespmem:$0x18100] =	vst v63  }
0x37f: {  	_ = 	snop  }
0x380: {  	[tilespmem:s5], [sflag:$0x1] =	stream.indirect_vreg.gather [hbm4b:s4+s3], $0x80, v3, vm1, $0xb8;
	[tilespmem:$0x18100] =	vst v63  }
0x381: {  	v3 =	vld [tilespmem:$0x10];
	_ =	sdelay $0x4  }
0x382: {  	v41 =	vshrl.u32 v3, $0x3  }
0x383: {  	v4 =	vmul.u32 $0x18, v41  }
0x384: {  	v3 =	vand.u32 $0x7, v3  }
0x385: {  	v3 =	vor.u32 v3, v4  }
0x386: {  	v4 =	vperm.xlane v3, v0;
	_ =	sdelay $0x1  }
0x387: {  	v4 =	vadd.s32 v1, v4;
	_ =	sdelay $0x1  }
0x388: {  	v3 =	vperm.xlane v3, v2;
	_ =	sdelay $0x1  }
0x389: {  	s5 =	simm.s32 $0x1900;
	v3 =	vadd.s32 v1, v3  }
0x38a: {  	[tilespmem:s5], [sflag:$0x1] =	stream.indirect_vreg.gather [hbm4b:s1+s3], $0x80, v4, vm0, $0xb8;
	[tilespmem:$0x18100] =	vst v63  }
0x38b: {  	s29 =	simm.s32 $0x2100  }
0x38c: {  	[tilespmem:s29], [sflag:$0x1] =	stream.indirect_vreg.gather [hbm4b:s4+s3], $0x80, v4, vm1, $0xb8;
	[tilespmem:$0x18100] =	vst v63  }
0x38d: {  	s29 =	simm.s32 $0x2500  }
0x38e: {  	[tilespmem:s29], [sflag:$0x1] =	stream.indirect_vreg.gather [hbm4b:s1+s3], $0x80, v3, vm0, $0xb8;
	[tilespmem:$0x18100] =	vst v63  }
0x38f: {  	s29 =	simm.s32 $0x2D00  }
0x390: {  	[tilespmem:s29], [sflag:$0x1] =	stream.indirect_vreg.gather [hbm4b:s4+s3], $0x80, v3, vm1, $0xb8;
	[tilespmem:$0x18100] =	vst v63  }
0x391: {  	v3 =	vld [tilespmem:$0x20];
	_ =	sdelay $0x4  }
0x392: {  	v42 =	vshrl.u32 v3, $0x3  }
0x393: {  	v4 =	vmul.u32 $0x18, v42  }
0x394: {  	v3 =	vand.u32 $0x7, v3  }
0x395: {  	v3 =	vor.u32 v3, v4  }
0x396: {  	v4 =	vperm.xlane v3, v0;
	_ =	sdelay $0x1  }
0x397: {  	v4 =	vadd.s32 v1, v4;
	_ =	sdelay $0x1  }
0x398: {  	v3 =	vperm.xlane v3, v2;
	_ =	sdelay $0x1  }
0x399: {  	s29 =	simm.s32 $0x3100;
	v3 =	vadd.s32 v1, v3  }
0x39a: {  	[tilespmem:s29], [sflag:$0x1] =	stream.indirect_vreg.gather [hbm4b:s1+s3], $0x80, v4, vm0, $0xb8;
	[tilespmem:$0x18100] =	vst v63  }
0x39b: {  	s29 =	simm.s32 $0x3900  }
0x39c: {  	[tilespmem:s29], [sflag:$0x1] =	stream.indirect_vreg.gather [hbm4b:s4+s3], $0x80, v4, vm1, $0xb8;
	[tilespmem:$0x18100] =	vst v63  }
0x39d: {  	s29 =	simm.s32 $0x3D00  }
0x39e: {  	[tilespmem:s29], [sflag:$0x1] =	stream.indirect_vreg.gather [hbm4b:s1+s3], $0x80, v3, vm0, $0xb8;
	[tilespmem:$0x18100] =	vst v63  }
0x39f: {  	s29 =	simm.s32 $0x4500  }
0x3a0: {  	[tilespmem:s29], [sflag:$0x1] =	stream.indirect_vreg.gather [hbm4b:s4+s3], $0x80, v3, vm1, $0xb8;
	[tilespmem:$0x18100] =	vst v63  }
0x3a1: {  	v3 =	vld [tilespmem:$0x30];
	_ =	sdelay $0x4  }
0x3a2: {  	v43 =	vshrl.u32 v3, $0x3  }
0x3a3: {  	v4 =	vmul.u32 $0x18, v43  }
0x3a4: {  	v3 =	vand.u32 $0x7, v3  }
0x3a5: {  	v3 =	vor.u32 v3, v4  }
0x3a6: {  	v4 =	vperm.xlane v3, v0;
	_ =	sdelay $0x1  }
0x3a7: {  	v4 =	vadd.s32 v1, v4;
	_ =	sdelay $0x1  }
0x3a8: {  	v3 =	vperm.xlane v3, v2;
	_ =	sdelay $0x1  }
0x3a9: {  	s29 =	simm.s32 $0x4900;
	v3 =	vadd.s32 v1, v3  }
0x3aa: {  	[tilespmem:s29], [sflag:$0x1] =	stream.indirect_vreg.gather [hbm4b:s1+s3], $0x80, v4, vm0, $0xb8;
	[tilespmem:$0x18100] =	vst v63  }
0x3ab: {  	s29 =	simm.s32 $0x5100  }
0x3ac: {  	[tilespmem:s29], [sflag:$0x1] =	stream.indirect_vreg.gather [hbm4b:s4+s3], $0x80, v4, vm1, $0xb8;
	[tilespmem:$0x18100] =	vst v63  }
0x3ad: {  	s29 =	simm.s32 $0x5500  }
0x3ae: {  	[tilespmem:s29], [sflag:$0x1] =	stream.indirect_vreg.gather [hbm4b:s1+s3], $0x80, v3, vm0, $0xb8;
	[tilespmem:$0x18100] =	vst v63  }
0x3af: {  	s29 =	simm.s32 $0x5D00  }
0x3b0: {  	[tilespmem:s29], [sflag:$0x1] =	stream.indirect_vreg.gather [hbm4b:s4+s3], $0x80, v3, vm1, $0xb8;
	[tilespmem:$0x18100] =	vst v63  }
0x3b1: {  	v3 =	vld [tilespmem:$0x40];
	_ =	sdelay $0x4  }
0x3b2: {  	v44 =	vshrl.u32 v3, $0x3  }
0x3b3: {  	v4 =	vmul.u32 $0x18, v44  }
0x3b4: {  	v3 =	vand.u32 $0x7, v3  }
0x3b5: {  	v3 =	vor.u32 v3, v4  }
0x3b6: {  	v4 =	vperm.xlane v3, v0;
	_ =	sdelay $0x1  }
0x3b7: {  	v4 =	vadd.s32 v1, v4;
	_ =	sdelay $0x1  }
0x3b8: {  	v3 =	vperm.xlane v3, v2;
	_ =	sdelay $0x1  }
0x3b9: {  	s29 =	simm.s32 $0x6100;
	v3 =	vadd.s32 v1, v3  }
0x3ba: {  	[tilespmem:s29], [sflag:$0x1] =	stream.indirect_vreg.gather [hbm4b:s1+s3], $0x80, v4, vm0, $0xb8;
	[tilespmem:$0x18100] =	vst v63  }
0x3bb: {  	s29 =	simm.s32 $0x6900  }
0x3bc: {  	[tilespmem:s29], [sflag:$0x1] =	stream.indirect_vreg.gather [hbm4b:s4+s3], $0x80, v4, vm1, $0xb8;
	[tilespmem:$0x18100] =	vst v63  }
0x3bd: {  	s29 =	simm.s32 $0x6D00  }
0x3be: {  	[tilespmem:s29], [sflag:$0x1] =	stream.indirect_vreg.gather [hbm4b:s1+s3], $0x80, v3, vm0, $0xb8;
	[tilespmem:$0x18100] =	vst v63  }
0x3bf: {  	s29 =	simm.s32 $0x7500  }
0x3c0: {  	[tilespmem:s29], [sflag:$0x1] =	stream.indirect_vreg.gather [hbm4b:s4+s3], $0x80, v3, vm1, $0xb8;
	[tilespmem:$0x18100] =	vst v63  }
0x3c1: {  	v3 =	vld [tilespmem:$0x50];
	_ =	sdelay $0x4  }
0x3c2: {  	v45 =	vshrl.u32 v3, $0x3  }
0x3c3: {  	v4 =	vmul.u32 $0x18, v45  }
0x3c4: {  	v3 =	vand.u32 $0x7, v3  }
0x3c5: {  	v3 =	vor.u32 v3, v4  }
0x3c6: {  	v4 =	vperm.xlane v3, v0;
	_ =	sdelay $0x1  }
0x3c7: {  	v4 =	vadd.s32 v1, v4;
	_ =	sdelay $0x1  }
0x3c8: {  	v3 =	vperm.xlane v3, v2;
	_ =	sdelay $0x1  }
0x3c9: {  	s29 =	simm.s32 $0x7900;
	v3 =	vadd.s32 v1, v3  }
0x3ca: {  	[tilespmem:s29], [sflag:$0x1] =	stream.indirect_vreg.gather [hbm4b:s1+s3], $0x80, v4, vm0, $0xb8;
	[tilespmem:$0x18100] =	vst v63  }
0x3cb: {  	s29 =	simm.s32 $0x8100  }
0x3cc: {  	[tilespmem:s29], [sflag:$0x1] =	stream.indirect_vreg.gather [hbm4b:s4+s3], $0x80, v4, vm1, $0xb8;
	[tilespmem:$0x18100] =	vst v63  }
0x3cd: {  	s29 =	simm.s32 $0x8500  }
0x3ce: {  	[tilespmem:s29], [sflag:$0x1] =	stream.indirect_vreg.gather [hbm4b:s1+s3], $0x80, v3, vm0, $0xb8;
	[tilespmem:$0x18100] =	vst v63  }
0x3cf: {  	s29 =	simm.s32 $0x8D00  }
0x3d0: {  	[tilespmem:s29], [sflag:$0x1] =	stream.indirect_vreg.gather [hbm4b:s4+s3], $0x80, v3, vm1, $0xb8;
	[tilespmem:$0x18100] =	vst v63  }
0x3d1: {  	v3 =	vld [tilespmem:$0x60];
	_ =	sdelay $0x4  }
0x3d2: {  	v46 =	vshrl.u32 v3, $0x3  }
0x3d3: {  	v4 =	vmul.u32 $0x18, v46  }
0x3d4: {  	v3 =	vand.u32 $0x7, v3  }
0x3d5: {  	v3 =	vor.u32 v3, v4  }
0x3d6: {  	v4 =	vperm.xlane v3, v0;
	_ =	sdelay $0x1  }
0x3d7: {  	v4 =	vadd.s32 v1, v4;
	_ =	sdelay $0x1  }
0x3d8: {  	v3 =	vperm.xlane v3, v2;
	_ =	sdelay $0x1  }
0x3d9: {  	s29 =	simm.s32 $0x9100;
	v3 =	vadd.s32 v1, v3  }
0x3da: {  	[tilespmem:s29], [sflag:$0x1] =	stream.indirect_vreg.gather [hbm4b:s1+s3], $0x80, v4, vm0, $0xb8;
	[tilespmem:$0x18100] =	vst v63  }
0x3db: {  	s29 =	simm.s32 $0x9900  }
0x3dc: {  	[tilespmem:s29], [sflag:$0x1] =	stream.indirect_vreg.gather [hbm4b:s4+s3], $0x80, v4, vm1, $0xb8;
	[tilespmem:$0x18100] =	vst v63  }
0x3dd: {  	s29 =	simm.s32 $0x9D00  }
0x3de: {  	[tilespmem:s29], [sflag:$0x1] =	stream.indirect_vreg.gather [hbm4b:s1+s3], $0x80, v3, vm0, $0xb8;
	[tilespmem:$0x18100] =	vst v63  }
0x3df: {  	_ = 	snop  }
0x3e0: {  	[tilespmem:s2], [sflag:$0x1] =	stream.indirect_vreg.gather [hbm4b:s4+s3], $0x80, v3, vm1, $0xb8;
	[tilespmem:$0x18100] =	vst v63  }
0x3e1: {  	v3 =	vld [tilespmem:$0x70];
	_ =	sdelay $0x4  }
0x3e2: {  	v47 =	vshrl.u32 v3, $0x3  }
0x3e3: {  	v4 =	vmul.u32 $0x18, v47  }
0x3e4: {  	v3 =	vand.u32 $0x7, v3  }
0x3e5: {  	v3 =	vor.u32 v3, v4  }
0x3e6: {  	v4 =	vperm.xlane v3, v0;
	_ =	sdelay $0x1  }
0x3e7: {  	v4 =	vadd.s32 v1, v4;
	_ =	sdelay $0x1  }
0x3e8: {  	v3 =	vperm.xlane v3, v2;
	_ =	sdelay $0x1  }
0x3e9: {  	s28 =	simm.s32 $0xA900;
	v3 =	vadd.s32 v1, v3  }
0x3ea: {  	[tilespmem:s28], [sflag:$0x1] =	stream.indirect_vreg.gather [hbm4b:s1+s3], $0x80, v4, vm0, $0xb8;
	[tilespmem:$0x18100] =	vst v63  }
0x3eb: {  	_ = 	snop  }
0x3ec: {  	[tilespmem:s15], [sflag:$0x1] =	stream.indirect_vreg.gather [hbm4b:s4+s3], $0x80, v4, vm1, $0xb8;
	[tilespmem:$0x18100] =	vst v63  }
0x3ed: {  	s29 =	simm.s32 $0xB500  }
0x3ee: {  	[tilespmem:s29], [sflag:$0x1] =	stream.indirect_vreg.gather [hbm4b:s1+s3], $0x80, v3, vm0, $0xb8;
	[tilespmem:$0x18100] =	vst v63  }
0x3ef: {  	_ = 	snop  }
0x3f0: {  	[tilespmem:s7], [sflag:$0x1] =	stream.indirect_vreg.gather [hbm4b:s4+s3], $0x80, v3, vm1, $0xb8;
	[tilespmem:$0x18100] =	vst v63  }
0x3f1: {  	_ =	swait.ge [sflag:s25], $0xC000  }
0x3f2: {  	[sflag:s25] =	ssyncset.done $0x0  }
0x3f3: {  	s15 =	simm.s32 $0xC100;
	s7 =	rddreg [dreg:$0x10];
	[sflag:s25] =	ssyncadd.s32 $0xFFFF4000  }
0x3f4: {  	[hbm4b:s7+s3] =	stream.linear.scatter [tilespmem:s15], [sflag:$0x4], $0xC000, $0x38;
	[tilespmem:$0x18100] =	vst v63  }
0x3f5: {  	s2 =	rddreg [dreg:$0x11];
	s7 =	simm.s32 $0x80  }
0x3f6: {  	[tilespmem:s7], [sflag:$0x5] =	stream.linear.gather [hbm4b:s2+s3], $0x80, $0x38;
	[tilespmem:$0x18100] =	vst v63  }
0x3f7: {  	_ =	swait.ge [sflag:s6], $0x80  }
0x3f8: {  	[sflag:s6] =	ssyncset.done $0x0  }
0x3f9: {  	[sflag:s6] =	ssyncadd.s32 $0xFFFFFF80  }
0x3fa: {  	_ =	swait.ge [sflag:s26], $0xC000  }
0x3fb: {  	[sflag:s26] =	ssyncset.done $0x0  }
0x3fc: {  	[sflag:s26] =	ssyncadd.s32 $0xFFFF4000  }
0x3fd: {  	v3 =	vld [tilespmem:$0x80];
	_ =	sdelay $0x4  }
0x3fe: {  	v48 =	vshrl.u32 v3, $0x3  }
0x3ff: {  	v4 =	vmul.u32 $0x18, v48  }
0x400: {  	v3 =	vand.u32 $0x7, v3  }
0x401: {  	v3 =	vor.u32 v3, v4  }
0x402: {  	v4 =	vperm.xlane v3, v0;
	_ =	sdelay $0x1  }
0x403: {  	v4 =	vadd.s32 v1, v4;
	_ =	sdelay $0x1  }
0x404: {  	v3 =	vperm.xlane v3, v2;
	_ =	sdelay $0x1  }
0x405: {  	v3 =	vadd.s32 v1, v3  }
0x406: {  	[tilespmem:s15], [sflag:$0x2] =	stream.indirect_vreg.gather [hbm4b:s1+s3], $0x80, v4, vm0, $0xb8;
	[tilespmem:$0x18100] =	vst v63  }
0x407: {  	_ = 	snop  }
0x408: {  	[tilespmem:s9], [sflag:$0x2] =	stream.indirect_vreg.gather [hbm4b:s4+s3], $0x80, v4, vm1, $0xb8;
	[tilespmem:$0x18100] =	vst v63  }
0x409: {  	_ = 	snop  }
0x40a: {  	[tilespmem:s10], [sflag:$0x2] =	stream.indirect_vreg.gather [hbm4b:s1+s3], $0x80, v3, vm0, $0xb8;
	[tilespmem:$0x18100] =	vst v63  }
0x40b: {  	s10 =	simm.s32 $0xD500  }
0x40c: {  	[tilespmem:s10], [sflag:$0x2] =	stream.indirect_vreg.gather [hbm4b:s4+s3], $0x80, v3, vm1, $0xb8;
	[tilespmem:$0x18100] =	vst v63  }
0x40d: {  	v3 =	vld [tilespmem:$0x90];
	_ =	sdelay $0x4  }
0x40e: {  	v49 =	vshrl.u32 v3, $0x3  }
0x40f: {  	v4 =	vmul.u32 $0x18, v49  }
0x410: {  	v3 =	vand.u32 $0x7, v3  }
0x411: {  	v3 =	vor.u32 v3, v4  }
0x412: {  	v4 =	vperm.xlane v3, v0;
	_ =	sdelay $0x1  }
0x413: {  	v4 =	vadd.s32 v1, v4;
	_ =	sdelay $0x1  }
0x414: {  	v3 =	vperm.xlane v3, v2;
	_ =	sdelay $0x1  }
0x415: {  	v3 =	vadd.s32 v1, v3  }
0x416: {  	[tilespmem:s11], [sflag:$0x2] =	stream.indirect_vreg.gather [hbm4b:s1+s3], $0x80, v4, vm0, $0xb8;
	[tilespmem:$0x18100] =	vst v63  }
0x417: {  	_ = 	snop  }
0x418: {  	[tilespmem:s12], [sflag:$0x2] =	stream.indirect_vreg.gather [hbm4b:s4+s3], $0x80, v4, vm1, $0xb8;
	[tilespmem:$0x18100] =	vst v63  }
0x419: {  	_ = 	snop  }
0x41a: {  	[tilespmem:s13], [sflag:$0x2] =	stream.indirect_vreg.gather [hbm4b:s1+s3], $0x80, v3, vm0, $0xb8;
	[tilespmem:$0x18100] =	vst v63  }
0x41b: {  	s13 =	simm.s32 $0xED00  }
0x41c: {  	[tilespmem:s13], [sflag:$0x2] =	stream.indirect_vreg.gather [hbm4b:s4+s3], $0x80, v3, vm1, $0xb8;
	[tilespmem:$0x18100] =	vst v63  }
0x41d: {  	v3 =	vld [tilespmem:$0xA0];
	_ =	sdelay $0x4  }
0x41e: {  	v50 =	vshrl.u32 v3, $0x3  }
0x41f: {  	v4 =	vmul.u32 $0x18, v50  }
0x420: {  	v3 =	vand.u32 $0x7, v3  }
0x421: {  	v3 =	vor.u32 v3, v4  }
0x422: {  	v4 =	vperm.xlane v3, v0;
	_ =	sdelay $0x1  }
0x423: {  	v4 =	vadd.s32 v1, v4;
	_ =	sdelay $0x1  }
0x424: {  	v3 =	vperm.xlane v3, v2;
	_ =	sdelay $0x1  }
0x425: {  	v3 =	vadd.s32 v1, v3  }
0x426: {  	[tilespmem:s14], [sflag:$0x2] =	stream.indirect_vreg.gather [hbm4b:s1+s3], $0x80, v4, vm0, $0xb8;
	[tilespmem:$0x18100] =	vst v63  }
0x427: {  	_ = 	snop  }
0x428: {  	[tilespmem:s16], [sflag:$0x2] =	stream.indirect_vreg.gather [hbm4b:s4+s3], $0x80, v4, vm1, $0xb8;
	[tilespmem:$0x18100] =	vst v63  }
0x429: {  	_ = 	snop  }
0x42a: {  	[tilespmem:s17], [sflag:$0x2] =	stream.indirect_vreg.gather [hbm4b:s1+s3], $0x80, v3, vm0, $0xb8;
	[tilespmem:$0x18100] =	vst v63  }
0x42b: {  	s28 =	simm.s32 $0x10500  }
0x42c: {  	[tilespmem:s28], [sflag:$0x2] =	stream.indirect_vreg.gather [hbm4b:s4+s3], $0x80, v3, vm1, $0xb8;
	[tilespmem:$0x18100] =	vst v63  }
0x42d: {  	v3 =	vld [tilespmem:$0xB0];
	_ =	sdelay $0x4  }
0x42e: {  	v51 =	vshrl.u32 v3, $0x3  }
0x42f: {  	v4 =	vmul.u32 $0x18, v51  }
0x430: {  	v3 =	vand.u32 $0x7, v3  }
0x431: {  	v3 =	vor.u32 v3, v4  }
0x432: {  	v4 =	vperm.xlane v3, v0;
	_ =	sdelay $0x1  }
0x433: {  	v4 =	vadd.s32 v1, v4;
	_ =	sdelay $0x1  }
0x434: {  	v3 =	vperm.xlane v3, v2;
	_ =	sdelay $0x1  }
0x435: {  	v3 =	vadd.s32 v1, v3  }
0x436: {  	[tilespmem:s18], [sflag:$0x2] =	stream.indirect_vreg.gather [hbm4b:s1+s3], $0x80, v4, vm0, $0xb8;
	[tilespmem:$0x18100] =	vst v63  }
0x437: {  	_ = 	snop  }
0x438: {  	[tilespmem:s19], [sflag:$0x2] =	stream.indirect_vreg.gather [hbm4b:s4+s3], $0x80, v4, vm1, $0xb8;
	[tilespmem:$0x18100] =	vst v63  }
0x439: {  	_ = 	snop  }
0x43a: {  	[tilespmem:s20], [sflag:$0x2] =	stream.indirect_vreg.gather [hbm4b:s1+s3], $0x80, v3, vm0, $0xb8;
	[tilespmem:$0x18100] =	vst v63  }
0x43b: {  	s29 =	simm.s32 $0x11D00  }
0x43c: {  	[tilespmem:s29], [sflag:$0x2] =	stream.indirect_vreg.gather [hbm4b:s4+s3], $0x80, v3, vm1, $0xb8;
	[tilespmem:$0x18100] =	vst v63  }
0x43d: {  	v3 =	vld [tilespmem:$0xC0];
	_ =	sdelay $0x4  }
0x43e: {  	v52 =	vshrl.u32 v3, $0x3  }
0x43f: {  	v4 =	vmul.u32 $0x18, v52  }
0x440: {  	v3 =	vand.u32 $0x7, v3  }
0x441: {  	v3 =	vor.u32 v3, v4  }
0x442: {  	v4 =	vperm.xlane v3, v0;
	_ =	sdelay $0x1  }
0x443: {  	v4 =	vadd.s32 v1, v4;
	_ =	sdelay $0x1  }
0x444: {  	v3 =	vperm.xlane v3, v2;
	_ =	sdelay $0x1  }
0x445: {  	v3 =	vadd.s32 v1, v3  }
0x446: {  	[tilespmem:s21], [sflag:$0x2] =	stream.indirect_vreg.gather [hbm4b:s1+s3], $0x80, v4, vm0, $0xb8;
	[tilespmem:$0x18100] =	vst v63  }
0x447: {  	_ = 	snop  }
0x448: {  	[tilespmem:s22], [sflag:$0x2] =	stream.indirect_vreg.gather [hbm4b:s4+s3], $0x80, v4, vm1, $0xb8;
	[tilespmem:$0x18100] =	vst v63  }
0x449: {  	_ = 	snop  }
0x44a: {  	[tilespmem:s30], [sflag:$0x2] =	stream.indirect_vreg.gather [hbm4b:s1+s3], $0x80, v3, vm0, $0xb8;
	[tilespmem:$0x18100] =	vst v63  }
0x44b: {  	s30 =	simm.s32 $0x13500  }
0x44c: {  	[tilespmem:s30], [sflag:$0x2] =	stream.indirect_vreg.gather [hbm4b:s4+s3], $0x80, v3, vm1, $0xb8;
	[tilespmem:$0x18100] =	vst v63  }
0x44d: {  	v3 =	vld [tilespmem:$0xD0];
	_ =	sdelay $0x4  }
0x44e: {  	v53 =	vshrl.u32 v3, $0x3  }
0x44f: {  	v4 =	vmul.u32 $0x18, v53  }
0x450: {  	v3 =	vand.u32 $0x7, v3  }
0x451: {  	v3 =	vor.u32 v3, v4  }
0x452: {  	v4 =	vperm.xlane v3, v0;
	_ =	sdelay $0x1  }
0x453: {  	v4 =	vadd.s32 v1, v4;
	_ =	sdelay $0x1  }
0x454: {  	v3 =	vperm.xlane v3, v2;
	_ =	sdelay $0x1  }
0x455: {  	v3 =	vadd.s32 v1, v3  }
0x456: {  	[tilespmem:s31], [sflag:$0x2] =	stream.indirect_vreg.gather [hbm4b:s1+s3], $0x80, v4, vm0, $0xb8;
	[tilespmem:$0x18100] =	vst v63  }
0x457: {  	_ = 	snop  }
0x458: {  	[tilespmem:s8], [sflag:$0x2] =	stream.indirect_vreg.gather [hbm4b:s4+s3], $0x80, v4, vm1, $0xb8;
	[tilespmem:$0x18100] =	vst v63  }
0x459: {  	s31 =	simm.s32 $0x14500  }
0x45a: {  	[tilespmem:s31], [sflag:$0x2] =	stream.indirect_vreg.gather [hbm4b:s1+s3], $0x80, v3, vm0, $0xb8;
	[tilespmem:$0x18100] =	vst v63  }
0x45b: {  	s8 =	simm.s32 $0x14D00  }
0x45c: {  	[tilespmem:s8], [sflag:$0x2] =	stream.indirect_vreg.gather [hbm4b:s4+s3], $0x80, v3, vm1, $0xb8;
	[tilespmem:$0x18100] =	vst v63  }
0x45d: {  	v3 =	vld [tilespmem:$0xE0];
	_ =	sdelay $0x4  }
0x45e: {  	v54 =	vshrl.u32 v3, $0x3  }
0x45f: {  	v4 =	vmul.u32 $0x18, v54  }
0x460: {  	v3 =	vand.u32 $0x7, v3  }
0x461: {  	v3 =	vor.u32 v3, v4  }
0x462: {  	v4 =	vperm.xlane v3, v0;
	_ =	sdelay $0x1  }
0x463: {  	v4 =	vadd.s32 v1, v4;
	_ =	sdelay $0x1  }
0x464: {  	v3 =	vperm.xlane v3, v2;
	_ =	sdelay $0x1  }
0x465: {  	s9 =	simm.s32 $0x15100;
	v3 =	vadd.s32 v1, v3  }
0x466: {  	[tilespmem:s9], [sflag:$0x2] =	stream.indirect_vreg.gather [hbm4b:s1+s3], $0x80, v4, vm0, $0xb8;
	[tilespmem:$0x18100] =	vst v63  }
0x467: {  	s10 =	simm.s32 $0x15900  }
0x468: {  	[tilespmem:s10], [sflag:$0x2] =	stream.indirect_vreg.gather [hbm4b:s4+s3], $0x80, v4, vm1, $0xb8;
	[tilespmem:$0x18100] =	vst v63  }
0x469: {  	s11 =	simm.s32 $0x15D00  }
0x46a: {  	[tilespmem:s11], [sflag:$0x2] =	stream.indirect_vreg.gather [hbm4b:s1+s3], $0x80, v3, vm0, $0xb8;
	[tilespmem:$0x18100] =	vst v63  }
0x46b: {  	s12 =	simm.s32 $0x16500  }
0x46c: {  	[tilespmem:s12], [sflag:$0x2] =	stream.indirect_vreg.gather [hbm4b:s4+s3], $0x80, v3, vm1, $0xb8;
	[tilespmem:$0x18100] =	vst v63  }
0x46d: {  	v3 =	vld [tilespmem:$0xF0];
	_ =	sdelay $0x4  }
0x46e: {  	v55 =	vshrl.u32 v3, $0x3  }
0x46f: {  	v4 =	vmul.u32 $0x18, v55  }
0x470: {  	v3 =	vand.u32 $0x7, v3  }
0x471: {  	v3 =	vor.u32 v3, v4  }
0x472: {  	v4 =	vperm.xlane v3, v0;
	_ =	sdelay $0x1  }
0x473: {  	v4 =	vadd.s32 v1, v4;
	_ =	sdelay $0x1  }
0x474: {  	v3 =	vperm.xlane v3, v2;
	_ =	sdelay $0x1  }
0x475: {  	s13 =	simm.s32 $0x16900;
	v3 =	vadd.s32 v1, v3  }
0x476: {  	[tilespmem:s13], [sflag:$0x2] =	stream.indirect_vreg.gather [hbm4b:s1+s3], $0x80, v4, vm0, $0xb8;
	[tilespmem:$0x18100] =	vst v63  }
0x477: {  	s14 =	simm.s32 $0x17100  }
0x478: {  	[tilespmem:s14], [sflag:$0x2] =	stream.indirect_vreg.gather [hbm4b:s4+s3], $0x80, v4, vm1, $0xb8;
	[tilespmem:$0x18100] =	vst v63  }
0x479: {  	s16 =	simm.s32 $0x17500  }
0x47a: {  	[tilespmem:s16], [sflag:$0x2] =	stream.indirect_vreg.gather [hbm4b:s1+s3], $0x80, v3, vm0, $0xb8;
	[tilespmem:$0x18100] =	vst v63  }
0x47b: {  	s18 =	simm.s32 $0x17D00  }
0x47c: {  	[tilespmem:s18], [sflag:$0x2] =	stream.indirect_vreg.gather [hbm4b:s4+s3], $0x80, v3, vm1, $0xb8;
	[tilespmem:$0x18100] =	vst v63  }
0x47d: {  	_ =	swait.ge [sflag:s23], $0xC000  }
0x47e: {  	[sflag:s23] =	ssyncset.done $0x0  }
0x47f: {  	s22 =	simm.s32 $0x100;
	s19 =	rddreg [dreg:$0x12];
	[sflag:s23] =	ssyncadd.s32 $0xFFFF4000  }
0x480: {  	[hbm4b:s19+s3] =	stream.linear.scatter [tilespmem:s22], [sflag:$0x3], $0xC000, $0x38;
	[tilespmem:$0x18100] =	vst v63  }
0x481: {  	s21 =	rddreg [dreg:$0x13]  }
0x482: {  	[tilespmem:s3], [sflag:$0x5] =	stream.linear.gather [hbm4b:s21+s3], $0x80, $0x38;
	[tilespmem:$0x18100] =	vst v63  }
0x483: {  	_ =	swait.ge [sflag:s6], $0x80  }
0x484: {  	[sflag:s6] =	ssyncset.done $0x0  }
0x485: {  	[sflag:s6] =	ssyncadd.s32 $0xFFFFFF80  }
0x486: {  	_ =	swait.ge [sflag:s24], $0xC000  }
0x487: {  	[sflag:s24] =	ssyncset.done $0x0  }
0x488: {  	[sflag:s24] =	ssyncadd.s32 $0xFFFF4000  }
0x489: {  	v3 =	vld [tilespmem:$0x0];
	_ =	sdelay $0x4  }
0x48a: {  	v56 =	vshrl.u32 v3, $0x3  }
0x48b: {  	v4 =	vmul.u32 $0x18, v56  }
0x48c: {  	v3 =	vand.u32 $0x7, v3  }
0x48d: {  	v3 =	vor.u32 v3, v4  }
0x48e: {  	v4 =	vperm.xlane v3, v0;
	_ =	sdelay $0x1  }
0x48f: {  	v4 =	vadd.s32 v1, v4;
	_ =	sdelay $0x1  }
0x490: {  	v3 =	vperm.xlane v3, v2;
	_ =	sdelay $0x1  }
0x491: {  	v3 =	vadd.s32 v1, v3  }
0x492: {  	[tilespmem:s22], [sflag:$0x1] =	stream.indirect_vreg.gather [hbm4b:s1+s3], $0x80, v4, vm0, $0xb8;
	[tilespmem:$0x18100] =	vst v63  }
0x493: {  	s8 =	simm.s32 $0x900  }
0x494: {  	[tilespmem:s8], [sflag:$0x1] =	stream.indirect_vreg.gather [hbm4b:s4+s3], $0x80, v4, vm1, $0xb8;
	[tilespmem:$0x18100] =	vst v63  }
0x495: {  	s31 =	simm.s32 $0xD00  }
0x496: {  	[tilespmem:s31], [sflag:$0x1] =	stream.indirect_vreg.gather [hbm4b:s1+s3], $0x80, v3, vm0, $0xb8;
	[tilespmem:$0x18100] =	vst v63  }
0x497: {  	s0 =	simm.s32 $0x1500  }
0x498: {  	[tilespmem:s0], [sflag:$0x1] =	stream.indirect_vreg.gather [hbm4b:s4+s3], $0x80, v3, vm1, $0xb8;
	[tilespmem:$0x18100] =	vst v63  }
0x499: {  	v3 =	vld [tilespmem:$0x10];
	_ =	sdelay $0x4  }
0x49a: {  	v57 =	vshrl.u32 v3, $0x3  }
0x49b: {  	v4 =	vmul.u32 $0x18, v57  }
0x49c: {  	v3 =	vand.u32 $0x7, v3  }
0x49d: {  	v3 =	vor.u32 v3, v4  }
0x49e: {  	v4 =	vperm.xlane v3, v0;
	_ =	sdelay $0x1  }
0x49f: {  	v4 =	vadd.s32 v1, v4;
	_ =	sdelay $0x1  }
0x4a0: {  	v3 =	vperm.xlane v3, v2;
	_ =	sdelay $0x1  }
0x4a1: {  	v3 =	vadd.s32 v1, v3  }
0x4a2: {  	[tilespmem:s5], [sflag:$0x1] =	stream.indirect_vreg.gather [hbm4b:s1+s3], $0x80, v4, vm0, $0xb8;
	[tilespmem:$0x18100] =	vst v63  }
0x4a3: {  	s5 =	simm.s32 $0x2100  }
0x4a4: {  	[tilespmem:s5], [sflag:$0x1] =	stream.indirect_vreg.gather [hbm4b:s4+s3], $0x80, v4, vm1, $0xb8;
	[tilespmem:$0x18100] =	vst v63  }
0x4a5: {  	s9 =	simm.s32 $0x2500  }
0x4a6: {  	[tilespmem:s9], [sflag:$0x1] =	stream.indirect_vreg.gather [hbm4b:s1+s3], $0x80, v3, vm0, $0xb8;
	[tilespmem:$0x18100] =	vst v63  }
0x4a7: {  	s10 =	simm.s32 $0x2D00  }
0x4a8: {  	[tilespmem:s10], [sflag:$0x1] =	stream.indirect_vreg.gather [hbm4b:s4+s3], $0x80, v3, vm1, $0xb8;
	[tilespmem:$0x18100] =	vst v63  }
0x4a9: {  	v3 =	vld [tilespmem:$0x20];
	_ =	sdelay $0x4  }
0x4aa: {  	v58 =	vshrl.u32 v3, $0x3  }
0x4ab: {  	v4 =	vmul.u32 $0x18, v58  }
0x4ac: {  	v3 =	vand.u32 $0x7, v3  }
0x4ad: {  	v3 =	vor.u32 v3, v4  }
0x4ae: {  	v4 =	vperm.xlane v3, v0;
	_ =	sdelay $0x1  }
0x4af: {  	v4 =	vadd.s32 v1, v4;
	_ =	sdelay $0x1  }
0x4b0: {  	v3 =	vperm.xlane v3, v2;
	_ =	sdelay $0x1  }
0x4b1: {  	s11 =	simm.s32 $0x3100;
	v3 =	vadd.s32 v1, v3  }
0x4b2: {  	[tilespmem:s11], [sflag:$0x1] =	stream.indirect_vreg.gather [hbm4b:s1+s3], $0x80, v4, vm0, $0xb8;
	[tilespmem:$0x18100] =	vst v63  }
0x4b3: {  	s12 =	simm.s32 $0x3900  }
0x4b4: {  	[tilespmem:s12], [sflag:$0x1] =	stream.indirect_vreg.gather [hbm4b:s4+s3], $0x80, v4, vm1, $0xb8;
	[tilespmem:$0x18100] =	vst v63  }
0x4b5: {  	s13 =	simm.s32 $0x3D00  }
0x4b6: {  	[tilespmem:s13], [sflag:$0x1] =	stream.indirect_vreg.gather [hbm4b:s1+s3], $0x80, v3, vm0, $0xb8;
	[tilespmem:$0x18100] =	vst v63  }
0x4b7: {  	s14 =	simm.s32 $0x4500  }
0x4b8: {  	[tilespmem:s14], [sflag:$0x1] =	stream.indirect_vreg.gather [hbm4b:s4+s3], $0x80, v3, vm1, $0xb8;
	[tilespmem:$0x18100] =	vst v63  }
0x4b9: {  	v3 =	vld [tilespmem:$0x30];
	_ =	sdelay $0x4  }
0x4ba: {  	v59 =	vshrl.u32 v3, $0x3  }
0x4bb: {  	v4 =	vmul.u32 $0x18, v59  }
0x4bc: {  	v3 =	vand.u32 $0x7, v3  }
0x4bd: {  	v3 =	vor.u32 v3, v4  }
0x4be: {  	v4 =	vperm.xlane v3, v0;
	_ =	sdelay $0x1  }
0x4bf: {  	v4 =	vadd.s32 v1, v4;
	_ =	sdelay $0x1  }
0x4c0: {  	v3 =	vperm.xlane v3, v2;
	_ =	sdelay $0x1  }
0x4c1: {  	s16 =	simm.s32 $0x4900;
	v3 =	vadd.s32 v1, v3  }
0x4c2: {  	[tilespmem:s16], [sflag:$0x1] =	stream.indirect_vreg.gather [hbm4b:s1+s3], $0x80, v4, vm0, $0xb8;
	[tilespmem:$0x18100] =	vst v63  }
0x4c3: {  	s18 =	simm.s32 $0x5100  }
0x4c4: {  	[tilespmem:s18], [sflag:$0x1] =	stream.indirect_vreg.gather [hbm4b:s4+s3], $0x80, v4, vm1, $0xb8;
	[tilespmem:$0x18100] =	vst v63  }
0x4c5: {  	s19 =	simm.s32 $0x5500  }
0x4c6: {  	[tilespmem:s19], [sflag:$0x1] =	stream.indirect_vreg.gather [hbm4b:s1+s3], $0x80, v3, vm0, $0xb8;
	[tilespmem:$0x18100] =	vst v63  }
0x4c7: {  	s21 =	simm.s32 $0x5D00  }
0x4c8: {  	[tilespmem:s21], [sflag:$0x1] =	stream.indirect_vreg.gather [hbm4b:s4+s3], $0x80, v3, vm1, $0xb8;
	[tilespmem:$0x18100] =	vst v63  }
0x4c9: {  	v3 =	vld [tilespmem:$0x40];
	_ =	sdelay $0x4  }
0x4ca: {  	v60 =	vshrl.u32 v3, $0x3  }
0x4cb: {  	v4 =	vmul.u32 $0x18, v60  }
0x4cc: {  	v3 =	vand.u32 $0x7, v3  }
0x4cd: {  	v3 =	vor.u32 v3, v4  }
0x4ce: {  	v4 =	vperm.xlane v3, v0;
	_ =	sdelay $0x1  }
0x4cf: {  	v4 =	vadd.s32 v1, v4;
	_ =	sdelay $0x1  }
0x4d0: {  	v3 =	vperm.xlane v3, v2;
	_ =	sdelay $0x1  }
0x4d1: {  	s22 =	simm.s32 $0x6100;
	v3 =	vadd.s32 v1, v3  }
0x4d2: {  	[tilespmem:s22], [sflag:$0x1] =	stream.indirect_vreg.gather [hbm4b:s1+s3], $0x80, v4, vm0, $0xb8;
	[tilespmem:$0x18100] =	vst v63  }
0x4d3: {  	s28 =	simm.s32 $0x6900  }
0x4d4: {  	[tilespmem:s28], [sflag:$0x1] =	stream.indirect_vreg.gather [hbm4b:s4+s3], $0x80, v4, vm1, $0xb8;
	[tilespmem:$0x18100] =	vst v63  }
0x4d5: {  	s29 =	simm.s32 $0x6D00  }
0x4d6: {  	[tilespmem:s29], [sflag:$0x1] =	stream.indirect_vreg.gather [hbm4b:s1+s3], $0x80, v3, vm0, $0xb8;
	[tilespmem:$0x18100] =	vst v63  }
0x4d7: {  	s31 =	simm.s32 $0x7500  }
0x4d8: {  	[tilespmem:s31], [sflag:$0x1] =	stream.indirect_vreg.gather [hbm4b:s4+s3], $0x80, v3, vm1, $0xb8;
	[tilespmem:$0x18100] =	vst v63  }
0x4d9: {  	v3 =	vld [tilespmem:$0x50];
	_ =	sdelay $0x4  }
0x4da: {  	v61 =	vshrl.u32 v3, $0x3  }
0x4db: {  	v4 =	vmul.u32 $0x18, v61  }
0x4dc: {  	v3 =	vand.u32 $0x7, v3  }
0x4dd: {  	v3 =	vor.u32 v3, v4  }
0x4de: {  	v4 =	vperm.xlane v3, v0;
	_ =	sdelay $0x1  }
0x4df: {  	v4 =	vadd.s32 v1, v4;
	_ =	sdelay $0x1  }
0x4e0: {  	v3 =	vperm.xlane v3, v2;
	_ =	sdelay $0x1  }
0x4e1: {  	s2 =	simm.s32 $0x7900;
	v3 =	vadd.s32 v1, v3  }
0x4e2: {  	[tilespmem:s2], [sflag:$0x1] =	stream.indirect_vreg.gather [hbm4b:s1+s3], $0x80, v4, vm0, $0xb8;
	[tilespmem:$0x18100] =	vst v63  }
0x4e3: {  	s5 =	simm.s32 $0x8100  }
0x4e4: {  	[tilespmem:s5], [sflag:$0x1] =	stream.indirect_vreg.gather [hbm4b:s4+s3], $0x80, v4, vm1, $0xb8;
	[tilespmem:$0x18100] =	vst v63  }
0x4e5: {  	s9 =	simm.s32 $0x8500  }
0x4e6: {  	[tilespmem:s9], [sflag:$0x1] =	stream.indirect_vreg.gather [hbm4b:s1+s3], $0x80, v3, vm0, $0xb8;
	[tilespmem:$0x18100] =	vst v63  }
0x4e7: {  	s10 =	simm.s32 $0x8D00  }
0x4e8: {  	[tilespmem:s10], [sflag:$0x1] =	stream.indirect_vreg.gather [hbm4b:s4+s3], $0x80, v3, vm1, $0xb8;
	[tilespmem:$0x18100] =	vst v63  }
0x4e9: {  	v3 =	vld [tilespmem:$0x60];
	_ =	sdelay $0x4  }
0x4ea: {  	v62 =	vshrl.u32 v3, $0x3  }
0x4eb: {  	v4 =	vmul.u32 $0x18, v62  }
0x4ec: {  	v3 =	vand.u32 $0x7, v3  }
0x4ed: {  	v3 =	vor.u32 v3, v4  }
0x4ee: {  	v4 =	vperm.xlane v3, v0;
	_ =	sdelay $0x1  }
0x4ef: {  	v4 =	vadd.s32 v1, v4;
	_ =	sdelay $0x1  }
0x4f0: {  	v3 =	vperm.xlane v3, v2;
	_ =	sdelay $0x1  }
0x4f1: {  	s11 =	simm.s32 $0x9100;
	v3 =	vadd.s32 v1, v3  }
0x4f2: {  	[tilespmem:s11], [sflag:$0x1] =	stream.indirect_vreg.gather [hbm4b:s1+s3], $0x80, v4, vm0, $0xb8;
	[tilespmem:$0x18100] =	vst v63  }
0x4f3: {  	s12 =	simm.s32 $0x9900  }
0x4f4: {  	[tilespmem:s12], [sflag:$0x1] =	stream.indirect_vreg.gather [hbm4b:s4+s3], $0x80, v4, vm1, $0xb8;
	[tilespmem:$0x18100] =	vst v63  }
0x4f5: {  	s13 =	simm.s32 $0x9D00  }
0x4f6: {  	[tilespmem:s13], [sflag:$0x1] =	stream.indirect_vreg.gather [hbm4b:s1+s3], $0x80, v3, vm0, $0xb8;
	[tilespmem:$0x18100] =	vst v63  }
0x4f7: {  	s2 =	simm.s32 $0xA500  }
0x4f8: {  	[tilespmem:s2], [sflag:$0x1] =	stream.indirect_vreg.gather [hbm4b:s4+s3], $0x80, v3, vm1, $0xb8;
	[tilespmem:$0x18100] =	vst v63  }
0x4f9: {  	v3 =	vld [tilespmem:$0x70];
	_ =	sdelay $0x4  }
0x4fa: {  	v63 =	vshrl.u32 v3, $0x3  }
0x4fb: {  	v4 =	vmul.u32 $0x18, v63  }
0x4fc: {  	v3 =	vand.u32 $0x7, v3  }
0x4fd: {  	v3 =	vor.u32 v3, v4  }
0x4fe: {  	v4 =	vperm.xlane v3, v0;
	_ =	sdelay $0x1  }
0x4ff: {  	v4 =	vadd.s32 v1, v4;
	_ =	sdelay $0x1  }
0x500: {  	v3 =	vperm.xlane v3, v2;
	_ =	sdelay $0x1  }
0x501: {  	s14 =	simm.s32 $0xA900;
	v3 =	vadd.s32 v1, v3  }
0x502: {  	[tilespmem:s14], [sflag:$0x1] =	stream.indirect_vreg.gather [hbm4b:s1+s3], $0x80, v4, vm0, $0xb8;
	[tilespmem:$0x18100] =	vst v63  }
0x503: {  	s5 =	simm.s32 $0xB100  }
0x504: {  	[tilespmem:s5], [sflag:$0x1] =	stream.indirect_vreg.gather [hbm4b:s4+s3], $0x80, v4, vm1, $0xb8;
	[tilespmem:$0x18100] =	vst v63  }
0x505: {  	s16 =	simm.s32 $0xB500  }
0x506: {  	[tilespmem:s16], [sflag:$0x1] =	stream.indirect_vreg.gather [hbm4b:s1+s3], $0x80, v3, vm0, $0xb8;
	[tilespmem:$0x18100] =	vst v63  }
0x507: {  	s9 =	simm.s32 $0xBD00  }
0x508: {  	[tilespmem:s9], [sflag:$0x1] =	stream.indirect_vreg.gather [hbm4b:s4+s3], $0x80, v3, vm1, $0xb8;
	[tilespmem:$0x18100] =	vst v63  }
0x509: {  	_ =	swait.ge [sflag:s25], $0xC000  }
0x50a: {  	[sflag:s25] =	ssyncset.done $0x0  }
0x50b: {  	s21 =	simm.s32 $0xC100;
	s18 =	rddreg [dreg:$0x14];
	[sflag:s25] =	ssyncadd.s32 $0xFFFF4000  }
0x50c: {  	[hbm4b:s18+s3] =	stream.linear.scatter [tilespmem:s21], [sflag:$0x4], $0xC000, $0x38;
	[tilespmem:$0x18100] =	vst v63  }
0x50d: {  	s19 =	rddreg [dreg:$0x15]  }
0x50e: {  	[tilespmem:s7], [sflag:$0x5] =	stream.linear.gather [hbm4b:s19+s3], $0x80, $0x38;
	[tilespmem:$0x18100] =	vst v63  }
0x50f: {  	_ =	swait.ge [sflag:s6], $0x80  }
0x510: {  	[sflag:s6] =	ssyncset.done $0x0  }
0x511: {  	[sflag:s6] =	ssyncadd.s32 $0xFFFFFF80  }
0x512: {  	_ =	swait.ge [sflag:s26], $0xC000  }
0x513: {  	[sflag:s26] =	ssyncset.done $0x0  }
0x514: {  	[sflag:s26] =	ssyncadd.s32 $0xFFFF4000  }
0x515: {  	v3 =	vld [tilespmem:$0x80];
	_ =	sdelay $0x4  }
0x516: {  	v8 =	vshrl.u32 v3, $0x3  }
0x517: {  	v4 =	vmul.u32 $0x18, v8  }
0x518: {  	v3 =	vand.u32 $0x7, v3  }
0x519: {  	v3 =	vor.u32 v3, v4  }
0x51a: {  	v4 =	vperm.xlane v3, v0;
	_ =	sdelay $0x1  }
0x51b: {  	v4 =	vadd.s32 v1, v4;
	_ =	sdelay $0x1  }
0x51c: {  	v3 =	vperm.xlane v3, v2;
	_ =	sdelay $0x1  }
0x51d: {  	v3 =	vadd.s32 v1, v3  }
0x51e: {  	[tilespmem:s21], [sflag:$0x2] =	stream.indirect_vreg.gather [hbm4b:s1+s3], $0x80, v4, vm0, $0xb8;
	[tilespmem:$0x18100] =	vst v63  }
0x51f: {  	s22 =	simm.s32 $0xC900  }
0x520: {  	[tilespmem:s22], [sflag:$0x2] =	stream.indirect_vreg.gather [hbm4b:s4+s3], $0x80, v4, vm1, $0xb8;
	[tilespmem:$0x18100] =	vst v63  }
0x521: {  	s10 =	simm.s32 $0xCD00  }
0x522: {  	[tilespmem:s10], [sflag:$0x2] =	stream.indirect_vreg.gather [hbm4b:s1+s3], $0x80, v3, vm0, $0xb8;
	[tilespmem:$0x18100] =	vst v63  }
0x523: {  	s15 =	simm.s32 $0xD500  }
0x524: {  	[tilespmem:s15], [sflag:$0x2] =	stream.indirect_vreg.gather [hbm4b:s4+s3], $0x80, v3, vm1, $0xb8;
	[tilespmem:$0x18100] =	vst v63  }
0x525: {  	v3 =	vld [tilespmem:$0x90];
	_ =	sdelay $0x4  }
0x526: {  	v9 =	vshrl.u32 v3, $0x3  }
0x527: {  	v4 =	vmul.u32 $0x18, v9  }
0x528: {  	v3 =	vand.u32 $0x7, v3  }
0x529: {  	v3 =	vor.u32 v3, v4  }
0x52a: {  	v4 =	vperm.xlane v3, v0;
	_ =	sdelay $0x1  }
0x52b: {  	v4 =	vadd.s32 v1, v4;
	_ =	sdelay $0x1  }
0x52c: {  	v3 =	vperm.xlane v3, v2;
	_ =	sdelay $0x1  }
0x52d: {  	s11 =	simm.s32 $0xD900;
	v3 =	vadd.s32 v1, v3  }
0x52e: {  	[tilespmem:s11], [sflag:$0x2] =	stream.indirect_vreg.gather [hbm4b:s1+s3], $0x80, v4, vm0, $0xb8;
	[tilespmem:$0x18100] =	vst v63  }
0x52f: {  	s12 =	simm.s32 $0xE100  }
0x530: {  	[tilespmem:s12], [sflag:$0x2] =	stream.indirect_vreg.gather [hbm4b:s4+s3], $0x80, v4, vm1, $0xb8;
	[tilespmem:$0x18100] =	vst v63  }
0x531: {  	s13 =	simm.s32 $0xE500  }
0x532: {  	[tilespmem:s13], [sflag:$0x2] =	stream.indirect_vreg.gather [hbm4b:s1+s3], $0x80, v3, vm0, $0xb8;
	[tilespmem:$0x18100] =	vst v63  }
0x533: {  	s28 =	simm.s32 $0xED00  }
0x534: {  	[tilespmem:s28], [sflag:$0x2] =	stream.indirect_vreg.gather [hbm4b:s4+s3], $0x80, v3, vm1, $0xb8;
	[tilespmem:$0x18100] =	vst v63  }
0x535: {  	v3 =	vld [tilespmem:$0xA0];
	_ =	sdelay $0x4  }
0x536: {  	v10 =	vshrl.u32 v3, $0x3  }
0x537: {  	v4 =	vmul.u32 $0x18, v10  }
0x538: {  	v3 =	vand.u32 $0x7, v3  }
0x539: {  	v3 =	vor.u32 v3, v4  }
0x53a: {  	v4 =	vperm.xlane v3, v0;
	_ =	sdelay $0x1  }
0x53b: {  	v4 =	vadd.s32 v1, v4;
	_ =	sdelay $0x1  }
0x53c: {  	v3 =	vperm.xlane v3, v2;
	_ =	sdelay $0x1  }
0x53d: {  	s14 =	simm.s32 $0xF100;
	v3 =	vadd.s32 v1, v3  }
0x53e: {  	[tilespmem:s14], [sflag:$0x2] =	stream.indirect_vreg.gather [hbm4b:s1+s3], $0x80, v4, vm0, $0xb8;
	[tilespmem:$0x18100] =	vst v63  }
0x53f: {  	s15 =	simm.s32 $0xF900  }
0x540: {  	[tilespmem:s15], [sflag:$0x2] =	stream.indirect_vreg.gather [hbm4b:s4+s3], $0x80, v4, vm1, $0xb8;
	[tilespmem:$0x18100] =	vst v63  }
0x541: {  	s16 =	simm.s32 $0xFD00  }
0x542: {  	[tilespmem:s16], [sflag:$0x2] =	stream.indirect_vreg.gather [hbm4b:s1+s3], $0x80, v3, vm0, $0xb8;
	[tilespmem:$0x18100] =	vst v63  }
0x543: {  	s17 =	simm.s32 $0x10500  }
0x544: {  	[tilespmem:s17], [sflag:$0x2] =	stream.indirect_vreg.gather [hbm4b:s4+s3], $0x80, v3, vm1, $0xb8;
	[tilespmem:$0x18100] =	vst v63  }
0x545: {  	v3 =	vld [tilespmem:$0xB0];
	_ =	sdelay $0x4  }
0x546: {  	v11 =	vshrl.u32 v3, $0x3  }
0x547: {  	v4 =	vmul.u32 $0x18, v11  }
0x548: {  	v3 =	vand.u32 $0x7, v3  }
0x549: {  	v3 =	vor.u32 v3, v4  }
0x54a: {  	v4 =	vperm.xlane v3, v0;
	_ =	sdelay $0x1  }
0x54b: {  	v4 =	vadd.s32 v1, v4;
	_ =	sdelay $0x1  }
0x54c: {  	v3 =	vperm.xlane v3, v2;
	_ =	sdelay $0x1  }
0x54d: {  	s17 =	simm.s32 $0x10900;
	v3 =	vadd.s32 v1, v3  }
0x54e: {  	[tilespmem:s17], [sflag:$0x2] =	stream.indirect_vreg.gather [hbm4b:s1+s3], $0x80, v4, vm0, $0xb8;
	[tilespmem:$0x18100] =	vst v63  }
0x54f: {  	s18 =	simm.s32 $0x11100  }
0x550: {  	[tilespmem:s18], [sflag:$0x2] =	stream.indirect_vreg.gather [hbm4b:s4+s3], $0x80, v4, vm1, $0xb8;
	[tilespmem:$0x18100] =	vst v63  }
0x551: {  	s19 =	simm.s32 $0x11500  }
0x552: {  	[tilespmem:s19], [sflag:$0x2] =	stream.indirect_vreg.gather [hbm4b:s1+s3], $0x80, v3, vm0, $0xb8;
	[tilespmem:$0x18100] =	vst v63  }
0x553: {  	s20 =	simm.s32 $0x11D00  }
0x554: {  	[tilespmem:s20], [sflag:$0x2] =	stream.indirect_vreg.gather [hbm4b:s4+s3], $0x80, v3, vm1, $0xb8;
	[tilespmem:$0x18100] =	vst v63  }
0x555: {  	v3 =	vld [tilespmem:$0xC0];
	_ =	sdelay $0x4  }
0x556: {  	v12 =	vshrl.u32 v3, $0x3  }
0x557: {  	v4 =	vmul.u32 $0x18, v12  }
0x558: {  	v3 =	vand.u32 $0x7, v3  }
0x559: {  	v3 =	vor.u32 v3, v4  }
0x55a: {  	v4 =	vperm.xlane v3, v0;
	_ =	sdelay $0x1  }
0x55b: {  	v4 =	vadd.s32 v1, v4;
	_ =	sdelay $0x1  }
0x55c: {  	v3 =	vperm.xlane v3, v2;
	_ =	sdelay $0x1  }
0x55d: {  	s20 =	simm.s32 $0x12100;
	v3 =	vadd.s32 v1, v3  }
0x55e: {  	[tilespmem:s20], [sflag:$0x2] =	stream.indirect_vreg.gather [hbm4b:s1+s3], $0x80, v4, vm0, $0xb8;
	[tilespmem:$0x18100] =	vst v63  }
0x55f: {  	s21 =	simm.s32 $0x12900  }
0x560: {  	[tilespmem:s21], [sflag:$0x2] =	stream.indirect_vreg.gather [hbm4b:s4+s3], $0x80, v4, vm1, $0xb8;
	[tilespmem:$0x18100] =	vst v63  }
0x561: {  	s22 =	simm.s32 $0x12D00  }
0x562: {  	[tilespmem:s22], [sflag:$0x2] =	stream.indirect_vreg.gather [hbm4b:s1+s3], $0x80, v3, vm0, $0xb8;
	[tilespmem:$0x18100] =	vst v63  }
0x563: {  	s30 =	simm.s32 $0x13500  }
0x564: {  	[tilespmem:s30], [sflag:$0x2] =	stream.indirect_vreg.gather [hbm4b:s4+s3], $0x80, v3, vm1, $0xb8;
	[tilespmem:$0x18100] =	vst v63  }
0x565: {  	v3 =	vld [tilespmem:$0xD0];
	_ =	sdelay $0x4  }
0x566: {  	v13 =	vshrl.u32 v3, $0x3  }
0x567: {  	v4 =	vmul.u32 $0x18, v13  }
0x568: {  	v3 =	vand.u32 $0x7, v3  }
0x569: {  	v3 =	vor.u32 v3, v4  }
0x56a: {  	v4 =	vperm.xlane v3, v0;
	_ =	sdelay $0x1  }
0x56b: {  	v4 =	vadd.s32 v1, v4;
	_ =	sdelay $0x1  }
0x56c: {  	v3 =	vperm.xlane v3, v2;
	_ =	sdelay $0x1  }
0x56d: {  	s30 =	simm.s32 $0x13900;
	v3 =	vadd.s32 v1, v3  }
0x56e: {  	[tilespmem:s30], [sflag:$0x2] =	stream.indirect_vreg.gather [hbm4b:s1+s3], $0x80, v4, vm0, $0xb8;
	[tilespmem:$0x18100] =	vst v63  }
0x56f: {  	s31 =	simm.s32 $0x14100  }
0x570: {  	[tilespmem:s31], [sflag:$0x2] =	stream.indirect_vreg.gather [hbm4b:s4+s3], $0x80, v4, vm1, $0xb8;
	[tilespmem:$0x18100] =	vst v63  }
0x571: {  	s29 =	simm.s32 $0x14500  }
0x572: {  	[tilespmem:s29], [sflag:$0x2] =	stream.indirect_vreg.gather [hbm4b:s1+s3], $0x80, v3, vm0, $0xb8;
	[tilespmem:$0x18100] =	vst v63  }
0x573: {  	s7 =	simm.s32 $0x14D00  }
0x574: {  	[tilespmem:s7], [sflag:$0x2] =	stream.indirect_vreg.gather [hbm4b:s4+s3], $0x80, v3, vm1, $0xb8;
	[tilespmem:$0x18100] =	vst v63  }
0x575: {  	v3 =	vld [tilespmem:$0xE0];
	_ =	sdelay $0x4  }
0x576: {  	v14 =	vshrl.u32 v3, $0x3  }
0x577: {  	v4 =	vmul.u32 $0x18, v14  }
0x578: {  	v3 =	vand.u32 $0x7, v3  }
0x579: {  	v3 =	vor.u32 v3, v4  }
0x57a: {  	v4 =	vperm.xlane v3, v0;
	_ =	sdelay $0x1  }
0x57b: {  	v4 =	vadd.s32 v1, v4;
	_ =	sdelay $0x1  }
0x57c: {  	v3 =	vperm.xlane v3, v2;
	_ =	sdelay $0x1  }
0x57d: {  	s28 =	simm.s32 $0x15100;
	v3 =	vadd.s32 v1, v3  }
0x57e: {  	[tilespmem:s28], [sflag:$0x2] =	stream.indirect_vreg.gather [hbm4b:s1+s3], $0x80, v4, vm0, $0xb8;
	[tilespmem:$0x18100] =	vst v63  }
0x57f: {  	s29 =	simm.s32 $0x15900  }
0x580: {  	[tilespmem:s29], [sflag:$0x2] =	stream.indirect_vreg.gather [hbm4b:s4+s3], $0x80, v4, vm1, $0xb8;
	[tilespmem:$0x18100] =	vst v63  }
0x581: {  	s7 =	simm.s32 $0x15D00  }
0x582: {  	[tilespmem:s7], [sflag:$0x2] =	stream.indirect_vreg.gather [hbm4b:s1+s3], $0x80, v3, vm0, $0xb8;
	[tilespmem:$0x18100] =	vst v63  }
0x583: {  	s28 =	simm.s32 $0x16500  }
0x584: {  	[tilespmem:s28], [sflag:$0x2] =	stream.indirect_vreg.gather [hbm4b:s4+s3], $0x80, v3, vm1, $0xb8;
	[tilespmem:$0x18100] =	vst v63  }
0x585: {  	v3 =	vld [tilespmem:$0xF0];
	_ =	sdelay $0x4  }
0x586: {  	v15 =	vshrl.u32 v3, $0x3  }
0x587: {  	v4 =	vmul.u32 $0x18, v15  }
0x588: {  	v3 =	vand.u32 $0x7, v3  }
0x589: {  	v3 =	vor.u32 v3, v4  }
0x58a: {  	v4 =	vperm.xlane v3, v0;
	_ =	sdelay $0x1  }
0x58b: {  	v4 =	vadd.s32 v1, v4;
	_ =	sdelay $0x1  }
0x58c: {  	v3 =	vperm.xlane v3, v2;
	_ =	sdelay $0x1  }
0x58d: {  	s29 =	simm.s32 $0x16900;
	v3 =	vadd.s32 v1, v3  }
0x58e: {  	[tilespmem:s29], [sflag:$0x2] =	stream.indirect_vreg.gather [hbm4b:s1+s3], $0x80, v4, vm0, $0xb8;
	[tilespmem:$0x18100] =	vst v63  }
0x58f: {  	s7 =	simm.s32 $0x17100  }
0x590: {  	[tilespmem:s7], [sflag:$0x2] =	stream.indirect_vreg.gather [hbm4b:s4+s3], $0x80, v4, vm1, $0xb8;
	[tilespmem:$0x18100] =	vst v63  }
0x591: {  	s28 =	simm.s32 $0x17500  }
0x592: {  	[tilespmem:s28], [sflag:$0x2] =	stream.indirect_vreg.gather [hbm4b:s1+s3], $0x80, v3, vm0, $0xb8;
	[tilespmem:$0x18100] =	vst v63  }
0x593: {  	s29 =	simm.s32 $0x17D00  }
0x594: {  	[tilespmem:s29], [sflag:$0x2] =	stream.indirect_vreg.gather [hbm4b:s4+s3], $0x80, v3, vm1, $0xb8;
	[tilespmem:$0x18100] =	vst v63  }
0x595: {  	_ =	swait.ge [sflag:s23], $0xC000  }
0x596: {  	[sflag:s23] =	ssyncset.done $0x0  }
0x597: {  	s7 =	simm.s32 $0x100;
	s28 =	rddreg [dreg:$0x16];
	[sflag:s23] =	ssyncadd.s32 $0xFFFF4000  }
0x598: {  	[hbm4b:s28+s3] =	stream.linear.scatter [tilespmem:s7], [sflag:$0x3], $0xC000, $0x38;
	[tilespmem:$0x18100] =	vst v63  }
0x599: {  	s0 =	rddreg [dreg:$0x17]  }
0x59a: {  	[tilespmem:s3], [sflag:$0x5] =	stream.linear.gather [hbm4b:s0+s3], $0x80, $0x38;
	[tilespmem:$0x18100] =	vst v63  }
0x59b: {  	_ =	swait.ge [sflag:s6], $0x80  }
0x59c: {  	[sflag:s6] =	ssyncset.done $0x0  }
0x59d: {  	[sflag:s6] =	ssyncadd.s32 $0xFFFFFF80  }
0x59e: {  	_ =	swait.ge [sflag:s24], $0xC000  }
0x59f: {  	[sflag:s24] =	ssyncset.done $0x0  }
0x5a0: {  	[sflag:s24] =	ssyncadd.s32 $0xFFFF4000  }
0x5a1: {  	v3 =	vld [tilespmem:$0x0];
	_ =	sdelay $0x4  }
0x5a2: {  	v16 =	vshrl.u32 v3, $0x3  }
0x5a3: {  	v4 =	vmul.u32 $0x18, v16  }
0x5a4: {  	v3 =	vand.u32 $0x7, v3  }
0x5a5: {  	v3 =	vor.u32 v3, v4  }
0x5a6: {  	v4 =	vperm.xlane v3, v0;
	_ =	sdelay $0x1  }
0x5a7: {  	v4 =	vadd.s32 v1, v4;
	_ =	sdelay $0x1  }
0x5a8: {  	v3 =	vperm.xlane v3, v2;
	_ =	sdelay $0x1  }
0x5a9: {  	v3 =	vadd.s32 v1, v3  }
0x5aa: {  	[tilespmem:s7], [sflag:$0x1] =	stream.indirect_vreg.gather [hbm4b:s1+s3], $0x80, v4, vm0, $0xb8;
	[tilespmem:$0x18100] =	vst v63  }
0x5ab: {  	_ = 	snop  }
0x5ac: {  	[tilespmem:s8], [sflag:$0x1] =	stream.indirect_vreg.gather [hbm4b:s4+s3], $0x80, v4, vm1, $0xb8;
	[tilespmem:$0x18100] =	vst v63  }
0x5ad: {  	s7 =	simm.s32 $0xD00  }
0x5ae: {  	[tilespmem:s7], [sflag:$0x1] =	stream.indirect_vreg.gather [hbm4b:s1+s3], $0x80, v3, vm0, $0xb8;
	[tilespmem:$0x18100] =	vst v63  }
0x5af: {  	s28 =	simm.s32 $0x1500  }
0x5b0: {  	[tilespmem:s28], [sflag:$0x1] =	stream.indirect_vreg.gather [hbm4b:s4+s3], $0x80, v3, vm1, $0xb8;
	[tilespmem:$0x18100] =	vst v63  }
0x5b1: {  	v3 =	vld [tilespmem:$0x10];
	_ =	sdelay $0x4  }
0x5b2: {  	v17 =	vshrl.u32 v3, $0x3  }
0x5b3: {  	v4 =	vmul.u32 $0x18, v17  }
0x5b4: {  	v3 =	vand.u32 $0x7, v3  }
0x5b5: {  	v3 =	vor.u32 v3, v4  }
0x5b6: {  	v4 =	vperm.xlane v3, v0;
	_ =	sdelay $0x1  }
0x5b7: {  	v4 =	vadd.s32 v1, v4;
	_ =	sdelay $0x1  }
0x5b8: {  	v3 =	vperm.xlane v3, v2;
	_ =	sdelay $0x1  }
0x5b9: {  	s29 =	simm.s32 $0x1900;
	v3 =	vadd.s32 v1, v3  }
0x5ba: {  	[tilespmem:s29], [sflag:$0x1] =	stream.indirect_vreg.gather [hbm4b:s1+s3], $0x80, v4, vm0, $0xb8;
	[tilespmem:$0x18100] =	vst v63  }
0x5bb: {  	s8 =	simm.s32 $0x2100  }
0x5bc: {  	[tilespmem:s8], [sflag:$0x1] =	stream.indirect_vreg.gather [hbm4b:s4+s3], $0x80, v4, vm1, $0xb8;
	[tilespmem:$0x18100] =	vst v63  }
0x5bd: {  	s28 =	simm.s32 $0x2500  }
0x5be: {  	[tilespmem:s28], [sflag:$0x1] =	stream.indirect_vreg.gather [hbm4b:s1+s3], $0x80, v3, vm0, $0xb8;
	[tilespmem:$0x18100] =	vst v63  }
0x5bf: {  	s29 =	simm.s32 $0x2D00  }
0x5c0: {  	[tilespmem:s29], [sflag:$0x1] =	stream.indirect_vreg.gather [hbm4b:s4+s3], $0x80, v3, vm1, $0xb8;
	[tilespmem:$0x18100] =	vst v63  }
0x5c1: {  	v3 =	vld [tilespmem:$0x20];
	_ =	sdelay $0x4  }
0x5c2: {  	v18 =	vshrl.u32 v3, $0x3  }
0x5c3: {  	v4 =	vmul.u32 $0x18, v18  }
0x5c4: {  	v3 =	vand.u32 $0x7, v3  }
0x5c5: {  	v3 =	vor.u32 v3, v4  }
0x5c6: {  	v4 =	vperm.xlane v3, v0;
	_ =	sdelay $0x1  }
0x5c7: {  	v4 =	vadd.s32 v1, v4;
	_ =	sdelay $0x1  }
0x5c8: {  	v3 =	vperm.xlane v3, v2;
	_ =	sdelay $0x1  }
0x5c9: {  	s8 =	simm.s32 $0x3100;
	v3 =	vadd.s32 v1, v3  }
0x5ca: {  	[tilespmem:s8], [sflag:$0x1] =	stream.indirect_vreg.gather [hbm4b:s1+s3], $0x80, v4, vm0, $0xb8;
	[tilespmem:$0x18100] =	vst v63  }
0x5cb: {  	s28 =	simm.s32 $0x3900  }
0x5cc: {  	[tilespmem:s28], [sflag:$0x1] =	stream.indirect_vreg.gather [hbm4b:s4+s3], $0x80, v4, vm1, $0xb8;
	[tilespmem:$0x18100] =	vst v63  }
0x5cd: {  	s29 =	simm.s32 $0x3D00  }
0x5ce: {  	[tilespmem:s29], [sflag:$0x1] =	stream.indirect_vreg.gather [hbm4b:s1+s3], $0x80, v3, vm0, $0xb8;
	[tilespmem:$0x18100] =	vst v63  }
0x5cf: {  	s8 =	simm.s32 $0x4500  }
0x5d0: {  	[tilespmem:s8], [sflag:$0x1] =	stream.indirect_vreg.gather [hbm4b:s4+s3], $0x80, v3, vm1, $0xb8;
	[tilespmem:$0x18100] =	vst v63  }
0x5d1: {  	v3 =	vld [tilespmem:$0x30];
	_ =	sdelay $0x4  }
0x5d2: {  	v19 =	vshrl.u32 v3, $0x3  }
0x5d3: {  	v4 =	vmul.u32 $0x18, v19  }
0x5d4: {  	v3 =	vand.u32 $0x7, v3  }
0x5d5: {  	v3 =	vor.u32 v3, v4  }
0x5d6: {  	v4 =	vperm.xlane v3, v0;
	_ =	sdelay $0x1  }
0x5d7: {  	v4 =	vadd.s32 v1, v4;
	_ =	sdelay $0x1  }
0x5d8: {  	v3 =	vperm.xlane v3, v2;
	_ =	sdelay $0x1  }
0x5d9: {  	s28 =	simm.s32 $0x4900;
	v3 =	vadd.s32 v1, v3  }
0x5da: {  	[tilespmem:s28], [sflag:$0x1] =	stream.indirect_vreg.gather [hbm4b:s1+s3], $0x80, v4, vm0, $0xb8;
	[tilespmem:$0x18100] =	vst v63  }
0x5db: {  	s29 =	simm.s32 $0x5100  }
0x5dc: {  	[tilespmem:s29], [sflag:$0x1] =	stream.indirect_vreg.gather [hbm4b:s4+s3], $0x80, v4, vm1, $0xb8;
	[tilespmem:$0x18100] =	vst v63  }
0x5dd: {  	s8 =	simm.s32 $0x5500  }
0x5de: {  	[tilespmem:s8], [sflag:$0x1] =	stream.indirect_vreg.gather [hbm4b:s1+s3], $0x80, v3, vm0, $0xb8;
	[tilespmem:$0x18100] =	vst v63  }
0x5df: {  	s28 =	simm.s32 $0x5D00  }
0x5e0: {  	[tilespmem:s28], [sflag:$0x1] =	stream.indirect_vreg.gather [hbm4b:s4+s3], $0x80, v3, vm1, $0xb8;
	[tilespmem:$0x18100] =	vst v63  }
0x5e1: {  	v3 =	vld [tilespmem:$0x40];
	_ =	sdelay $0x4  }
0x5e2: {  	v20 =	vshrl.u32 v3, $0x3  }
0x5e3: {  	v4 =	vmul.u32 $0x18, v20  }
0x5e4: {  	v3 =	vand.u32 $0x7, v3  }
0x5e5: {  	v3 =	vor.u32 v3, v4  }
0x5e6: {  	v4 =	vperm.xlane v3, v0;
	_ =	sdelay $0x1  }
0x5e7: {  	v4 =	vadd.s32 v1, v4;
	_ =	sdelay $0x1  }
0x5e8: {  	v3 =	vperm.xlane v3, v2;
	_ =	sdelay $0x1  }
0x5e9: {  	s29 =	simm.s32 $0x6100;
	v3 =	vadd.s32 v1, v3  }
0x5ea: {  	[tilespmem:s29], [sflag:$0x1] =	stream.indirect_vreg.gather [hbm4b:s1+s3], $0x80, v4, vm0, $0xb8;
	[tilespmem:$0x18100] =	vst v63  }
0x5eb: {  	s8 =	simm.s32 $0x6900  }
0x5ec: {  	[tilespmem:s8], [sflag:$0x1] =	stream.indirect_vreg.gather [hbm4b:s4+s3], $0x80, v4, vm1, $0xb8;
	[tilespmem:$0x18100] =	vst v63  }
0x5ed: {  	s28 =	simm.s32 $0x6D00  }
0x5ee: {  	[tilespmem:s28], [sflag:$0x1] =	stream.indirect_vreg.gather [hbm4b:s1+s3], $0x80, v3, vm0, $0xb8;
	[tilespmem:$0x18100] =	vst v63  }
0x5ef: {  	s29 =	simm.s32 $0x7500  }
0x5f0: {  	[tilespmem:s29], [sflag:$0x1] =	stream.indirect_vreg.gather [hbm4b:s4+s3], $0x80, v3, vm1, $0xb8;
	[tilespmem:$0x18100] =	vst v63  }
0x5f1: {  	v3 =	vld [tilespmem:$0x50];
	_ =	sdelay $0x4  }
0x5f2: {  	v21 =	vshrl.u32 v3, $0x3  }
0x5f3: {  	v4 =	vmul.u32 $0x18, v21  }
0x5f4: {  	v3 =	vand.u32 $0x7, v3  }
0x5f5: {  	v3 =	vor.u32 v3, v4  }
0x5f6: {  	v4 =	vperm.xlane v3, v0;
	_ =	sdelay $0x1  }
0x5f7: {  	v4 =	vadd.s32 v1, v4;
	_ =	sdelay $0x1  }
0x5f8: {  	v3 =	vperm.xlane v3, v2;
	_ =	sdelay $0x1  }
0x5f9: {  	s8 =	simm.s32 $0x7900;
	v3 =	vadd.s32 v1, v3  }
0x5fa: {  	[tilespmem:s8], [sflag:$0x1] =	stream.indirect_vreg.gather [hbm4b:s1+s3], $0x80, v4, vm0, $0xb8;
	[tilespmem:$0x18100] =	vst v63  }
0x5fb: {  	s28 =	simm.s32 $0x8100  }
0x5fc: {  	[tilespmem:s28], [sflag:$0x1] =	stream.indirect_vreg.gather [hbm4b:s4+s3], $0x80, v4, vm1, $0xb8;
	[tilespmem:$0x18100] =	vst v63  }
0x5fd: {  	s29 =	simm.s32 $0x8500  }
0x5fe: {  	[tilespmem:s29], [sflag:$0x1] =	stream.indirect_vreg.gather [hbm4b:s1+s3], $0x80, v3, vm0, $0xb8;
	[tilespmem:$0x18100] =	vst v63  }
0x5ff: {  	s8 =	simm.s32 $0x8D00  }
0x600: {  	[tilespmem:s8], [sflag:$0x1] =	stream.indirect_vreg.gather [hbm4b:s4+s3], $0x80, v3, vm1, $0xb8;
	[tilespmem:$0x18100] =	vst v63  }
0x601: {  	v3 =	vld [tilespmem:$0x60];
	_ =	sdelay $0x4  }
0x602: {  	v22 =	vshrl.u32 v3, $0x3  }
0x603: {  	v4 =	vmul.u32 $0x18, v22  }
0x604: {  	v3 =	vand.u32 $0x7, v3  }
0x605: {  	v3 =	vor.u32 v3, v4  }
0x606: {  	v4 =	vperm.xlane v3, v0;
	_ =	sdelay $0x1  }
0x607: {  	v4 =	vadd.s32 v1, v4;
	_ =	sdelay $0x1  }
0x608: {  	v3 =	vperm.xlane v3, v2;
	_ =	sdelay $0x1  }
0x609: {  	s28 =	simm.s32 $0x9100;
	v3 =	vadd.s32 v1, v3  }
0x60a: {  	[tilespmem:s28], [sflag:$0x1] =	stream.indirect_vreg.gather [hbm4b:s1+s3], $0x80, v4, vm0, $0xb8;
	[tilespmem:$0x18100] =	vst v63  }
0x60b: {  	s29 =	simm.s32 $0x9900  }
0x60c: {  	[tilespmem:s29], [sflag:$0x1] =	stream.indirect_vreg.gather [hbm4b:s4+s3], $0x80, v4, vm1, $0xb8;
	[tilespmem:$0x18100] =	vst v63  }
0x60d: {  	s8 =	simm.s32 $0x9D00  }
0x60e: {  	[tilespmem:s8], [sflag:$0x1] =	stream.indirect_vreg.gather [hbm4b:s1+s3], $0x80, v3, vm0, $0xb8;
	[tilespmem:$0x18100] =	vst v63  }
0x60f: {  	_ = 	snop  }
0x610: {  	[tilespmem:s2], [sflag:$0x1] =	stream.indirect_vreg.gather [hbm4b:s4+s3], $0x80, v3, vm1, $0xb8;
	[tilespmem:$0x18100] =	vst v63  }
0x611: {  	v3 =	vld [tilespmem:$0x70];
	_ =	sdelay $0x4  }
0x612: {  	v23 =	vshrl.u32 v3, $0x3  }
0x613: {  	v4 =	vmul.u32 $0x18, v23  }
0x614: {  	v3 =	vand.u32 $0x7, v3  }
0x615: {  	v3 =	vor.u32 v3, v4  }
0x616: {  	v4 =	vperm.xlane v3, v0;
	_ =	sdelay $0x1  }
0x617: {  	v4 =	vadd.s32 v1, v4;
	_ =	sdelay $0x1  }
0x618: {  	v3 =	vperm.xlane v3, v2;
	_ =	sdelay $0x1  }
0x619: {  	s28 =	simm.s32 $0xA900;
	v3 =	vadd.s32 v1, v3  }
0x61a: {  	[tilespmem:s28], [sflag:$0x1] =	stream.indirect_vreg.gather [hbm4b:s1+s3], $0x80, v4, vm0, $0xb8;
	[tilespmem:$0x18100] =	vst v63  }
0x61b: {  	_ = 	snop  }
0x61c: {  	[tilespmem:s5], [sflag:$0x1] =	stream.indirect_vreg.gather [hbm4b:s4+s3], $0x80, v4, vm1, $0xb8;
	[tilespmem:$0x18100] =	vst v63  }
0x61d: {  	s29 =	simm.s32 $0xB500  }
0x61e: {  	[tilespmem:s29], [sflag:$0x1] =	stream.indirect_vreg.gather [hbm4b:s1+s3], $0x80, v3, vm0, $0xb8;
	[tilespmem:$0x18100] =	vst v63  }
0x61f: {  	_ = 	snop  }
0x620: {  	[tilespmem:s9], [sflag:$0x1] =	stream.indirect_vreg.gather [hbm4b:s4+s3], $0x80, v3, vm1, $0xb8;
	[tilespmem:$0x18100] =	vst v63  }
0x621: {  	_ =	swait.ge [sflag:s25], $0xC000  }
0x622: {  	[sflag:s25] =	ssyncset.done $0x0  }
0x623: {  	s8 =	simm.s32 $0xC100;
	s2 =	rddreg [dreg:$0x18];
	[sflag:s25] =	ssyncadd.s32 $0xFFFF4000  }
0x624: {  	[hbm4b:s2+s3] =	stream.linear.scatter [tilespmem:s8], [sflag:$0x4], $0xC000, $0x38;
	[tilespmem:$0x18100] =	vst v63  }
0x625: {  	s9 =	simm.s32 $0x80;
	s5 =	rddreg [dreg:$0x19]  }
0x626: {  	[tilespmem:s9], [sflag:$0x5] =	stream.linear.gather [hbm4b:s5+s3], $0x80, $0x38;
	[tilespmem:$0x18100] =	vst v63  }
0x627: {  	_ =	swait.ge [sflag:s6], $0x80  }
0x628: {  	[sflag:s6] =	ssyncset.done $0x0  }
0x629: {  	[sflag:s6] =	ssyncadd.s32 $0xFFFFFF80  }
0x62a: {  	_ =	swait.ge [sflag:s26], $0xC000  }
0x62b: {  	[sflag:s26] =	ssyncset.done $0x0  }
0x62c: {  	[sflag:s26] =	ssyncadd.s32 $0xFFFF4000  }
0x62d: {  	v3 =	vld [tilespmem:$0x80];
	_ =	sdelay $0x4  }
0x62e: {  	v24 =	vshrl.u32 v3, $0x3  }
0x62f: {  	v4 =	vmul.u32 $0x18, v24  }
0x630: {  	v3 =	vand.u32 $0x7, v3  }
0x631: {  	v3 =	vor.u32 v3, v4  }
0x632: {  	v4 =	vperm.xlane v3, v0;
	_ =	sdelay $0x1  }
0x633: {  	v4 =	vadd.s32 v1, v4;
	_ =	sdelay $0x1  }
0x634: {  	v3 =	vperm.xlane v3, v2;
	_ =	sdelay $0x1  }
0x635: {  	v3 =	vadd.s32 v1, v3  }
0x636: {  	[tilespmem:s8], [sflag:$0x2] =	stream.indirect_vreg.gather [hbm4b:s1+s3], $0x80, v4, vm0, $0xb8;
	[tilespmem:$0x18100] =	vst v63  }
0x637: {  	s28 =	simm.s32 $0xC900  }
0x638: {  	[tilespmem:s28], [sflag:$0x2] =	stream.indirect_vreg.gather [hbm4b:s4+s3], $0x80, v4, vm1, $0xb8;
	[tilespmem:$0x18100] =	vst v63  }
0x639: {  	_ = 	snop  }
0x63a: {  	[tilespmem:s10], [sflag:$0x2] =	stream.indirect_vreg.gather [hbm4b:s1+s3], $0x80, v3, vm0, $0xb8;
	[tilespmem:$0x18100] =	vst v63  }
0x63b: {  	s2 =	simm.s32 $0xD500  }
0x63c: {  	[tilespmem:s2], [sflag:$0x2] =	stream.indirect_vreg.gather [hbm4b:s4+s3], $0x80, v3, vm1, $0xb8;
	[tilespmem:$0x18100] =	vst v63  }
0x63d: {  	v3 =	vld [tilespmem:$0x90];
	_ =	sdelay $0x4  }
0x63e: {  	v25 =	vshrl.u32 v3, $0x3  }
0x63f: {  	v4 =	vmul.u32 $0x18, v25  }
0x640: {  	v3 =	vand.u32 $0x7, v3  }
0x641: {  	v3 =	vor.u32 v3, v4  }
0x642: {  	v4 =	vperm.xlane v3, v0;
	_ =	sdelay $0x1  }
0x643: {  	v4 =	vadd.s32 v1, v4;
	_ =	sdelay $0x1  }
0x644: {  	v3 =	vperm.xlane v3, v2;
	_ =	sdelay $0x1  }
0x645: {  	v3 =	vadd.s32 v1, v3  }
0x646: {  	[tilespmem:s11], [sflag:$0x2] =	stream.indirect_vreg.gather [hbm4b:s1+s3], $0x80, v4, vm0, $0xb8;
	[tilespmem:$0x18100] =	vst v63  }
0x647: {  	_ = 	snop  }
0x648: {  	[tilespmem:s12], [sflag:$0x2] =	stream.indirect_vreg.gather [hbm4b:s4+s3], $0x80, v4, vm1, $0xb8;
	[tilespmem:$0x18100] =	vst v63  }
0x649: {  	_ = 	snop  }
0x64a: {  	[tilespmem:s13], [sflag:$0x2] =	stream.indirect_vreg.gather [hbm4b:s1+s3], $0x80, v3, vm0, $0xb8;
	[tilespmem:$0x18100] =	vst v63  }
0x64b: {  	s29 =	simm.s32 $0xED00  }
0x64c: {  	[tilespmem:s29], [sflag:$0x2] =	stream.indirect_vreg.gather [hbm4b:s4+s3], $0x80, v3, vm1, $0xb8;
	[tilespmem:$0x18100] =	vst v63  }
0x64d: {  	v3 =	vld [tilespmem:$0xA0];
	_ =	sdelay $0x4  }
0x64e: {  	v26 =	vshrl.u32 v3, $0x3  }
0x64f: {  	v4 =	vmul.u32 $0x18, v26  }
0x650: {  	v3 =	vand.u32 $0x7, v3  }
0x651: {  	v3 =	vor.u32 v3, v4  }
0x652: {  	v4 =	vperm.xlane v3, v0;
	_ =	sdelay $0x1  }
0x653: {  	v4 =	vadd.s32 v1, v4;
	_ =	sdelay $0x1  }
0x654: {  	v3 =	vperm.xlane v3, v2;
	_ =	sdelay $0x1  }
0x655: {  	v3 =	vadd.s32 v1, v3  }
0x656: {  	[tilespmem:s14], [sflag:$0x2] =	stream.indirect_vreg.gather [hbm4b:s1+s3], $0x80, v4, vm0, $0xb8;
	[tilespmem:$0x18100] =	vst v63  }
0x657: {  	_ = 	snop  }
0x658: {  	[tilespmem:s15], [sflag:$0x2] =	stream.indirect_vreg.gather [hbm4b:s4+s3], $0x80, v4, vm1, $0xb8;
	[tilespmem:$0x18100] =	vst v63  }
0x659: {  	_ = 	snop  }
0x65a: {  	[tilespmem:s16], [sflag:$0x2] =	stream.indirect_vreg.gather [hbm4b:s1+s3], $0x80, v3, vm0, $0xb8;
	[tilespmem:$0x18100] =	vst v63  }
0x65b: {  	s8 =	simm.s32 $0x10500  }
0x65c: {  	[tilespmem:s8], [sflag:$0x2] =	stream.indirect_vreg.gather [hbm4b:s4+s3], $0x80, v3, vm1, $0xb8;
	[tilespmem:$0x18100] =	vst v63  }
0x65d: {  	v3 =	vld [tilespmem:$0xB0];
	_ =	sdelay $0x4  }
0x65e: {  	v27 =	vshrl.u32 v3, $0x3  }
0x65f: {  	v4 =	vmul.u32 $0x18, v27  }
0x660: {  	v3 =	vand.u32 $0x7, v3  }
0x661: {  	v3 =	vor.u32 v3, v4  }
0x662: {  	v4 =	vperm.xlane v3, v0;
	_ =	sdelay $0x1  }
0x663: {  	v4 =	vadd.s32 v1, v4;
	_ =	sdelay $0x1  }
0x664: {  	v3 =	vperm.xlane v3, v2;
	_ =	sdelay $0x1  }
0x665: {  	v3 =	vadd.s32 v1, v3  }
0x666: {  	[tilespmem:s17], [sflag:$0x2] =	stream.indirect_vreg.gather [hbm4b:s1+s3], $0x80, v4, vm0, $0xb8;
	[tilespmem:$0x18100] =	vst v63  }
0x667: {  	_ = 	snop  }
0x668: {  	[tilespmem:s18], [sflag:$0x2] =	stream.indirect_vreg.gather [hbm4b:s4+s3], $0x80, v4, vm1, $0xb8;
	[tilespmem:$0x18100] =	vst v63  }
0x669: {  	_ = 	snop  }
0x66a: {  	[tilespmem:s19], [sflag:$0x2] =	stream.indirect_vreg.gather [hbm4b:s1+s3], $0x80, v3, vm0, $0xb8;
	[tilespmem:$0x18100] =	vst v63  }
0x66b: {  	s11 =	simm.s32 $0x11D00  }
0x66c: {  	[tilespmem:s11], [sflag:$0x2] =	stream.indirect_vreg.gather [hbm4b:s4+s3], $0x80, v3, vm1, $0xb8;
	[tilespmem:$0x18100] =	vst v63  }
0x66d: {  	v3 =	vld [tilespmem:$0xC0];
	_ =	sdelay $0x4  }
0x66e: {  	v28 =	vshrl.u32 v3, $0x3  }
0x66f: {  	v4 =	vmul.u32 $0x18, v28  }
0x670: {  	v3 =	vand.u32 $0x7, v3  }
0x671: {  	v3 =	vor.u32 v3, v4  }
0x672: {  	v4 =	vperm.xlane v3, v0;
	_ =	sdelay $0x1  }
0x673: {  	v4 =	vadd.s32 v1, v4;
	_ =	sdelay $0x1  }
0x674: {  	v3 =	vperm.xlane v3, v2;
	_ =	sdelay $0x1  }
0x675: {  	v3 =	vadd.s32 v1, v3  }
0x676: {  	[tilespmem:s20], [sflag:$0x2] =	stream.indirect_vreg.gather [hbm4b:s1+s3], $0x80, v4, vm0, $0xb8;
	[tilespmem:$0x18100] =	vst v63  }
0x677: {  	_ = 	snop  }
0x678: {  	[tilespmem:s21], [sflag:$0x2] =	stream.indirect_vreg.gather [hbm4b:s4+s3], $0x80, v4, vm1, $0xb8;
	[tilespmem:$0x18100] =	vst v63  }
0x679: {  	_ = 	snop  }
0x67a: {  	[tilespmem:s22], [sflag:$0x2] =	stream.indirect_vreg.gather [hbm4b:s1+s3], $0x80, v3, vm0, $0xb8;
	[tilespmem:$0x18100] =	vst v63  }
0x67b: {  	s12 =	simm.s32 $0x13500  }
0x67c: {  	[tilespmem:s12], [sflag:$0x2] =	stream.indirect_vreg.gather [hbm4b:s4+s3], $0x80, v3, vm1, $0xb8;
	[tilespmem:$0x18100] =	vst v63  }
0x67d: {  	v3 =	vld [tilespmem:$0xD0];
	_ =	sdelay $0x4  }
0x67e: {  	v29 =	vshrl.u32 v3, $0x3  }
0x67f: {  	v4 =	vmul.u32 $0x18, v29  }
0x680: {  	v3 =	vand.u32 $0x7, v3  }
0x681: {  	v3 =	vor.u32 v3, v4  }
0x682: {  	v4 =	vperm.xlane v3, v0;
	_ =	sdelay $0x1  }
0x683: {  	v4 =	vadd.s32 v1, v4;
	_ =	sdelay $0x1  }
0x684: {  	v3 =	vperm.xlane v3, v2;
	_ =	sdelay $0x1  }
0x685: {  	v3 =	vadd.s32 v1, v3  }
0x686: {  	[tilespmem:s30], [sflag:$0x2] =	stream.indirect_vreg.gather [hbm4b:s1+s3], $0x80, v4, vm0, $0xb8;
	[tilespmem:$0x18100] =	vst v63  }
0x687: {  	_ = 	snop  }
0x688: {  	[tilespmem:s31], [sflag:$0x2] =	stream.indirect_vreg.gather [hbm4b:s4+s3], $0x80, v4, vm1, $0xb8;
	[tilespmem:$0x18100] =	vst v63  }
0x689: {  	s31 =	simm.s32 $0x14500  }
0x68a: {  	[tilespmem:s31], [sflag:$0x2] =	stream.indirect_vreg.gather [hbm4b:s1+s3], $0x80, v3, vm0, $0xb8;
	[tilespmem:$0x18100] =	vst v63  }
0x68b: {  	s5 =	simm.s32 $0x14D00  }
0x68c: {  	[tilespmem:s5], [sflag:$0x2] =	stream.indirect_vreg.gather [hbm4b:s4+s3], $0x80, v3, vm1, $0xb8;
	[tilespmem:$0x18100] =	vst v63  }
0x68d: {  	v3 =	vld [tilespmem:$0xE0];
	_ =	sdelay $0x4  }
0x68e: {  	v30 =	vshrl.u32 v3, $0x3  }
0x68f: {  	v4 =	vmul.u32 $0x18, v30  }
0x690: {  	v3 =	vand.u32 $0x7, v3  }
0x691: {  	v3 =	vor.u32 v3, v4  }
0x692: {  	v4 =	vperm.xlane v3, v0;
	_ =	sdelay $0x1  }
0x693: {  	v4 =	vadd.s32 v1, v4;
	_ =	sdelay $0x1  }
0x694: {  	v3 =	vperm.xlane v3, v2;
	_ =	sdelay $0x1  }
0x695: {  	s9 =	simm.s32 $0x15100;
	v3 =	vadd.s32 v1, v3  }
0x696: {  	[tilespmem:s9], [sflag:$0x2] =	stream.indirect_vreg.gather [hbm4b:s1+s3], $0x80, v4, vm0, $0xb8;
	[tilespmem:$0x18100] =	vst v63  }
0x697: {  	s10 =	simm.s32 $0x15900  }
0x698: {  	[tilespmem:s10], [sflag:$0x2] =	stream.indirect_vreg.gather [hbm4b:s4+s3], $0x80, v4, vm1, $0xb8;
	[tilespmem:$0x18100] =	vst v63  }
0x699: {  	s13 =	simm.s32 $0x15D00  }
0x69a: {  	[tilespmem:s13], [sflag:$0x2] =	stream.indirect_vreg.gather [hbm4b:s1+s3], $0x80, v3, vm0, $0xb8;
	[tilespmem:$0x18100] =	vst v63  }
0x69b: {  	s14 =	simm.s32 $0x16500  }
0x69c: {  	[tilespmem:s14], [sflag:$0x2] =	stream.indirect_vreg.gather [hbm4b:s4+s3], $0x80, v3, vm1, $0xb8;
	[tilespmem:$0x18100] =	vst v63  }
0x69d: {  	v3 =	vld [tilespmem:$0xF0];
	_ =	sdelay $0x4  }
0x69e: {  	v31 =	vshrl.u32 v3, $0x3  }
0x69f: {  	v4 =	vmul.u32 $0x18, v31  }
0x6a0: {  	v3 =	vand.u32 $0x7, v3  }
0x6a1: {  	v3 =	vor.u32 v3, v4  }
0x6a2: {  	v4 =	vperm.xlane v3, v0;
	_ =	sdelay $0x1  }
0x6a3: {  	v4 =	vadd.s32 v1, v4;
	_ =	sdelay $0x1  }
0x6a4: {  	v3 =	vperm.xlane v3, v2;
	_ =	sdelay $0x1  }
0x6a5: {  	s15 =	simm.s32 $0x16900;
	v3 =	vadd.s32 v1, v3  }
0x6a6: {  	[tilespmem:s15], [sflag:$0x2] =	stream.indirect_vreg.gather [hbm4b:s1+s3], $0x80, v4, vm0, $0xb8;
	[tilespmem:$0x18100] =	vst v63  }
0x6a7: {  	s16 =	simm.s32 $0x17100  }
0x6a8: {  	[tilespmem:s16], [sflag:$0x2] =	stream.indirect_vreg.gather [hbm4b:s4+s3], $0x80, v4, vm1, $0xb8;
	[tilespmem:$0x18100] =	vst v63  }
0x6a9: {  	s17 =	simm.s32 $0x17500  }
0x6aa: {  	[tilespmem:s17], [sflag:$0x2] =	stream.indirect_vreg.gather [hbm4b:s1+s3], $0x80, v3, vm0, $0xb8;
	[tilespmem:$0x18100] =	vst v63  }
0x6ab: {  	s18 =	simm.s32 $0x17D00  }
0x6ac: {  	[tilespmem:s18], [sflag:$0x2] =	stream.indirect_vreg.gather [hbm4b:s4+s3], $0x80, v3, vm1, $0xb8;
	[tilespmem:$0x18100] =	vst v63  }
0x6ad: {  	_ =	swait.ge [sflag:s23], $0xC000  }
0x6ae: {  	[sflag:s23] =	ssyncset.done $0x0  }
0x6af: {  	s21 =	simm.s32 $0x100;
	s19 =	rddreg [dreg:$0x1a];
	[sflag:s23] =	ssyncadd.s32 $0xFFFF4000  }
0x6b0: {  	[hbm4b:s19+s3] =	stream.linear.scatter [tilespmem:s21], [sflag:$0x3], $0xC000, $0x38;
	[tilespmem:$0x18100] =	vst v63  }
0x6b1: {  	s20 =	rddreg [dreg:$0x1b]  }
0x6b2: {  	[tilespmem:s3], [sflag:$0x5] =	stream.linear.gather [hbm4b:s20+s3], $0x80, $0x38;
	[tilespmem:$0x18100] =	vst v63  }
0x6b3: {  	_ =	swait.ge [sflag:s6], $0x80  }
0x6b4: {  	[sflag:s6] =	ssyncset.done $0x0  }
0x6b5: {  	[sflag:s6] =	ssyncadd.s32 $0xFFFFFF80  }
0x6b6: {  	_ =	swait.ge [sflag:s24], $0xC000  }
0x6b7: {  	[sflag:s24] =	ssyncset.done $0x0  }
0x6b8: {  	[sflag:s24] =	ssyncadd.s32 $0xFFFF4000  }
0x6b9: {  	v3 =	vld [tilespmem:$0x0];
	_ =	sdelay $0x4  }
0x6ba: {  	v32 =	vshrl.u32 v3, $0x3  }
0x6bb: {  	v4 =	vmul.u32 $0x18, v32  }
0x6bc: {  	v3 =	vand.u32 $0x7, v3  }
0x6bd: {  	v3 =	vor.u32 v3, v4  }
0x6be: {  	v4 =	vperm.xlane v3, v0;
	_ =	sdelay $0x1  }
0x6bf: {  	v4 =	vadd.s32 v1, v4;
	_ =	sdelay $0x1  }
0x6c0: {  	v3 =	vperm.xlane v3, v2;
	_ =	sdelay $0x1  }
0x6c1: {  	v3 =	vadd.s32 v1, v3  }
0x6c2: {  	[tilespmem:s21], [sflag:$0x1] =	stream.indirect_vreg.gather [hbm4b:s1+s3], $0x80, v4, vm0, $0xb8;
	[tilespmem:$0x18100] =	vst v63  }
0x6c3: {  	s22 =	simm.s32 $0x900  }
0x6c4: {  	[tilespmem:s22], [sflag:$0x1] =	stream.indirect_vreg.gather [hbm4b:s4+s3], $0x80, v4, vm1, $0xb8;
	[tilespmem:$0x18100] =	vst v63  }
0x6c5: {  	_ = 	snop  }
0x6c6: {  	[tilespmem:s7], [sflag:$0x1] =	stream.indirect_vreg.gather [hbm4b:s1+s3], $0x80, v3, vm0, $0xb8;
	[tilespmem:$0x18100] =	vst v63  }
0x6c7: {  	s28 =	simm.s32 $0x1500  }
0x6c8: {  	[tilespmem:s28], [sflag:$0x1] =	stream.indirect_vreg.gather [hbm4b:s4+s3], $0x80, v3, vm1, $0xb8;
	[tilespmem:$0x18100] =	vst v63  }
0x6c9: {  	v3 =	vld [tilespmem:$0x10];
	_ =	sdelay $0x4  }
0x6ca: {  	v33 =	vshrl.u32 v3, $0x3  }
0x6cb: {  	v4 =	vmul.u32 $0x18, v33  }
0x6cc: {  	v3 =	vand.u32 $0x7, v3  }
0x6cd: {  	v3 =	vor.u32 v3, v4  }
0x6ce: {  	v4 =	vperm.xlane v3, v0;
	_ =	sdelay $0x1  }
0x6cf: {  	v4 =	vadd.s32 v1, v4;
	_ =	sdelay $0x1  }
0x6d0: {  	v3 =	vperm.xlane v3, v2;
	_ =	sdelay $0x1  }
0x6d1: {  	s29 =	simm.s32 $0x1900;
	v3 =	vadd.s32 v1, v3  }
0x6d2: {  	[tilespmem:s29], [sflag:$0x1] =	stream.indirect_vreg.gather [hbm4b:s1+s3], $0x80, v4, vm0, $0xb8;
	[tilespmem:$0x18100] =	vst v63  }
0x6d3: {  	s30 =	simm.s32 $0x2100  }
0x6d4: {  	[tilespmem:s30], [sflag:$0x1] =	stream.indirect_vreg.gather [hbm4b:s4+s3], $0x80, v4, vm1, $0xb8;
	[tilespmem:$0x18100] =	vst v63  }
0x6d5: {  	s0 =	simm.s32 $0x2500  }
0x6d6: {  	[tilespmem:s0], [sflag:$0x1] =	stream.indirect_vreg.gather [hbm4b:s1+s3], $0x80, v3, vm0, $0xb8;
	[tilespmem:$0x18100] =	vst v63  }
0x6d7: {  	s7 =	simm.s32 $0x2D00  }
0x6d8: {  	[tilespmem:s7], [sflag:$0x1] =	stream.indirect_vreg.gather [hbm4b:s4+s3], $0x80, v3, vm1, $0xb8;
	[tilespmem:$0x18100] =	vst v63  }
0x6d9: {  	v3 =	vld [tilespmem:$0x20];
	_ =	sdelay $0x4  }
0x6da: {  	v34 =	vshrl.u32 v3, $0x3  }
0x6db: {  	v4 =	vmul.u32 $0x18, v34  }
0x6dc: {  	v3 =	vand.u32 $0x7, v3  }
0x6dd: {  	v3 =	vor.u32 v3, v4  }
0x6de: {  	v4 =	vperm.xlane v3, v0;
	_ =	sdelay $0x1  }
0x6df: {  	v4 =	vadd.s32 v1, v4;
	_ =	sdelay $0x1  }
0x6e0: {  	v3 =	vperm.xlane v3, v2;
	_ =	sdelay $0x1  }
0x6e1: {  	s9 =	simm.s32 $0x3100;
	v3 =	vadd.s32 v1, v3  }
0x6e2: {  	[tilespmem:s9], [sflag:$0x1] =	stream.indirect_vreg.gather [hbm4b:s1+s3], $0x80, v4, vm0, $0xb8;
	[tilespmem:$0x18100] =	vst v63  }
0x6e3: {  	s10 =	simm.s32 $0x3900  }
0x6e4: {  	[tilespmem:s10], [sflag:$0x1] =	stream.indirect_vreg.gather [hbm4b:s4+s3], $0x80, v4, vm1, $0xb8;
	[tilespmem:$0x18100] =	vst v63  }
0x6e5: {  	s13 =	simm.s32 $0x3D00  }
0x6e6: {  	[tilespmem:s13], [sflag:$0x1] =	stream.indirect_vreg.gather [hbm4b:s1+s3], $0x80, v3, vm0, $0xb8;
	[tilespmem:$0x18100] =	vst v63  }
0x6e7: {  	s14 =	simm.s32 $0x4500  }
0x6e8: {  	[tilespmem:s14], [sflag:$0x1] =	stream.indirect_vreg.gather [hbm4b:s4+s3], $0x80, v3, vm1, $0xb8;
	[tilespmem:$0x18100] =	vst v63  }
0x6e9: {  	v3 =	vld [tilespmem:$0x30];
	_ =	sdelay $0x4  }
0x6ea: {  	v35 =	vshrl.u32 v3, $0x3  }
0x6eb: {  	v4 =	vmul.u32 $0x18, v35  }
0x6ec: {  	v3 =	vand.u32 $0x7, v3  }
0x6ed: {  	v3 =	vor.u32 v3, v4  }
0x6ee: {  	v4 =	vperm.xlane v3, v0;
	_ =	sdelay $0x1  }
0x6ef: {  	v4 =	vadd.s32 v1, v4;
	_ =	sdelay $0x1  }
0x6f0: {  	v3 =	vperm.xlane v3, v2;
	_ =	sdelay $0x1  }
0x6f1: {  	s15 =	simm.s32 $0x4900;
	v3 =	vadd.s32 v1, v3  }
0x6f2: {  	[tilespmem:s15], [sflag:$0x1] =	stream.indirect_vreg.gather [hbm4b:s1+s3], $0x80, v4, vm0, $0xb8;
	[tilespmem:$0x18100] =	vst v63  }
0x6f3: {  	s16 =	simm.s32 $0x5100  }
0x6f4: {  	[tilespmem:s16], [sflag:$0x1] =	stream.indirect_vreg.gather [hbm4b:s4+s3], $0x80, v4, vm1, $0xb8;
	[tilespmem:$0x18100] =	vst v63  }
0x6f5: {  	s17 =	simm.s32 $0x5500  }
0x6f6: {  	[tilespmem:s17], [sflag:$0x1] =	stream.indirect_vreg.gather [hbm4b:s1+s3], $0x80, v3, vm0, $0xb8;
	[tilespmem:$0x18100] =	vst v63  }
0x6f7: {  	s18 =	simm.s32 $0x5D00  }
0x6f8: {  	[tilespmem:s18], [sflag:$0x1] =	stream.indirect_vreg.gather [hbm4b:s4+s3], $0x80, v3, vm1, $0xb8;
	[tilespmem:$0x18100] =	vst v63  }
0x6f9: {  	v3 =	vld [tilespmem:$0x40];
	_ =	sdelay $0x4  }
0x6fa: {  	v36 =	vshrl.u32 v3, $0x3  }
0x6fb: {  	v4 =	vmul.u32 $0x18, v36  }
0x6fc: {  	v3 =	vand.u32 $0x7, v3  }
0x6fd: {  	v3 =	vor.u32 v3, v4  }
0x6fe: {  	v4 =	vperm.xlane v3, v0;
	_ =	sdelay $0x1  }
0x6ff: {  	v4 =	vadd.s32 v1, v4;
	_ =	sdelay $0x1  }
0x700: {  	v3 =	vperm.xlane v3, v2;
	_ =	sdelay $0x1  }
0x701: {  	s19 =	simm.s32 $0x6100;
	v3 =	vadd.s32 v1, v3  }
0x702: {  	[tilespmem:s19], [sflag:$0x1] =	stream.indirect_vreg.gather [hbm4b:s1+s3], $0x80, v4, vm0, $0xb8;
	[tilespmem:$0x18100] =	vst v63  }
0x703: {  	s20 =	simm.s32 $0x6900  }
0x704: {  	[tilespmem:s20], [sflag:$0x1] =	stream.indirect_vreg.gather [hbm4b:s4+s3], $0x80, v4, vm1, $0xb8;
	[tilespmem:$0x18100] =	vst v63  }
0x705: {  	s21 =	simm.s32 $0x6D00  }
0x706: {  	[tilespmem:s21], [sflag:$0x1] =	stream.indirect_vreg.gather [hbm4b:s1+s3], $0x80, v3, vm0, $0xb8;
	[tilespmem:$0x18100] =	vst v63  }
0x707: {  	s22 =	simm.s32 $0x7500  }
0x708: {  	[tilespmem:s22], [sflag:$0x1] =	stream.indirect_vreg.gather [hbm4b:s4+s3], $0x80, v3, vm1, $0xb8;
	[tilespmem:$0x18100] =	vst v63  }
0x709: {  	v3 =	vld [tilespmem:$0x50];
	_ =	sdelay $0x4  }
0x70a: {  	v37 =	vshrl.u32 v3, $0x3  }
0x70b: {  	v4 =	vmul.u32 $0x18, v37  }
0x70c: {  	v3 =	vand.u32 $0x7, v3  }
0x70d: {  	v3 =	vor.u32 v3, v4  }
0x70e: {  	v4 =	vperm.xlane v3, v0;
	_ =	sdelay $0x1  }
0x70f: {  	v4 =	vadd.s32 v1, v4;
	_ =	sdelay $0x1  }
0x710: {  	v3 =	vperm.xlane v3, v2;
	_ =	sdelay $0x1  }
0x711: {  	s28 =	simm.s32 $0x7900;
	v3 =	vadd.s32 v1, v3  }
0x712: {  	[tilespmem:s28], [sflag:$0x1] =	stream.indirect_vreg.gather [hbm4b:s1+s3], $0x80, v4, vm0, $0xb8;
	[tilespmem:$0x18100] =	vst v63  }
0x713: {  	s0 =	simm.s32 $0x8100  }
0x714: {  	[tilespmem:s0], [sflag:$0x1] =	stream.indirect_vreg.gather [hbm4b:s4+s3], $0x80, v4, vm1, $0xb8;
	[tilespmem:$0x18100] =	vst v63  }
0x715: {  	s13 =	simm.s32 $0x8500  }
0x716: {  	[tilespmem:s13], [sflag:$0x1] =	stream.indirect_vreg.gather [hbm4b:s1+s3], $0x80, v3, vm0, $0xb8;
	[tilespmem:$0x18100] =	vst v63  }
0x717: {  	s29 =	simm.s32 $0x8D00  }
0x718: {  	[tilespmem:s29], [sflag:$0x1] =	stream.indirect_vreg.gather [hbm4b:s4+s3], $0x80, v3, vm1, $0xb8;
	[tilespmem:$0x18100] =	vst v63  }
0x719: {  	v3 =	vld [tilespmem:$0x60];
	_ =	sdelay $0x4  }
0x71a: {  	v38 =	vshrl.u32 v3, $0x3  }
0x71b: {  	v4 =	vmul.u32 $0x18, v38  }
0x71c: {  	v3 =	vand.u32 $0x7, v3  }
0x71d: {  	v3 =	vor.u32 v3, v4  }
0x71e: {  	v4 =	vperm.xlane v3, v0;
	_ =	sdelay $0x1  }
0x71f: {  	v4 =	vadd.s32 v1, v4;
	_ =	sdelay $0x1  }
0x720: {  	v3 =	vperm.xlane v3, v2;
	_ =	sdelay $0x1  }
0x721: {  	s15 =	simm.s32 $0x9100;
	v3 =	vadd.s32 v1, v3  }
0x722: {  	[tilespmem:s15], [sflag:$0x1] =	stream.indirect_vreg.gather [hbm4b:s1+s3], $0x80, v4, vm0, $0xb8;
	[tilespmem:$0x18100] =	vst v63  }
0x723: {  	s7 =	simm.s32 $0x9900  }
0x724: {  	[tilespmem:s7], [sflag:$0x1] =	stream.indirect_vreg.gather [hbm4b:s4+s3], $0x80, v4, vm1, $0xb8;
	[tilespmem:$0x18100] =	vst v63  }
0x725: {  	s10 =	simm.s32 $0x9D00  }
0x726: {  	[tilespmem:s10], [sflag:$0x1] =	stream.indirect_vreg.gather [hbm4b:s1+s3], $0x80, v3, vm0, $0xb8;
	[tilespmem:$0x18100] =	vst v63  }
0x727: {  	s30 =	simm.s32 $0xA500  }
0x728: {  	[tilespmem:s30], [sflag:$0x1] =	stream.indirect_vreg.gather [hbm4b:s4+s3], $0x80, v3, vm1, $0xb8;
	[tilespmem:$0x18100] =	vst v63  }
0x729: {  	v3 =	vld [tilespmem:$0x70];
	_ =	sdelay $0x4  }
0x72a: {  	v39 =	vshrl.u32 v3, $0x3  }
0x72b: {  	v4 =	vmul.u32 $0x18, v39  }
0x72c: {  	v3 =	vand.u32 $0x7, v3  }
0x72d: {  	v3 =	vor.u32 v3, v4  }
0x72e: {  	v4 =	vperm.xlane v3, v0;
	_ =	sdelay $0x1  }
0x72f: {  	v4 =	vadd.s32 v1, v4;
	_ =	sdelay $0x1  }
0x730: {  	v3 =	vperm.xlane v3, v2;
	_ =	sdelay $0x1  }
0x731: {  	s9 =	simm.s32 $0xA900;
	v3 =	vadd.s32 v1, v3  }
0x732: {  	[tilespmem:s9], [sflag:$0x1] =	stream.indirect_vreg.gather [hbm4b:s1+s3], $0x80, v4, vm0, $0xb8;
	[tilespmem:$0x18100] =	vst v63  }
0x733: {  	s5 =	simm.s32 $0xB100  }
0x734: {  	[tilespmem:s5], [sflag:$0x1] =	stream.indirect_vreg.gather [hbm4b:s4+s3], $0x80, v4, vm1, $0xb8;
	[tilespmem:$0x18100] =	vst v63  }
0x735: {  	s16 =	simm.s32 $0xB500  }
0x736: {  	[tilespmem:s16], [sflag:$0x1] =	stream.indirect_vreg.gather [hbm4b:s1+s3], $0x80, v3, vm0, $0xb8;
	[tilespmem:$0x18100] =	vst v63  }
0x737: {  	s17 =	simm.s32 $0xBD00  }
0x738: {  	[tilespmem:s17], [sflag:$0x1] =	stream.indirect_vreg.gather [hbm4b:s4+s3], $0x80, v3, vm1, $0xb8;
	[tilespmem:$0x18100] =	vst v63  }
0x739: {  	_ =	swait.ge [sflag:s25], $0xC000  }
0x73a: {  	[sflag:s25] =	ssyncset.done $0x0  }
0x73b: {  	s20 =	simm.s32 $0xC100;
	s18 =	rddreg [dreg:$0x1c];
	[sflag:s25] =	ssyncadd.s32 $0xFFFF4000  }
0x73c: {  	[hbm4b:s18+s3] =	stream.linear.scatter [tilespmem:s20], [sflag:$0x4], $0xC000, $0x38;
	[tilespmem:$0x18100] =	vst v63  }
0x73d: {  	s21 =	simm.s32 $0x80;
	s19 =	rddreg [dreg:$0x1d]  }
0x73e: {  	[tilespmem:s21], [sflag:$0x5] =	stream.linear.gather [hbm4b:s19+s3], $0x80, $0x38;
	[tilespmem:$0x18100] =	vst v63  }
0x73f: {  	_ =	swait.ge [sflag:s6], $0x80  }
0x740: {  	[sflag:s6] =	ssyncset.done $0x0  }
0x741: {  	[sflag:s6] =	ssyncadd.s32 $0xFFFFFF80  }
0x742: {  	_ =	swait.ge [sflag:s26], $0xC000  }
0x743: {  	[sflag:s26] =	ssyncset.done $0x0  }
0x744: {  	[sflag:s26] =	ssyncadd.s32 $0xFFFF4000  }
0x745: {  	v3 =	vld [tilespmem:$0x80];
	_ =	sdelay $0x4  }
0x746: {  	v40 =	vshrl.u32 v3, $0x3  }
0x747: {  	v4 =	vmul.u32 $0x18, v40  }
0x748: {  	v3 =	vand.u32 $0x7, v3  }
0x749: {  	v3 =	vor.u32 v3, v4  }
0x74a: {  	v4 =	vperm.xlane v3, v0;
	_ =	sdelay $0x1  }
0x74b: {  	v4 =	vadd.s32 v1, v4;
	_ =	sdelay $0x1  }
0x74c: {  	v3 =	vperm.xlane v3, v2;
	_ =	sdelay $0x1  }
0x74d: {  	v3 =	vadd.s32 v1, v3  }
0x74e: {  	[tilespmem:s20], [sflag:$0x2] =	stream.indirect_vreg.gather [hbm4b:s1+s3], $0x80, v4, vm0, $0xb8;
	[tilespmem:$0x18100] =	vst v63  }
0x74f: {  	s5 =	simm.s32 $0xC900  }
0x750: {  	[tilespmem:s5], [sflag:$0x2] =	stream.indirect_vreg.gather [hbm4b:s4+s3], $0x80, v4, vm1, $0xb8;
	[tilespmem:$0x18100] =	vst v63  }
0x751: {  	s14 =	simm.s32 $0xCD00  }
0x752: {  	[tilespmem:s14], [sflag:$0x2] =	stream.indirect_vreg.gather [hbm4b:s1+s3], $0x80, v3, vm0, $0xb8;
	[tilespmem:$0x18100] =	vst v63  }
0x753: {  	_ = 	snop  }
0x754: {  	[tilespmem:s2], [sflag:$0x2] =	stream.indirect_vreg.gather [hbm4b:s4+s3], $0x80, v3, vm1, $0xb8;
	[tilespmem:$0x18100] =	vst v63  }
0x755: {  	v3 =	vld [tilespmem:$0x90];
	_ =	sdelay $0x4  }
0x756: {  	v41 =	vshrl.u32 v3, $0x3  }
0x757: {  	v4 =	vmul.u32 $0x18, v41  }
0x758: {  	v3 =	vand.u32 $0x7, v3  }
0x759: {  	v3 =	vor.u32 v3, v4  }
0x75a: {  	v4 =	vperm.xlane v3, v0;
	_ =	sdelay $0x1  }
0x75b: {  	v4 =	vadd.s32 v1, v4;
	_ =	sdelay $0x1  }
0x75c: {  	v3 =	vperm.xlane v3, v2;
	_ =	sdelay $0x1  }
0x75d: {  	s2 =	simm.s32 $0xD900;
	v3 =	vadd.s32 v1, v3  }
0x75e: {  	[tilespmem:s2], [sflag:$0x2] =	stream.indirect_vreg.gather [hbm4b:s1+s3], $0x80, v4, vm0, $0xb8;
	[tilespmem:$0x18100] =	vst v63  }
0x75f: {  	s16 =	simm.s32 $0xE100  }
0x760: {  	[tilespmem:s16], [sflag:$0x2] =	stream.indirect_vreg.gather [hbm4b:s4+s3], $0x80, v4, vm1, $0xb8;
	[tilespmem:$0x18100] =	vst v63  }
0x761: {  	s17 =	simm.s32 $0xE500  }
0x762: {  	[tilespmem:s17], [sflag:$0x2] =	stream.indirect_vreg.gather [hbm4b:s1+s3], $0x80, v3, vm0, $0xb8;
	[tilespmem:$0x18100] =	vst v63  }
0x763: {  	s28 =	simm.s32 $0xED00  }
0x764: {  	[tilespmem:s28], [sflag:$0x2] =	stream.indirect_vreg.gather [hbm4b:s4+s3], $0x80, v3, vm1, $0xb8;
	[tilespmem:$0x18100] =	vst v63  }
0x765: {  	v3 =	vld [tilespmem:$0xA0];
	_ =	sdelay $0x4  }
0x766: {  	v42 =	vshrl.u32 v3, $0x3  }
0x767: {  	v4 =	vmul.u32 $0x18, v42  }
0x768: {  	v3 =	vand.u32 $0x7, v3  }
0x769: {  	v3 =	vor.u32 v3, v4  }
0x76a: {  	v4 =	vperm.xlane v3, v0;
	_ =	sdelay $0x1  }
0x76b: {  	v4 =	vadd.s32 v1, v4;
	_ =	sdelay $0x1  }
0x76c: {  	v3 =	vperm.xlane v3, v2;
	_ =	sdelay $0x1  }
0x76d: {  	s18 =	simm.s32 $0xF100;
	v3 =	vadd.s32 v1, v3  }
0x76e: {  	[tilespmem:s18], [sflag:$0x2] =	stream.indirect_vreg.gather [hbm4b:s1+s3], $0x80, v4, vm0, $0xb8;
	[tilespmem:$0x18100] =	vst v63  }
0x76f: {  	s19 =	simm.s32 $0xF900  }
0x770: {  	[tilespmem:s19], [sflag:$0x2] =	stream.indirect_vreg.gather [hbm4b:s4+s3], $0x80, v4, vm1, $0xb8;
	[tilespmem:$0x18100] =	vst v63  }
0x771: {  	s20 =	simm.s32 $0xFD00  }
0x772: {  	[tilespmem:s20], [sflag:$0x2] =	stream.indirect_vreg.gather [hbm4b:s1+s3], $0x80, v3, vm0, $0xb8;
	[tilespmem:$0x18100] =	vst v63  }
0x773: {  	_ = 	snop  }
0x774: {  	[tilespmem:s8], [sflag:$0x2] =	stream.indirect_vreg.gather [hbm4b:s4+s3], $0x80, v3, vm1, $0xb8;
	[tilespmem:$0x18100] =	vst v63  }
0x775: {  	v3 =	vld [tilespmem:$0xB0];
	_ =	sdelay $0x4  }
0x776: {  	v43 =	vshrl.u32 v3, $0x3  }
0x777: {  	v4 =	vmul.u32 $0x18, v43  }
0x778: {  	v3 =	vand.u32 $0x7, v3  }
0x779: {  	v3 =	vor.u32 v3, v4  }
0x77a: {  	v4 =	vperm.xlane v3, v0;
	_ =	sdelay $0x1  }
0x77b: {  	v4 =	vadd.s32 v1, v4;
	_ =	sdelay $0x1  }
0x77c: {  	v3 =	vperm.xlane v3, v2;
	_ =	sdelay $0x1  }
0x77d: {  	s8 =	simm.s32 $0x10900;
	v3 =	vadd.s32 v1, v3  }
0x77e: {  	[tilespmem:s8], [sflag:$0x2] =	stream.indirect_vreg.gather [hbm4b:s1+s3], $0x80, v4, vm0, $0xb8;
	[tilespmem:$0x18100] =	vst v63  }
0x77f: {  	s21 =	simm.s32 $0x11100  }
0x780: {  	[tilespmem:s21], [sflag:$0x2] =	stream.indirect_vreg.gather [hbm4b:s4+s3], $0x80, v4, vm1, $0xb8;
	[tilespmem:$0x18100] =	vst v63  }
0x781: {  	s22 =	simm.s32 $0x11500  }
0x782: {  	[tilespmem:s22], [sflag:$0x2] =	stream.indirect_vreg.gather [hbm4b:s1+s3], $0x80, v3, vm0, $0xb8;
	[tilespmem:$0x18100] =	vst v63  }
0x783: {  	_ = 	snop  }
0x784: {  	[tilespmem:s11], [sflag:$0x2] =	stream.indirect_vreg.gather [hbm4b:s4+s3], $0x80, v3, vm1, $0xb8;
	[tilespmem:$0x18100] =	vst v63  }
0x785: {  	v3 =	vld [tilespmem:$0xC0];
	_ =	sdelay $0x4  }
0x786: {  	v44 =	vshrl.u32 v3, $0x3  }
0x787: {  	v4 =	vmul.u32 $0x18, v44  }
0x788: {  	v3 =	vand.u32 $0x7, v3  }
0x789: {  	v3 =	vor.u32 v3, v4  }
0x78a: {  	v4 =	vperm.xlane v3, v0;
	_ =	sdelay $0x1  }
0x78b: {  	v4 =	vadd.s32 v1, v4;
	_ =	sdelay $0x1  }
0x78c: {  	v3 =	vperm.xlane v3, v2;
	_ =	sdelay $0x1  }
0x78d: {  	s29 =	simm.s32 $0x12100;
	v3 =	vadd.s32 v1, v3  }
0x78e: {  	[tilespmem:s29], [sflag:$0x2] =	stream.indirect_vreg.gather [hbm4b:s1+s3], $0x80, v4, vm0, $0xb8;
	[tilespmem:$0x18100] =	vst v63  }
0x78f: {  	s29 =	simm.s32 $0x12900  }
0x790: {  	[tilespmem:s29], [sflag:$0x2] =	stream.indirect_vreg.gather [hbm4b:s4+s3], $0x80, v4, vm1, $0xb8;
	[tilespmem:$0x18100] =	vst v63  }
0x791: {  	s29 =	simm.s32 $0x12D00  }
0x792: {  	[tilespmem:s29], [sflag:$0x2] =	stream.indirect_vreg.gather [hbm4b:s1+s3], $0x80, v3, vm0, $0xb8;
	[tilespmem:$0x18100] =	vst v63  }
0x793: {  	_ = 	snop  }
0x794: {  	[tilespmem:s12], [sflag:$0x2] =	stream.indirect_vreg.gather [hbm4b:s4+s3], $0x80, v3, vm1, $0xb8;
	[tilespmem:$0x18100] =	vst v63  }
0x795: {  	v3 =	vld [tilespmem:$0xD0];
	_ =	sdelay $0x4  }
0x796: {  	v45 =	vshrl.u32 v3, $0x3  }
0x797: {  	v4 =	vmul.u32 $0x18, v45  }
0x798: {  	v3 =	vand.u32 $0x7, v3  }
0x799: {  	v3 =	vor.u32 v3, v4  }
0x79a: {  	v4 =	vperm.xlane v3, v0;
	_ =	sdelay $0x1  }
0x79b: {  	v4 =	vadd.s32 v1, v4;
	_ =	sdelay $0x1  }
0x79c: {  	v3 =	vperm.xlane v3, v2;
	_ =	sdelay $0x1  }
0x79d: {  	s29 =	simm.s32 $0x13900;
	v3 =	vadd.s32 v1, v3  }
0x79e: {  	[tilespmem:s29], [sflag:$0x2] =	stream.indirect_vreg.gather [hbm4b:s1+s3], $0x80, v4, vm0, $0xb8;
	[tilespmem:$0x18100] =	vst v63  }
0x79f: {  	s29 =	simm.s32 $0x14100  }
0x7a0: {  	[tilespmem:s29], [sflag:$0x2] =	stream.indirect_vreg.gather [hbm4b:s4+s3], $0x80, v4, vm1, $0xb8;
	[tilespmem:$0x18100] =	vst v63  }
0x7a1: {  	s29 =	simm.s32 $0x14500  }
0x7a2: {  	[tilespmem:s29], [sflag:$0x2] =	stream.indirect_vreg.gather [hbm4b:s1+s3], $0x80, v3, vm0, $0xb8;
	[tilespmem:$0x18100] =	vst v63  }
0x7a3: {  	s29 =	simm.s32 $0x14D00  }
0x7a4: {  	[tilespmem:s29], [sflag:$0x2] =	stream.indirect_vreg.gather [hbm4b:s4+s3], $0x80, v3, vm1, $0xb8;
	[tilespmem:$0x18100] =	vst v63  }
0x7a5: {  	v3 =	vld [tilespmem:$0xE0];
	_ =	sdelay $0x4  }
0x7a6: {  	v46 =	vshrl.u32 v3, $0x3  }
0x7a7: {  	v4 =	vmul.u32 $0x18, v46  }
0x7a8: {  	v3 =	vand.u32 $0x7, v3  }
0x7a9: {  	v3 =	vor.u32 v3, v4  }
0x7aa: {  	v4 =	vperm.xlane v3, v0;
	_ =	sdelay $0x1  }
0x7ab: {  	v4 =	vadd.s32 v1, v4;
	_ =	sdelay $0x1  }
0x7ac: {  	v3 =	vperm.xlane v3, v2;
	_ =	sdelay $0x1  }
0x7ad: {  	s29 =	simm.s32 $0x15100;
	v3 =	vadd.s32 v1, v3  }
0x7ae: {  	[tilespmem:s29], [sflag:$0x2] =	stream.indirect_vreg.gather [hbm4b:s1+s3], $0x80, v4, vm0, $0xb8;
	[tilespmem:$0x18100] =	vst v63  }
0x7af: {  	s29 =	simm.s32 $0x15900  }
0x7b0: {  	[tilespmem:s29], [sflag:$0x2] =	stream.indirect_vreg.gather [hbm4b:s4+s3], $0x80, v4, vm1, $0xb8;
	[tilespmem:$0x18100] =	vst v63  }
0x7b1: {  	s29 =	simm.s32 $0x15D00  }
0x7b2: {  	[tilespmem:s29], [sflag:$0x2] =	stream.indirect_vreg.gather [hbm4b:s1+s3], $0x80, v3, vm0, $0xb8;
	[tilespmem:$0x18100] =	vst v63  }
0x7b3: {  	s29 =	simm.s32 $0x16500  }
0x7b4: {  	[tilespmem:s29], [sflag:$0x2] =	stream.indirect_vreg.gather [hbm4b:s4+s3], $0x80, v3, vm1, $0xb8;
	[tilespmem:$0x18100] =	vst v63  }
0x7b5: {  	v3 =	vld [tilespmem:$0xF0];
	_ =	sdelay $0x4  }
0x7b6: {  	v47 =	vshrl.u32 v3, $0x3  }
0x7b7: {  	v4 =	vmul.u32 $0x18, v47  }
0x7b8: {  	v3 =	vand.u32 $0x7, v3  }
0x7b9: {  	v3 =	vor.u32 v3, v4  }
0x7ba: {  	v4 =	vperm.xlane v3, v0;
	_ =	sdelay $0x1  }
0x7bb: {  	v4 =	vadd.s32 v1, v4;
	_ =	sdelay $0x1  }
0x7bc: {  	v3 =	vperm.xlane v3, v2;
	_ =	sdelay $0x1  }
0x7bd: {  	s29 =	simm.s32 $0x16900;
	v3 =	vadd.s32 v1, v3  }
0x7be: {  	[tilespmem:s29], [sflag:$0x2] =	stream.indirect_vreg.gather [hbm4b:s1+s3], $0x80, v4, vm0, $0xb8;
	[tilespmem:$0x18100] =	vst v63  }
0x7bf: {  	s29 =	simm.s32 $0x17100  }
0x7c0: {  	[tilespmem:s29], [sflag:$0x2] =	stream.indirect_vreg.gather [hbm4b:s4+s3], $0x80, v4, vm1, $0xb8;
	[tilespmem:$0x18100] =	vst v63  }
0x7c1: {  	s29 =	simm.s32 $0x17500  }
0x7c2: {  	[tilespmem:s29], [sflag:$0x2] =	stream.indirect_vreg.gather [hbm4b:s1+s3], $0x80, v3, vm0, $0xb8;
	[tilespmem:$0x18100] =	vst v63  }
0x7c3: {  	s29 =	simm.s32 $0x17D00  }
0x7c4: {  	[tilespmem:s29], [sflag:$0x2] =	stream.indirect_vreg.gather [hbm4b:s4+s3], $0x80, v3, vm1, $0xb8;
	[tilespmem:$0x18100] =	vst v63  }
0x7c5: {  	_ =	swait.ge [sflag:s23], $0xC000  }
0x7c6: {  	[sflag:s23] =	ssyncset.done $0x0  }
0x7c7: {  	s31 =	simm.s32 $0x100;
	s28 =	rddreg [dreg:$0x1e];
	[sflag:s23] =	ssyncadd.s32 $0xFFFF4000  }
0x7c8: {  	[hbm4b:s28+s3] =	stream.linear.scatter [tilespmem:s31], [sflag:$0x3], $0xC000, $0x38;
	[tilespmem:$0x18100] =	vst v63  }
0x7c9: {  	s29 =	rddreg [dreg:$0x1f]  }
0x7ca: {  	[tilespmem:s3], [sflag:$0x5] =	stream.linear.gather [hbm4b:s29+s3], $0x80, $0x38;
	[tilespmem:$0x18100] =	vst v63  }
0x7cb: {  	_ =	swait.ge [sflag:s6], $0x80  }
0x7cc: {  	[sflag:s6] =	ssyncset.done $0x0  }
0x7cd: {  	[sflag:s6] =	ssyncadd.s32 $0xFFFFFF80  }
0x7ce: {  	_ =	swait.ge [sflag:s24], $0xC000  }
0x7cf: {  	[sflag:s24] =	ssyncset.done $0x0  }
0x7d0: {  	[sflag:s24] =	ssyncadd.s32 $0xFFFF4000  }
0x7d1: {  	v3 =	vld [tilespmem:$0x0];
	_ =	sdelay $0x4  }
0x7d2: {  	v48 =	vshrl.u32 v3, $0x3  }
0x7d3: {  	v4 =	vmul.u32 $0x18, v48  }
0x7d4: {  	v3 =	vand.u32 $0x7, v3  }
0x7d5: {  	v3 =	vor.u32 v3, v4  }
0x7d6: {  	v4 =	vperm.xlane v3, v0;
	_ =	sdelay $0x1  }
0x7d7: {  	v4 =	vadd.s32 v1, v4;
	_ =	sdelay $0x1  }
0x7d8: {  	v3 =	vperm.xlane v3, v2;
	_ =	sdelay $0x1  }
0x7d9: {  	v3 =	vadd.s32 v1, v3  }
0x7da: {  	[tilespmem:s31], [sflag:$0x1] =	stream.indirect_vreg.gather [hbm4b:s1+s3], $0x80, v4, vm0, $0xb8;
	[tilespmem:$0x18100] =	vst v63  }
0x7db: {  	s29 =	simm.s32 $0x900  }
0x7dc: {  	[tilespmem:s29], [sflag:$0x1] =	stream.indirect_vreg.gather [hbm4b:s4+s3], $0x80, v4, vm1, $0xb8;
	[tilespmem:$0x18100] =	vst v63  }
0x7dd: {  	s29 =	simm.s32 $0xD00  }
0x7de: {  	[tilespmem:s29], [sflag:$0x1] =	stream.indirect_vreg.gather [hbm4b:s1+s3], $0x80, v3, vm0, $0xb8;
	[tilespmem:$0x18100] =	vst v63  }
0x7df: {  	s29 =	simm.s32 $0x1500  }
0x7e0: {  	[tilespmem:s29], [sflag:$0x1] =	stream.indirect_vreg.gather [hbm4b:s4+s3], $0x80, v3, vm1, $0xb8;
	[tilespmem:$0x18100] =	vst v63  }
0x7e1: {  	v3 =	vld [tilespmem:$0x10];
	_ =	sdelay $0x4  }
0x7e2: {  	v49 =	vshrl.u32 v3, $0x3  }
0x7e3: {  	v4 =	vmul.u32 $0x18, v49  }
0x7e4: {  	v3 =	vand.u32 $0x7, v3  }
0x7e5: {  	v3 =	vor.u32 v3, v4  }
0x7e6: {  	v4 =	vperm.xlane v3, v0;
	_ =	sdelay $0x1  }
0x7e7: {  	v4 =	vadd.s32 v1, v4;
	_ =	sdelay $0x1  }
0x7e8: {  	v3 =	vperm.xlane v3, v2;
	_ =	sdelay $0x1  }
0x7e9: {  	s29 =	simm.s32 $0x1900;
	v3 =	vadd.s32 v1, v3  }
0x7ea: {  	[tilespmem:s29], [sflag:$0x1] =	stream.indirect_vreg.gather [hbm4b:s1+s3], $0x80, v4, vm0, $0xb8;
	[tilespmem:$0x18100] =	vst v63  }
0x7eb: {  	s29 =	simm.s32 $0x2100  }
0x7ec: {  	[tilespmem:s29], [sflag:$0x1] =	stream.indirect_vreg.gather [hbm4b:s4+s3], $0x80, v4, vm1, $0xb8;
	[tilespmem:$0x18100] =	vst v63  }
0x7ed: {  	s29 =	simm.s32 $0x2500  }
0x7ee: {  	[tilespmem:s29], [sflag:$0x1] =	stream.indirect_vreg.gather [hbm4b:s1+s3], $0x80, v3, vm0, $0xb8;
	[tilespmem:$0x18100] =	vst v63  }
0x7ef: {  	s29 =	simm.s32 $0x2D00  }
0x7f0: {  	[tilespmem:s29], [sflag:$0x1] =	stream.indirect_vreg.gather [hbm4b:s4+s3], $0x80, v3, vm1, $0xb8;
	[tilespmem:$0x18100] =	vst v63  }
0x7f1: {  	v3 =	vld [tilespmem:$0x20];
	_ =	sdelay $0x4  }
0x7f2: {  	v50 =	vshrl.u32 v3, $0x3  }
0x7f3: {  	v4 =	vmul.u32 $0x18, v50  }
0x7f4: {  	v3 =	vand.u32 $0x7, v3  }
0x7f5: {  	v3 =	vor.u32 v3, v4  }
0x7f6: {  	v4 =	vperm.xlane v3, v0;
	_ =	sdelay $0x1  }
0x7f7: {  	v4 =	vadd.s32 v1, v4;
	_ =	sdelay $0x1  }
0x7f8: {  	v3 =	vperm.xlane v3, v2;
	_ =	sdelay $0x1  }
0x7f9: {  	s29 =	simm.s32 $0x3100;
	v3 =	vadd.s32 v1, v3  }
0x7fa: {  	[tilespmem:s29], [sflag:$0x1] =	stream.indirect_vreg.gather [hbm4b:s1+s3], $0x80, v4, vm0, $0xb8;
	[tilespmem:$0x18100] =	vst v63  }
0x7fb: {  	s29 =	simm.s32 $0x3900  }
0x7fc: {  	[tilespmem:s29], [sflag:$0x1] =	stream.indirect_vreg.gather [hbm4b:s4+s3], $0x80, v4, vm1, $0xb8;
	[tilespmem:$0x18100] =	vst v63  }
0x7fd: {  	s29 =	simm.s32 $0x3D00  }
0x7fe: {  	[tilespmem:s29], [sflag:$0x1] =	stream.indirect_vreg.gather [hbm4b:s1+s3], $0x80, v3, vm0, $0xb8;
	[tilespmem:$0x18100] =	vst v63  }
0x7ff: {  	s29 =	simm.s32 $0x4500  }
0x800: {  	[tilespmem:s29], [sflag:$0x1] =	stream.indirect_vreg.gather [hbm4b:s4+s3], $0x80, v3, vm1, $0xb8;
	[tilespmem:$0x18100] =	vst v63  }
0x801: {  	v3 =	vld [tilespmem:$0x30];
	_ =	sdelay $0x4  }
0x802: {  	v51 =	vshrl.u32 v3, $0x3  }
0x803: {  	v4 =	vmul.u32 $0x18, v51  }
0x804: {  	v3 =	vand.u32 $0x7, v3  }
0x805: {  	v3 =	vor.u32 v3, v4  }
0x806: {  	v4 =	vperm.xlane v3, v0;
	_ =	sdelay $0x1  }
0x807: {  	v4 =	vadd.s32 v1, v4;
	_ =	sdelay $0x1  }
0x808: {  	v3 =	vperm.xlane v3, v2;
	_ =	sdelay $0x1  }
0x809: {  	s29 =	simm.s32 $0x4900;
	v3 =	vadd.s32 v1, v3  }
0x80a: {  	[tilespmem:s29], [sflag:$0x1] =	stream.indirect_vreg.gather [hbm4b:s1+s3], $0x80, v4, vm0, $0xb8;
	[tilespmem:$0x18100] =	vst v63  }
0x80b: {  	s29 =	simm.s32 $0x5100  }
0x80c: {  	[tilespmem:s29], [sflag:$0x1] =	stream.indirect_vreg.gather [hbm4b:s4+s3], $0x80, v4, vm1, $0xb8;
	[tilespmem:$0x18100] =	vst v63  }
0x80d: {  	s29 =	simm.s32 $0x5500  }
0x80e: {  	[tilespmem:s29], [sflag:$0x1] =	stream.indirect_vreg.gather [hbm4b:s1+s3], $0x80, v3, vm0, $0xb8;
	[tilespmem:$0x18100] =	vst v63  }
0x80f: {  	s29 =	simm.s32 $0x5D00  }
0x810: {  	[tilespmem:s29], [sflag:$0x1] =	stream.indirect_vreg.gather [hbm4b:s4+s3], $0x80, v3, vm1, $0xb8;
	[tilespmem:$0x18100] =	vst v63  }
0x811: {  	v3 =	vld [tilespmem:$0x40];
	_ =	sdelay $0x4  }
0x812: {  	v52 =	vshrl.u32 v3, $0x3  }
0x813: {  	v4 =	vmul.u32 $0x18, v52  }
0x814: {  	v3 =	vand.u32 $0x7, v3  }
0x815: {  	v3 =	vor.u32 v3, v4  }
0x816: {  	v4 =	vperm.xlane v3, v0;
	_ =	sdelay $0x1  }
0x817: {  	v4 =	vadd.s32 v1, v4;
	_ =	sdelay $0x1  }
0x818: {  	v3 =	vperm.xlane v3, v2;
	_ =	sdelay $0x1  }
0x819: {  	s29 =	simm.s32 $0x6100;
	v3 =	vadd.s32 v1, v3  }
0x81a: {  	[tilespmem:s29], [sflag:$0x1] =	stream.indirect_vreg.gather [hbm4b:s1+s3], $0x80, v4, vm0, $0xb8;
	[tilespmem:$0x18100] =	vst v63  }
0x81b: {  	s29 =	simm.s32 $0x6900  }
0x81c: {  	[tilespmem:s29], [sflag:$0x1] =	stream.indirect_vreg.gather [hbm4b:s4+s3], $0x80, v4, vm1, $0xb8;
	[tilespmem:$0x18100] =	vst v63  }
0x81d: {  	s29 =	simm.s32 $0x6D00  }
0x81e: {  	[tilespmem:s29], [sflag:$0x1] =	stream.indirect_vreg.gather [hbm4b:s1+s3], $0x80, v3, vm0, $0xb8;
	[tilespmem:$0x18100] =	vst v63  }
0x81f: {  	s29 =	simm.s32 $0x7500  }
0x820: {  	[tilespmem:s29], [sflag:$0x1] =	stream.indirect_vreg.gather [hbm4b:s4+s3], $0x80, v3, vm1, $0xb8;
	[tilespmem:$0x18100] =	vst v63  }
0x821: {  	v3 =	vld [tilespmem:$0x50];
	_ =	sdelay $0x4  }
0x822: {  	v53 =	vshrl.u32 v3, $0x3  }
0x823: {  	v4 =	vmul.u32 $0x18, v53  }
0x824: {  	v3 =	vand.u32 $0x7, v3  }
0x825: {  	v3 =	vor.u32 v3, v4  }
0x826: {  	v4 =	vperm.xlane v3, v0;
	_ =	sdelay $0x1  }
0x827: {  	v4 =	vadd.s32 v1, v4;
	_ =	sdelay $0x1  }
0x828: {  	v3 =	vperm.xlane v3, v2;
	_ =	sdelay $0x1  }
0x829: {  	s29 =	simm.s32 $0x7900;
	v3 =	vadd.s32 v1, v3  }
0x82a: {  	[tilespmem:s29], [sflag:$0x1] =	stream.indirect_vreg.gather [hbm4b:s1+s3], $0x80, v4, vm0, $0xb8;
	[tilespmem:$0x18100] =	vst v63  }
0x82b: {  	_ = 	snop  }
0x82c: {  	[tilespmem:s0], [sflag:$0x1] =	stream.indirect_vreg.gather [hbm4b:s4+s3], $0x80, v4, vm1, $0xb8;
	[tilespmem:$0x18100] =	vst v63  }
0x82d: {  	_ = 	snop  }
0x82e: {  	[tilespmem:s13], [sflag:$0x1] =	stream.indirect_vreg.gather [hbm4b:s1+s3], $0x80, v3, vm0, $0xb8;
	[tilespmem:$0x18100] =	vst v63  }
0x82f: {  	s28 =	simm.s32 $0x8D00  }
0x830: {  	[tilespmem:s28], [sflag:$0x1] =	stream.indirect_vreg.gather [hbm4b:s4+s3], $0x80, v3, vm1, $0xb8;
	[tilespmem:$0x18100] =	vst v63  }
0x831: {  	v3 =	vld [tilespmem:$0x60];
	_ =	sdelay $0x4  }
0x832: {  	v54 =	vshrl.u32 v3, $0x3  }
0x833: {  	v4 =	vmul.u32 $0x18, v54  }
0x834: {  	v3 =	vand.u32 $0x7, v3  }
0x835: {  	v3 =	vor.u32 v3, v4  }
0x836: {  	v4 =	vperm.xlane v3, v0;
	_ =	sdelay $0x1  }
0x837: {  	v4 =	vadd.s32 v1, v4;
	_ =	sdelay $0x1  }
0x838: {  	v3 =	vperm.xlane v3, v2;
	_ =	sdelay $0x1  }
0x839: {  	v3 =	vadd.s32 v1, v3  }
0x83a: {  	[tilespmem:s15], [sflag:$0x1] =	stream.indirect_vreg.gather [hbm4b:s1+s3], $0x80, v4, vm0, $0xb8;
	[tilespmem:$0x18100] =	vst v63  }
0x83b: {  	_ = 	snop  }
0x83c: {  	[tilespmem:s7], [sflag:$0x1] =	stream.indirect_vreg.gather [hbm4b:s4+s3], $0x80, v4, vm1, $0xb8;
	[tilespmem:$0x18100] =	vst v63  }
0x83d: {  	_ = 	snop  }
0x83e: {  	[tilespmem:s10], [sflag:$0x1] =	stream.indirect_vreg.gather [hbm4b:s1+s3], $0x80, v3, vm0, $0xb8;
	[tilespmem:$0x18100] =	vst v63  }
0x83f: {  	s29 =	simm.s32 $0xA500  }
0x840: {  	[tilespmem:s29], [sflag:$0x1] =	stream.indirect_vreg.gather [hbm4b:s4+s3], $0x80, v3, vm1, $0xb8;
	[tilespmem:$0x18100] =	vst v63  }
0x841: {  	v3 =	vld [tilespmem:$0x70];
	_ =	sdelay $0x4  }
0x842: {  	v55 =	vshrl.u32 v3, $0x3  }
0x843: {  	v4 =	vmul.u32 $0x18, v55  }
0x844: {  	v3 =	vand.u32 $0x7, v3  }
0x845: {  	v3 =	vor.u32 v3, v4  }
0x846: {  	v4 =	vperm.xlane v3, v0;
	_ =	sdelay $0x1  }
0x847: {  	v4 =	vadd.s32 v1, v4;
	_ =	sdelay $0x1  }
0x848: {  	v3 =	vperm.xlane v3, v2;
	_ =	sdelay $0x1  }
0x849: {  	v3 =	vadd.s32 v1, v3  }
0x84a: {  	[tilespmem:s9], [sflag:$0x1] =	stream.indirect_vreg.gather [hbm4b:s1+s3], $0x80, v4, vm0, $0xb8;
	[tilespmem:$0x18100] =	vst v63  }
0x84b: {  	s7 =	simm.s32 $0xB100  }
0x84c: {  	[tilespmem:s7], [sflag:$0x1] =	stream.indirect_vreg.gather [hbm4b:s4+s3], $0x80, v4, vm1, $0xb8;
	[tilespmem:$0x18100] =	vst v63  }
0x84d: {  	s9 =	simm.s32 $0xB500  }
0x84e: {  	[tilespmem:s9], [sflag:$0x1] =	stream.indirect_vreg.gather [hbm4b:s1+s3], $0x80, v3, vm0, $0xb8;
	[tilespmem:$0x18100] =	vst v63  }
0x84f: {  	s10 =	simm.s32 $0xBD00  }
0x850: {  	[tilespmem:s10], [sflag:$0x1] =	stream.indirect_vreg.gather [hbm4b:s4+s3], $0x80, v3, vm1, $0xb8;
	[tilespmem:$0x18100] =	vst v63  }
0x851: {  	_ =	swait.ge [sflag:s25], $0xC000  }
0x852: {  	s13 =	sld [smem:$0x7FA]  }
0x853: {  	[sflag:s25] =	ssyncset.done $0x0  }
0x854: {  	s30 =	simm.s32 $0xC100;
	s15 =	sld [smem:$0x7FB];
	[sflag:s25] =	ssyncadd.s32 $0xFFFF4000  }
0x855: {  	[hbm4b:s13+s3] =	stream.linear.scatter [tilespmem:s30], [sflag:$0x4], $0xC000, $0x38;
	[tilespmem:$0x18100] =	vst v63  }
0x856: {  	s28 =	simm.s32 $0x80  }
0x857: {  	[tilespmem:s28], [sflag:$0x5] =	stream.linear.gather [hbm4b:s15+s3], $0x80, $0x38;
	[tilespmem:$0x18100] =	vst v63  }
0x858: {  	_ =	swait.ge [sflag:s6], $0x80  }
0x859: {  	[sflag:s6] =	ssyncset.done $0x0  }
0x85a: {  	[sflag:s6] =	ssyncadd.s32 $0xFFFFFF80  }
0x85b: {  	_ =	swait.ge [sflag:s26], $0xC000  }
0x85c: {  	[sflag:s26] =	ssyncset.done $0x0  }
0x85d: {  	[sflag:s26] =	ssyncadd.s32 $0xFFFF4000  }
0x85e: {  	v3 =	vld [tilespmem:$0x80];
	_ =	sdelay $0x4  }
0x85f: {  	v56 =	vshrl.u32 v3, $0x3  }
0x860: {  	v4 =	vmul.u32 $0x18, v56  }
0x861: {  	v3 =	vand.u32 $0x7, v3  }
0x862: {  	v3 =	vor.u32 v3, v4  }
0x863: {  	v4 =	vperm.xlane v3, v0;
	_ =	sdelay $0x1  }
0x864: {  	v4 =	vadd.s32 v1, v4;
	_ =	sdelay $0x1  }
0x865: {  	v3 =	vperm.xlane v3, v2;
	_ =	sdelay $0x1  }
0x866: {  	v3 =	vadd.s32 v1, v3  }
0x867: {  	[tilespmem:s30], [sflag:$0x2] =	stream.indirect_vreg.gather [hbm4b:s1+s3], $0x80, v4, vm0, $0xb8;
	[tilespmem:$0x18100] =	vst v63  }
0x868: {  	_ = 	snop  }
0x869: {  	[tilespmem:s5], [sflag:$0x2] =	stream.indirect_vreg.gather [hbm4b:s4+s3], $0x80, v4, vm1, $0xb8;
	[tilespmem:$0x18100] =	vst v63  }
0x86a: {  	_ = 	snop  }
0x86b: {  	[tilespmem:s14], [sflag:$0x2] =	stream.indirect_vreg.gather [hbm4b:s1+s3], $0x80, v3, vm0, $0xb8;
	[tilespmem:$0x18100] =	vst v63  }
0x86c: {  	s29 =	simm.s32 $0xD500  }
0x86d: {  	[tilespmem:s29], [sflag:$0x2] =	stream.indirect_vreg.gather [hbm4b:s4+s3], $0x80, v3, vm1, $0xb8;
	[tilespmem:$0x18100] =	vst v63  }
0x86e: {  	v3 =	vld [tilespmem:$0x90];
	_ =	sdelay $0x4  }
0x86f: {  	v57 =	vshrl.u32 v3, $0x3  }
0x870: {  	v4 =	vmul.u32 $0x18, v57  }
0x871: {  	v3 =	vand.u32 $0x7, v3  }
0x872: {  	v3 =	vor.u32 v3, v4  }
0x873: {  	v4 =	vperm.xlane v3, v0;
	_ =	sdelay $0x1  }
0x874: {  	v4 =	vadd.s32 v1, v4;
	_ =	sdelay $0x1  }
0x875: {  	v3 =	vperm.xlane v3, v2;
	_ =	sdelay $0x1  }
0x876: {  	v3 =	vadd.s32 v1, v3  }
0x877: {  	[tilespmem:s2], [sflag:$0x2] =	stream.indirect_vreg.gather [hbm4b:s1+s3], $0x80, v4, vm0, $0xb8;
	[tilespmem:$0x18100] =	vst v63  }
0x878: {  	_ = 	snop  }
0x879: {  	[tilespmem:s16], [sflag:$0x2] =	stream.indirect_vreg.gather [hbm4b:s4+s3], $0x80, v4, vm1, $0xb8;
	[tilespmem:$0x18100] =	vst v63  }
0x87a: {  	_ = 	snop  }
0x87b: {  	[tilespmem:s17], [sflag:$0x2] =	stream.indirect_vreg.gather [hbm4b:s1+s3], $0x80, v3, vm0, $0xb8;
	[tilespmem:$0x18100] =	vst v63  }
0x87c: {  	s5 =	simm.s32 $0xED00  }
0x87d: {  	[tilespmem:s5], [sflag:$0x2] =	stream.indirect_vreg.gather [hbm4b:s4+s3], $0x80, v3, vm1, $0xb8;
	[tilespmem:$0x18100] =	vst v63  }
0x87e: {  	v3 =	vld [tilespmem:$0xA0];
	_ =	sdelay $0x4  }
0x87f: {  	v58 =	vshrl.u32 v3, $0x3  }
0x880: {  	v4 =	vmul.u32 $0x18, v58  }
0x881: {  	v3 =	vand.u32 $0x7, v3  }
0x882: {  	v3 =	vor.u32 v3, v4  }
0x883: {  	v4 =	vperm.xlane v3, v0;
	_ =	sdelay $0x1  }
0x884: {  	v4 =	vadd.s32 v1, v4;
	_ =	sdelay $0x1  }
0x885: {  	v3 =	vperm.xlane v3, v2;
	_ =	sdelay $0x1  }
0x886: {  	v3 =	vadd.s32 v1, v3  }
0x887: {  	[tilespmem:s18], [sflag:$0x2] =	stream.indirect_vreg.gather [hbm4b:s1+s3], $0x80, v4, vm0, $0xb8;
	[tilespmem:$0x18100] =	vst v63  }
0x888: {  	_ = 	snop  }
0x889: {  	[tilespmem:s19], [sflag:$0x2] =	stream.indirect_vreg.gather [hbm4b:s4+s3], $0x80, v4, vm1, $0xb8;
	[tilespmem:$0x18100] =	vst v63  }
0x88a: {  	_ = 	snop  }
0x88b: {  	[tilespmem:s20], [sflag:$0x2] =	stream.indirect_vreg.gather [hbm4b:s1+s3], $0x80, v3, vm0, $0xb8;
	[tilespmem:$0x18100] =	vst v63  }
0x88c: {  	s7 =	simm.s32 $0x10500  }
0x88d: {  	[tilespmem:s7], [sflag:$0x2] =	stream.indirect_vreg.gather [hbm4b:s4+s3], $0x80, v3, vm1, $0xb8;
	[tilespmem:$0x18100] =	vst v63  }
0x88e: {  	v3 =	vld [tilespmem:$0xB0];
	_ =	sdelay $0x4  }
0x88f: {  	v59 =	vshrl.u32 v3, $0x3  }
0x890: {  	v4 =	vmul.u32 $0x18, v59  }
0x891: {  	v3 =	vand.u32 $0x7, v3  }
0x892: {  	v3 =	vor.u32 v3, v4  }
0x893: {  	v4 =	vperm.xlane v3, v0;
	_ =	sdelay $0x1  }
0x894: {  	v4 =	vadd.s32 v1, v4;
	_ =	sdelay $0x1  }
0x895: {  	v3 =	vperm.xlane v3, v2;
	_ =	sdelay $0x1  }
0x896: {  	v3 =	vadd.s32 v1, v3  }
0x897: {  	[tilespmem:s8], [sflag:$0x2] =	stream.indirect_vreg.gather [hbm4b:s1+s3], $0x80, v4, vm0, $0xb8;
	[tilespmem:$0x18100] =	vst v63  }
0x898: {  	_ = 	snop  }
0x899: {  	[tilespmem:s21], [sflag:$0x2] =	stream.indirect_vreg.gather [hbm4b:s4+s3], $0x80, v4, vm1, $0xb8;
	[tilespmem:$0x18100] =	vst v63  }
0x89a: {  	_ = 	snop  }
0x89b: {  	[tilespmem:s22], [sflag:$0x2] =	stream.indirect_vreg.gather [hbm4b:s1+s3], $0x80, v3, vm0, $0xb8;
	[tilespmem:$0x18100] =	vst v63  }
0x89c: {  	s11 =	simm.s32 $0x11D00  }
0x89d: {  	[tilespmem:s11], [sflag:$0x2] =	stream.indirect_vreg.gather [hbm4b:s4+s3], $0x80, v3, vm1, $0xb8;
	[tilespmem:$0x18100] =	vst v63  }
0x89e: {  	v3 =	vld [tilespmem:$0xC0];
	_ =	sdelay $0x4  }
0x89f: {  	v60 =	vshrl.u32 v3, $0x3  }
0x8a0: {  	v4 =	vmul.u32 $0x18, v60  }
0x8a1: {  	v3 =	vand.u32 $0x7, v3  }
0x8a2: {  	v3 =	vor.u32 v3, v4  }
0x8a3: {  	v4 =	vperm.xlane v3, v0;
	_ =	sdelay $0x1  }
0x8a4: {  	v4 =	vadd.s32 v1, v4;
	_ =	sdelay $0x1  }
0x8a5: {  	v3 =	vperm.xlane v3, v2;
	_ =	sdelay $0x1  }
0x8a6: {  	s9 =	simm.s32 $0x12100;
	v3 =	vadd.s32 v1, v3  }
0x8a7: {  	[tilespmem:s9], [sflag:$0x2] =	stream.indirect_vreg.gather [hbm4b:s1+s3], $0x80, v4, vm0, $0xb8;
	[tilespmem:$0x18100] =	vst v63  }
0x8a8: {  	s10 =	simm.s32 $0x12900  }
0x8a9: {  	[tilespmem:s10], [sflag:$0x2] =	stream.indirect_vreg.gather [hbm4b:s4+s3], $0x80, v4, vm1, $0xb8;
	[tilespmem:$0x18100] =	vst v63  }
0x8aa: {  	s11 =	simm.s32 $0x12D00  }
0x8ab: {  	[tilespmem:s11], [sflag:$0x2] =	stream.indirect_vreg.gather [hbm4b:s1+s3], $0x80, v3, vm0, $0xb8;
	[tilespmem:$0x18100] =	vst v63  }
0x8ac: {  	s12 =	simm.s32 $0x13500  }
0x8ad: {  	[tilespmem:s12], [sflag:$0x2] =	stream.indirect_vreg.gather [hbm4b:s4+s3], $0x80, v3, vm1, $0xb8;
	[tilespmem:$0x18100] =	vst v63  }
0x8ae: {  	v3 =	vld [tilespmem:$0xD0];
	_ =	sdelay $0x4  }
0x8af: {  	v61 =	vshrl.u32 v3, $0x3  }
0x8b0: {  	v4 =	vmul.u32 $0x18, v61  }
0x8b1: {  	v3 =	vand.u32 $0x7, v3  }
0x8b2: {  	v3 =	vor.u32 v3, v4  }
0x8b3: {  	v4 =	vperm.xlane v3, v0;
	_ =	sdelay $0x1  }
0x8b4: {  	v4 =	vadd.s32 v1, v4;
	_ =	sdelay $0x1  }
0x8b5: {  	v3 =	vperm.xlane v3, v2;
	_ =	sdelay $0x1  }
0x8b6: {  	s12 =	simm.s32 $0x13900;
	v3 =	vadd.s32 v1, v3  }
0x8b7: {  	[tilespmem:s12], [sflag:$0x2] =	stream.indirect_vreg.gather [hbm4b:s1+s3], $0x80, v4, vm0, $0xb8;
	[tilespmem:$0x18100] =	vst v63  }
0x8b8: {  	s13 =	simm.s32 $0x14100  }
0x8b9: {  	[tilespmem:s13], [sflag:$0x2] =	stream.indirect_vreg.gather [hbm4b:s4+s3], $0x80, v4, vm1, $0xb8;
	[tilespmem:$0x18100] =	vst v63  }
0x8ba: {  	s14 =	simm.s32 $0x14500  }
0x8bb: {  	[tilespmem:s14], [sflag:$0x2] =	stream.indirect_vreg.gather [hbm4b:s1+s3], $0x80, v3, vm0, $0xb8;
	[tilespmem:$0x18100] =	vst v63  }
0x8bc: {  	s15 =	simm.s32 $0x14D00  }
0x8bd: {  	[tilespmem:s15], [sflag:$0x2] =	stream.indirect_vreg.gather [hbm4b:s4+s3], $0x80, v3, vm1, $0xb8;
	[tilespmem:$0x18100] =	vst v63  }
0x8be: {  	v3 =	vld [tilespmem:$0xE0];
	_ =	sdelay $0x4  }
0x8bf: {  	v62 =	vshrl.u32 v3, $0x3  }
0x8c0: {  	v4 =	vmul.u32 $0x18, v62  }
0x8c1: {  	v3 =	vand.u32 $0x7, v3  }
0x8c2: {  	v3 =	vor.u32 v3, v4  }
0x8c3: {  	v4 =	vperm.xlane v3, v0;
	_ =	sdelay $0x1  }
0x8c4: {  	v4 =	vadd.s32 v1, v4;
	_ =	sdelay $0x1  }
0x8c5: {  	v3 =	vperm.xlane v3, v2;
	_ =	sdelay $0x1  }
0x8c6: {  	s16 =	simm.s32 $0x15100;
	v3 =	vadd.s32 v1, v3  }
0x8c7: {  	[tilespmem:s16], [sflag:$0x2] =	stream.indirect_vreg.gather [hbm4b:s1+s3], $0x80, v4, vm0, $0xb8;
	[tilespmem:$0x18100] =	vst v63  }
0x8c8: {  	s17 =	simm.s32 $0x15900  }
0x8c9: {  	[tilespmem:s17], [sflag:$0x2] =	stream.indirect_vreg.gather [hbm4b:s4+s3], $0x80, v4, vm1, $0xb8;
	[tilespmem:$0x18100] =	vst v63  }
0x8ca: {  	s18 =	simm.s32 $0x15D00  }
0x8cb: {  	[tilespmem:s18], [sflag:$0x2] =	stream.indirect_vreg.gather [hbm4b:s1+s3], $0x80, v3, vm0, $0xb8;
	[tilespmem:$0x18100] =	vst v63  }
0x8cc: {  	s19 =	simm.s32 $0x16500  }
0x8cd: {  	[tilespmem:s19], [sflag:$0x2] =	stream.indirect_vreg.gather [hbm4b:s4+s3], $0x80, v3, vm1, $0xb8;
	[tilespmem:$0x18100] =	vst v63  }
0x8ce: {  	v3 =	vld [tilespmem:$0xF0];
	_ =	sdelay $0x4  }
0x8cf: {  	v63 =	vshrl.u32 v3, $0x3  }
0x8d0: {  	v4 =	vmul.u32 $0x18, v63  }
0x8d1: {  	v3 =	vand.u32 $0x7, v3  }
0x8d2: {  	v3 =	vor.u32 v3, v4  }
0x8d3: {  	v4 =	vperm.xlane v3, v0;
	_ =	sdelay $0x1  }
0x8d4: {  	v4 =	vadd.s32 v1, v4;
	_ =	sdelay $0x1  }
0x8d5: {  	v3 =	vperm.xlane v3, v2;
	_ =	sdelay $0x1  }
0x8d6: {  	s20 =	simm.s32 $0x16900;
	v3 =	vadd.s32 v1, v3  }
0x8d7: {  	[tilespmem:s20], [sflag:$0x2] =	stream.indirect_vreg.gather [hbm4b:s1+s3], $0x80, v4, vm0, $0xb8;
	[tilespmem:$0x18100] =	vst v63  }
0x8d8: {  	s21 =	simm.s32 $0x17100  }
0x8d9: {  	[tilespmem:s21], [sflag:$0x2] =	stream.indirect_vreg.gather [hbm4b:s4+s3], $0x80, v4, vm1, $0xb8;
	[tilespmem:$0x18100] =	vst v63  }
0x8da: {  	s22 =	simm.s32 $0x17500  }
0x8db: {  	[tilespmem:s22], [sflag:$0x2] =	stream.indirect_vreg.gather [hbm4b:s1+s3], $0x80, v3, vm0, $0xb8;
	[tilespmem:$0x18100] =	vst v63  }
0x8dc: {  	s28 =	simm.s32 $0x17D00  }
0x8dd: {  	[tilespmem:s28], [sflag:$0x2] =	stream.indirect_vreg.gather [hbm4b:s4+s3], $0x80, v3, vm1, $0xb8;
	[tilespmem:$0x18100] =	vst v63  }
0x8de: {  	s0 =	sld [smem:$0x7F9];
	_ =	swait.ge [sflag:s23], $0xC000  }
0x8df: {  	s29 =	sld [smem:$0x7FC]  }
0x8e0: {  	[sflag:s23] =	ssyncset.done $0x0  }
0x8e1: {  	[sflag:s23] =	ssyncadd.s32 $0xFFFF4000  }
0x8e2: {  	[hbm4b:s29+s3] =	stream.linear.scatter [tilespmem:s31], [sflag:$0x3], $0xC000, $0x38;
	[tilespmem:$0x18100] =	vst v63  }
0x8e3: {  	_ =	swait.ge [sflag:s25], $0xC000  }
0x8e4: {  	s31 =	sld [smem:$0x7FD]  }
0x8e5: {  	[sflag:s25] =	ssyncset.done $0x0  }
0x8e6: {  	[sflag:s25] =	ssyncadd.s32 $0xFFFF4000  }
0x8e7: {  	[hbm4b:s31+s3] =	stream.linear.scatter [tilespmem:s30], [sflag:$0x4], $0xC000, $0x38;
	[tilespmem:$0x18100] =	vst v63  }
0x8e8: {  	p0 =	sne.s32 s0, $0x1;
	_ =	swait.ge [sflag:s24], $0xC000  }
.Ltmp0:
0x8e9: {  	[sflag:s24] =	ssyncset.done $0x0;
	(pc) =	sbr.rel @p0 .LBB2_1-.Ltmp0, $4  }
0x8ea: {  	[sflag:s24] =	ssyncadd.s32 $0xFFFF4000  }
0x8eb: {  	_ =	swait.ge [sflag:s26], $0xC000  }
0x8ec: {  	[sflag:s26] =	ssyncset.done $0x0  }
0x8ed: {  	s0 =	sadd.s32 $0xFFFFFFFF, s0;
	[sflag:s26] =	ssyncadd.s32 $0xFFFF4000  }
0x8ee: {  	_ =	sfence.sel $0x180000  }
0x8ef: {  	[bflag:$0x0] =	sbarrier.arrive $0xFFFF  }
0x8f0: {  	_ =	strace $0x90000047  }
0x8f1: {  	s0 =	stileid.u32;
	[bflag:$0x2] =	sbarrier.arrive $0xFFFF  }
0x8f2: {  	p0 =	sne.s32 s0, $0x0;
	s0 =	rddreg [dreg:$0x3]  }
0x8f3: {  	s0 =	sadd.s32 @!p0 $0x100000, s0  }
0x8f4: {  	[sflag:s0] =	ssyncadd.tile.s32 @!p0 $0x1;
	_ =	shalt  }
.Lfunc_end2:
_tile_overlayer_lowered:
.L_overlay_start_2:
0x8f5: {  	(tag) =	ssettag $0x2  }
0x8f6: {  	s0 =	rddreg [dreg:$0x0];
	s2 =	stileid.u32  }
0x8f7: {  	s1 =	rddreg [dreg:$0x1];
	p0 =	sne.s32 s2, $0x0  }
0x8f8: {  	s3 =	rddreg [dreg:$0x2];
	[bflag:$0x3] =	sbarrier.arrive $0xFFFF;
	s2 =	simm.s32 @!p0 $0x1C05  }
0x8f9: {  	[timem:s3], [sflag:s2] =	dma.local @!p0 [hbm:s0], s1  }
0x8fa: {  	s0 =	simm.s32 @!p0 $0x5  }
0x8fb: {  	_ =	swait.ge @!p0 [sflag:s0], s1  }
0x8fc: {  	s1 =	ssub.s32 @!p0 $0x0, s1;
	[sflag:s0] =	ssyncset.done @!p0 $0x0  }
0x8fd: {  	[sflag:s0] =	ssyncadd.s32 @!p0 s1  }
0x8fe: {  	[bflag:$0x3] =	sbarrier.arrive $0xFFFF  }
0x8ff: {  	_ =	shalt  }

</sc_bundles>
